<compile_context>
chip_gen: v7x
topology: tpu7x:2x2x1
jax: 0.10.2.dev20260603
libtpu: 0.0.44.dev20260713+nightly
codegen_flags: <defaults>
</compile_context>

<pallas_src>
import functools

import jax
import jax.numpy as jnp
from jax import lax
from jax.experimental import pallas as pl
from jax.experimental.pallas import tpu as pltpu
from jax.experimental.pallas import tpu_sc as plsc

N = 10000
D = 128
E = 320000
NC = 2
NS = 16
NW = NC * NS
EPW = E // NW
CH = 80
NCHUNK = EPW // CH
NP_ = 10240
RPT = NP_ // NS
R = 1000


def _make_agg():
    mesh = plsc.VectorSubcoreMesh(core_axis_name="c", subcore_axis_name="s")

    @functools.partial(
        pl.kernel, mesh=mesh,
        out_type=jax.ShapeDtypeStruct((NC * NP_, D), jnp.float32),
        scratch_types=[
            pltpu.VMEM((8, CH), jnp.int32),
            pltpu.VMEM((2, CH, D), jnp.float32),
            pltpu.VMEM_SHARED((NP_, D), jnp.float32),
            pltpu.VMEM((16,), jnp.int32),
            pltpu.SemaphoreType.DMA,
            pltpu.SemaphoreType.DMA,
            pltpu.SemaphoreType.DMA,
            pltpu.SemaphoreType.DMA,
            pltpu.SemaphoreType.DMA,
            pltpu.SemaphoreType.DMA,
        ])
    def agg(tbl, edges, zeros, fill, flag, part_o,
            ring, rows2, acc, fsm, g0, g1, i0, i1, i2, i3):
        gsem = (g0, g1)
        isem = (i0, i1, i2, i3)

        c = lax.axis_index("c")
        s = lax.axis_index("s")
        wid = c * NS + s
        r0 = s * RPT

        pltpu.sync_copy(zeros.at[pl.ds(r0, RPT)], acc.at[pl.ds(r0, RPT)])
        pltpu.sync_copy(flag, fsm)
        pltpu.sync_copy(fill, rows2)
        f = fsm[...][0]
        plsc.subcore_barrier()

        def idx_load(chunk, slot, sem):
            return pltpu.async_copy(edges.at[wid, chunk],
                                    ring.at[pl.ds(2 * slot, 2)], sem)

        def gather(chunk_slot, buf):
            return pltpu.async_copy(tbl.at[ring.at[2 * chunk_slot]],
                                    rows2.at[buf], gsem[buf])

        idx_load(0, 0, isem[0]).wait()
        idx_load(1, 1, isem[1]).wait()

        @pl.when(f == 1)
        def _():
            gather(0, 0)
            gather(1, 1)

        idx_load(2, 2, isem[2])
        idx_load(3, 3, isem[3])

        def step(i, r):
            b = r % 2

            @pl.when(f == 1)
            def _():
                pltpu.make_async_copy(tbl.at[ring.at[2 * r]], rows2.at[b],
                                      gsem[b]).wait()

            pltpu.sync_copy(rows2.at[b], acc.at[ring.at[2 * r + 1]], add=True)
            nslot = (r + 2) % 4

            @pl.when(i + 2 < NCHUNK)
            def _():
                pltpu.make_async_copy(edges.at[wid, i + 2],
                                      ring.at[pl.ds(2 * nslot, 2)],
                                      isem[nslot]).wait()

                @pl.when(f == 1)
                def _():
                    gather(nslot, b)

            @pl.when(i + 4 < NCHUNK)
            def _():
                idx_load(i + 4, r, isem[r])

        def quad(j, carry):
            for r in range(4):
                step(4 * j + r, r)
            return carry
        lax.fori_loop(0, (NCHUNK - 1) // 4, quad, 0)
        step(jnp.int32(NCHUNK - 1), (NCHUNK - 1) % 4)

        plsc.subcore_barrier()
        o0 = c * NP_ + r0
        pltpu.sync_copy(acc.at[pl.ds(r0, RPT)], part_o.at[pl.ds(o0, RPT)])

    return agg


_agg = _make_agg()

_DN = (((1,), (1,)), ((), ()))


def _linear(mean, x, wl_ref, b_ref, wr_ref):
    return (lax.dot_general(mean, wl_ref[...], _DN,
                            preferred_element_type=jnp.float32,
                            precision=lax.Precision.HIGHEST)
            + b_ref[...]
            + lax.dot_general(x, wr_ref[...], _DN,
                              preferred_element_type=jnp.float32,
                              precision=lax.Precision.HIGHEST))


def _xw_body(x_ref, wr_ref, b_ref, o_ref):
    o_ref[...] = (lax.dot_general(x_ref[...], wr_ref[...], _DN,
                                  preferred_element_type=jnp.float32,
                                  precision=lax.Precision.HIGHEST)
                  + b_ref[...])


_xw = pl.pallas_call(
    _xw_body,
    grid=(N // R,),
    in_specs=[
        pl.BlockSpec((R, D), lambda i: (i, 0)),
        pl.BlockSpec((D, D), lambda i: (0, 0)),
        pl.BlockSpec((1, D), lambda i: (0, 0)),
    ],
    out_specs=pl.BlockSpec((R, D), lambda i: (i, 0)),
    out_shape=jax.ShapeDtypeStruct((N, D), jnp.float32),
)


def _layer1_body(p_ref, q_ref, t_ref, wl_ref, h_ref, c_ref):
    psum = p_ref[0] + p_ref[1]
    cnt = (q_ref[0] + q_ref[1])[:, 0:1]
    mean = psum / jnp.maximum(cnt, 1.0)
    y = (lax.dot_general(mean, wl_ref[...], _DN,
                         preferred_element_type=jnp.float32,
                         precision=lax.Precision.HIGHEST)
         + t_ref[...])
    h_ref[...] = jnp.where(y >= 0, y, 0.01 * y)
    c_ref[...] = cnt


_layer1 = pl.pallas_call(
    _layer1_body,
    grid=(N // R,),
    in_specs=[
        pl.BlockSpec((2, R, D), lambda i: (0, i, 0)),
        pl.BlockSpec((2, R, D), lambda i: (0, i, 0)),
        pl.BlockSpec((R, D), lambda i: (i, 0)),
        pl.BlockSpec((D, D), lambda i: (0, 0)),
    ],
    out_specs=(pl.BlockSpec((R, D), lambda i: (i, 0)),
               pl.BlockSpec((R, 1), lambda i: (i, 0))),
    out_shape=(jax.ShapeDtypeStruct((N, D), jnp.float32),
               jax.ShapeDtypeStruct((N, 1), jnp.float32)),
)


def _layer2_body(p_ref, c_ref, t_ref, wl_ref, o_ref):
    psum = p_ref[0] + p_ref[1]
    mean = psum / jnp.maximum(c_ref[...], 1.0)
    o_ref[...] = (lax.dot_general(mean, wl_ref[...], _DN,
                                  preferred_element_type=jnp.float32,
                                  precision=lax.Precision.HIGHEST)
                  + t_ref[...])


_layer2 = pl.pallas_call(
    _layer2_body,
    grid=(N // R,),
    in_specs=[
        pl.BlockSpec((2, R, D), lambda i: (0, i, 0)),
        pl.BlockSpec((R, 1), lambda i: (i, 0)),
        pl.BlockSpec((R, D), lambda i: (i, 0)),
        pl.BlockSpec((D, D), lambda i: (0, 0)),
    ],
    out_specs=pl.BlockSpec((R, D), lambda i: (i, 0)),
    out_shape=jax.ShapeDtypeStruct((N, D), jnp.float32),
)


def kernel(x, edge_index, W1_l, b1, W1_r, W2_l, b2, W2_r):
    ei = edge_index.astype(jnp.int32)
    edges = (ei.reshape(2, NW, NCHUNK, CH).transpose(1, 2, 0, 3)
             .reshape(NW, NCHUNK, 2, CH))
    z128 = jnp.zeros((NP_, D), jnp.float32)
    fill = jnp.ones((2, CH, D), jnp.float32)
    f_gather = jnp.ones((16,), jnp.int32)
    f_count = jnp.zeros((16,), jnp.int32)

    q = _agg(x, edges, z128, fill, f_count).reshape(NC, NP_, D)
    p1 = _agg(x, edges, z128, fill, f_gather).reshape(NC, NP_, D)
    t1 = _xw(x, W1_r, b1.reshape(1, D))
    h, cnt = _layer1(p1, q, t1, W1_l)

    p2 = _agg(h, edges, z128, fill, f_gather).reshape(NC, NP_, D)
    t2 = _xw(h, W2_r, b2.reshape(1, D))
    out = _layer2(p2, cnt, t2, W2_l)
    return out

# --- scband reference (transcript-rebuilt; emitter-appended) ---
"""Pipeline reference for scband-msg-passing-30863634989812 (READ-ONLY COPY).

The authoritative reference and input builder live on the scoring server;
editing this copy changes nothing except your own understanding.
"""

import jax, jax.numpy as jnp
import numpy as np

N_NODES = 10000
N_EDGES = 320000
D = 128


def setup_inputs(seed: int = 0) -> dict:
    key = jax.random.key(seed)
    k = jax.random.split(key, 8)
    x = jax.random.normal(k[0], (N_NODES, D), dtype=jnp.float32)
    edge_index = jax.random.randint(k[1], (2, N_EDGES), 0, N_NODES, dtype=jnp.int64)
    scale = 1.0 / np.sqrt(D)
    W1_l = jax.random.normal(k[2], (D, D), dtype=jnp.float32) * scale
    W1_r = jax.random.normal(k[3], (D, D), dtype=jnp.float32) * scale
    b1 = jnp.zeros((D,), dtype=jnp.float32)
    W2_l = jax.random.normal(k[4], (D, D), dtype=jnp.float32) * scale
    W2_r = jax.random.normal(k[5], (D, D), dtype=jnp.float32) * scale
    b2 = jnp.zeros((D,), dtype=jnp.float32)
    return {"x": x, "edge_index": edge_index, "W1_l": W1_l, "b1": b1, "W1_r": W1_r,
            "W2_l": W2_l, "b2": b2, "W2_r": W2_r}


def _sage_conv(x, edge_index, W_l, b_l, W_r):
    # PyG SAGEConv: out = lin_l(mean_aggr(x_j)) + lin_r(x); bias lives in lin_l
    src = edge_index[0]
    dst = edge_index[1]
    msgs = jnp.take(x, src, axis=0)                       # gather [E, D]
    summed = jax.ops.segment_sum(msgs, dst, num_segments=N_NODES)
    cnt = jax.ops.segment_sum(jnp.ones((msgs.shape[0],), dtype=x.dtype), dst,
                              num_segments=N_NODES)
    mean = summed / jnp.clip(cnt, 1.0)[:, None]
    return mean @ W_l.T + b_l + x @ W_r.T


def reference(x, edge_index, W1_l, b1, W1_r, W2_l, b2, W2_r):
    # layer 1 (in layer): conv -> LeakyReLU (batch_norm=False, dropout=0, L2_norm=False)
    h = _sage_conv(x, edge_index, W1_l, b1, W1_r)
    h = jax.nn.leaky_relu(h, negative_slope=0.01)
    # layer 2 (out layer): conv only
    out = _sage_conv(h, edge_index, W2_l, b2, W2_r)
    return out

if __name__ == "__main__":
    import jax
    _d = setup_inputs()
    print(jax.jit(kernel)(*tuple(_d.values())))

</pallas_src>

<mosaic_0001>
#map = affine_map<(d0, d1) -> (0, 0)>
#map1 = affine_map<(d0, d1) -> (0, 0, 0, 0)>
#map2 = affine_map<(d0, d1) -> (0, 0, 0)>
#map3 = affine_map<(d0, d1) -> (0)>
module attributes {stable_mosaic.version = 14 : i64} {
  func.func @agg(%arg0: i32, %arg1: i32, %arg2: memref<10000x128xf32, #tpu.memory_space<hbm>>, %arg3: memref<32x125x2x80xi32, #tpu.memory_space<hbm>>, %arg4: memref<10240x128xf32, #tpu.memory_space<hbm>>, %arg5: memref<2x80x128xf32, #tpu.memory_space<hbm>>, %arg6: memref<16xi32, #tpu.memory_space<hbm>>, %arg7: memref<20480x128xf32, #tpu.memory_space<hbm>>, %arg8: memref<8x80xi32, #tpu.memory_space<vmem>>, %arg9: memref<2x80x128xf32, #tpu.memory_space<vmem>>, %arg10: memref<10240x128xf32, #tpu.memory_space<vmem_shared>>, %arg11: memref<16xi32, #tpu.memory_space<vmem>>, %arg12: memref<!tpu.dma_semaphore, #tpu.memory_space<semaphore_mem>>, %arg13: memref<!tpu.dma_semaphore, #tpu.memory_space<semaphore_mem>>, %arg14: memref<!tpu.dma_semaphore, #tpu.memory_space<semaphore_mem>>, %arg15: memref<!tpu.dma_semaphore, #tpu.memory_space<semaphore_mem>>, %arg16: memref<!tpu.dma_semaphore, #tpu.memory_space<semaphore_mem>>, %arg17: memref<!tpu.dma_semaphore, #tpu.memory_space<semaphore_mem>>) attributes {dimension_semantics = [#tpu.dimension_semantics<core_parallel>, #tpu.dimension_semantics<subcore_parallel>], iteration_bounds = array<i64: 2, 16>, scalar_prefetch = 0 : i64, scratch_operands = 10 : i64, tpu.core_type = #tpu.core_type<sc_vector_subcore>, window_params = [{transform_indices = #map}, {transform_indices = #map1}, {transform_indices = #map}, {transform_indices = #map2}, {transform_indices = #map3}, {transform_indices = #map}]} {
    %mul3A = arith.constant 16 : i32
    %mul3A_0 = arith.muli %arg0, %mul3A : i32
    %add3A = arith.addi %mul3A_0, %arg1 : i32
    %mul3A_1 = arith.constant 640 : i32
    %mul3A_2 = arith.muli %arg1, %mul3A_1 : i32
    "tpu.region"() ({
      %run_scoped3A_127 = tpu.sem_alloc : memref<!tpu.dma_semaphore, #tpu.memory_space<semaphore_mem>>
      %dma_start3A_128 = arith.constant 0 : i32
      %dma_start3A_129 = tpu.memref_slice %arg10[%mul3A_2, %dma_start3A_128] : memref<10240x128xf32, #tpu.memory_space<vmem_shared>> -> memref<640x128xf32, #tpu.memory_space<vmem_shared>>
      %dma_start3A_130 = arith.constant 0 : i32
      %dma_start3A_131 = tpu.memref_slice %arg4[%mul3A_2, %dma_start3A_130] : memref<10240x128xf32, #tpu.memory_space<hbm>> -> memref<640x128xf32, #tpu.memory_space<hbm>>
      tpu.enqueue_dma source(%dma_start3A_131 : memref<640x128xf32, #tpu.memory_space<hbm>>) target(%dma_start3A_129 : memref<640x128xf32, #tpu.memory_space<vmem_shared>>) target_semaphore(%run_scoped3A_127 : memref<!tpu.dma_semaphore, #tpu.memory_space<semaphore_mem>>)
      %dma_wait3A_132 = arith.constant 0 : i32
      %dma_wait3A_133 = tpu.memref_slice %arg10[%mul3A_2, %dma_wait3A_132] : memref<10240x128xf32, #tpu.memory_space<vmem_shared>> -> memref<640x128xf32, #tpu.memory_space<vmem_shared>>
      %dma_wait3A_134 = arith.constant 0 : i32
      %dma_wait3A_135 = tpu.memref_slice %arg4[%mul3A_2, %dma_wait3A_134] : memref<10240x128xf32, #tpu.memory_space<hbm>> -> memref<640x128xf32, #tpu.memory_space<hbm>>
      tpu.wait_dma2 semaphore(%run_scoped3A_127 : memref<!tpu.dma_semaphore, #tpu.memory_space<semaphore_mem>>) src(%dma_wait3A_135 : memref<640x128xf32, #tpu.memory_space<hbm>>) dst(%dma_wait3A_133 : memref<640x128xf32, #tpu.memory_space<vmem_shared>>)
      tpu.yield
    }) : () -> ()
    "tpu.region"() ({
      %run_scoped3A_127 = tpu.sem_alloc : memref<!tpu.dma_semaphore, #tpu.memory_space<semaphore_mem>>
      tpu.enqueue_dma source(%arg6 : memref<16xi32, #tpu.memory_space<hbm>>) target(%arg11 : memref<16xi32, #tpu.memory_space<vmem>>) target_semaphore(%run_scoped3A_127 : memref<!tpu.dma_semaphore, #tpu.memory_space<semaphore_mem>>)
      tpu.wait_dma2 semaphore(%run_scoped3A_127 : memref<!tpu.dma_semaphore, #tpu.memory_space<semaphore_mem>>) src(%arg6 : memref<16xi32, #tpu.memory_space<hbm>>) dst(%arg11 : memref<16xi32, #tpu.memory_space<vmem>>)
      tpu.yield
    }) : () -> ()
    "tpu.region"() ({
      %run_scoped3A_127 = tpu.sem_alloc : memref<!tpu.dma_semaphore, #tpu.memory_space<semaphore_mem>>
      tpu.enqueue_dma source(%arg5 : memref<2x80x128xf32, #tpu.memory_space<hbm>>) target(%arg9 : memref<2x80x128xf32, #tpu.memory_space<vmem>>) target_semaphore(%run_scoped3A_127 : memref<!tpu.dma_semaphore, #tpu.memory_space<semaphore_mem>>)
      tpu.wait_dma2 semaphore(%run_scoped3A_127 : memref<!tpu.dma_semaphore, #tpu.memory_space<semaphore_mem>>) src(%arg5 : memref<2x80x128xf32, #tpu.memory_space<hbm>>) dst(%arg9 : memref<2x80x128xf32, #tpu.memory_space<vmem>>)
      tpu.yield
    }) : () -> ()
    %get3A = arith.constant 0 : index
    %get3A_3 = tpu.vector_load %arg11[%get3A] {strides = array<i32>} : memref<16xi32, #tpu.memory_space<vmem>>, vector<16xi32>,
    %get3A_4 = vector.shape_cast %get3A_3 : vector<16xi32> to vector<16xi32>
    %slice3A = vector.extract_strided_slice %get3A_4 {offsets = [0], sizes = [1], strides = [1]} : vector<16xi32> to vector<1xi32>
    %squeeze3A = vector.extract %slice3A[0] : i32 from vector<1xi32>
    %barrier3A = arith.constant 0 : index
    tpu.barrier barrier_id(%barrier3A)
    %dma_start3A = arith.constant 0 : i32
    %dma_start3A_5 = arith.constant 0 : i32
    %dma_start3A_6 = arith.constant 0 : i32
    %dma_start3A_7 = tpu.memref_slice %arg8[%dma_start3A_5, %dma_start3A_6] : memref<8x80xi32, #tpu.memory_space<vmem>> -> memref<2x80xi32, #tpu.memory_space<vmem>>
    %dma_start3A_8 = arith.constant 0 : i32
    %dma_start3A_9 = arith.constant 0 : i32
    %dma_start3A_10 = tpu.memref_slice %arg3[%add3A, %dma_start3A, %dma_start3A_8, %dma_start3A_9] : memref<32x125x2x80xi32, #tpu.memory_space<hbm>> -> memref<1x1x2x80xi32, #tpu.memory_space<hbm>>
    %dma_start3A_11 = tpu.memref_squeeze %dma_start3A_10 : memref<1x1x2x80xi32, #tpu.memory_space<hbm>> -> memref<2x80xi32, #tpu.memory_space<hbm>>
    %dma_start3A_12 = arith.constant 0 : i32
    %dma_start3A_13 = arith.constant 0 : i32
    %dma_start3A_14 = tpu.memref_slice %arg8[%dma_start3A_12, %dma_start3A_13] : memref<8x80xi32, #tpu.memory_space<vmem>> -> memref<2x80xi32, #tpu.memory_space<vmem>>
    %dma_start3A_15 = arith.constant 0 : i32
    %dma_start3A_16 = arith.constant 0 : i32
    %dma_start3A_17 = tpu.memref_slice %arg3[%add3A, %dma_start3A, %dma_start3A_15, %dma_start3A_16] : memref<32x125x2x80xi32, #tpu.memory_space<hbm>> -> memref<1x1x2x80xi32, #tpu.memory_space<hbm>>
    %dma_start3A_18 = tpu.memref_squeeze %dma_start3A_17 : memref<1x1x2x80xi32, #tpu.memory_space<hbm>> -> memref<2x80xi32, #tpu.memory_space<hbm>>
    tpu.enqueue_dma source(%dma_start3A_18 : memref<2x80xi32, #tpu.memory_space<hbm>>) target(%dma_start3A_14 : memref<2x80xi32, #tpu.memory_space<vmem>>) target_semaphore(%arg14 : memref<!tpu.dma_semaphore, #tpu.memory_space<semaphore_mem>>)
    %dma_wait3A = arith.constant 0 : i32
    %dma_wait3A_19 = arith.constant 0 : i32
    %dma_wait3A_20 = arith.constant 0 : i32
    %dma_wait3A_21 = tpu.memref_slice %arg8[%dma_wait3A_19, %dma_wait3A_20] : memref<8x80xi32, #tpu.memory_space<vmem>> -> memref<2x80xi32, #tpu.memory_space<vmem>>
    %dma_wait3A_22 = arith.constant 0 : i32
    %dma_wait3A_23 = arith.constant 0 : i32
    %dma_wait3A_24 = tpu.memref_slice %arg3[%add3A, %dma_wait3A, %dma_wait3A_22, %dma_wait3A_23] : memref<32x125x2x80xi32, #tpu.memory_space<hbm>> -> memref<1x1x2x80xi32, #tpu.memory_space<hbm>>
    %dma_wait3A_25 = tpu.memref_squeeze %dma_wait3A_24 : memref<1x1x2x80xi32, #tpu.memory_space<hbm>> -> memref<2x80xi32, #tpu.memory_space<hbm>>
    %dma_wait3A_26 = arith.constant 0 : i32
    %dma_wait3A_27 = arith.constant 0 : i32
    %dma_wait3A_28 = tpu.memref_slice %arg8[%dma_wait3A_26, %dma_wait3A_27] : memref<8x80xi32, #tpu.memory_space<vmem>> -> memref<2x80xi32, #tpu.memory_space<vmem>>
    %dma_wait3A_29 = arith.constant 0 : i32
    %dma_wait3A_30 = arith.constant 0 : i32
    %dma_wait3A_31 = tpu.memref_slice %arg3[%add3A, %dma_wait3A, %dma_wait3A_29, %dma_wait3A_30] : memref<32x125x2x80xi32, #tpu.memory_space<hbm>> -> memref<1x1x2x80xi32, #tpu.memory_space<hbm>>
    %dma_wait3A_32 = tpu.memref_squeeze %dma_wait3A_31 : memref<1x1x2x80xi32, #tpu.memory_space<hbm>> -> memref<2x80xi32, #tpu.memory_space<hbm>>
    tpu.wait_dma2 semaphore(%arg14 : memref<!tpu.dma_semaphore, #tpu.memory_space<semaphore_mem>>) src(%dma_wait3A_32 : memref<2x80xi32, #tpu.memory_space<hbm>>) dst(%dma_wait3A_28 : memref<2x80xi32, #tpu.memory_space<vmem>>)
    %dma_start3A_33 = arith.constant 1 : i32
    %dma_start3A_34 = arith.constant 2 : i32
    %dma_start3A_35 = arith.constant 0 : i32
    %dma_start3A_36 = tpu.memref_slice %arg8[%dma_start3A_34, %dma_start3A_35] : memref<8x80xi32, #tpu.memory_space<vmem>> -> memref<2x80xi32, #tpu.memory_space<vmem>>
    %dma_start3A_37 = arith.constant 0 : i32
    %dma_start3A_38 = arith.constant 0 : i32
    %dma_start3A_39 = tpu.memref_slice %arg3[%add3A, %dma_start3A_33, %dma_start3A_37, %dma_start3A_38] : memref<32x125x2x80xi32, #tpu.memory_space<hbm>> -> memref<1x1x2x80xi32, #tpu.memory_space<hbm>>
    %dma_start3A_40 = tpu.memref_squeeze %dma_start3A_39 : memref<1x1x2x80xi32, #tpu.memory_space<hbm>> -> memref<2x80xi32, #tpu.memory_space<hbm>>
    %dma_start3A_41 = arith.constant 2 : i32
    %dma_start3A_42 = arith.constant 0 : i32
    %dma_start3A_43 = tpu.memref_slice %arg8[%dma_start3A_41, %dma_start3A_42] : memref<8x80xi32, #tpu.memory_space<vmem>> -> memref<2x80xi32, #tpu.memory_space<vmem>>
    %dma_start3A_44 = arith.constant 0 : i32
    %dma_start3A_45 = arith.constant 0 : i32
    %dma_start3A_46 = tpu.memref_slice %arg3[%add3A, %dma_start3A_33, %dma_start3A_44, %dma_start3A_45] : memref<32x125x2x80xi32, #tpu.memory_space<hbm>> -> memref<1x1x2x80xi32, #tpu.memory_space<hbm>>
    %dma_start3A_47 = tpu.memref_squeeze %dma_start3A_46 : memref<1x1x2x80xi32, #tpu.memory_space<hbm>> -> memref<2x80xi32, #tpu.memory_space<hbm>>
    tpu.enqueue_dma source(%dma_start3A_47 : memref<2x80xi32, #tpu.memory_space<hbm>>) target(%dma_start3A_43 : memref<2x80xi32, #tpu.memory_space<vmem>>) target_semaphore(%arg15 : memref<!tpu.dma_semaphore, #tpu.memory_space<semaphore_mem>>)
    %dma_wait3A_48 = arith.constant 1 : i32
    %dma_wait3A_49 = arith.constant 2 : i32
    %dma_wait3A_50 = arith.constant 0 : i32
    %dma_wait3A_51 = tpu.memref_slice %arg8[%dma_wait3A_49, %dma_wait3A_50] : memref<8x80xi32, #tpu.memory_space<vmem>> -> memref<2x80xi32, #tpu.memory_space<vmem>>
    %dma_wait3A_52 = arith.constant 0 : i32
    %dma_wait3A_53 = arith.constant 0 : i32
    %dma_wait3A_54 = tpu.memref_slice %arg3[%add3A, %dma_wait3A_48, %dma_wait3A_52, %dma_wait3A_53] : memref<32x125x2x80xi32, #tpu.memory_space<hbm>> -> memref<1x1x2x80xi32, #tpu.memory_space<hbm>>
    %dma_wait3A_55 = tpu.memref_squeeze %dma_wait3A_54 : memref<1x1x2x80xi32, #tpu.memory_space<hbm>> -> memref<2x80xi32, #tpu.memory_space<hbm>>
    %dma_wait3A_56 = arith.constant 2 : i32
    %dma_wait3A_57 = arith.constant 0 : i32
    %dma_wait3A_58 = tpu.memref_slice %arg8[%dma_wait3A_56, %dma_wait3A_57] : memref<8x80xi32, #tpu.memory_space<vmem>> -> memref<2x80xi32, #tpu.memory_space<vmem>>
    %dma_wait3A_59 = arith.constant 0 : i32
    %dma_wait3A_60 = arith.constant 0 : i32
    %dma_wait3A_61 = tpu.memref_slice %arg3[%add3A, %dma_wait3A_48, %dma_wait3A_59, %dma_wait3A_60] : memref<32x125x2x80xi32, #tpu.memory_space<hbm>> -> memref<1x1x2x80xi32, #tpu.memory_space<hbm>>
    %dma_wait3A_62 = tpu.memref_squeeze %dma_wait3A_61 : memref<1x1x2x80xi32, #tpu.memory_space<hbm>> -> memref<2x80xi32, #tpu.memory_space<hbm>>
    tpu.wait_dma2 semaphore(%arg15 : memref<!tpu.dma_semaphore, #tpu.memory_space<semaphore_mem>>) src(%dma_wait3A_62 : memref<2x80xi32, #tpu.memory_space<hbm>>) dst(%dma_wait3A_58 : memref<2x80xi32, #tpu.memory_space<vmem>>)
    %eq3A = arith.constant 1 : i32
    %eq3A_63 = arith.cmpi eq, %squeeze3A, %eq3A : i32
    %convert_element_type3A = arith.extui %eq3A_63 : i1 to i32
    %cond3A = arith.constant 0 : i32
    %cond3A_64 = arith.cmpi ne, %convert_element_type3A, %cond3A : i32
    scf.if %cond3A_64 {
      %dma_start3A_127 = arith.constant 0 : i32
      %dma_start3A_128 = arith.constant 0 : i32
      %dma_start3A_129 = arith.constant 0 : i32
      %dma_start3A_130 = arith.constant 0 : i32
      %dma_start3A_131 = tpu.memref_slice %arg9[%dma_start3A_128, %dma_start3A_129, %dma_start3A_130] : memref<2x80x128xf32, #tpu.memory_space<vmem>> -> memref<1x80x128xf32, #tpu.memory_space<vmem>>
      %dma_start3A_132 = tpu.memref_squeeze %dma_start3A_131 : memref<1x80x128xf32, #tpu.memory_space<vmem>> -> memref<80x128xf32, #tpu.memory_space<vmem>>
      %dma_start3A_133 = arith.constant 0 : i32
      %dma_start3A_134 = tpu.memref_slice %arg8[%dma_start3A_127, %dma_start3A_133] : memref<8x80xi32, #tpu.memory_space<vmem>> -> memref<1x80xi32, #tpu.memory_space<vmem>>
      %dma_start3A_135 = tpu.memref_squeeze %dma_start3A_134 : memref<1x80xi32, #tpu.memory_space<vmem>> -> memref<80xi32, #tpu.memory_space<vmem>>
      %dma_start3A_136 = arith.constant 0 : i32
      %dma_start3A_137 = arith.constant 0 : i32
      %dma_start3A_138 = tpu.memref_slice %arg2[%dma_start3A_136, %dma_start3A_137] : memref<10000x128xf32, #tpu.memory_space<hbm>> -> memref<10000x128xf32, #tpu.memory_space<hbm>>
      tpu.enqueue_indirect_dma source(%dma_start3A_138 : memref<10000x128xf32, #tpu.memory_space<hbm>>) target(%dma_start3A_132 : memref<80x128xf32, #tpu.memory_space<vmem>>) offsets(%dma_start3A_135 : memref<80xi32, #tpu.memory_space<vmem>>) semaphore(%arg12 : memref<!tpu.dma_semaphore, #tpu.memory_space<semaphore_mem>>)
      %dma_start3A_139 = arith.constant 2 : i32
      %dma_start3A_140 = arith.constant 1 : i32
      %dma_start3A_141 = arith.constant 0 : i32
      %dma_start3A_142 = arith.constant 0 : i32
      %dma_start3A_143 = tpu.memref_slice %arg9[%dma_start3A_140, %dma_start3A_141, %dma_start3A_142] : memref<2x80x128xf32, #tpu.memory_space<vmem>> -> memref<1x80x128xf32, #tpu.memory_space<vmem>>
      %dma_start3A_144 = tpu.memref_squeeze %dma_start3A_143 : memref<1x80x128xf32, #tpu.memory_space<vmem>> -> memref<80x128xf32, #tpu.memory_space<vmem>>
      %dma_start3A_145 = arith.constant 0 : i32
      %dma_start3A_146 = tpu.memref_slice %arg8[%dma_start3A_139, %dma_start3A_145] : memref<8x80xi32, #tpu.memory_space<vmem>> -> memref<1x80xi32, #tpu.memory_space<vmem>>
      %dma_start3A_147 = tpu.memref_squeeze %dma_start3A_146 : memref<1x80xi32, #tpu.memory_space<vmem>> -> memref<80xi32, #tpu.memory_space<vmem>>
      %dma_start3A_148 = arith.constant 0 : i32
      %dma_start3A_149 = arith.constant 0 : i32
      %dma_start3A_150 = tpu.memref_slice %arg2[%dma_start3A_148, %dma_start3A_149] : memref<10000x128xf32, #tpu.memory_space<hbm>> -> memref<10000x128xf32, #tpu.memory_space<hbm>>
      tpu.enqueue_indirect_dma source(%dma_start3A_150 : memref<10000x128xf32, #tpu.memory_space<hbm>>) target(%dma_start3A_144 : memref<80x128xf32, #tpu.memory_space<vmem>>) offsets(%dma_start3A_147 : memref<80xi32, #tpu.memory_space<vmem>>) semaphore(%arg13 : memref<!tpu.dma_semaphore, #tpu.memory_space<semaphore_mem>>)
    } else {
    }
    %dma_start3A_65 = arith.constant 2 : i32
    %dma_start3A_66 = arith.constant 4 : i32
    %dma_start3A_67 = arith.constant 0 : i32
    %dma_start3A_68 = tpu.memref_slice %arg8[%dma_start3A_66, %dma_start3A_67] : memref<8x80xi32, #tpu.memory_space<vmem>> -> memref<2x80xi32, #tpu.memory_space<vmem>>
    %dma_start3A_69 = arith.constant 0 : i32
    %dma_start3A_70 = arith.constant 0 : i32
    %dma_start3A_71 = tpu.memref_slice %arg3[%add3A, %dma_start3A_65, %dma_start3A_69, %dma_start3A_70] : memref<32x125x2x80xi32, #tpu.memory_space<hbm>> -> memref<1x1x2x80xi32, #tpu.memory_space<hbm>>
    %dma_start3A_72 = tpu.memref_squeeze %dma_start3A_71 : memref<1x1x2x80xi32, #tpu.memory_space<hbm>> -> memref<2x80xi32, #tpu.memory_space<hbm>>
    %dma_start3A_73 = arith.constant 4 : i32
    %dma_start3A_74 = arith.constant 0 : i32
    %dma_start3A_75 = tpu.memref_slice %arg8[%dma_start3A_73, %dma_start3A_74] : memref<8x80xi32, #tpu.memory_space<vmem>> -> memref<2x80xi32, #tpu.memory_space<vmem>>
    %dma_start3A_76 = arith.constant 0 : i32
    %dma_start3A_77 = arith.constant 0 : i32
    %dma_start3A_78 = tpu.memref_slice %arg3[%add3A, %dma_start3A_65, %dma_start3A_76, %dma_start3A_77] : memref<32x125x2x80xi32, #tpu.memory_space<hbm>> -> memref<1x1x2x80xi32, #tpu.memory_space<hbm>>
    %dma_start3A_79 = tpu.memref_squeeze %dma_start3A_78 : memref<1x1x2x80xi32, #tpu.memory_space<hbm>> -> memref<2x80xi32, #tpu.memory_space<hbm>>
    tpu.enqueue_dma source(%dma_start3A_79 : memref<2x80xi32, #tpu.memory_space<hbm>>) target(%dma_start3A_75 : memref<2x80xi32, #tpu.memory_space<vmem>>) target_semaphore(%arg16 : memref<!tpu.dma_semaphore, #tpu.memory_space<semaphore_mem>>)
    %dma_start3A_80 = arith.constant 3 : i32
    %dma_start3A_81 = arith.constant 6 : i32
    %dma_start3A_82 = arith.constant 0 : i32
    %dma_start3A_83 = tpu.memref_slice %arg8[%dma_start3A_81, %dma_start3A_82] : memref<8x80xi32, #tpu.memory_space<vmem>> -> memref<2x80xi32, #tpu.memory_space<vmem>>
    %dma_start3A_84 = arith.constant 0 : i32
    %dma_start3A_85 = arith.constant 0 : i32
    %dma_start3A_86 = tpu.memref_slice %arg3[%add3A, %dma_start3A_80, %dma_start3A_84, %dma_start3A_85] : memref<32x125x2x80xi32, #tpu.memory_space<hbm>> -> memref<1x1x2x80xi32, #tpu.memory_space<hbm>>
    %dma_start3A_87 = tpu.memref_squeeze %dma_start3A_86 : memref<1x1x2x80xi32, #tpu.memory_space<hbm>> -> memref<2x80xi32, #tpu.memory_space<hbm>>
    %dma_start3A_88 = arith.constant 6 : i32
    %dma_start3A_89 = arith.constant 0 : i32
    %dma_start3A_90 = tpu.memref_slice %arg8[%dma_start3A_88, %dma_start3A_89] : memref<8x80xi32, #tpu.memory_space<vmem>> -> memref<2x80xi32, #tpu.memory_space<vmem>>
    %dma_start3A_91 = arith.constant 0 : i32
    %dma_start3A_92 = arith.constant 0 : i32
    %dma_start3A_93 = tpu.memref_slice %arg3[%add3A, %dma_start3A_80, %dma_start3A_91, %dma_start3A_92] : memref<32x125x2x80xi32, #tpu.memory_space<hbm>> -> memref<1x1x2x80xi32, #tpu.memory_space<hbm>>
    %dma_start3A_94 = tpu.memref_squeeze %dma_start3A_93 : memref<1x1x2x80xi32, #tpu.memory_space<hbm>> -> memref<2x80xi32, #tpu.memory_space<hbm>>
    tpu.enqueue_dma source(%dma_start3A_94 : memref<2x80xi32, #tpu.memory_space<hbm>>) target(%dma_start3A_90 : memref<2x80xi32, #tpu.memory_space<vmem>>) target_semaphore(%arg17 : memref<!tpu.dma_semaphore, #tpu.memory_space<semaphore_mem>>)
    %scan3A = arith.constant 0 : i32
    %scan3A_95 = arith.constant 0 : i32
    %scan3A_96 = arith.constant 31 : i32
    %scan3A_97 = arith.addi %scan3A_95, %scan3A_96 : i32
    %scan3A_98 = arith.constant 1 : i32
    scf.for %scan3A_127 = %scan3A_95 to %scan3A_97 step %scan3A_98  : i32 {
      %mul3A_128 = arith.constant 4 : i32
      %mul3A_129 = arith.muli %mul3A_128, %scan3A_127 : i32
      %add3A_130 = arith.constant 0 : i32
      %add3A_131 = arith.addi %mul3A_129, %add3A_130 : i32
      %eq3A_132 = arith.constant 1 : i32
      %eq3A_133 = arith.cmpi eq, %squeeze3A, %eq3A_132 : i32
      %convert_element_type3A_134 = arith.extui %eq3A_133 : i1 to i32
      %cond3A_135 = arith.constant 0 : i32
      %cond3A_136 = arith.cmpi ne, %convert_element_type3A_134, %cond3A_135 : i32
      scf.if %cond3A_136 {
        %dma_wait3A_228 = arith.constant 0 : i32
        %dma_wait3A_229 = arith.constant 0 : i32
        %dma_wait3A_230 = arith.constant 0 : i32
        %dma_wait3A_231 = arith.constant 0 : i32
        %dma_wait3A_232 = tpu.memref_slice %arg9[%dma_wait3A_229, %dma_wait3A_230, %dma_wait3A_231] : memref<2x80x128xf32, #tpu.memory_space<vmem>> -> memref<1x80x128xf32, #tpu.memory_space<vmem>>
        %dma_wait3A_233 = tpu.memref_squeeze %dma_wait3A_232 : memref<1x80x128xf32, #tpu.memory_space<vmem>> -> memref<80x128xf32, #tpu.memory_space<vmem>>
        %dma_wait3A_234 = arith.constant 0 : i32
        %dma_wait3A_235 = tpu.memref_slice %arg8[%dma_wait3A_228, %dma_wait3A_234] : memref<8x80xi32, #tpu.memory_space<vmem>> -> memref<1x80xi32, #tpu.memory_space<vmem>>
        %dma_wait3A_236 = tpu.memref_squeeze %dma_wait3A_235 : memref<1x80xi32, #tpu.memory_space<vmem>> -> memref<80xi32, #tpu.memory_space<vmem>>
        %dma_wait3A_237 = arith.constant 0 : i32
        %dma_wait3A_238 = arith.constant 0 : i32
        %dma_wait3A_239 = tpu.memref_slice %arg2[%dma_wait3A_237, %dma_wait3A_238] : memref<10000x128xf32, #tpu.memory_space<hbm>> -> memref<10000x128xf32, #tpu.memory_space<hbm>>
        tpu.wait_indirect_dma semaphore(%arg12 : memref<!tpu.dma_semaphore, #tpu.memory_space<semaphore_mem>>) src(%dma_wait3A_239 : memref<10000x128xf32, #tpu.memory_space<hbm>>) dst(%dma_wait3A_233 : memref<80x128xf32, #tpu.memory_space<vmem>>)
      } else {
      }
      %run_scoped3A_137 = arith.constant 0 : i32
      %run_scoped3A_138 = arith.constant 1 : i32
      "tpu.region"() ({
        %run_scoped3A_228 = tpu.sem_alloc : memref<!tpu.dma_semaphore, #tpu.memory_space<semaphore_mem>>
        %dma_start3A_229 = arith.constant 0 : i32
        %dma_start3A_230 = arith.constant 0 : i32
        %dma_start3A_231 = tpu.memref_slice %arg9[%run_scoped3A_137, %dma_start3A_229, %dma_start3A_230] : memref<2x80x128xf32, #tpu.memory_space<vmem>> -> memref<1x80x128xf32, #tpu.memory_space<vmem>>
        %dma_start3A_232 = tpu.memref_squeeze %dma_start3A_231 : memref<1x80x128xf32, #tpu.memory_space<vmem>> -> memref<80x128xf32, #tpu.memory_space<vmem>>
        %dma_start3A_233 = arith.constant 0 : i32
        %dma_start3A_234 = tpu.memref_slice %arg8[%run_scoped3A_138, %dma_start3A_233] : memref<8x80xi32, #tpu.memory_space<vmem>> -> memref<1x80xi32, #tpu.memory_space<vmem>>
        %dma_start3A_235 = tpu.memref_squeeze %dma_start3A_234 : memref<1x80xi32, #tpu.memory_space<vmem>> -> memref<80xi32, #tpu.memory_space<vmem>>
        %dma_start3A_236 = arith.constant 0 : i32
        %dma_start3A_237 = arith.constant 0 : i32
        %dma_start3A_238 = tpu.memref_slice %arg10[%dma_start3A_236, %dma_start3A_237] : memref<10240x128xf32, #tpu.memory_space<vmem_shared>> -> memref<10240x128xf32, #tpu.memory_space<vmem_shared>>
        tpu.enqueue_indirect_dma source(%dma_start3A_232 : memref<80x128xf32, #tpu.memory_space<vmem>>) target(%dma_start3A_238 : memref<10240x128xf32, #tpu.memory_space<vmem_shared>>) offsets(%dma_start3A_235 : memref<80xi32, #tpu.memory_space<vmem>>) semaphore(%run_scoped3A_228 : memref<!tpu.dma_semaphore, #tpu.memory_space<semaphore_mem>>) {add = true}
        %dma_wait3A_239 = arith.constant 0 : i32
        %dma_wait3A_240 = arith.constant 0 : i32
        %dma_wait3A_241 = tpu.memref_slice %arg9[%run_scoped3A_137, %dma_wait3A_239, %dma_wait3A_240] : memref<2x80x128xf32, #tpu.memory_space<vmem>> -> memref<1x80x128xf32, #tpu.memory_space<vmem>>
        %dma_wait3A_242 = tpu.memref_squeeze %dma_wait3A_241 : memref<1x80x128xf32, #tpu.memory_space<vmem>> -> memref<80x128xf32, #tpu.memory_space<vmem>>
        %dma_wait3A_243 = arith.constant 0 : i32
        %dma_wait3A_244 = tpu.memref_slice %arg8[%run_scoped3A_138, %dma_wait3A_243] : memref<8x80xi32, #tpu.memory_space<vmem>> -> memref<1x80xi32, #tpu.memory_space<vmem>>
        %dma_wait3A_245 = tpu.memref_squeeze %dma_wait3A_244 : memref<1x80xi32, #tpu.memory_space<vmem>> -> memref<80xi32, #tpu.memory_space<vmem>>
        %dma_wait3A_246 = arith.constant 0 : i32
        %dma_wait3A_247 = arith.constant 0 : i32
        %dma_wait3A_248 = tpu.memref_slice %arg10[%dma_wait3A_246, %dma_wait3A_247] : memref<10240x128xf32, #tpu.memory_space<vmem_shared>> -> memref<10240x128xf32, #tpu.memory_space<vmem_shared>>
        tpu.wait_indirect_dma semaphore(%run_scoped3A_228 : memref<!tpu.dma_semaphore, #tpu.memory_space<semaphore_mem>>) src(%dma_wait3A_242 : memref<80x128xf32, #tpu.memory_space<vmem>>) dst(%dma_wait3A_248 : memref<10240x128xf32, #tpu.memory_space<vmem_shared>>)
        tpu.yield
      }) : () -> ()
      %add3A_139 = arith.constant 2 : i32
      %add3A_140 = arith.addi %add3A_131, %add3A_139 : i32
      %lt3A_141 = arith.constant 125 : i32
      %lt3A_142 = arith.cmpi slt, %add3A_140, %lt3A_141 : i32
      %convert_element_type3A_143 = arith.extui %lt3A_142 : i1 to i32
      %cond3A_144 = arith.constant 0 : i32
      %cond3A_145 = arith.cmpi ne, %convert_element_type3A_143, %cond3A_144 : i32
      scf.if %cond3A_145 {
        %add3A_228 = arith.constant 2 : i32
        %add3A_229 = arith.addi %add3A_131, %add3A_228 : i32
        %dma_wait3A_230 = arith.constant 4 : i32
        %dma_wait3A_231 = arith.constant 0 : i32
        %dma_wait3A_232 = tpu.memref_slice %arg8[%dma_wait3A_230, %dma_wait3A_231] : memref<8x80xi32, #tpu.memory_space<vmem>> -> memref<2x80xi32, #tpu.memory_space<vmem>>
        %dma_wait3A_233 = arith.constant 0 : i32
        %dma_wait3A_234 = arith.constant 0 : i32
        %dma_wait3A_235 = tpu.memref_slice %arg3[%add3A, %add3A_229, %dma_wait3A_233, %dma_wait3A_234] : memref<32x125x2x80xi32, #tpu.memory_space<hbm>> -> memref<1x1x2x80xi32, #tpu.memory_space<hbm>>
        %dma_wait3A_236 = tpu.memref_squeeze %dma_wait3A_235 : memref<1x1x2x80xi32, #tpu.memory_space<hbm>> -> memref<2x80xi32, #tpu.memory_space<hbm>>
        %dma_wait3A_237 = arith.constant 4 : i32
        %dma_wait3A_238 = arith.constant 0 : i32
        %dma_wait3A_239 = tpu.memref_slice %arg8[%dma_wait3A_237, %dma_wait3A_238] : memref<8x80xi32, #tpu.memory_space<vmem>> -> memref<2x80xi32, #tpu.memory_space<vmem>>
        %dma_wait3A_240 = arith.constant 0 : i32
        %dma_wait3A_241 = arith.constant 0 : i32
        %dma_wait3A_242 = tpu.memref_slice %arg3[%add3A, %add3A_229, %dma_wait3A_240, %dma_wait3A_241] : memref<32x125x2x80xi32, #tpu.memory_space<hbm>> -> memref<1x1x2x80xi32, #tpu.memory_space<hbm>>
        %dma_wait3A_243 = tpu.memref_squeeze %dma_wait3A_242 : memref<1x1x2x80xi32, #tpu.memory_space<hbm>> -> memref<2x80xi32, #tpu.memory_space<hbm>>
        tpu.wait_dma2 semaphore(%arg16 : memref<!tpu.dma_semaphore, #tpu.memory_space<semaphore_mem>>) src(%dma_wait3A_243 : memref<2x80xi32, #tpu.memory_space<hbm>>) dst(%dma_wait3A_239 : memref<2x80xi32, #tpu.memory_space<vmem>>)
        %eq3A_244 = arith.constant 1 : i32
        %eq3A_245 = arith.cmpi eq, %squeeze3A, %eq3A_244 : i32
        %convert_element_type3A_246 = arith.extui %eq3A_245 : i1 to i32
        %cond3A_247 = arith.constant 0 : i32
        %cond3A_248 = arith.cmpi ne, %convert_element_type3A_246, %cond3A_247 : i32
        scf.if %cond3A_248 {
          %dma_start3A_249 = arith.constant 4 : i32
          %dma_start3A_250 = arith.constant 0 : i32
          %dma_start3A_251 = arith.constant 0 : i32
          %dma_start3A_252 = arith.constant 0 : i32
          %dma_start3A_253 = tpu.memref_slice %arg9[%dma_start3A_250, %dma_start3A_251, %dma_start3A_252] : memref<2x80x128xf32, #tpu.memory_space<vmem>> -> memref<1x80x128xf32, #tpu.memory_space<vmem>>
          %dma_start3A_254 = tpu.memref_squeeze %dma_start3A_253 : memref<1x80x128xf32, #tpu.memory_space<vmem>> -> memref<80x128xf32, #tpu.memory_space<vmem>>
          %dma_start3A_255 = arith.constant 0 : i32
          %dma_start3A_256 = tpu.memref_slice %arg8[%dma_start3A_249, %dma_start3A_255] : memref<8x80xi32, #tpu.memory_space<vmem>> -> memref<1x80xi32, #tpu.memory_space<vmem>>
          %dma_start3A_257 = tpu.memref_squeeze %dma_start3A_256 : memref<1x80xi32, #tpu.memory_space<vmem>> -> memref<80xi32, #tpu.memory_space<vmem>>
          %dma_start3A_258 = arith.constant 0 : i32
          %dma_start3A_259 = arith.constant 0 : i32
          %dma_start3A_260 = tpu.memref_slice %arg2[%dma_start3A_258, %dma_start3A_259] : memref<10000x128xf32, #tpu.memory_space<hbm>> -> memref<10000x128xf32, #tpu.memory_space<hbm>>
          tpu.enqueue_indirect_dma source(%dma_start3A_260 : memref<10000x128xf32, #tpu.memory_space<hbm>>) target(%dma_start3A_254 : memref<80x128xf32, #tpu.memory_space<vmem>>) offsets(%dma_start3A_257 : memref<80xi32, #tpu.memory_space<vmem>>) semaphore(%arg12 : memref<!tpu.dma_semaphore, #tpu.memory_space<semaphore_mem>>)
        } else {
        }
      } else {
      }
      %add3A_146 = arith.constant 4 : i32
      %add3A_147 = arith.addi %add3A_131, %add3A_146 : i32
      %lt3A_148 = arith.constant 125 : i32
      %lt3A_149 = arith.cmpi slt, %add3A_147, %lt3A_148 : i32
      %convert_element_type3A_150 = arith.extui %lt3A_149 : i1 to i32
      %cond3A_151 = arith.constant 0 : i32
      %cond3A_152 = arith.cmpi ne, %convert_element_type3A_150, %cond3A_151 : i32
      scf.if %cond3A_152 {
        %add3A_228 = arith.constant 4 : i32
        %add3A_229 = arith.addi %add3A_131, %add3A_228 : i32
        %dma_start3A_230 = arith.constant 0 : i32
        %dma_start3A_231 = arith.constant 0 : i32
        %dma_start3A_232 = tpu.memref_slice %arg8[%dma_start3A_230, %dma_start3A_231] : memref<8x80xi32, #tpu.memory_space<vmem>> -> memref<2x80xi32, #tpu.memory_space<vmem>>
        %dma_start3A_233 = arith.constant 0 : i32
        %dma_start3A_234 = arith.constant 0 : i32
        %dma_start3A_235 = tpu.memref_slice %arg3[%add3A, %add3A_229, %dma_start3A_233, %dma_start3A_234] : memref<32x125x2x80xi32, #tpu.memory_space<hbm>> -> memref<1x1x2x80xi32, #tpu.memory_space<hbm>>
        %dma_start3A_236 = tpu.memref_squeeze %dma_start3A_235 : memref<1x1x2x80xi32, #tpu.memory_space<hbm>> -> memref<2x80xi32, #tpu.memory_space<hbm>>
        %dma_start3A_237 = arith.constant 0 : i32
        %dma_start3A_238 = arith.constant 0 : i32
        %dma_start3A_239 = tpu.memref_slice %arg8[%dma_start3A_237, %dma_start3A_238] : memref<8x80xi32, #tpu.memory_space<vmem>> -> memref<2x80xi32, #tpu.memory_space<vmem>>
        %dma_start3A_240 = arith.constant 0 : i32
        %dma_start3A_241 = arith.constant 0 : i32
        %dma_start3A_242 = tpu.memref_slice %arg3[%add3A, %add3A_229, %dma_start3A_240, %dma_start3A_241] : memref<32x125x2x80xi32, #tpu.memory_space<hbm>> -> memref<1x1x2x80xi32, #tpu.memory_space<hbm>>
        %dma_start3A_243 = tpu.memref_squeeze %dma_start3A_242 : memref<1x1x2x80xi32, #tpu.memory_space<hbm>> -> memref<2x80xi32, #tpu.memory_space<hbm>>
        tpu.enqueue_dma source(%dma_start3A_243 : memref<2x80xi32, #tpu.memory_space<hbm>>) target(%dma_start3A_239 : memref<2x80xi32, #tpu.memory_space<vmem>>) target_semaphore(%arg14 : memref<!tpu.dma_semaphore, #tpu.memory_space<semaphore_mem>>)
      } else {
      }
      %mul3A_153 = arith.constant 4 : i32
      %mul3A_154 = arith.muli %mul3A_153, %scan3A_127 : i32
      %add3A_155 = arith.constant 1 : i32
      %add3A_156 = arith.addi %mul3A_154, %add3A_155 : i32
      %eq3A_157 = arith.constant 1 : i32
      %eq3A_158 = arith.cmpi eq, %squeeze3A, %eq3A_157 : i32
      %convert_element_type3A_159 = arith.extui %eq3A_158 : i1 to i32
      %cond3A_160 = arith.constant 0 : i32
      %cond3A_161 = arith.cmpi ne, %convert_element_type3A_159, %cond3A_160 : i32
      scf.if %cond3A_161 {
        %dma_wait3A_228 = arith.constant 2 : i32
        %dma_wait3A_229 = arith.constant 1 : i32
        %dma_wait3A_230 = arith.constant 0 : i32
        %dma_wait3A_231 = arith.constant 0 : i32
        %dma_wait3A_232 = tpu.memref_slice %arg9[%dma_wait3A_229, %dma_wait3A_230, %dma_wait3A_231] : memref<2x80x128xf32, #tpu.memory_space<vmem>> -> memref<1x80x128xf32, #tpu.memory_space<vmem>>
        %dma_wait3A_233 = tpu.memref_squeeze %dma_wait3A_232 : memref<1x80x128xf32, #tpu.memory_space<vmem>> -> memref<80x128xf32, #tpu.memory_space<vmem>>
        %dma_wait3A_234 = arith.constant 0 : i32
        %dma_wait3A_235 = tpu.memref_slice %arg8[%dma_wait3A_228, %dma_wait3A_234] : memref<8x80xi32, #tpu.memory_space<vmem>> -> memref<1x80xi32, #tpu.memory_space<vmem>>
        %dma_wait3A_236 = tpu.memref_squeeze %dma_wait3A_235 : memref<1x80xi32, #tpu.memory_space<vmem>> -> memref<80xi32, #tpu.memory_space<vmem>>
        %dma_wait3A_237 = arith.constant 0 : i32
        %dma_wait3A_238 = arith.constant 0 : i32
        %dma_wait3A_239 = tpu.memref_slice %arg2[%dma_wait3A_237, %dma_wait3A_238] : memref<10000x128xf32, #tpu.memory_space<hbm>> -> memref<10000x128xf32, #tpu.memory_space<hbm>>
        tpu.wait_indirect_dma semaphore(%arg13 : memref<!tpu.dma_semaphore, #tpu.memory_space<semaphore_mem>>) src(%dma_wait3A_239 : memref<10000x128xf32, #tpu.memory_space<hbm>>) dst(%dma_wait3A_233 : memref<80x128xf32, #tpu.memory_space<vmem>>)
      } else {
      }
      %run_scoped3A_162 = arith.constant 1 : i32
      %run_scoped3A_163 = arith.constant 3 : i32
      "tpu.region"() ({
        %run_scoped3A_228 = tpu.sem_alloc : memref<!tpu.dma_semaphore, #tpu.memory_space<semaphore_mem>>
        %dma_start3A_229 = arith.constant 0 : i32
        %dma_start3A_230 = arith.constant 0 : i32
        %dma_start3A_231 = tpu.memref_slice %arg9[%run_scoped3A_162, %dma_start3A_229, %dma_start3A_230] : memref<2x80x128xf32, #tpu.memory_space<vmem>> -> memref<1x80x128xf32, #tpu.memory_space<vmem>>
        %dma_start3A_232 = tpu.memref_squeeze %dma_start3A_231 : memref<1x80x128xf32, #tpu.memory_space<vmem>> -> memref<80x128xf32, #tpu.memory_space<vmem>>
        %dma_start3A_233 = arith.constant 0 : i32
        %dma_start3A_234 = tpu.memref_slice %arg8[%run_scoped3A_163, %dma_start3A_233] : memref<8x80xi32, #tpu.memory_space<vmem>> -> memref<1x80xi32, #tpu.memory_space<vmem>>
        %dma_start3A_235 = tpu.memref_squeeze %dma_start3A_234 : memref<1x80xi32, #tpu.memory_space<vmem>> -> memref<80xi32, #tpu.memory_space<vmem>>
        %dma_start3A_236 = arith.constant 0 : i32
        %dma_start3A_237 = arith.constant 0 : i32
        %dma_start3A_238 = tpu.memref_slice %arg10[%dma_start3A_236, %dma_start3A_237] : memref<10240x128xf32, #tpu.memory_space<vmem_shared>> -> memref<10240x128xf32, #tpu.memory_space<vmem_shared>>
        tpu.enqueue_indirect_dma source(%dma_start3A_232 : memref<80x128xf32, #tpu.memory_space<vmem>>) target(%dma_start3A_238 : memref<10240x128xf32, #tpu.memory_space<vmem_shared>>) offsets(%dma_start3A_235 : memref<80xi32, #tpu.memory_space<vmem>>) semaphore(%run_scoped3A_228 : memref<!tpu.dma_semaphore, #tpu.memory_space<semaphore_mem>>) {add = true}
        %dma_wait3A_239 = arith.constant 0 : i32
        %dma_wait3A_240 = arith.constant 0 : i32
        %dma_wait3A_241 = tpu.memref_slice %arg9[%run_scoped3A_162, %dma_wait3A_239, %dma_wait3A_240] : memref<2x80x128xf32, #tpu.memory_space<vmem>> -> memref<1x80x128xf32, #tpu.memory_space<vmem>>
        %dma_wait3A_242 = tpu.memref_squeeze %dma_wait3A_241 : memref<1x80x128xf32, #tpu.memory_space<vmem>> -> memref<80x128xf32, #tpu.memory_space<vmem>>
        %dma_wait3A_243 = arith.constant 0 : i32
        %dma_wait3A_244 = tpu.memref_slice %arg8[%run_scoped3A_163, %dma_wait3A_243] : memref<8x80xi32, #tpu.memory_space<vmem>> -> memref<1x80xi32, #tpu.memory_space<vmem>>
        %dma_wait3A_245 = tpu.memref_squeeze %dma_wait3A_244 : memref<1x80xi32, #tpu.memory_space<vmem>> -> memref<80xi32, #tpu.memory_space<vmem>>
        %dma_wait3A_246 = arith.constant 0 : i32
        %dma_wait3A_247 = arith.constant 0 : i32
        %dma_wait3A_248 = tpu.memref_slice %arg10[%dma_wait3A_246, %dma_wait3A_247] : memref<10240x128xf32, #tpu.memory_space<vmem_shared>> -> memref<10240x128xf32, #tpu.memory_space<vmem_shared>>
        tpu.wait_indirect_dma semaphore(%run_scoped3A_228 : memref<!tpu.dma_semaphore, #tpu.memory_space<semaphore_mem>>) src(%dma_wait3A_242 : memref<80x128xf32, #tpu.memory_space<vmem>>) dst(%dma_wait3A_248 : memref<10240x128xf32, #tpu.memory_space<vmem_shared>>)
        tpu.yield
      }) : () -> ()
      %add3A_164 = arith.constant 2 : i32
      %add3A_165 = arith.addi %add3A_156, %add3A_164 : i32
      %lt3A_166 = arith.constant 125 : i32
      %lt3A_167 = arith.cmpi slt, %add3A_165, %lt3A_166 : i32
      %convert_element_type3A_168 = arith.extui %lt3A_167 : i1 to i32
      %cond3A_169 = arith.constant 0 : i32
      %cond3A_170 = arith.cmpi ne, %convert_element_type3A_168, %cond3A_169 : i32
      scf.if %cond3A_170 {
        %add3A_228 = arith.constant 2 : i32
        %add3A_229 = arith.addi %add3A_156, %add3A_228 : i32
        %dma_wait3A_230 = arith.constant 6 : i32
        %dma_wait3A_231 = arith.constant 0 : i32
        %dma_wait3A_232 = tpu.memref_slice %arg8[%dma_wait3A_230, %dma_wait3A_231] : memref<8x80xi32, #tpu.memory_space<vmem>> -> memref<2x80xi32, #tpu.memory_space<vmem>>
        %dma_wait3A_233 = arith.constant 0 : i32
        %dma_wait3A_234 = arith.constant 0 : i32
        %dma_wait3A_235 = tpu.memref_slice %arg3[%add3A, %add3A_229, %dma_wait3A_233, %dma_wait3A_234] : memref<32x125x2x80xi32, #tpu.memory_space<hbm>> -> memref<1x1x2x80xi32, #tpu.memory_space<hbm>>
        %dma_wait3A_236 = tpu.memref_squeeze %dma_wait3A_235 : memref<1x1x2x80xi32, #tpu.memory_space<hbm>> -> memref<2x80xi32, #tpu.memory_space<hbm>>
        %dma_wait3A_237 = arith.constant 6 : i32
        %dma_wait3A_238 = arith.constant 0 : i32
        %dma_wait3A_239 = tpu.memref_slice %arg8[%dma_wait3A_237, %dma_wait3A_238] : memref<8x80xi32, #tpu.memory_space<vmem>> -> memref<2x80xi32, #tpu.memory_space<vmem>>
        %dma_wait3A_240 = arith.constant 0 : i32
        %dma_wait3A_241 = arith.constant 0 : i32
        %dma_wait3A_242 = tpu.memref_slice %arg3[%add3A, %add3A_229, %dma_wait3A_240, %dma_wait3A_241] : memref<32x125x2x80xi32, #tpu.memory_space<hbm>> -> memref<1x1x2x80xi32, #tpu.memory_space<hbm>>
        %dma_wait3A_243 = tpu.memref_squeeze %dma_wait3A_242 : memref<1x1x2x80xi32, #tpu.memory_space<hbm>> -> memref<2x80xi32, #tpu.memory_space<hbm>>
        tpu.wait_dma2 semaphore(%arg17 : memref<!tpu.dma_semaphore, #tpu.memory_space<semaphore_mem>>) src(%dma_wait3A_243 : memref<2x80xi32, #tpu.memory_space<hbm>>) dst(%dma_wait3A_239 : memref<2x80xi32, #tpu.memory_space<vmem>>)
        %eq3A_244 = arith.constant 1 : i32
        %eq3A_245 = arith.cmpi eq, %squeeze3A, %eq3A_244 : i32
        %convert_element_type3A_246 = arith.extui %eq3A_245 : i1 to i32
        %cond3A_247 = arith.constant 0 : i32
        %cond3A_248 = arith.cmpi ne, %convert_element_type3A_246, %cond3A_247 : i32
        scf.if %cond3A_248 {
          %dma_start3A_249 = arith.constant 6 : i32
          %dma_start3A_250 = arith.constant 1 : i32
          %dma_start3A_251 = arith.constant 0 : i32
          %dma_start3A_252 = arith.constant 0 : i32
          %dma_start3A_253 = tpu.memref_slice %arg9[%dma_start3A_250, %dma_start3A_251, %dma_start3A_252] : memref<2x80x128xf32, #tpu.memory_space<vmem>> -> memref<1x80x128xf32, #tpu.memory_space<vmem>>
          %dma_start3A_254 = tpu.memref_squeeze %dma_start3A_253 : memref<1x80x128xf32, #tpu.memory_space<vmem>> -> memref<80x128xf32, #tpu.memory_space<vmem>>
          %dma_start3A_255 = arith.constant 0 : i32
          %dma_start3A_256 = tpu.memref_slice %arg8[%dma_start3A_249, %dma_start3A_255] : memref<8x80xi32, #tpu.memory_space<vmem>> -> memref<1x80xi32, #tpu.memory_space<vmem>>
          %dma_start3A_257 = tpu.memref_squeeze %dma_start3A_256 : memref<1x80xi32, #tpu.memory_space<vmem>> -> memref<80xi32, #tpu.memory_space<vmem>>
          %dma_start3A_258 = arith.constant 0 : i32
          %dma_start3A_259 = arith.constant 0 : i32
          %dma_start3A_260 = tpu.memref_slice %arg2[%dma_start3A_258, %dma_start3A_259] : memref<10000x128xf32, #tpu.memory_space<hbm>> -> memref<10000x128xf32, #tpu.memory_space<hbm>>
          tpu.enqueue_indirect_dma source(%dma_start3A_260 : memref<10000x128xf32, #tpu.memory_space<hbm>>) target(%dma_start3A_254 : memref<80x128xf32, #tpu.memory_space<vmem>>) offsets(%dma_start3A_257 : memref<80xi32, #tpu.memory_space<vmem>>) semaphore(%arg13 : memref<!tpu.dma_semaphore, #tpu.memory_space<semaphore_mem>>)
        } else {
        }
      } else {
      }
      %add3A_171 = arith.constant 4 : i32
      %add3A_172 = arith.addi %add3A_156, %add3A_171 : i32
      %lt3A_173 = arith.constant 125 : i32
      %lt3A_174 = arith.cmpi slt, %add3A_172, %lt3A_173 : i32
      %convert_element_type3A_175 = arith.extui %lt3A_174 : i1 to i32
      %cond3A_176 = arith.constant 0 : i32
      %cond3A_177 = arith.cmpi ne, %convert_element_type3A_175, %cond3A_176 : i32
      scf.if %cond3A_177 {
        %add3A_228 = arith.constant 4 : i32
        %add3A_229 = arith.addi %add3A_156, %add3A_228 : i32
        %dma_start3A_230 = arith.constant 2 : i32
        %dma_start3A_231 = arith.constant 0 : i32
        %dma_start3A_232 = tpu.memref_slice %arg8[%dma_start3A_230, %dma_start3A_231] : memref<8x80xi32, #tpu.memory_space<vmem>> -> memref<2x80xi32, #tpu.memory_space<vmem>>
        %dma_start3A_233 = arith.constant 0 : i32
        %dma_start3A_234 = arith.constant 0 : i32
        %dma_start3A_235 = tpu.memref_slice %arg3[%add3A, %add3A_229, %dma_start3A_233, %dma_start3A_234] : memref<32x125x2x80xi32, #tpu.memory_space<hbm>> -> memref<1x1x2x80xi32, #tpu.memory_space<hbm>>
        %dma_start3A_236 = tpu.memref_squeeze %dma_start3A_235 : memref<1x1x2x80xi32, #tpu.memory_space<hbm>> -> memref<2x80xi32, #tpu.memory_space<hbm>>
        %dma_start3A_237 = arith.constant 2 : i32
        %dma_start3A_238 = arith.constant 0 : i32
        %dma_start3A_239 = tpu.memref_slice %arg8[%dma_start3A_237, %dma_start3A_238] : memref<8x80xi32, #tpu.memory_space<vmem>> -> memref<2x80xi32, #tpu.memory_space<vmem>>
        %dma_start3A_240 = arith.constant 0 : i32
        %dma_start3A_241 = arith.constant 0 : i32
        %dma_start3A_242 = tpu.memref_slice %arg3[%add3A, %add3A_229, %dma_start3A_240, %dma_start3A_241] : memref<32x125x2x80xi32, #tpu.memory_space<hbm>> -> memref<1x1x2x80xi32, #tpu.memory_space<hbm>>
        %dma_start3A_243 = tpu.memref_squeeze %dma_start3A_242 : memref<1x1x2x80xi32, #tpu.memory_space<hbm>> -> memref<2x80xi32, #tpu.memory_space<hbm>>
        tpu.enqueue_dma source(%dma_start3A_243 : memref<2x80xi32, #tpu.memory_space<hbm>>) target(%dma_start3A_239 : memref<2x80xi32, #tpu.memory_space<vmem>>) target_semaphore(%arg15 : memref<!tpu.dma_semaphore, #tpu.memory_space<semaphore_mem>>)
      } else {
      }
      %mul3A_178 = arith.constant 4 : i32
      %mul3A_179 = arith.muli %mul3A_178, %scan3A_127 : i32
      %add3A_180 = arith.constant 2 : i32
      %add3A_181 = arith.addi %mul3A_179, %add3A_180 : i32
      %eq3A_182 = arith.constant 1 : i32
      %eq3A_183 = arith.cmpi eq, %squeeze3A, %eq3A_182 : i32
      %convert_element_type3A_184 = arith.extui %eq3A_183 : i1 to i32
      %cond3A_185 = arith.constant 0 : i32
      %cond3A_186 = arith.cmpi ne, %convert_element_type3A_184, %cond3A_185 : i32
      scf.if %cond3A_186 {
        %dma_wait3A_228 = arith.constant 4 : i32
        %dma_wait3A_229 = arith.constant 0 : i32
        %dma_wait3A_230 = arith.constant 0 : i32
        %dma_wait3A_231 = arith.constant 0 : i32
        %dma_wait3A_232 = tpu.memref_slice %arg9[%dma_wait3A_229, %dma_wait3A_230, %dma_wait3A_231] : memref<2x80x128xf32, #tpu.memory_space<vmem>> -> memref<1x80x128xf32, #tpu.memory_space<vmem>>
        %dma_wait3A_233 = tpu.memref_squeeze %dma_wait3A_232 : memref<1x80x128xf32, #tpu.memory_space<vmem>> -> memref<80x128xf32, #tpu.memory_space<vmem>>
        %dma_wait3A_234 = arith.constant 0 : i32
        %dma_wait3A_235 = tpu.memref_slice %arg8[%dma_wait3A_228, %dma_wait3A_234] : memref<8x80xi32, #tpu.memory_space<vmem>> -> memref<1x80xi32, #tpu.memory_space<vmem>>
        %dma_wait3A_236 = tpu.memref_squeeze %dma_wait3A_235 : memref<1x80xi32, #tpu.memory_space<vmem>> -> memref<80xi32, #tpu.memory_space<vmem>>
        %dma_wait3A_237 = arith.constant 0 : i32
        %dma_wait3A_238 = arith.constant 0 : i32
        %dma_wait3A_239 = tpu.memref_slice %arg2[%dma_wait3A_237, %dma_wait3A_238] : memref<10000x128xf32, #tpu.memory_space<hbm>> -> memref<10000x128xf32, #tpu.memory_space<hbm>>
        tpu.wait_indirect_dma semaphore(%arg12 : memref<!tpu.dma_semaphore, #tpu.memory_space<semaphore_mem>>) src(%dma_wait3A_239 : memref<10000x128xf32, #tpu.memory_space<hbm>>) dst(%dma_wait3A_233 : memref<80x128xf32, #tpu.memory_space<vmem>>)
      } else {
      }
      %run_scoped3A_187 = arith.constant 0 : i32
      %run_scoped3A_188 = arith.constant 5 : i32
      "tpu.region"() ({
        %run_scoped3A_228 = tpu.sem_alloc : memref<!tpu.dma_semaphore, #tpu.memory_space<semaphore_mem>>
        %dma_start3A_229 = arith.constant 0 : i32
        %dma_start3A_230 = arith.constant 0 : i32
        %dma_start3A_231 = tpu.memref_slice %arg9[%run_scoped3A_187, %dma_start3A_229, %dma_start3A_230] : memref<2x80x128xf32, #tpu.memory_space<vmem>> -> memref<1x80x128xf32, #tpu.memory_space<vmem>>
        %dma_start3A_232 = tpu.memref_squeeze %dma_start3A_231 : memref<1x80x128xf32, #tpu.memory_space<vmem>> -> memref<80x128xf32, #tpu.memory_space<vmem>>
        %dma_start3A_233 = arith.constant 0 : i32
        %dma_start3A_234 = tpu.memref_slice %arg8[%run_scoped3A_188, %dma_start3A_233] : memref<8x80xi32, #tpu.memory_space<vmem>> -> memref<1x80xi32, #tpu.memory_space<vmem>>
        %dma_start3A_235 = tpu.memref_squeeze %dma_start3A_234 : memref<1x80xi32, #tpu.memory_space<vmem>> -> memref<80xi32, #tpu.memory_space<vmem>>
        %dma_start3A_236 = arith.constant 0 : i32
        %dma_start3A_237 = arith.constant 0 : i32
        %dma_start3A_238 = tpu.memref_slice %arg10[%dma_start3A_236, %dma_start3A_237] : memref<10240x128xf32, #tpu.memory_space<vmem_shared>> -> memref<10240x128xf32, #tpu.memory_space<vmem_shared>>
        tpu.enqueue_indirect_dma source(%dma_start3A_232 : memref<80x128xf32, #tpu.memory_space<vmem>>) target(%dma_start3A_238 : memref<10240x128xf32, #tpu.memory_space<vmem_shared>>) offsets(%dma_start3A_235 : memref<80xi32, #tpu.memory_space<vmem>>) semaphore(%run_scoped3A_228 : memref<!tpu.dma_semaphore, #tpu.memory_space<semaphore_mem>>) {add = true}
        %dma_wait3A_239 = arith.constant 0 : i32
        %dma_wait3A_240 = arith.constant 0 : i32
        %dma_wait3A_241 = tpu.memref_slice %arg9[%run_scoped3A_187, %dma_wait3A_239, %dma_wait3A_240] : memref<2x80x128xf32, #tpu.memory_space<vmem>> -> memref<1x80x128xf32, #tpu.memory_space<vmem>>
        %dma_wait3A_242 = tpu.memref_squeeze %dma_wait3A_241 : memref<1x80x128xf32, #tpu.memory_space<vmem>> -> memref<80x128xf32, #tpu.memory_space<vmem>>
        %dma_wait3A_243 = arith.constant 0 : i32
        %dma_wait3A_244 = tpu.memref_slice %arg8[%run_scoped3A_188, %dma_wait3A_243] : memref<8x80xi32, #tpu.memory_space<vmem>> -> memref<1x80xi32, #tpu.memory_space<vmem>>
        %dma_wait3A_245 = tpu.memref_squeeze %dma_wait3A_244 : memref<1x80xi32, #tpu.memory_space<vmem>> -> memref<80xi32, #tpu.memory_space<vmem>>
        %dma_wait3A_246 = arith.constant 0 : i32
        %dma_wait3A_247 = arith.constant 0 : i32
        %dma_wait3A_248 = tpu.memref_slice %arg10[%dma_wait3A_246, %dma_wait3A_247] : memref<10240x128xf32, #tpu.memory_space<vmem_shared>> -> memref<10240x128xf32, #tpu.memory_space<vmem_shared>>
        tpu.wait_indirect_dma semaphore(%run_scoped3A_228 : memref<!tpu.dma_semaphore, #tpu.memory_space<semaphore_mem>>) src(%dma_wait3A_242 : memref<80x128xf32, #tpu.memory_space<vmem>>) dst(%dma_wait3A_248 : memref<10240x128xf32, #tpu.memory_space<vmem_shared>>)
        tpu.yield
      }) : () -> ()
      %add3A_189 = arith.constant 2 : i32
      %add3A_190 = arith.addi %add3A_181, %add3A_189 : i32
      %lt3A_191 = arith.constant 125 : i32
      %lt3A_192 = arith.cmpi slt, %add3A_190, %lt3A_191 : i32
      %convert_element_type3A_193 = arith.extui %lt3A_192 : i1 to i32
      %cond3A_194 = arith.constant 0 : i32
      %cond3A_195 = arith.cmpi ne, %convert_element_type3A_193, %cond3A_194 : i32
      scf.if %cond3A_195 {
        %add3A_228 = arith.constant 2 : i32
        %add3A_229 = arith.addi %add3A_181, %add3A_228 : i32
        %dma_wait3A_230 = arith.constant 0 : i32
        %dma_wait3A_231 = arith.constant 0 : i32
        %dma_wait3A_232 = tpu.memref_slice %arg8[%dma_wait3A_230, %dma_wait3A_231] : memref<8x80xi32, #tpu.memory_space<vmem>> -> memref<2x80xi32, #tpu.memory_space<vmem>>
        %dma_wait3A_233 = arith.constant 0 : i32
        %dma_wait3A_234 = arith.constant 0 : i32
        %dma_wait3A_235 = tpu.memref_slice %arg3[%add3A, %add3A_229, %dma_wait3A_233, %dma_wait3A_234] : memref<32x125x2x80xi32, #tpu.memory_space<hbm>> -> memref<1x1x2x80xi32, #tpu.memory_space<hbm>>
        %dma_wait3A_236 = tpu.memref_squeeze %dma_wait3A_235 : memref<1x1x2x80xi32, #tpu.memory_space<hbm>> -> memref<2x80xi32, #tpu.memory_space<hbm>>
        %dma_wait3A_237 = arith.constant 0 : i32
        %dma_wait3A_238 = arith.constant 0 : i32
        %dma_wait3A_239 = tpu.memref_slice %arg8[%dma_wait3A_237, %dma_wait3A_238] : memref<8x80xi32, #tpu.memory_space<vmem>> -> memref<2x80xi32, #tpu.memory_space<vmem>>
        %dma_wait3A_240 = arith.constant 0 : i32
        %dma_wait3A_241 = arith.constant 0 : i32
        %dma_wait3A_242 = tpu.memref_slice %arg3[%add3A, %add3A_229, %dma_wait3A_240, %dma_wait3A_241] : memref<32x125x2x80xi32, #tpu.memory_space<hbm>> -> memref<1x1x2x80xi32, #tpu.memory_space<hbm>>
        %dma_wait3A_243 = tpu.memref_squeeze %dma_wait3A_242 : memref<1x1x2x80xi32, #tpu.memory_space<hbm>> -> memref<2x80xi32, #tpu.memory_space<hbm>>
        tpu.wait_dma2 semaphore(%arg14 : memref<!tpu.dma_semaphore, #tpu.memory_space<semaphore_mem>>) src(%dma_wait3A_243 : memref<2x80xi32, #tpu.memory_space<hbm>>) dst(%dma_wait3A_239 : memref<2x80xi32, #tpu.memory_space<vmem>>)
        %eq3A_244 = arith.constant 1 : i32
        %eq3A_245 = arith.cmpi eq, %squeeze3A, %eq3A_244 : i32
        %convert_element_type3A_246 = arith.extui %eq3A_245 : i1 to i32
        %cond3A_247 = arith.constant 0 : i32
        %cond3A_248 = arith.cmpi ne, %convert_element_type3A_246, %cond3A_247 : i32
        scf.if %cond3A_248 {
          %dma_start3A_249 = arith.constant 0 : i32
          %dma_start3A_250 = arith.constant 0 : i32
          %dma_start3A_251 = arith.constant 0 : i32
          %dma_start3A_252 = arith.constant 0 : i32
          %dma_start3A_253 = tpu.memref_slice %arg9[%dma_start3A_250, %dma_start3A_251, %dma_start3A_252] : memref<2x80x128xf32, #tpu.memory_space<vmem>> -> memref<1x80x128xf32, #tpu.memory_space<vmem>>
          %dma_start3A_254 = tpu.memref_squeeze %dma_start3A_253 : memref<1x80x128xf32, #tpu.memory_space<vmem>> -> memref<80x128xf32, #tpu.memory_space<vmem>>
          %dma_start3A_255 = arith.constant 0 : i32
          %dma_start3A_256 = tpu.memref_slice %arg8[%dma_start3A_249, %dma_start3A_255] : memref<8x80xi32, #tpu.memory_space<vmem>> -> memref<1x80xi32, #tpu.memory_space<vmem>>
          %dma_start3A_257 = tpu.memref_squeeze %dma_start3A_256 : memref<1x80xi32, #tpu.memory_space<vmem>> -> memref<80xi32, #tpu.memory_space<vmem>>
          %dma_start3A_258 = arith.constant 0 : i32
          %dma_start3A_259 = arith.constant 0 : i32
          %dma_start3A_260 = tpu.memref_slice %arg2[%dma_start3A_258, %dma_start3A_259] : memref<10000x128xf32, #tpu.memory_space<hbm>> -> memref<10000x128xf32, #tpu.memory_space<hbm>>
          tpu.enqueue_indirect_dma source(%dma_start3A_260 : memref<10000x128xf32, #tpu.memory_space<hbm>>) target(%dma_start3A_254 : memref<80x128xf32, #tpu.memory_space<vmem>>) offsets(%dma_start3A_257 : memref<80xi32, #tpu.memory_space<vmem>>) semaphore(%arg12 : memref<!tpu.dma_semaphore, #tpu.memory_space<semaphore_mem>>)
        } else {
        }
      } else {
      }
      %add3A_196 = arith.constant 4 : i32
      %add3A_197 = arith.addi %add3A_181, %add3A_196 : i32
      %lt3A_198 = arith.constant 125 : i32
      %lt3A_199 = arith.cmpi slt, %add3A_197, %lt3A_198 : i32
      %convert_element_type3A_200 = arith.extui %lt3A_199 : i1 to i32
      %cond3A_201 = arith.constant 0 : i32
      %cond3A_202 = arith.cmpi ne, %convert_element_type3A_200, %cond3A_201 : i32
      scf.if %cond3A_202 {
        %add3A_228 = arith.constant 4 : i32
        %add3A_229 = arith.addi %add3A_181, %add3A_228 : i32
        %dma_start3A_230 = arith.constant 4 : i32
        %dma_start3A_231 = arith.constant 0 : i32
        %dma_start3A_232 = tpu.memref_slice %arg8[%dma_start3A_230, %dma_start3A_231] : memref<8x80xi32, #tpu.memory_space<vmem>> -> memref<2x80xi32, #tpu.memory_space<vmem>>
        %dma_start3A_233 = arith.constant 0 : i32
        %dma_start3A_234 = arith.constant 0 : i32
        %dma_start3A_235 = tpu.memref_slice %arg3[%add3A, %add3A_229, %dma_start3A_233, %dma_start3A_234] : memref<32x125x2x80xi32, #tpu.memory_space<hbm>> -> memref<1x1x2x80xi32, #tpu.memory_space<hbm>>
        %dma_start3A_236 = tpu.memref_squeeze %dma_start3A_235 : memref<1x1x2x80xi32, #tpu.memory_space<hbm>> -> memref<2x80xi32, #tpu.memory_space<hbm>>
        %dma_start3A_237 = arith.constant 4 : i32
        %dma_start3A_238 = arith.constant 0 : i32
        %dma_start3A_239 = tpu.memref_slice %arg8[%dma_start3A_237, %dma_start3A_238] : memref<8x80xi32, #tpu.memory_space<vmem>> -> memref<2x80xi32, #tpu.memory_space<vmem>>
        %dma_start3A_240 = arith.constant 0 : i32
        %dma_start3A_241 = arith.constant 0 : i32
        %dma_start3A_242 = tpu.memref_slice %arg3[%add3A, %add3A_229, %dma_start3A_240, %dma_start3A_241] : memref<32x125x2x80xi32, #tpu.memory_space<hbm>> -> memref<1x1x2x80xi32, #tpu.memory_space<hbm>>
        %dma_start3A_243 = tpu.memref_squeeze %dma_start3A_242 : memref<1x1x2x80xi32, #tpu.memory_space<hbm>> -> memref<2x80xi32, #tpu.memory_space<hbm>>
        tpu.enqueue_dma source(%dma_start3A_243 : memref<2x80xi32, #tpu.memory_space<hbm>>) target(%dma_start3A_239 : memref<2x80xi32, #tpu.memory_space<vmem>>) target_semaphore(%arg16 : memref<!tpu.dma_semaphore, #tpu.memory_space<semaphore_mem>>)
      } else {
      }
      %mul3A_203 = arith.constant 4 : i32
      %mul3A_204 = arith.muli %mul3A_203, %scan3A_127 : i32
      %add3A_205 = arith.constant 3 : i32
      %add3A_206 = arith.addi %mul3A_204, %add3A_205 : i32
      %eq3A_207 = arith.constant 1 : i32
      %eq3A_208 = arith.cmpi eq, %squeeze3A, %eq3A_207 : i32
      %convert_element_type3A_209 = arith.extui %eq3A_208 : i1 to i32
      %cond3A_210 = arith.constant 0 : i32
      %cond3A_211 = arith.cmpi ne, %convert_element_type3A_209, %cond3A_210 : i32
      scf.if %cond3A_211 {
        %dma_wait3A_228 = arith.constant 6 : i32
        %dma_wait3A_229 = arith.constant 1 : i32
        %dma_wait3A_230 = arith.constant 0 : i32
        %dma_wait3A_231 = arith.constant 0 : i32
        %dma_wait3A_232 = tpu.memref_slice %arg9[%dma_wait3A_229, %dma_wait3A_230, %dma_wait3A_231] : memref<2x80x128xf32, #tpu.memory_space<vmem>> -> memref<1x80x128xf32, #tpu.memory_space<vmem>>
        %dma_wait3A_233 = tpu.memref_squeeze %dma_wait3A_232 : memref<1x80x128xf32, #tpu.memory_space<vmem>> -> memref<80x128xf32, #tpu.memory_space<vmem>>
        %dma_wait3A_234 = arith.constant 0 : i32
        %dma_wait3A_235 = tpu.memref_slice %arg8[%dma_wait3A_228, %dma_wait3A_234] : memref<8x80xi32, #tpu.memory_space<vmem>> -> memref<1x80xi32, #tpu.memory_space<vmem>>
        %dma_wait3A_236 = tpu.memref_squeeze %dma_wait3A_235 : memref<1x80xi32, #tpu.memory_space<vmem>> -> memref<80xi32, #tpu.memory_space<vmem>>
        %dma_wait3A_237 = arith.constant 0 : i32
        %dma_wait3A_238 = arith.constant 0 : i32
        %dma_wait3A_239 = tpu.memref_slice %arg2[%dma_wait3A_237, %dma_wait3A_238] : memref<10000x128xf32, #tpu.memory_space<hbm>> -> memref<10000x128xf32, #tpu.memory_space<hbm>>
        tpu.wait_indirect_dma semaphore(%arg13 : memref<!tpu.dma_semaphore, #tpu.memory_space<semaphore_mem>>) src(%dma_wait3A_239 : memref<10000x128xf32, #tpu.memory_space<hbm>>) dst(%dma_wait3A_233 : memref<80x128xf32, #tpu.memory_space<vmem>>)
      } else {
      }
      %run_scoped3A_212 = arith.constant 1 : i32
      %run_scoped3A_213 = arith.constant 7 : i32
      "tpu.region"() ({
        %run_scoped3A_228 = tpu.sem_alloc : memref<!tpu.dma_semaphore, #tpu.memory_space<semaphore_mem>>
        %dma_start3A_229 = arith.constant 0 : i32
        %dma_start3A_230 = arith.constant 0 : i32
        %dma_start3A_231 = tpu.memref_slice %arg9[%run_scoped3A_212, %dma_start3A_229, %dma_start3A_230] : memref<2x80x128xf32, #tpu.memory_space<vmem>> -> memref<1x80x128xf32, #tpu.memory_space<vmem>>
        %dma_start3A_232 = tpu.memref_squeeze %dma_start3A_231 : memref<1x80x128xf32, #tpu.memory_space<vmem>> -> memref<80x128xf32, #tpu.memory_space<vmem>>
        %dma_start3A_233 = arith.constant 0 : i32
        %dma_start3A_234 = tpu.memref_slice %arg8[%run_scoped3A_213, %dma_start3A_233] : memref<8x80xi32, #tpu.memory_space<vmem>> -> memref<1x80xi32, #tpu.memory_space<vmem>>
        %dma_start3A_235 = tpu.memref_squeeze %dma_start3A_234 : memref<1x80xi32, #tpu.memory_space<vmem>> -> memref<80xi32, #tpu.memory_space<vmem>>
        %dma_start3A_236 = arith.constant 0 : i32
        %dma_start3A_237 = arith.constant 0 : i32
        %dma_start3A_238 = tpu.memref_slice %arg10[%dma_start3A_236, %dma_start3A_237] : memref<10240x128xf32, #tpu.memory_space<vmem_shared>> -> memref<10240x128xf32, #tpu.memory_space<vmem_shared>>
        tpu.enqueue_indirect_dma source(%dma_start3A_232 : memref<80x128xf32, #tpu.memory_space<vmem>>) target(%dma_start3A_238 : memref<10240x128xf32, #tpu.memory_space<vmem_shared>>) offsets(%dma_start3A_235 : memref<80xi32, #tpu.memory_space<vmem>>) semaphore(%run_scoped3A_228 : memref<!tpu.dma_semaphore, #tpu.memory_space<semaphore_mem>>) {add = true}
        %dma_wait3A_239 = arith.constant 0 : i32
        %dma_wait3A_240 = arith.constant 0 : i32
        %dma_wait3A_241 = tpu.memref_slice %arg9[%run_scoped3A_212, %dma_wait3A_239, %dma_wait3A_240] : memref<2x80x128xf32, #tpu.memory_space<vmem>> -> memref<1x80x128xf32, #tpu.memory_space<vmem>>
        %dma_wait3A_242 = tpu.memref_squeeze %dma_wait3A_241 : memref<1x80x128xf32, #tpu.memory_space<vmem>> -> memref<80x128xf32, #tpu.memory_space<vmem>>
        %dma_wait3A_243 = arith.constant 0 : i32
        %dma_wait3A_244 = tpu.memref_slice %arg8[%run_scoped3A_213, %dma_wait3A_243] : memref<8x80xi32, #tpu.memory_space<vmem>> -> memref<1x80xi32, #tpu.memory_space<vmem>>
        %dma_wait3A_245 = tpu.memref_squeeze %dma_wait3A_244 : memref<1x80xi32, #tpu.memory_space<vmem>> -> memref<80xi32, #tpu.memory_space<vmem>>
        %dma_wait3A_246 = arith.constant 0 : i32
        %dma_wait3A_247 = arith.constant 0 : i32
        %dma_wait3A_248 = tpu.memref_slice %arg10[%dma_wait3A_246, %dma_wait3A_247] : memref<10240x128xf32, #tpu.memory_space<vmem_shared>> -> memref<10240x128xf32, #tpu.memory_space<vmem_shared>>
        tpu.wait_indirect_dma semaphore(%run_scoped3A_228 : memref<!tpu.dma_semaphore, #tpu.memory_space<semaphore_mem>>) src(%dma_wait3A_242 : memref<80x128xf32, #tpu.memory_space<vmem>>) dst(%dma_wait3A_248 : memref<10240x128xf32, #tpu.memory_space<vmem_shared>>)
        tpu.yield
      }) : () -> ()
      %add3A_214 = arith.constant 2 : i32
      %add3A_215 = arith.addi %add3A_206, %add3A_214 : i32
      %lt3A_216 = arith.constant 125 : i32
      %lt3A_217 = arith.cmpi slt, %add3A_215, %lt3A_216 : i32
      %convert_element_type3A_218 = arith.extui %lt3A_217 : i1 to i32
      %cond3A_219 = arith.constant 0 : i32
      %cond3A_220 = arith.cmpi ne, %convert_element_type3A_218, %cond3A_219 : i32
      scf.if %cond3A_220 {
        %add3A_228 = arith.constant 2 : i32
        %add3A_229 = arith.addi %add3A_206, %add3A_228 : i32
        %dma_wait3A_230 = arith.constant 2 : i32
        %dma_wait3A_231 = arith.constant 0 : i32
        %dma_wait3A_232 = tpu.memref_slice %arg8[%dma_wait3A_230, %dma_wait3A_231] : memref<8x80xi32, #tpu.memory_space<vmem>> -> memref<2x80xi32, #tpu.memory_space<vmem>>
        %dma_wait3A_233 = arith.constant 0 : i32
        %dma_wait3A_234 = arith.constant 0 : i32
        %dma_wait3A_235 = tpu.memref_slice %arg3[%add3A, %add3A_229, %dma_wait3A_233, %dma_wait3A_234] : memref<32x125x2x80xi32, #tpu.memory_space<hbm>> -> memref<1x1x2x80xi32, #tpu.memory_space<hbm>>
        %dma_wait3A_236 = tpu.memref_squeeze %dma_wait3A_235 : memref<1x1x2x80xi32, #tpu.memory_space<hbm>> -> memref<2x80xi32, #tpu.memory_space<hbm>>
        %dma_wait3A_237 = arith.constant 2 : i32
        %dma_wait3A_238 = arith.constant 0 : i32
        %dma_wait3A_239 = tpu.memref_slice %arg8[%dma_wait3A_237, %dma_wait3A_238] : memref<8x80xi32, #tpu.memory_space<vmem>> -> memref<2x80xi32, #tpu.memory_space<vmem>>
        %dma_wait3A_240 = arith.constant 0 : i32
        %dma_wait3A_241 = arith.constant 0 : i32
        %dma_wait3A_242 = tpu.memref_slice %arg3[%add3A, %add3A_229, %dma_wait3A_240, %dma_wait3A_241] : memref<32x125x2x80xi32, #tpu.memory_space<hbm>> -> memref<1x1x2x80xi32, #tpu.memory_space<hbm>>
        %dma_wait3A_243 = tpu.memref_squeeze %dma_wait3A_242 : memref<1x1x2x80xi32, #tpu.memory_space<hbm>> -> memref<2x80xi32, #tpu.memory_space<hbm>>
        tpu.wait_dma2 semaphore(%arg15 : memref<!tpu.dma_semaphore, #tpu.memory_space<semaphore_mem>>) src(%dma_wait3A_243 : memref<2x80xi32, #tpu.memory_space<hbm>>) dst(%dma_wait3A_239 : memref<2x80xi32, #tpu.memory_space<vmem>>)
        %eq3A_244 = arith.constant 1 : i32
        %eq3A_245 = arith.cmpi eq, %squeeze3A, %eq3A_244 : i32
        %convert_element_type3A_246 = arith.extui %eq3A_245 : i1 to i32
        %cond3A_247 = arith.constant 0 : i32
        %cond3A_248 = arith.cmpi ne, %convert_element_type3A_246, %cond3A_247 : i32
        scf.if %cond3A_248 {
          %dma_start3A_249 = arith.constant 2 : i32
          %dma_start3A_250 = arith.constant 1 : i32
          %dma_start3A_251 = arith.constant 0 : i32
          %dma_start3A_252 = arith.constant 0 : i32
          %dma_start3A_253 = tpu.memref_slice %arg9[%dma_start3A_250, %dma_start3A_251, %dma_start3A_252] : memref<2x80x128xf32, #tpu.memory_space<vmem>> -> memref<1x80x128xf32, #tpu.memory_space<vmem>>
          %dma_start3A_254 = tpu.memref_squeeze %dma_start3A_253 : memref<1x80x128xf32, #tpu.memory_space<vmem>> -> memref<80x128xf32, #tpu.memory_space<vmem>>
          %dma_start3A_255 = arith.constant 0 : i32
          %dma_start3A_256 = tpu.memref_slice %arg8[%dma_start3A_249, %dma_start3A_255] : memref<8x80xi32, #tpu.memory_space<vmem>> -> memref<1x80xi32, #tpu.memory_space<vmem>>
          %dma_start3A_257 = tpu.memref_squeeze %dma_start3A_256 : memref<1x80xi32, #tpu.memory_space<vmem>> -> memref<80xi32, #tpu.memory_space<vmem>>
          %dma_start3A_258 = arith.constant 0 : i32
          %dma_start3A_259 = arith.constant 0 : i32
          %dma_start3A_260 = tpu.memref_slice %arg2[%dma_start3A_258, %dma_start3A_259] : memref<10000x128xf32, #tpu.memory_space<hbm>> -> memref<10000x128xf32, #tpu.memory_space<hbm>>
          tpu.enqueue_indirect_dma source(%dma_start3A_260 : memref<10000x128xf32, #tpu.memory_space<hbm>>) target(%dma_start3A_254 : memref<80x128xf32, #tpu.memory_space<vmem>>) offsets(%dma_start3A_257 : memref<80xi32, #tpu.memory_space<vmem>>) semaphore(%arg13 : memref<!tpu.dma_semaphore, #tpu.memory_space<semaphore_mem>>)
        } else {
        }
      } else {
      }
      %add3A_221 = arith.constant 4 : i32
      %add3A_222 = arith.addi %add3A_206, %add3A_221 : i32
      %lt3A_223 = arith.constant 125 : i32
      %lt3A_224 = arith.cmpi slt, %add3A_222, %lt3A_223 : i32
      %convert_element_type3A_225 = arith.extui %lt3A_224 : i1 to i32
      %cond3A_226 = arith.constant 0 : i32
      %cond3A_227 = arith.cmpi ne, %convert_element_type3A_225, %cond3A_226 : i32
      scf.if %cond3A_227 {
        %add3A_228 = arith.constant 4 : i32
        %add3A_229 = arith.addi %add3A_206, %add3A_228 : i32
        %dma_start3A_230 = arith.constant 6 : i32
        %dma_start3A_231 = arith.constant 0 : i32
        %dma_start3A_232 = tpu.memref_slice %arg8[%dma_start3A_230, %dma_start3A_231] : memref<8x80xi32, #tpu.memory_space<vmem>> -> memref<2x80xi32, #tpu.memory_space<vmem>>
        %dma_start3A_233 = arith.constant 0 : i32
        %dma_start3A_234 = arith.constant 0 : i32
        %dma_start3A_235 = tpu.memref_slice %arg3[%add3A, %add3A_229, %dma_start3A_233, %dma_start3A_234] : memref<32x125x2x80xi32, #tpu.memory_space<hbm>> -> memref<1x1x2x80xi32, #tpu.memory_space<hbm>>
        %dma_start3A_236 = tpu.memref_squeeze %dma_start3A_235 : memref<1x1x2x80xi32, #tpu.memory_space<hbm>> -> memref<2x80xi32, #tpu.memory_space<hbm>>
        %dma_start3A_237 = arith.constant 6 : i32
        %dma_start3A_238 = arith.constant 0 : i32
        %dma_start3A_239 = tpu.memref_slice %arg8[%dma_start3A_237, %dma_start3A_238] : memref<8x80xi32, #tpu.memory_space<vmem>> -> memref<2x80xi32, #tpu.memory_space<vmem>>
        %dma_start3A_240 = arith.constant 0 : i32
        %dma_start3A_241 = arith.constant 0 : i32
        %dma_start3A_242 = tpu.memref_slice %arg3[%add3A, %add3A_229, %dma_start3A_240, %dma_start3A_241] : memref<32x125x2x80xi32, #tpu.memory_space<hbm>> -> memref<1x1x2x80xi32, #tpu.memory_space<hbm>>
        %dma_start3A_243 = tpu.memref_squeeze %dma_start3A_242 : memref<1x1x2x80xi32, #tpu.memory_space<hbm>> -> memref<2x80xi32, #tpu.memory_space<hbm>>
        tpu.enqueue_dma source(%dma_start3A_243 : memref<2x80xi32, #tpu.memory_space<hbm>>) target(%dma_start3A_239 : memref<2x80xi32, #tpu.memory_space<vmem>>) target_semaphore(%arg17 : memref<!tpu.dma_semaphore, #tpu.memory_space<semaphore_mem>>)
      } else {
      }
    }
    %scan3A_99 = arith.constant 31 : i32
    %eq3A_100 = arith.constant 1 : i32
    %eq3A_101 = arith.cmpi eq, %squeeze3A, %eq3A_100 : i32
    %convert_element_type3A_102 = arith.extui %eq3A_101 : i1 to i32
    %cond3A_103 = arith.constant 0 : i32
    %cond3A_104 = arith.cmpi ne, %convert_element_type3A_102, %cond3A_103 : i32
    scf.if %cond3A_104 {
      %dma_wait3A_127 = arith.constant 0 : i32
      %dma_wait3A_128 = arith.constant 0 : i32
      %dma_wait3A_129 = arith.constant 0 : i32
      %dma_wait3A_130 = arith.constant 0 : i32
      %dma_wait3A_131 = tpu.memref_slice %arg9[%dma_wait3A_128, %dma_wait3A_129, %dma_wait3A_130] : memref<2x80x128xf32, #tpu.memory_space<vmem>> -> memref<1x80x128xf32, #tpu.memory_space<vmem>>
      %dma_wait3A_132 = tpu.memref_squeeze %dma_wait3A_131 : memref<1x80x128xf32, #tpu.memory_space<vmem>> -> memref<80x128xf32, #tpu.memory_space<vmem>>
      %dma_wait3A_133 = arith.constant 0 : i32
      %dma_wait3A_134 = tpu.memref_slice %arg8[%dma_wait3A_127, %dma_wait3A_133] : memref<8x80xi32, #tpu.memory_space<vmem>> -> memref<1x80xi32, #tpu.memory_space<vmem>>
      %dma_wait3A_135 = tpu.memref_squeeze %dma_wait3A_134 : memref<1x80xi32, #tpu.memory_space<vmem>> -> memref<80xi32, #tpu.memory_space<vmem>>
      %dma_wait3A_136 = arith.constant 0 : i32
      %dma_wait3A_137 = arith.constant 0 : i32
      %dma_wait3A_138 = tpu.memref_slice %arg2[%dma_wait3A_136, %dma_wait3A_137] : memref<10000x128xf32, #tpu.memory_space<hbm>> -> memref<10000x128xf32, #tpu.memory_space<hbm>>
      tpu.wait_indirect_dma semaphore(%arg12 : memref<!tpu.dma_semaphore, #tpu.memory_space<semaphore_mem>>) src(%dma_wait3A_138 : memref<10000x128xf32, #tpu.memory_space<hbm>>) dst(%dma_wait3A_132 : memref<80x128xf32, #tpu.memory_space<vmem>>)
    } else {
    }
    %run_scoped3A = arith.constant 0 : i32
    %run_scoped3A_105 = arith.constant 1 : i32
    "tpu.region"() ({
      %run_scoped3A_127 = tpu.sem_alloc : memref<!tpu.dma_semaphore, #tpu.memory_space<semaphore_mem>>
      %dma_start3A_128 = arith.constant 0 : i32
      %dma_start3A_129 = arith.constant 0 : i32
      %dma_start3A_130 = tpu.memref_slice %arg9[%run_scoped3A, %dma_start3A_128, %dma_start3A_129] : memref<2x80x128xf32, #tpu.memory_space<vmem>> -> memref<1x80x128xf32, #tpu.memory_space<vmem>>
      %dma_start3A_131 = tpu.memref_squeeze %dma_start3A_130 : memref<1x80x128xf32, #tpu.memory_space<vmem>> -> memref<80x128xf32, #tpu.memory_space<vmem>>
      %dma_start3A_132 = arith.constant 0 : i32
      %dma_start3A_133 = tpu.memref_slice %arg8[%run_scoped3A_105, %dma_start3A_132] : memref<8x80xi32, #tpu.memory_space<vmem>> -> memref<1x80xi32, #tpu.memory_space<vmem>>
      %dma_start3A_134 = tpu.memref_squeeze %dma_start3A_133 : memref<1x80xi32, #tpu.memory_space<vmem>> -> memref<80xi32, #tpu.memory_space<vmem>>
      %dma_start3A_135 = arith.constant 0 : i32
      %dma_start3A_136 = arith.constant 0 : i32
      %dma_start3A_137 = tpu.memref_slice %arg10[%dma_start3A_135, %dma_start3A_136] : memref<10240x128xf32, #tpu.memory_space<vmem_shared>> -> memref<10240x128xf32, #tpu.memory_space<vmem_shared>>
      tpu.enqueue_indirect_dma source(%dma_start3A_131 : memref<80x128xf32, #tpu.memory_space<vmem>>) target(%dma_start3A_137 : memref<10240x128xf32, #tpu.memory_space<vmem_shared>>) offsets(%dma_start3A_134 : memref<80xi32, #tpu.memory_space<vmem>>) semaphore(%run_scoped3A_127 : memref<!tpu.dma_semaphore, #tpu.memory_space<semaphore_mem>>) {add = true}
      %dma_wait3A_138 = arith.constant 0 : i32
      %dma_wait3A_139 = arith.constant 0 : i32
      %dma_wait3A_140 = tpu.memref_slice %arg9[%run_scoped3A, %dma_wait3A_138, %dma_wait3A_139] : memref<2x80x128xf32, #tpu.memory_space<vmem>> -> memref<1x80x128xf32, #tpu.memory_space<vmem>>
      %dma_wait3A_141 = tpu.memref_squeeze %dma_wait3A_140 : memref<1x80x128xf32, #tpu.memory_space<vmem>> -> memref<80x128xf32, #tpu.memory_space<vmem>>
      %dma_wait3A_142 = arith.constant 0 : i32
      %dma_wait3A_143 = tpu.memref_slice %arg8[%run_scoped3A_105, %dma_wait3A_142] : memref<8x80xi32, #tpu.memory_space<vmem>> -> memref<1x80xi32, #tpu.memory_space<vmem>>
      %dma_wait3A_144 = tpu.memref_squeeze %dma_wait3A_143 : memref<1x80xi32, #tpu.memory_space<vmem>> -> memref<80xi32, #tpu.memory_space<vmem>>
      %dma_wait3A_145 = arith.constant 0 : i32
      %dma_wait3A_146 = arith.constant 0 : i32
      %dma_wait3A_147 = tpu.memref_slice %arg10[%dma_wait3A_145, %dma_wait3A_146] : memref<10240x128xf32, #tpu.memory_space<vmem_shared>> -> memref<10240x128xf32, #tpu.memory_space<vmem_shared>>
      tpu.wait_indirect_dma semaphore(%run_scoped3A_127 : memref<!tpu.dma_semaphore, #tpu.memory_space<semaphore_mem>>) src(%dma_wait3A_141 : memref<80x128xf32, #tpu.memory_space<vmem>>) dst(%dma_wait3A_147 : memref<10240x128xf32, #tpu.memory_space<vmem_shared>>)
      tpu.yield
    }) : () -> ()
    %add3A_106 = arith.constant 124 : i32
    %add3A_107 = arith.constant 2 : i32
    %add3A_108 = arith.addi %add3A_106, %add3A_107 : i32
    %lt3A = arith.constant 125 : i32
    %lt3A_109 = arith.cmpi slt, %add3A_108, %lt3A : i32
    %convert_element_type3A_110 = arith.extui %lt3A_109 : i1 to i32
    %cond3A_111 = arith.constant 124 : i32
    %cond3A_112 = arith.constant 0 : i32
    %cond3A_113 = arith.cmpi ne, %convert_element_type3A_110, %cond3A_112 : i32
    scf.if %cond3A_113 {
      %add3A_127 = arith.constant 2 : i32
      %add3A_128 = arith.addi %cond3A_111, %add3A_127 : i32
      %dma_wait3A_129 = arith.constant 4 : i32
      %dma_wait3A_130 = arith.constant 0 : i32
      %dma_wait3A_131 = tpu.memref_slice %arg8[%dma_wait3A_129, %dma_wait3A_130] : memref<8x80xi32, #tpu.memory_space<vmem>> -> memref<2x80xi32, #tpu.memory_space<vmem>>
      %dma_wait3A_132 = arith.constant 0 : i32
      %dma_wait3A_133 = arith.constant 0 : i32
      %dma_wait3A_134 = tpu.memref_slice %arg3[%add3A, %add3A_128, %dma_wait3A_132, %dma_wait3A_133] : memref<32x125x2x80xi32, #tpu.memory_space<hbm>> -> memref<1x1x2x80xi32, #tpu.memory_space<hbm>>
      %dma_wait3A_135 = tpu.memref_squeeze %dma_wait3A_134 : memref<1x1x2x80xi32, #tpu.memory_space<hbm>> -> memref<2x80xi32, #tpu.memory_space<hbm>>
      %dma_wait3A_136 = arith.constant 4 : i32
      %dma_wait3A_137 = arith.constant 0 : i32
      %dma_wait3A_138 = tpu.memref_slice %arg8[%dma_wait3A_136, %dma_wait3A_137] : memref<8x80xi32, #tpu.memory_space<vmem>> -> memref<2x80xi32, #tpu.memory_space<vmem>>
      %dma_wait3A_139 = arith.constant 0 : i32
      %dma_wait3A_140 = arith.constant 0 : i32
      %dma_wait3A_141 = tpu.memref_slice %arg3[%add3A, %add3A_128, %dma_wait3A_139, %dma_wait3A_140] : memref<32x125x2x80xi32, #tpu.memory_space<hbm>> -> memref<1x1x2x80xi32, #tpu.memory_space<hbm>>
      %dma_wait3A_142 = tpu.memref_squeeze %dma_wait3A_141 : memref<1x1x2x80xi32, #tpu.memory_space<hbm>> -> memref<2x80xi32, #tpu.memory_space<hbm>>
      tpu.wait_dma2 semaphore(%arg16 : memref<!tpu.dma_semaphore, #tpu.memory_space<semaphore_mem>>) src(%dma_wait3A_142 : memref<2x80xi32, #tpu.memory_space<hbm>>) dst(%dma_wait3A_138 : memref<2x80xi32, #tpu.memory_space<vmem>>)
      %eq3A_143 = arith.constant 1 : i32
      %eq3A_144 = arith.cmpi eq, %squeeze3A, %eq3A_143 : i32
      %convert_element_type3A_145 = arith.extui %eq3A_144 : i1 to i32
      %cond3A_146 = arith.constant 0 : i32
      %cond3A_147 = arith.cmpi ne, %convert_element_type3A_145, %cond3A_146 : i32
      scf.if %cond3A_147 {
        %dma_start3A_148 = arith.constant 4 : i32
        %dma_start3A_149 = arith.constant 0 : i32
        %dma_start3A_150 = arith.constant 0 : i32
        %dma_start3A_151 = arith.constant 0 : i32
        %dma_start3A_152 = tpu.memref_slice %arg9[%dma_start3A_149, %dma_start3A_150, %dma_start3A_151] : memref<2x80x128xf32, #tpu.memory_space<vmem>> -> memref<1x80x128xf32, #tpu.memory_space<vmem>>
        %dma_start3A_153 = tpu.memref_squeeze %dma_start3A_152 : memref<1x80x128xf32, #tpu.memory_space<vmem>> -> memref<80x128xf32, #tpu.memory_space<vmem>>
        %dma_start3A_154 = arith.constant 0 : i32
        %dma_start3A_155 = tpu.memref_slice %arg8[%dma_start3A_148, %dma_start3A_154] : memref<8x80xi32, #tpu.memory_space<vmem>> -> memref<1x80xi32, #tpu.memory_space<vmem>>
        %dma_start3A_156 = tpu.memref_squeeze %dma_start3A_155 : memref<1x80xi32, #tpu.memory_space<vmem>> -> memref<80xi32, #tpu.memory_space<vmem>>
        %dma_start3A_157 = arith.constant 0 : i32
        %dma_start3A_158 = arith.constant 0 : i32
        %dma_start3A_159 = tpu.memref_slice %arg2[%dma_start3A_157, %dma_start3A_158] : memref<10000x128xf32, #tpu.memory_space<hbm>> -> memref<10000x128xf32, #tpu.memory_space<hbm>>
        tpu.enqueue_indirect_dma source(%dma_start3A_159 : memref<10000x128xf32, #tpu.memory_space<hbm>>) target(%dma_start3A_153 : memref<80x128xf32, #tpu.memory_space<vmem>>) offsets(%dma_start3A_156 : memref<80xi32, #tpu.memory_space<vmem>>) semaphore(%arg12 : memref<!tpu.dma_semaphore, #tpu.memory_space<semaphore_mem>>)
      } else {
      }
    } else {
    }
    %add3A_114 = arith.constant 124 : i32
    %add3A_115 = arith.constant 4 : i32
    %add3A_116 = arith.addi %add3A_114, %add3A_115 : i32
    %lt3A_117 = arith.constant 125 : i32
    %lt3A_118 = arith.cmpi slt, %add3A_116, %lt3A_117 : i32
    %convert_element_type3A_119 = arith.extui %lt3A_118 : i1 to i32
    %cond3A_120 = arith.constant 124 : i32
    %cond3A_121 = arith.constant 0 : i32
    %cond3A_122 = arith.cmpi ne, %convert_element_type3A_119, %cond3A_121 : i32
    scf.if %cond3A_122 {
      %add3A_127 = arith.constant 4 : i32
      %add3A_128 = arith.addi %cond3A_120, %add3A_127 : i32
      %dma_start3A_129 = arith.constant 0 : i32
      %dma_start3A_130 = arith.constant 0 : i32
      %dma_start3A_131 = tpu.memref_slice %arg8[%dma_start3A_129, %dma_start3A_130] : memref<8x80xi32, #tpu.memory_space<vmem>> -> memref<2x80xi32, #tpu.memory_space<vmem>>
      %dma_start3A_132 = arith.constant 0 : i32
      %dma_start3A_133 = arith.constant 0 : i32
      %dma_start3A_134 = tpu.memref_slice %arg3[%add3A, %add3A_128, %dma_start3A_132, %dma_start3A_133] : memref<32x125x2x80xi32, #tpu.memory_space<hbm>> -> memref<1x1x2x80xi32, #tpu.memory_space<hbm>>
      %dma_start3A_135 = tpu.memref_squeeze %dma_start3A_134 : memref<1x1x2x80xi32, #tpu.memory_space<hbm>> -> memref<2x80xi32, #tpu.memory_space<hbm>>
      %dma_start3A_136 = arith.constant 0 : i32
      %dma_start3A_137 = arith.constant 0 : i32
      %dma_start3A_138 = tpu.memref_slice %arg8[%dma_start3A_136, %dma_start3A_137] : memref<8x80xi32, #tpu.memory_space<vmem>> -> memref<2x80xi32, #tpu.memory_space<vmem>>
      %dma_start3A_139 = arith.constant 0 : i32
      %dma_start3A_140 = arith.constant 0 : i32
      %dma_start3A_141 = tpu.memref_slice %arg3[%add3A, %add3A_128, %dma_start3A_139, %dma_start3A_140] : memref<32x125x2x80xi32, #tpu.memory_space<hbm>> -> memref<1x1x2x80xi32, #tpu.memory_space<hbm>>
      %dma_start3A_142 = tpu.memref_squeeze %dma_start3A_141 : memref<1x1x2x80xi32, #tpu.memory_space<hbm>> -> memref<2x80xi32, #tpu.memory_space<hbm>>
      tpu.enqueue_dma source(%dma_start3A_142 : memref<2x80xi32, #tpu.memory_space<hbm>>) target(%dma_start3A_138 : memref<2x80xi32, #tpu.memory_space<vmem>>) target_semaphore(%arg14 : memref<!tpu.dma_semaphore, #tpu.memory_space<semaphore_mem>>)
    } else {
    }
    %barrier3A_123 = arith.constant 0 : index
    tpu.barrier barrier_id(%barrier3A_123)
    %mul3A_124 = arith.constant 10240 : i32
    %mul3A_125 = arith.muli %arg0, %mul3A_124 : i32
    %add3A_126 = arith.addi %mul3A_125, %mul3A_2 : i32
    "tpu.region"() ({
      %run_scoped3A_127 = tpu.sem_alloc : memref<!tpu.dma_semaphore, #tpu.memory_space<semaphore_mem>>
      %dma_start3A_128 = arith.constant 0 : i32
      %dma_start3A_129 = tpu.memref_slice %arg7[%add3A_126, %dma_start3A_128] : memref<20480x128xf32, #tpu.memory_space<hbm>> -> memref<640x128xf32, #tpu.memory_space<hbm>>
      %dma_start3A_130 = arith.constant 0 : i32
      %dma_start3A_131 = tpu.memref_slice %arg10[%mul3A_2, %dma_start3A_130] : memref<10240x128xf32, #tpu.memory_space<vmem_shared>> -> memref<640x128xf32, #tpu.memory_space<vmem_shared>>
      tpu.enqueue_dma source(%dma_start3A_131 : memref<640x128xf32, #tpu.memory_space<vmem_shared>>) target(%dma_start3A_129 : memref<640x128xf32, #tpu.memory_space<hbm>>) target_semaphore(%run_scoped3A_127 : memref<!tpu.dma_semaphore, #tpu.memory_space<semaphore_mem>>)
      %dma_wait3A_132 = arith.constant 0 : i32
      %dma_wait3A_133 = tpu.memref_slice %arg7[%add3A_126, %dma_wait3A_132] : memref<20480x128xf32, #tpu.memory_space<hbm>> -> memref<640x128xf32, #tpu.memory_space<hbm>>
      %dma_wait3A_134 = arith.constant 0 : i32
      %dma_wait3A_135 = tpu.memref_slice %arg10[%mul3A_2, %dma_wait3A_134] : memref<10240x128xf32, #tpu.memory_space<vmem_shared>> -> memref<640x128xf32, #tpu.memory_space<vmem_shared>>
      tpu.wait_dma2 semaphore(%run_scoped3A_127 : memref<!tpu.dma_semaphore, #tpu.memory_space<semaphore_mem>>) src(%dma_wait3A_135 : memref<640x128xf32, #tpu.memory_space<vmem_shared>>) dst(%dma_wait3A_133 : memref<640x128xf32, #tpu.memory_space<hbm>>)
      tpu.yield
    }) : () -> ()
    return
  }
}

#map = affine_map<(d0, d1) -> (0, 0)>
#map1 = affine_map<(d0, d1) -> (0, 0, 0, 0)>
#map2 = affine_map<(d0, d1) -> (0, 0, 0)>
#map3 = affine_map<(d0, d1) -> (0)>
module attributes {stable_mosaic.version = 14 : i64} {
  func.func @agg(%arg0: i32, %arg1: i32, %arg2: memref<10000x128xf32, #tpu.memory_space<hbm>>, %arg3: memref<32x125x2x80xi32, #tpu.memory_space<hbm>>, %arg4: memref<10240x128xf32, #tpu.memory_space<hbm>>, %arg5: memref<2x80x128xf32, #tpu.memory_space<hbm>>, %arg6: memref<16xi32, #tpu.memory_space<hbm>>, %arg7: memref<20480x128xf32, #tpu.memory_space<hbm>>, %arg8: memref<8x80xi32, #tpu.memory_space<vmem>>, %arg9: memref<2x80x128xf32, #tpu.memory_space<vmem>>, %arg10: memref<10240x128xf32, #tpu.memory_space<vmem_shared>>, %arg11: memref<16xi32, #tpu.memory_space<vmem>>, %arg12: memref<!tpu.dma_semaphore, #tpu.memory_space<semaphore_mem>>, %arg13: memref<!tpu.dma_semaphore, #tpu.memory_space<semaphore_mem>>, %arg14: memref<!tpu.dma_semaphore, #tpu.memory_space<semaphore_mem>>, %arg15: memref<!tpu.dma_semaphore, #tpu.memory_space<semaphore_mem>>, %arg16: memref<!tpu.dma_semaphore, #tpu.memory_space<semaphore_mem>>, %arg17: memref<!tpu.dma_semaphore, #tpu.memory_space<semaphore_mem>>) attributes {dimension_semantics = [#tpu.dimension_semantics<core_parallel>, #tpu.dimension_semantics<subcore_parallel>], iteration_bounds = array<i64: 2, 16>, scalar_prefetch = 0 : i64, scratch_operands = 10 : i64, tpu.core_type = #tpu.core_type<sc_vector_subcore>, window_params = [{transform_indices = #map}, {transform_indices = #map1}, {transform_indices = #map}, {transform_indices = #map2}, {transform_indices = #map3}, {transform_indices = #map}]} {
    %mul3A = arith.constant 16 : i32
    %mul3A_0 = arith.muli %arg0, %mul3A : i32
    %add3A = arith.addi %mul3A_0, %arg1 : i32
    %mul3A_1 = arith.constant 640 : i32
    %mul3A_2 = arith.muli %arg1, %mul3A_1 : i32
    "tpu.region"() ({
      %run_scoped3A_127 = tpu.sem_alloc : memref<!tpu.dma_semaphore, #tpu.memory_space<semaphore_mem>>
      %dma_start3A_128 = arith.constant 0 : i32
      %dma_start3A_129 = tpu.memref_slice %arg10[%mul3A_2, %dma_start3A_128] : memref<10240x128xf32, #tpu.memory_space<vmem_shared>> -> memref<640x128xf32, #tpu.memory_space<vmem_shared>>
      %dma_start3A_130 = arith.constant 0 : i32
      %dma_start3A_131 = tpu.memref_slice %arg4[%mul3A_2, %dma_start3A_130] : memref<10240x128xf32, #tpu.memory_space<hbm>> -> memref<640x128xf32, #tpu.memory_space<hbm>>
      tpu.enqueue_dma source(%dma_start3A_131 : memref<640x128xf32, #tpu.memory_space<hbm>>) target(%dma_start3A_129 : memref<640x128xf32, #tpu.memory_space<vmem_shared>>) target_semaphore(%run_scoped3A_127 : memref<!tpu.dma_semaphore, #tpu.memory_space<semaphore_mem>>)
      %dma_wait3A_132 = arith.constant 0 : i32
      %dma_wait3A_133 = tpu.memref_slice %arg10[%mul3A_2, %dma_wait3A_132] : memref<10240x128xf32, #tpu.memory_space<vmem_shared>> -> memref<640x128xf32, #tpu.memory_space<vmem_shared>>
      %dma_wait3A_134 = arith.constant 0 : i32
      %dma_wait3A_135 = tpu.memref_slice %arg4[%mul3A_2, %dma_wait3A_134] : memref<10240x128xf32, #tpu.memory_space<hbm>> -> memref<640x128xf32, #tpu.memory_space<hbm>>
      tpu.wait_dma2 semaphore(%run_scoped3A_127 : memref<!tpu.dma_semaphore, #tpu.memory_space<semaphore_mem>>) src(%dma_wait3A_135 : memref<640x128xf32, #tpu.memory_space<hbm>>) dst(%dma_wait3A_133 : memref<640x128xf32, #tpu.memory_space<vmem_shared>>)
      tpu.yield
    }) : () -> ()
    "tpu.region"() ({
      %run_scoped3A_127 = tpu.sem_alloc : memref<!tpu.dma_semaphore, #tpu.memory_space<semaphore_mem>>
      tpu.enqueue_dma source(%arg6 : memref<16xi32, #tpu.memory_space<hbm>>) target(%arg11 : memref<16xi32, #tpu.memory_space<vmem>>) target_semaphore(%run_scoped3A_127 : memref<!tpu.dma_semaphore, #tpu.memory_space<semaphore_mem>>)
      tpu.wait_dma2 semaphore(%run_scoped3A_127 : memref<!tpu.dma_semaphore, #tpu.memory_space<semaphore_mem>>) src(%arg6 : memref<16xi32, #tpu.memory_space<hbm>>) dst(%arg11 : memref<16xi32, #tpu.memory_space<vmem>>)
      tpu.yield
    }) : () -> ()
    "tpu.region"() ({
      %run_scoped3A_127 = tpu.sem_alloc : memref<!tpu.dma_semaphore, #tpu.memory_space<semaphore_mem>>
      tpu.enqueue_dma source(%arg5 : memref<2x80x128xf32, #tpu.memory_space<hbm>>) target(%arg9 : memref<2x80x128xf32, #tpu.memory_space<vmem>>) target_semaphore(%run_scoped3A_127 : memref<!tpu.dma_semaphore, #tpu.memory_space<semaphore_mem>>)
      tpu.wait_dma2 semaphore(%run_scoped3A_127 : memref<!tpu.dma_semaphore, #tpu.memory_space<semaphore_mem>>) src(%arg5 : memref<2x80x128xf32, #tpu.memory_space<hbm>>) dst(%arg9 : memref<2x80x128xf32, #tpu.memory_space<vmem>>)
      tpu.yield
    }) : () -> ()
    %get3A = arith.constant 0 : index
    %get3A_3 = tpu.vector_load %arg11[%get3A] {strides = array<i32>} : memref<16xi32, #tpu.memory_space<vmem>>, vector<16xi32>,
    %get3A_4 = vector.shape_cast %get3A_3 : vector<16xi32> to vector<16xi32>
    %slice3A = vector.extract_strided_slice %get3A_4 {offsets = [0], sizes = [1], strides = [1]} : vector<16xi32> to vector<1xi32>
    %squeeze3A = vector.extract %slice3A[0] : i32 from vector<1xi32>
    %barrier3A = arith.constant 0 : index
    tpu.barrier barrier_id(%barrier3A)
    %dma_start3A = arith.constant 0 : i32
    %dma_start3A_5 = arith.constant 0 : i32
    %dma_start3A_6 = arith.constant 0 : i32
    %dma_start3A_7 = tpu.memref_slice %arg8[%dma_start3A_5, %dma_start3A_6] : memref<8x80xi32, #tpu.memory_space<vmem>> -> memref<2x80xi32, #tpu.memory_space<vmem>>
    %dma_start3A_8 = arith.constant 0 : i32
    %dma_start3A_9 = arith.constant 0 : i32
    %dma_start3A_10 = tpu.memref_slice %arg3[%add3A, %dma_start3A, %dma_start3A_8, %dma_start3A_9] : memref<32x125x2x80xi32, #tpu.memory_space<hbm>> -> memref<1x1x2x80xi32, #tpu.memory_space<hbm>>
    %dma_start3A_11 = tpu.memref_squeeze %dma_start3A_10 : memref<1x1x2x80xi32, #tpu.memory_space<hbm>> -> memref<2x80xi32, #tpu.memory_space<hbm>>
    %dma_start3A_12 = arith.constant 0 : i32
    %dma_start3A_13 = arith.constant 0 : i32
    %dma_start3A_14 = tpu.memref_slice %arg8[%dma_start3A_12, %dma_start3A_13] : memref<8x80xi32, #tpu.memory_space<vmem>> -> memref<2x80xi32, #tpu.memory_space<vmem>>
    %dma_start3A_15 = arith.constant 0 : i32
    %dma_start3A_16 = arith.constant 0 : i32
    %dma_start3A_17 = tpu.memref_slice %arg3[%add3A, %dma_start3A, %dma_start3A_15, %dma_start3A_16] : memref<32x125x2x80xi32, #tpu.memory_space<hbm>> -> memref<1x1x2x80xi32, #tpu.memory_space<hbm>>
    %dma_start3A_18 = tpu.memref_squeeze %dma_start3A_17 : memref<1x1x2x80xi32, #tpu.memory_space<hbm>> -> memref<2x80xi32, #tpu.memory_space<hbm>>
    tpu.enqueue_dma source(%dma_start3A_18 : memref<2x80xi32, #tpu.memory_space<hbm>>) target(%dma_start3A_14 : memref<2x80xi32, #tpu.memory_space<vmem>>) target_semaphore(%arg14 : memref<!tpu.dma_semaphore, #tpu.memory_space<semaphore_mem>>)
    %dma_wait3A = arith.constant 0 : i32
    %dma_wait3A_19 = arith.constant 0 : i32
    %dma_wait3A_20 = arith.constant 0 : i32
    %dma_wait3A_21 = tpu.memref_slice %arg8[%dma_wait3A_19, %dma_wait3A_20] : memref<8x80xi32, #tpu.memory_space<vmem>> -> memref<2x80xi32, #tpu.memory_space<vmem>>
    %dma_wait3A_22 = arith.constant 0 : i32
    %dma_wait3A_23 = arith.constant 0 : i32
    %dma_wait3A_24 = tpu.memref_slice %arg3[%add3A, %dma_wait3A, %dma_wait3A_22, %dma_wait3A_23] : memref<32x125x2x80xi32, #tpu.memory_space<hbm>> -> memref<1x1x2x80xi32, #tpu.memory_space<hbm>>
    %dma_wait3A_25 = tpu.memref_squeeze %dma_wait3A_24 : memref<1x1x2x80xi32, #tpu.memory_space<hbm>> -> memref<2x80xi32, #tpu.memory_space<hbm>>
    %dma_wait3A_26 = arith.constant 0 : i32
    %dma_wait3A_27 = arith.constant 0 : i32
    %dma_wait3A_28 = tpu.memref_slice %arg8[%dma_wait3A_26, %dma_wait3A_27] : memref<8x80xi32, #tpu.memory_space<vmem>> -> memref<2x80xi32, #tpu.memory_space<vmem>>
    %dma_wait3A_29 = arith.constant 0 : i32
    %dma_wait3A_30 = arith.constant 0 : i32
    %dma_wait3A_31 = tpu.memref_slice %arg3[%add3A, %dma_wait3A, %dma_wait3A_29, %dma_wait3A_30] : memref<32x125x2x80xi32, #tpu.memory_space<hbm>> -> memref<1x1x2x80xi32, #tpu.memory_space<hbm>>
    %dma_wait3A_32 = tpu.memref_squeeze %dma_wait3A_31 : memref<1x1x2x80xi32, #tpu.memory_space<hbm>> -> memref<2x80xi32, #tpu.memory_space<hbm>>
    tpu.wait_dma2 semaphore(%arg14 : memref<!tpu.dma_semaphore, #tpu.memory_space<semaphore_mem>>) src(%dma_wait3A_32 : memref<2x80xi32, #tpu.memory_space<hbm>>) dst(%dma_wait3A_28 : memref<2x80xi32, #tpu.memory_space<vmem>>)
    %dma_start3A_33 = arith.constant 1 : i32
    %dma_start3A_34 = arith.constant 2 : i32
    %dma_start3A_35 = arith.constant 0 : i32
    %dma_start3A_36 = tpu.memref_slice %arg8[%dma_start3A_34, %dma_start3A_35] : memref<8x80xi32, #tpu.memory_space<vmem>> -> memref<2x80xi32, #tpu.memory_space<vmem>>
    %dma_start3A_37 = arith.constant 0 : i32
    %dma_start3A_38 = arith.constant 0 : i32
    %dma_start3A_39 = tpu.memref_slice %arg3[%add3A, %dma_start3A_33, %dma_start3A_37, %dma_start3A_38] : memref<32x125x2x80xi32, #tpu.memory_space<hbm>> -> memref<1x1x2x80xi32, #tpu.memory_space<hbm>>
    %dma_start3A_40 = tpu.memref_squeeze %dma_start3A_39 : memref<1x1x2x80xi32, #tpu.memory_space<hbm>> -> memref<2x80xi32, #tpu.memory_space<hbm>>
    %dma_start3A_41 = arith.constant 2 : i32
    %dma_start3A_42 = arith.constant 0 : i32
    %dma_start3A_43 = tpu.memref_slice %arg8[%dma_start3A_41, %dma_start3A_42] : memref<8x80xi32, #tpu.memory_space<vmem>> -> memref<2x80xi32, #tpu.memory_space<vmem>>
    %dma_start3A_44 = arith.constant 0 : i32
    %dma_start3A_45 = arith.constant 0 : i32
    %dma_start3A_46 = tpu.memref_slice %arg3[%add3A, %dma_start3A_33, %dma_start3A_44, %dma_start3A_45] : memref<32x125x2x80xi32, #tpu.memory_space<hbm>> -> memref<1x1x2x80xi32, #tpu.memory_space<hbm>>
    %dma_start3A_47 = tpu.memref_squeeze %dma_start3A_46 : memref<1x1x2x80xi32, #tpu.memory_space<hbm>> -> memref<2x80xi32, #tpu.memory_space<hbm>>
    tpu.enqueue_dma source(%dma_start3A_47 : memref<2x80xi32, #tpu.memory_space<hbm>>) target(%dma_start3A_43 : memref<2x80xi32, #tpu.memory_space<vmem>>) target_semaphore(%arg15 : memref<!tpu.dma_semaphore, #tpu.memory_space<semaphore_mem>>)
    %dma_wait3A_48 = arith.constant 1 : i32
    %dma_wait3A_49 = arith.constant 2 : i32
    %dma_wait3A_50 = arith.constant 0 : i32
    %dma_wait3A_51 = tpu.memref_slice %arg8[%dma_wait3A_49, %dma_wait3A_50] : memref<8x80xi32, #tpu.memory_space<vmem>> -> memref<2x80xi32, #tpu.memory_space<vmem>>
    %dma_wait3A_52 = arith.constant 0 : i32
    %dma_wait3A_53 = arith.constant 0 : i32
    %dma_wait3A_54 = tpu.memref_slice %arg3[%add3A, %dma_wait3A_48, %dma_wait3A_52, %dma_wait3A_53] : memref<32x125x2x80xi32, #tpu.memory_space<hbm>> -> memref<1x1x2x80xi32, #tpu.memory_space<hbm>>
    %dma_wait3A_55 = tpu.memref_squeeze %dma_wait3A_54 : memref<1x1x2x80xi32, #tpu.memory_space<hbm>> -> memref<2x80xi32, #tpu.memory_space<hbm>>
    %dma_wait3A_56 = arith.constant 2 : i32
    %dma_wait3A_57 = arith.constant 0 : i32
    %dma_wait3A_58 = tpu.memref_slice %arg8[%dma_wait3A_56, %dma_wait3A_57] : memref<8x80xi32, #tpu.memory_space<vmem>> -> memref<2x80xi32, #tpu.memory_space<vmem>>
    %dma_wait3A_59 = arith.constant 0 : i32
    %dma_wait3A_60 = arith.constant 0 : i32
    %dma_wait3A_61 = tpu.memref_slice %arg3[%add3A, %dma_wait3A_48, %dma_wait3A_59, %dma_wait3A_60] : memref<32x125x2x80xi32, #tpu.memory_space<hbm>> -> memref<1x1x2x80xi32, #tpu.memory_space<hbm>>
    %dma_wait3A_62 = tpu.memref_squeeze %dma_wait3A_61 : memref<1x1x2x80xi32, #tpu.memory_space<hbm>> -> memref<2x80xi32, #tpu.memory_space<hbm>>
    tpu.wait_dma2 semaphore(%arg15 : memref<!tpu.dma_semaphore, #tpu.memory_space<semaphore_mem>>) src(%dma_wait3A_62 : memref<2x80xi32, #tpu.memory_space<hbm>>) dst(%dma_wait3A_58 : memref<2x80xi32, #tpu.memory_space<vmem>>)
    %eq3A = arith.constant 1 : i32
    %eq3A_63 = arith.cmpi eq, %squeeze3A, %eq3A : i32
    %convert_element_type3A = arith.extui %eq3A_63 : i1 to i32
    %cond3A = arith.constant 0 : i32
    %cond3A_64 = arith.cmpi ne, %convert_element_type3A, %cond3A : i32
    scf.if %cond3A_64 {
      %dma_start3A_127 = arith.constant 0 : i32
      %dma_start3A_128 = arith.constant 0 : i32
      %dma_start3A_129 = arith.constant 0 : i32
      %dma_start3A_130 = arith.constant 0 : i32
      %dma_start3A_131 = tpu.memref_slice %arg9[%dma_start3A_128, %dma_start3A_129, %dma_start3A_130] : memref<2x80x128xf32, #tpu.memory_space<vmem>> -> memref<1x80x128xf32, #tpu.memory_space<vmem>>
      %dma_start3A_132 = tpu.memref_squeeze %dma_start3A_131 : memref<1x80x128xf32, #tpu.memory_space<vmem>> -> memref<80x128xf32, #tpu.memory_space<vmem>>
      %dma_start3A_133 = arith.constant 0 : i32
      %dma_start3A_134 = tpu.memref_slice %arg8[%dma_start3A_127, %dma_start3A_133] : memref<8x80xi32, #tpu.memory_space<vmem>> -> memref<1x80xi32, #tpu.memory_space<vmem>>
      %dma_start3A_135 = tpu.memref_squeeze %dma_start3A_134 : memref<1x80xi32, #tpu.memory_space<vmem>> -> memref<80xi32, #tpu.memory_space<vmem>>
      %dma_start3A_136 = arith.constant 0 : i32
      %dma_start3A_137 = arith.constant 0 : i32
      %dma_start3A_138 = tpu.memref_slice %arg2[%dma_start3A_136, %dma_start3A_137] : memref<10000x128xf32, #tpu.memory_space<hbm>> -> memref<10000x128xf32, #tpu.memory_space<hbm>>
      tpu.enqueue_indirect_dma source(%dma_start3A_138 : memref<10000x128xf32, #tpu.memory_space<hbm>>) target(%dma_start3A_132 : memref<80x128xf32, #tpu.memory_space<vmem>>) offsets(%dma_start3A_135 : memref<80xi32, #tpu.memory_space<vmem>>) semaphore(%arg12 : memref<!tpu.dma_semaphore, #tpu.memory_space<semaphore_mem>>)
      %dma_start3A_139 = arith.constant 2 : i32
      %dma_start3A_140 = arith.constant 1 : i32
      %dma_start3A_141 = arith.constant 0 : i32
      %dma_start3A_142 = arith.constant 0 : i32
      %dma_start3A_143 = tpu.memref_slice %arg9[%dma_start3A_140, %dma_start3A_141, %dma_start3A_142] : memref<2x80x128xf32, #tpu.memory_space<vmem>> -> memref<1x80x128xf32, #tpu.memory_space<vmem>>
      %dma_start3A_144 = tpu.memref_squeeze %dma_start3A_143 : memref<1x80x128xf32, #tpu.memory_space<vmem>> -> memref<80x128xf32, #tpu.memory_space<vmem>>
      %dma_start3A_145 = arith.constant 0 : i32
      %dma_start3A_146 = tpu.memref_slice %arg8[%dma_start3A_139, %dma_start3A_145] : memref<8x80xi32, #tpu.memory_space<vmem>> -> memref<1x80xi32, #tpu.memory_space<vmem>>
      %dma_start3A_147 = tpu.memref_squeeze %dma_start3A_146 : memref<1x80xi32, #tpu.memory_space<vmem>> -> memref<80xi32, #tpu.memory_space<vmem>>
      %dma_start3A_148 = arith.constant 0 : i32
      %dma_start3A_149 = arith.constant 0 : i32
      %dma_start3A_150 = tpu.memref_slice %arg2[%dma_start3A_148, %dma_start3A_149] : memref<10000x128xf32, #tpu.memory_space<hbm>> -> memref<10000x128xf32, #tpu.memory_space<hbm>>
      tpu.enqueue_indirect_dma source(%dma_start3A_150 : memref<10000x128xf32, #tpu.memory_space<hbm>>) target(%dma_start3A_144 : memref<80x128xf32, #tpu.memory_space<vmem>>) offsets(%dma_start3A_147 : memref<80xi32, #tpu.memory_space<vmem>>) semaphore(%arg13 : memref<!tpu.dma_semaphore, #tpu.memory_space<semaphore_mem>>)
    } else {
    }
    %dma_start3A_65 = arith.constant 2 : i32
    %dma_start3A_66 = arith.constant 4 : i32
    %dma_start3A_67 = arith.constant 0 : i32
    %dma_start3A_68 = tpu.memref_slice %arg8[%dma_start3A_66, %dma_start3A_67] : memref<8x80xi32, #tpu.memory_space<vmem>> -> memref<2x80xi32, #tpu.memory_space<vmem>>
    %dma_start3A_69 = arith.constant 0 : i32
    %dma_start3A_70 = arith.constant 0 : i32
    %dma_start3A_71 = tpu.memref_slice %arg3[%add3A, %dma_start3A_65, %dma_start3A_69, %dma_start3A_70] : memref<32x125x2x80xi32, #tpu.memory_space<hbm>> -> memref<1x1x2x80xi32, #tpu.memory_space<hbm>>
    %dma_start3A_72 = tpu.memref_squeeze %dma_start3A_71 : memref<1x1x2x80xi32, #tpu.memory_space<hbm>> -> memref<2x80xi32, #tpu.memory_space<hbm>>
    %dma_start3A_73 = arith.constant 4 : i32
    %dma_start3A_74 = arith.constant 0 : i32
    %dma_start3A_75 = tpu.memref_slice %arg8[%dma_start3A_73, %dma_start3A_74] : memref<8x80xi32, #tpu.memory_space<vmem>> -> memref<2x80xi32, #tpu.memory_space<vmem>>
    %dma_start3A_76 = arith.constant 0 : i32
    %dma_start3A_77 = arith.constant 0 : i32
    %dma_start3A_78 = tpu.memref_slice %arg3[%add3A, %dma_start3A_65, %dma_start3A_76, %dma_start3A_77] : memref<32x125x2x80xi32, #tpu.memory_space<hbm>> -> memref<1x1x2x80xi32, #tpu.memory_space<hbm>>
    %dma_start3A_79 = tpu.memref_squeeze %dma_start3A_78 : memref<1x1x2x80xi32, #tpu.memory_space<hbm>> -> memref<2x80xi32, #tpu.memory_space<hbm>>
    tpu.enqueue_dma source(%dma_start3A_79 : memref<2x80xi32, #tpu.memory_space<hbm>>) target(%dma_start3A_75 : memref<2x80xi32, #tpu.memory_space<vmem>>) target_semaphore(%arg16 : memref<!tpu.dma_semaphore, #tpu.memory_space<semaphore_mem>>)
    %dma_start3A_80 = arith.constant 3 : i32
    %dma_start3A_81 = arith.constant 6 : i32
    %dma_start3A_82 = arith.constant 0 : i32
    %dma_start3A_83 = tpu.memref_slice %arg8[%dma_start3A_81, %dma_start3A_82] : memref<8x80xi32, #tpu.memory_space<vmem>> -> memref<2x80xi32, #tpu.memory_space<vmem>>
    %dma_start3A_84 = arith.constant 0 : i32
    %dma_start3A_85 = arith.constant 0 : i32
    %dma_start3A_86 = tpu.memref_slice %arg3[%add3A, %dma_start3A_80, %dma_start3A_84, %dma_start3A_85] : memref<32x125x2x80xi32, #tpu.memory_space<hbm>> -> memref<1x1x2x80xi32, #tpu.memory_space<hbm>>
    %dma_start3A_87 = tpu.memref_squeeze %dma_start3A_86 : memref<1x1x2x80xi32, #tpu.memory_space<hbm>> -> memref<2x80xi32, #tpu.memory_space<hbm>>
    %dma_start3A_88 = arith.constant 6 : i32
    %dma_start3A_89 = arith.constant 0 : i32
    %dma_start3A_90 = tpu.memref_slice %arg8[%dma_start3A_88, %dma_start3A_89] : memref<8x80xi32, #tpu.memory_space<vmem>> -> memref<2x80xi32, #tpu.memory_space<vmem>>
    %dma_start3A_91 = arith.constant 0 : i32
    %dma_start3A_92 = arith.constant 0 : i32
    %dma_start3A_93 = tpu.memref_slice %arg3[%add3A, %dma_start3A_80, %dma_start3A_91, %dma_start3A_92] : memref<32x125x2x80xi32, #tpu.memory_space<hbm>> -> memref<1x1x2x80xi32, #tpu.memory_space<hbm>>
    %dma_start3A_94 = tpu.memref_squeeze %dma_start3A_93 : memref<1x1x2x80xi32, #tpu.memory_space<hbm>> -> memref<2x80xi32, #tpu.memory_space<hbm>>
    tpu.enqueue_dma source(%dma_start3A_94 : memref<2x80xi32, #tpu.memory_space<hbm>>) target(%dma_start3A_90 : memref<2x80xi32, #tpu.memory_space<vmem>>) target_semaphore(%arg17 : memref<!tpu.dma_semaphore, #tpu.memory_space<semaphore_mem>>)
    %scan3A = arith.constant 0 : i32
    %scan3A_95 = arith.constant 0 : i32
    %scan3A_96 = arith.constant 31 : i32
    %scan3A_97 = arith.addi %scan3A_95, %scan3A_96 : i32
    %scan3A_98 = arith.constant 1 : i32
    scf.for %scan3A_127 = %scan3A_95 to %scan3A_97 step %scan3A_98  : i32 {
      %mul3A_128 = arith.constant 4 : i32
      %mul3A_129 = arith.muli %mul3A_128, %scan3A_127 : i32
      %add3A_130 = arith.constant 0 : i32
      %add3A_131 = arith.addi %mul3A_129, %add3A_130 : i32
      %eq3A_132 = arith.constant 1 : i32
      %eq3A_133 = arith.cmpi eq, %squeeze3A, %eq3A_132 : i32
      %convert_element_type3A_134 = arith.extui %eq3A_133 : i1 to i32
      %cond3A_135 = arith.constant 0 : i32
      %cond3A_136 = arith.cmpi ne, %convert_element_type3A_134, %cond3A_135 : i32
      scf.if %cond3A_136 {
        %dma_wait3A_228 = arith.constant 0 : i32
        %dma_wait3A_229 = arith.constant 0 : i32
        %dma_wait3A_230 = arith.constant 0 : i32
        %dma_wait3A_231 = arith.constant 0 : i32
        %dma_wait3A_232 = tpu.memref_slice %arg9[%dma_wait3A_229, %dma_wait3A_230, %dma_wait3A_231] : memref<2x80x128xf32, #tpu.memory_space<vmem>> -> memref<1x80x128xf32, #tpu.memory_space<vmem>>
        %dma_wait3A_233 = tpu.memref_squeeze %dma_wait3A_232 : memref<1x80x128xf32, #tpu.memory_space<vmem>> -> memref<80x128xf32, #tpu.memory_space<vmem>>
        %dma_wait3A_234 = arith.constant 0 : i32
        %dma_wait3A_235 = tpu.memref_slice %arg8[%dma_wait3A_228, %dma_wait3A_234] : memref<8x80xi32, #tpu.memory_space<vmem>> -> memref<1x80xi32, #tpu.memory_space<vmem>>
        %dma_wait3A_236 = tpu.memref_squeeze %dma_wait3A_235 : memref<1x80xi32, #tpu.memory_space<vmem>> -> memref<80xi32, #tpu.memory_space<vmem>>
        %dma_wait3A_237 = arith.constant 0 : i32
        %dma_wait3A_238 = arith.constant 0 : i32
        %dma_wait3A_239 = tpu.memref_slice %arg2[%dma_wait3A_237, %dma_wait3A_238] : memref<10000x128xf32, #tpu.memory_space<hbm>> -> memref<10000x128xf32, #tpu.memory_space<hbm>>
        tpu.wait_indirect_dma semaphore(%arg12 : memref<!tpu.dma_semaphore, #tpu.memory_space<semaphore_mem>>) src(%dma_wait3A_239 : memref<10000x128xf32, #tpu.memory_space<hbm>>) dst(%dma_wait3A_233 : memref<80x128xf32, #tpu.memory_space<vmem>>)
      } else {
      }
      %run_scoped3A_137 = arith.constant 0 : i32
      %run_scoped3A_138 = arith.constant 1 : i32
      "tpu.region"() ({
        %run_scoped3A_228 = tpu.sem_alloc : memref<!tpu.dma_semaphore, #tpu.memory_space<semaphore_mem>>
        %dma_start3A_229 = arith.constant 0 : i32
        %dma_start3A_230 = arith.constant 0 : i32
        %dma_start3A_231 = tpu.memref_slice %arg9[%run_scoped3A_137, %dma_start3A_229, %dma_start3A_230] : memref<2x80x128xf32, #tpu.memory_space<vmem>> -> memref<1x80x128xf32, #tpu.memory_space<vmem>>
        %dma_start3A_232 = tpu.memref_squeeze %dma_start3A_231 : memref<1x80x128xf32, #tpu.memory_space<vmem>> -> memref<80x128xf32, #tpu.memory_space<vmem>>
        %dma_start3A_233 = arith.constant 0 : i32
        %dma_start3A_234 = tpu.memref_slice %arg8[%run_scoped3A_138, %dma_start3A_233] : memref<8x80xi32, #tpu.memory_space<vmem>> -> memref<1x80xi32, #tpu.memory_space<vmem>>
        %dma_start3A_235 = tpu.memref_squeeze %dma_start3A_234 : memref<1x80xi32, #tpu.memory_space<vmem>> -> memref<80xi32, #tpu.memory_space<vmem>>
        %dma_start3A_236 = arith.constant 0 : i32
        %dma_start3A_237 = arith.constant 0 : i32
        %dma_start3A_238 = tpu.memref_slice %arg10[%dma_start3A_236, %dma_start3A_237] : memref<10240x128xf32, #tpu.memory_space<vmem_shared>> -> memref<10240x128xf32, #tpu.memory_space<vmem_shared>>
        tpu.enqueue_indirect_dma source(%dma_start3A_232 : memref<80x128xf32, #tpu.memory_space<vmem>>) target(%dma_start3A_238 : memref<10240x128xf32, #tpu.memory_space<vmem_shared>>) offsets(%dma_start3A_235 : memref<80xi32, #tpu.memory_space<vmem>>) semaphore(%run_scoped3A_228 : memref<!tpu.dma_semaphore, #tpu.memory_space<semaphore_mem>>) {add = true}
        %dma_wait3A_239 = arith.constant 0 : i32
        %dma_wait3A_240 = arith.constant 0 : i32
        %dma_wait3A_241 = tpu.memref_slice %arg9[%run_scoped3A_137, %dma_wait3A_239, %dma_wait3A_240] : memref<2x80x128xf32, #tpu.memory_space<vmem>> -> memref<1x80x128xf32, #tpu.memory_space<vmem>>
        %dma_wait3A_242 = tpu.memref_squeeze %dma_wait3A_241 : memref<1x80x128xf32, #tpu.memory_space<vmem>> -> memref<80x128xf32, #tpu.memory_space<vmem>>
        %dma_wait3A_243 = arith.constant 0 : i32
        %dma_wait3A_244 = tpu.memref_slice %arg8[%run_scoped3A_138, %dma_wait3A_243] : memref<8x80xi32, #tpu.memory_space<vmem>> -> memref<1x80xi32, #tpu.memory_space<vmem>>
        %dma_wait3A_245 = tpu.memref_squeeze %dma_wait3A_244 : memref<1x80xi32, #tpu.memory_space<vmem>> -> memref<80xi32, #tpu.memory_space<vmem>>
        %dma_wait3A_246 = arith.constant 0 : i32
        %dma_wait3A_247 = arith.constant 0 : i32
        %dma_wait3A_248 = tpu.memref_slice %arg10[%dma_wait3A_246, %dma_wait3A_247] : memref<10240x128xf32, #tpu.memory_space<vmem_shared>> -> memref<10240x128xf32, #tpu.memory_space<vmem_shared>>
        tpu.wait_indirect_dma semaphore(%run_scoped3A_228 : memref<!tpu.dma_semaphore, #tpu.memory_space<semaphore_mem>>) src(%dma_wait3A_242 : memref<80x128xf32, #tpu.memory_space<vmem>>) dst(%dma_wait3A_248 : memref<10240x128xf32, #tpu.memory_space<vmem_shared>>)
        tpu.yield
      }) : () -> ()
      %add3A_139 = arith.constant 2 : i32
      %add3A_140 = arith.addi %add3A_131, %add3A_139 : i32
      %lt3A_141 = arith.constant 125 : i32
      %lt3A_142 = arith.cmpi slt, %add3A_140, %lt3A_141 : i32
      %convert_element_type3A_143 = arith.extui %lt3A_142 : i1 to i32
      %cond3A_144 = arith.constant 0 : i32
      %cond3A_145 = arith.cmpi ne, %convert_element_type3A_143, %cond3A_144 : i32
      scf.if %cond3A_145 {
        %add3A_228 = arith.constant 2 : i32
        %add3A_229 = arith.addi %add3A_131, %add3A_228 : i32
        %dma_wait3A_230 = arith.constant 4 : i32
        %dma_wait3A_231 = arith.constant 0 : i32
        %dma_wait3A_232 = tpu.memref_slice %arg8[%dma_wait3A_230, %dma_wait3A_231] : memref<8x80xi32, #tpu.memory_space<vmem>> -> memref<2x80xi32, #tpu.memory_space<vmem>>
        %dma_wait3A_233 = arith.constant 0 : i32
        %dma_wait3A_234 = arith.constant 0 : i32
        %dma_wait3A_235 = tpu.memref_slice %arg3[%add3A, %add3A_229, %dma_wait3A_233, %dma_wait3A_234] : memref<32x125x2x80xi32, #tpu.memory_space<hbm>> -> memref<1x1x2x80xi32, #tpu.memory_space<hbm>>
        %dma_wait3A_236 = tpu.memref_squeeze %dma_wait3A_235 : memref<1x1x2x80xi32, #tpu.memory_space<hbm>> -> memref<2x80xi32, #tpu.memory_space<hbm>>
        %dma_wait3A_237 = arith.constant 4 : i32
        %dma_wait3A_238 = arith.constant 0 : i32
        %dma_wait3A_239 = tpu.memref_slice %arg8[%dma_wait3A_237, %dma_wait3A_238] : memref<8x80xi32, #tpu.memory_space<vmem>> -> memref<2x80xi32, #tpu.memory_space<vmem>>
        %dma_wait3A_240 = arith.constant 0 : i32
        %dma_wait3A_241 = arith.constant 0 : i32
        %dma_wait3A_242 = tpu.memref_slice %arg3[%add3A, %add3A_229, %dma_wait3A_240, %dma_wait3A_241] : memref<32x125x2x80xi32, #tpu.memory_space<hbm>> -> memref<1x1x2x80xi32, #tpu.memory_space<hbm>>
        %dma_wait3A_243 = tpu.memref_squeeze %dma_wait3A_242 : memref<1x1x2x80xi32, #tpu.memory_space<hbm>> -> memref<2x80xi32, #tpu.memory_space<hbm>>
        tpu.wait_dma2 semaphore(%arg16 : memref<!tpu.dma_semaphore, #tpu.memory_space<semaphore_mem>>) src(%dma_wait3A_243 : memref<2x80xi32, #tpu.memory_space<hbm>>) dst(%dma_wait3A_239 : memref<2x80xi32, #tpu.memory_space<vmem>>)
        %eq3A_244 = arith.constant 1 : i32
        %eq3A_245 = arith.cmpi eq, %squeeze3A, %eq3A_244 : i32
        %convert_element_type3A_246 = arith.extui %eq3A_245 : i1 to i32
        %cond3A_247 = arith.constant 0 : i32
        %cond3A_248 = arith.cmpi ne, %convert_element_type3A_246, %cond3A_247 : i32
        scf.if %cond3A_248 {
          %dma_start3A_249 = arith.constant 4 : i32
          %dma_start3A_250 = arith.constant 0 : i32
          %dma_start3A_251 = arith.constant 0 : i32
          %dma_start3A_252 = arith.constant 0 : i32
          %dma_start3A_253 = tpu.memref_slice %arg9[%dma_start3A_250, %dma_start3A_251, %dma_start3A_252] : memref<2x80x128xf32, #tpu.memory_space<vmem>> -> memref<1x80x128xf32, #tpu.memory_space<vmem>>
          %dma_start3A_254 = tpu.memref_squeeze %dma_start3A_253 : memref<1x80x128xf32, #tpu.memory_space<vmem>> -> memref<80x128xf32, #tpu.memory_space<vmem>>
          %dma_start3A_255 = arith.constant 0 : i32
          %dma_start3A_256 = tpu.memref_slice %arg8[%dma_start3A_249, %dma_start3A_255] : memref<8x80xi32, #tpu.memory_space<vmem>> -> memref<1x80xi32, #tpu.memory_space<vmem>>
          %dma_start3A_257 = tpu.memref_squeeze %dma_start3A_256 : memref<1x80xi32, #tpu.memory_space<vmem>> -> memref<80xi32, #tpu.memory_space<vmem>>
          %dma_start3A_258 = arith.constant 0 : i32
          %dma_start3A_259 = arith.constant 0 : i32
          %dma_start3A_260 = tpu.memref_slice %arg2[%dma_start3A_258, %dma_start3A_259] : memref<10000x128xf32, #tpu.memory_space<hbm>> -> memref<10000x128xf32, #tpu.memory_space<hbm>>
          tpu.enqueue_indirect_dma source(%dma_start3A_260 : memref<10000x128xf32, #tpu.memory_space<hbm>>) target(%dma_start3A_254 : memref<80x128xf32, #tpu.memory_space<vmem>>) offsets(%dma_start3A_257 : memref<80xi32, #tpu.memory_space<vmem>>) semaphore(%arg12 : memref<!tpu.dma_semaphore, #tpu.memory_space<semaphore_mem>>)
        } else {
        }
      } else {
      }
      %add3A_146 = arith.constant 4 : i32
      %add3A_147 = arith.addi %add3A_131, %add3A_146 : i32
      %lt3A_148 = arith.constant 125 : i32
      %lt3A_149 = arith.cmpi slt, %add3A_147, %lt3A_148 : i32
      %convert_element_type3A_150 = arith.extui %lt3A_149 : i1 to i32
      %cond3A_151 = arith.constant 0 : i32
      %cond3A_152 = arith.cmpi ne, %convert_element_type3A_150, %cond3A_151 : i32
      scf.if %cond3A_152 {
        %add3A_228 = arith.constant 4 : i32
        %add3A_229 = arith.addi %add3A_131, %add3A_228 : i32
        %dma_start3A_230 = arith.constant 0 : i32
        %dma_start3A_231 = arith.constant 0 : i32
        %dma_start3A_232 = tpu.memref_slice %arg8[%dma_start3A_230, %dma_start3A_231] : memref<8x80xi32, #tpu.memory_space<vmem>> -> memref<2x80xi32, #tpu.memory_space<vmem>>
        %dma_start3A_233 = arith.constant 0 : i32
        %dma_start3A_234 = arith.constant 0 : i32
        %dma_start3A_235 = tpu.memref_slice %arg3[%add3A, %add3A_229, %dma_start3A_233, %dma_start3A_234] : memref<32x125x2x80xi32, #tpu.memory_space<hbm>> -> memref<1x1x2x80xi32, #tpu.memory_space<hbm>>
        %dma_start3A_236 = tpu.memref_squeeze %dma_start3A_235 : memref<1x1x2x80xi32, #tpu.memory_space<hbm>> -> memref<2x80xi32, #tpu.memory_space<hbm>>
        %dma_start3A_237 = arith.constant 0 : i32
        %dma_start3A_238 = arith.constant 0 : i32
        %dma_start3A_239 = tpu.memref_slice %arg8[%dma_start3A_237, %dma_start3A_238] : memref<8x80xi32, #tpu.memory_space<vmem>> -> memref<2x80xi32, #tpu.memory_space<vmem>>
        %dma_start3A_240 = arith.constant 0 : i32
        %dma_start3A_241 = arith.constant 0 : i32
        %dma_start3A_242 = tpu.memref_slice %arg3[%add3A, %add3A_229, %dma_start3A_240, %dma_start3A_241] : memref<32x125x2x80xi32, #tpu.memory_space<hbm>> -> memref<1x1x2x80xi32, #tpu.memory_space<hbm>>
        %dma_start3A_243 = tpu.memref_squeeze %dma_start3A_242 : memref<1x1x2x80xi32, #tpu.memory_space<hbm>> -> memref<2x80xi32, #tpu.memory_space<hbm>>
        tpu.enqueue_dma source(%dma_start3A_243 : memref<2x80xi32, #tpu.memory_space<hbm>>) target(%dma_start3A_239 : memref<2x80xi32, #tpu.memory_space<vmem>>) target_semaphore(%arg14 : memref<!tpu.dma_semaphore, #tpu.memory_space<semaphore_mem>>)
      } else {
      }
      %mul3A_153 = arith.constant 4 : i32
      %mul3A_154 = arith.muli %mul3A_153, %scan3A_127 : i32
      %add3A_155 = arith.constant 1 : i32
      %add3A_156 = arith.addi %mul3A_154, %add3A_155 : i32
      %eq3A_157 = arith.constant 1 : i32
      %eq3A_158 = arith.cmpi eq, %squeeze3A, %eq3A_157 : i32
      %convert_element_type3A_159 = arith.extui %eq3A_158 : i1 to i32
      %cond3A_160 = arith.constant 0 : i32
      %cond3A_161 = arith.cmpi ne, %convert_element_type3A_159, %cond3A_160 : i32
      scf.if %cond3A_161 {
        %dma_wait3A_228 = arith.constant 2 : i32
        %dma_wait3A_229 = arith.constant 1 : i32
        %dma_wait3A_230 = arith.constant 0 : i32
        %dma_wait3A_231 = arith.constant 0 : i32
        %dma_wait3A_232 = tpu.memref_slice %arg9[%dma_wait3A_229, %dma_wait3A_230, %dma_wait3A_231] : memref<2x80x128xf32, #tpu.memory_space<vmem>> -> memref<1x80x128xf32, #tpu.memory_space<vmem>>
        %dma_wait3A_233 = tpu.memref_squeeze %dma_wait3A_232 : memref<1x80x128xf32, #tpu.memory_space<vmem>> -> memref<80x128xf32, #tpu.memory_space<vmem>>
        %dma_wait3A_234 = arith.constant 0 : i32
        %dma_wait3A_235 = tpu.memref_slice %arg8[%dma_wait3A_228, %dma_wait3A_234] : memref<8x80xi32, #tpu.memory_space<vmem>> -> memref<1x80xi32, #tpu.memory_space<vmem>>
        %dma_wait3A_236 = tpu.memref_squeeze %dma_wait3A_235 : memref<1x80xi32, #tpu.memory_space<vmem>> -> memref<80xi32, #tpu.memory_space<vmem>>
        %dma_wait3A_237 = arith.constant 0 : i32
        %dma_wait3A_238 = arith.constant 0 : i32
        %dma_wait3A_239 = tpu.memref_slice %arg2[%dma_wait3A_237, %dma_wait3A_238] : memref<10000x128xf32, #tpu.memory_space<hbm>> -> memref<10000x128xf32, #tpu.memory_space<hbm>>
        tpu.wait_indirect_dma semaphore(%arg13 : memref<!tpu.dma_semaphore, #tpu.memory_space<semaphore_mem>>) src(%dma_wait3A_239 : memref<10000x128xf32, #tpu.memory_space<hbm>>) dst(%dma_wait3A_233 : memref<80x128xf32, #tpu.memory_space<vmem>>)
      } else {
      }
      %run_scoped3A_162 = arith.constant 1 : i32
      %run_scoped3A_163 = arith.constant 3 : i32
      "tpu.region"() ({
        %run_scoped3A_228 = tpu.sem_alloc : memref<!tpu.dma_semaphore, #tpu.memory_space<semaphore_mem>>
        %dma_start3A_229 = arith.constant 0 : i32
        %dma_start3A_230 = arith.constant 0 : i32
        %dma_start3A_231 = tpu.memref_slice %arg9[%run_scoped3A_162, %dma_start3A_229, %dma_start3A_230] : memref<2x80x128xf32, #tpu.memory_space<vmem>> -> memref<1x80x128xf32, #tpu.memory_space<vmem>>
        %dma_start3A_232 = tpu.memref_squeeze %dma_start3A_231 : memref<1x80x128xf32, #tpu.memory_space<vmem>> -> memref<80x128xf32, #tpu.memory_space<vmem>>
        %dma_start3A_233 = arith.constant 0 : i32
        %dma_start3A_234 = tpu.memref_slice %arg8[%run_scoped3A_163, %dma_start3A_233] : memref<8x80xi32, #tpu.memory_space<vmem>> -> memref<1x80xi32, #tpu.memory_space<vmem>>
        %dma_start3A_235 = tpu.memref_squeeze %dma_start3A_234 : memref<1x80xi32, #tpu.memory_space<vmem>> -> memref<80xi32, #tpu.memory_space<vmem>>
        %dma_start3A_236 = arith.constant 0 : i32
        %dma_start3A_237 = arith.constant 0 : i32
        %dma_start3A_238 = tpu.memref_slice %arg10[%dma_start3A_236, %dma_start3A_237] : memref<10240x128xf32, #tpu.memory_space<vmem_shared>> -> memref<10240x128xf32, #tpu.memory_space<vmem_shared>>
        tpu.enqueue_indirect_dma source(%dma_start3A_232 : memref<80x128xf32, #tpu.memory_space<vmem>>) target(%dma_start3A_238 : memref<10240x128xf32, #tpu.memory_space<vmem_shared>>) offsets(%dma_start3A_235 : memref<80xi32, #tpu.memory_space<vmem>>) semaphore(%run_scoped3A_228 : memref<!tpu.dma_semaphore, #tpu.memory_space<semaphore_mem>>) {add = true}
        %dma_wait3A_239 = arith.constant 0 : i32
        %dma_wait3A_240 = arith.constant 0 : i32
        %dma_wait3A_241 = tpu.memref_slice %arg9[%run_scoped3A_162, %dma_wait3A_239, %dma_wait3A_240] : memref<2x80x128xf32, #tpu.memory_space<vmem>> -> memref<1x80x128xf32, #tpu.memory_space<vmem>>
        %dma_wait3A_242 = tpu.memref_squeeze %dma_wait3A_241 : memref<1x80x128xf32, #tpu.memory_space<vmem>> -> memref<80x128xf32, #tpu.memory_space<vmem>>
        %dma_wait3A_243 = arith.constant 0 : i32
        %dma_wait3A_244 = tpu.memref_slice %arg8[%run_scoped3A_163, %dma_wait3A_243] : memref<8x80xi32, #tpu.memory_space<vmem>> -> memref<1x80xi32, #tpu.memory_space<vmem>>
        %dma_wait3A_245 = tpu.memref_squeeze %dma_wait3A_244 : memref<1x80xi32, #tpu.memory_space<vmem>> -> memref<80xi32, #tpu.memory_space<vmem>>
        %dma_wait3A_246 = arith.constant 0 : i32
        %dma_wait3A_247 = arith.constant 0 : i32
        %dma_wait3A_248 = tpu.memref_slice %arg10[%dma_wait3A_246, %dma_wait3A_247] : memref<10240x128xf32, #tpu.memory_space<vmem_shared>> -> memref<10240x128xf32, #tpu.memory_space<vmem_shared>>
        tpu.wait_indirect_dma semaphore(%run_scoped3A_228 : memref<!tpu.dma_semaphore, #tpu.memory_space<semaphore_mem>>) src(%dma_wait3A_242 : memref<80x128xf32, #tpu.memory_space<vmem>>) dst(%dma_wait3A_248 : memref<10240x128xf32, #tpu.memory_space<vmem_shared>>)
        tpu.yield
      }) : () -> ()
      %add3A_164 = arith.constant 2 : i32
      %add3A_165 = arith.addi %add3A_156, %add3A_164 : i32
      %lt3A_166 = arith.constant 125 : i32
      %lt3A_167 = arith.cmpi slt, %add3A_165, %lt3A_166 : i32
      %convert_element_type3A_168 = arith.extui %lt3A_167 : i1 to i32
      %cond3A_169 = arith.constant 0 : i32
      %cond3A_170 = arith.cmpi ne, %convert_element_type3A_168, %cond3A_169 : i32
      scf.if %cond3A_170 {
        %add3A_228 = arith.constant 2 : i32
        %add3A_229 = arith.addi %add3A_156, %add3A_228 : i32
        %dma_wait3A_230 = arith.constant 6 : i32
        %dma_wait3A_231 = arith.constant 0 : i32
        %dma_wait3A_232 = tpu.memref_slice %arg8[%dma_wait3A_230, %dma_wait3A_231] : memref<8x80xi32, #tpu.memory_space<vmem>> -> memref<2x80xi32, #tpu.memory_space<vmem>>
        %dma_wait3A_233 = arith.constant 0 : i32
        %dma_wait3A_234 = arith.constant 0 : i32
        %dma_wait3A_235 = tpu.memref_slice %arg3[%add3A, %add3A_229, %dma_wait3A_233, %dma_wait3A_234] : memref<32x125x2x80xi32, #tpu.memory_space<hbm>> -> memref<1x1x2x80xi32, #tpu.memory_space<hbm>>
        %dma_wait3A_236 = tpu.memref_squeeze %dma_wait3A_235 : memref<1x1x2x80xi32, #tpu.memory_space<hbm>> -> memref<2x80xi32, #tpu.memory_space<hbm>>
        %dma_wait3A_237 = arith.constant 6 : i32
        %dma_wait3A_238 = arith.constant 0 : i32
        %dma_wait3A_239 = tpu.memref_slice %arg8[%dma_wait3A_237, %dma_wait3A_238] : memref<8x80xi32, #tpu.memory_space<vmem>> -> memref<2x80xi32, #tpu.memory_space<vmem>>
        %dma_wait3A_240 = arith.constant 0 : i32
        %dma_wait3A_241 = arith.constant 0 : i32
        %dma_wait3A_242 = tpu.memref_slice %arg3[%add3A, %add3A_229, %dma_wait3A_240, %dma_wait3A_241] : memref<32x125x2x80xi32, #tpu.memory_space<hbm>> -> memref<1x1x2x80xi32, #tpu.memory_space<hbm>>
        %dma_wait3A_243 = tpu.memref_squeeze %dma_wait3A_242 : memref<1x1x2x80xi32, #tpu.memory_space<hbm>> -> memref<2x80xi32, #tpu.memory_space<hbm>>
        tpu.wait_dma2 semaphore(%arg17 : memref<!tpu.dma_semaphore, #tpu.memory_space<semaphore_mem>>) src(%dma_wait3A_243 : memref<2x80xi32, #tpu.memory_space<hbm>>) dst(%dma_wait3A_239 : memref<2x80xi32, #tpu.memory_space<vmem>>)
        %eq3A_244 = arith.constant 1 : i32
        %eq3A_245 = arith.cmpi eq, %squeeze3A, %eq3A_244 : i32
        %convert_element_type3A_246 = arith.extui %eq3A_245 : i1 to i32
        %cond3A_247 = arith.constant 0 : i32
        %cond3A_248 = arith.cmpi ne, %convert_element_type3A_246, %cond3A_247 : i32
        scf.if %cond3A_248 {
          %dma_start3A_249 = arith.constant 6 : i32
          %dma_start3A_250 = arith.constant 1 : i32
          %dma_start3A_251 = arith.constant 0 : i32
          %dma_start3A_252 = arith.constant 0 : i32
          %dma_start3A_253 = tpu.memref_slice %arg9[%dma_start3A_250, %dma_start3A_251, %dma_start3A_252] : memref<2x80x128xf32, #tpu.memory_space<vmem>> -> memref<1x80x128xf32, #tpu.memory_space<vmem>>
          %dma_start3A_254 = tpu.memref_squeeze %dma_start3A_253 : memref<1x80x128xf32, #tpu.memory_space<vmem>> -> memref<80x128xf32, #tpu.memory_space<vmem>>
          %dma_start3A_255 = arith.constant 0 : i32
          %dma_start3A_256 = tpu.memref_slice %arg8[%dma_start3A_249, %dma_start3A_255] : memref<8x80xi32, #tpu.memory_space<vmem>> -> memref<1x80xi32, #tpu.memory_space<vmem>>
          %dma_start3A_257 = tpu.memref_squeeze %dma_start3A_256 : memref<1x80xi32, #tpu.memory_space<vmem>> -> memref<80xi32, #tpu.memory_space<vmem>>
          %dma_start3A_258 = arith.constant 0 : i32
          %dma_start3A_259 = arith.constant 0 : i32
          %dma_start3A_260 = tpu.memref_slice %arg2[%dma_start3A_258, %dma_start3A_259] : memref<10000x128xf32, #tpu.memory_space<hbm>> -> memref<10000x128xf32, #tpu.memory_space<hbm>>
          tpu.enqueue_indirect_dma source(%dma_start3A_260 : memref<10000x128xf32, #tpu.memory_space<hbm>>) target(%dma_start3A_254 : memref<80x128xf32, #tpu.memory_space<vmem>>) offsets(%dma_start3A_257 : memref<80xi32, #tpu.memory_space<vmem>>) semaphore(%arg13 : memref<!tpu.dma_semaphore, #tpu.memory_space<semaphore_mem>>)
        } else {
        }
      } else {
      }
      %add3A_171 = arith.constant 4 : i32
      %add3A_172 = arith.addi %add3A_156, %add3A_171 : i32
      %lt3A_173 = arith.constant 125 : i32
      %lt3A_174 = arith.cmpi slt, %add3A_172, %lt3A_173 : i32
      %convert_element_type3A_175 = arith.extui %lt3A_174 : i1 to i32
      %cond3A_176 = arith.constant 0 : i32
      %cond3A_177 = arith.cmpi ne, %convert_element_type3A_175, %cond3A_176 : i32
      scf.if %cond3A_177 {
        %add3A_228 = arith.constant 4 : i32
        %add3A_229 = arith.addi %add3A_156, %add3A_228 : i32
        %dma_start3A_230 = arith.constant 2 : i32
        %dma_start3A_231 = arith.constant 0 : i32
        %dma_start3A_232 = tpu.memref_slice %arg8[%dma_start3A_230, %dma_start3A_231] : memref<8x80xi32, #tpu.memory_space<vmem>> -> memref<2x80xi32, #tpu.memory_space<vmem>>
        %dma_start3A_233 = arith.constant 0 : i32
        %dma_start3A_234 = arith.constant 0 : i32
        %dma_start3A_235 = tpu.memref_slice %arg3[%add3A, %add3A_229, %dma_start3A_233, %dma_start3A_234] : memref<32x125x2x80xi32, #tpu.memory_space<hbm>> -> memref<1x1x2x80xi32, #tpu.memory_space<hbm>>
        %dma_start3A_236 = tpu.memref_squeeze %dma_start3A_235 : memref<1x1x2x80xi32, #tpu.memory_space<hbm>> -> memref<2x80xi32, #tpu.memory_space<hbm>>
        %dma_start3A_237 = arith.constant 2 : i32
        %dma_start3A_238 = arith.constant 0 : i32
        %dma_start3A_239 = tpu.memref_slice %arg8[%dma_start3A_237, %dma_start3A_238] : memref<8x80xi32, #tpu.memory_space<vmem>> -> memref<2x80xi32, #tpu.memory_space<vmem>>
        %dma_start3A_240 = arith.constant 0 : i32
        %dma_start3A_241 = arith.constant 0 : i32
        %dma_start3A_242 = tpu.memref_slice %arg3[%add3A, %add3A_229, %dma_start3A_240, %dma_start3A_241] : memref<32x125x2x80xi32, #tpu.memory_space<hbm>> -> memref<1x1x2x80xi32, #tpu.memory_space<hbm>>
        %dma_start3A_243 = tpu.memref_squeeze %dma_start3A_242 : memref<1x1x2x80xi32, #tpu.memory_space<hbm>> -> memref<2x80xi32, #tpu.memory_space<hbm>>
        tpu.enqueue_dma source(%dma_start3A_243 : memref<2x80xi32, #tpu.memory_space<hbm>>) target(%dma_start3A_239 : memref<2x80xi32, #tpu.memory_space<vmem>>) target_semaphore(%arg15 : memref<!tpu.dma_semaphore, #tpu.memory_space<semaphore_mem>>)
      } else {
      }
      %mul3A_178 = arith.constant 4 : i32
      %mul3A_179 = arith.muli %mul3A_178, %scan3A_127 : i32
      %add3A_180 = arith.constant 2 : i32
      %add3A_181 = arith.addi %mul3A_179, %add3A_180 : i32
      %eq3A_182 = arith.constant 1 : i32
      %eq3A_183 = arith.cmpi eq, %squeeze3A, %eq3A_182 : i32
      %convert_element_type3A_184 = arith.extui %eq3A_183 : i1 to i32
      %cond3A_185 = arith.constant 0 : i32
      %cond3A_186 = arith.cmpi ne, %convert_element_type3A_184, %cond3A_185 : i32
      scf.if %cond3A_186 {
        %dma_wait3A_228 = arith.constant 4 : i32
        %dma_wait3A_229 = arith.constant 0 : i32
        %dma_wait3A_230 = arith.constant 0 : i32
        %dma_wait3A_231 = arith.constant 0 : i32
        %dma_wait3A_232 = tpu.memref_slice %arg9[%dma_wait3A_229, %dma_wait3A_230, %dma_wait3A_231] : memref<2x80x128xf32, #tpu.memory_space<vmem>> -> memref<1x80x128xf32, #tpu.memory_space<vmem>>
        %dma_wait3A_233 = tpu.memref_squeeze %dma_wait3A_232 : memref<1x80x128xf32, #tpu.memory_space<vmem>> -> memref<80x128xf32, #tpu.memory_space<vmem>>
        %dma_wait3A_234 = arith.constant 0 : i32
        %dma_wait3A_235 = tpu.memref_slice %arg8[%dma_wait3A_228, %dma_wait3A_234] : memref<8x80xi32, #tpu.memory_space<vmem>> -> memref<1x80xi32, #tpu.memory_space<vmem>>
        %dma_wait3A_236 = tpu.memref_squeeze %dma_wait3A_235 : memref<1x80xi32, #tpu.memory_space<vmem>> -> memref<80xi32, #tpu.memory_space<vmem>>
        %dma_wait3A_237 = arith.constant 0 : i32
        %dma_wait3A_238 = arith.constant 0 : i32
        %dma_wait3A_239 = tpu.memref_slice %arg2[%dma_wait3A_237, %dma_wait3A_238] : memref<10000x128xf32, #tpu.memory_space<hbm>> -> memref<10000x128xf32, #tpu.memory_space<hbm>>
        tpu.wait_indirect_dma semaphore(%arg12 : memref<!tpu.dma_semaphore, #tpu.memory_space<semaphore_mem>>) src(%dma_wait3A_239 : memref<10000x128xf32, #tpu.memory_space<hbm>>) dst(%dma_wait3A_233 : memref<80x128xf32, #tpu.memory_space<vmem>>)
      } else {
      }
      %run_scoped3A_187 = arith.constant 0 : i32
      %run_scoped3A_188 = arith.constant 5 : i32
      "tpu.region"() ({
        %run_scoped3A_228 = tpu.sem_alloc : memref<!tpu.dma_semaphore, #tpu.memory_space<semaphore_mem>>
        %dma_start3A_229 = arith.constant 0 : i32
        %dma_start3A_230 = arith.constant 0 : i32
        %dma_start3A_231 = tpu.memref_slice %arg9[%run_scoped3A_187, %dma_start3A_229, %dma_start3A_230] : memref<2x80x128xf32, #tpu.memory_space<vmem>> -> memref<1x80x128xf32, #tpu.memory_space<vmem>>
        %dma_start3A_232 = tpu.memref_squeeze %dma_start3A_231 : memref<1x80x128xf32, #tpu.memory_space<vmem>> -> memref<80x128xf32, #tpu.memory_space<vmem>>
        %dma_start3A_233 = arith.constant 0 : i32
        %dma_start3A_234 = tpu.memref_slice %arg8[%run_scoped3A_188, %dma_start3A_233] : memref<8x80xi32, #tpu.memory_space<vmem>> -> memref<1x80xi32, #tpu.memory_space<vmem>>
        %dma_start3A_235 = tpu.memref_squeeze %dma_start3A_234 : memref<1x80xi32, #tpu.memory_space<vmem>> -> memref<80xi32, #tpu.memory_space<vmem>>
        %dma_start3A_236 = arith.constant 0 : i32
        %dma_start3A_237 = arith.constant 0 : i32
        %dma_start3A_238 = tpu.memref_slice %arg10[%dma_start3A_236, %dma_start3A_237] : memref<10240x128xf32, #tpu.memory_space<vmem_shared>> -> memref<10240x128xf32, #tpu.memory_space<vmem_shared>>
        tpu.enqueue_indirect_dma source(%dma_start3A_232 : memref<80x128xf32, #tpu.memory_space<vmem>>) target(%dma_start3A_238 : memref<10240x128xf32, #tpu.memory_space<vmem_shared>>) offsets(%dma_start3A_235 : memref<80xi32, #tpu.memory_space<vmem>>) semaphore(%run_scoped3A_228 : memref<!tpu.dma_semaphore, #tpu.memory_space<semaphore_mem>>) {add = true}
        %dma_wait3A_239 = arith.constant 0 : i32
        %dma_wait3A_240 = arith.constant 0 : i32
        %dma_wait3A_241 = tpu.memref_slice %arg9[%run_scoped3A_187, %dma_wait3A_239, %dma_wait3A_240] : memref<2x80x128xf32, #tpu.memory_space<vmem>> -> memref<1x80x128xf32, #tpu.memory_space<vmem>>
        %dma_wait3A_242 = tpu.memref_squeeze %dma_wait3A_241 : memref<1x80x128xf32, #tpu.memory_space<vmem>> -> memref<80x128xf32, #tpu.memory_space<vmem>>
        %dma_wait3A_243 = arith.constant 0 : i32
        %dma_wait3A_244 = tpu.memref_slice %arg8[%run_scoped3A_188, %dma_wait3A_243] : memref<8x80xi32, #tpu.memory_space<vmem>> -> memref<1x80xi32, #tpu.memory_space<vmem>>
        %dma_wait3A_245 = tpu.memref_squeeze %dma_wait3A_244 : memref<1x80xi32, #tpu.memory_space<vmem>> -> memref<80xi32, #tpu.memory_space<vmem>>
        %dma_wait3A_246 = arith.constant 0 : i32
        %dma_wait3A_247 = arith.constant 0 : i32
        %dma_wait3A_248 = tpu.memref_slice %arg10[%dma_wait3A_246, %dma_wait3A_247] : memref<10240x128xf32, #tpu.memory_space<vmem_shared>> -> memref<10240x128xf32, #tpu.memory_space<vmem_shared>>
        tpu.wait_indirect_dma semaphore(%run_scoped3A_228 : memref<!tpu.dma_semaphore, #tpu.memory_space<semaphore_mem>>) src(%dma_wait3A_242 : memref<80x128xf32, #tpu.memory_space<vmem>>) dst(%dma_wait3A_248 : memref<10240x128xf32, #tpu.memory_space<vmem_shared>>)
        tpu.yield
      }) : () -> ()
      %add3A_189 = arith.constant 2 : i32
      %add3A_190 = arith.addi %add3A_181, %add3A_189 : i32
      %lt3A_191 = arith.constant 125 : i32
      %lt3A_192 = arith.cmpi slt, %add3A_190, %lt3A_191 : i32
      %convert_element_type3A_193 = arith.extui %lt3A_192 : i1 to i32
      %cond3A_194 = arith.constant 0 : i32
      %cond3A_195 = arith.cmpi ne, %convert_element_type3A_193, %cond3A_194 : i32
      scf.if %cond3A_195 {
        %add3A_228 = arith.constant 2 : i32
        %add3A_229 = arith.addi %add3A_181, %add3A_228 : i32
        %dma_wait3A_230 = arith.constant 0 : i32
        %dma_wait3A_231 = arith.constant 0 : i32
        %dma_wait3A_232 = tpu.memref_slice %arg8[%dma_wait3A_230, %dma_wait3A_231] : memref<8x80xi32, #tpu.memory_space<vmem>> -> memref<2x80xi32, #tpu.memory_space<vmem>>
        %dma_wait3A_233 = arith.constant 0 : i32
        %dma_wait3A_234 = arith.constant 0 : i32
        %dma_wait3A_235 = tpu.memref_slice %arg3[%add3A, %add3A_229, %dma_wait3A_233, %dma_wait3A_234] : memref<32x125x2x80xi32, #tpu.memory_space<hbm>> -> memref<1x1x2x80xi32, #tpu.memory_space<hbm>>
        %dma_wait3A_236 = tpu.memref_squeeze %dma_wait3A_235 : memref<1x1x2x80xi32, #tpu.memory_space<hbm>> -> memref<2x80xi32, #tpu.memory_space<hbm>>
        %dma_wait3A_237 = arith.constant 0 : i32
        %dma_wait3A_238 = arith.constant 0 : i32
        %dma_wait3A_239 = tpu.memref_slice %arg8[%dma_wait3A_237, %dma_wait3A_238] : memref<8x80xi32, #tpu.memory_space<vmem>> -> memref<2x80xi32, #tpu.memory_space<vmem>>
        %dma_wait3A_240 = arith.constant 0 : i32
        %dma_wait3A_241 = arith.constant 0 : i32
        %dma_wait3A_242 = tpu.memref_slice %arg3[%add3A, %add3A_229, %dma_wait3A_240, %dma_wait3A_241] : memref<32x125x2x80xi32, #tpu.memory_space<hbm>> -> memref<1x1x2x80xi32, #tpu.memory_space<hbm>>
        %dma_wait3A_243 = tpu.memref_squeeze %dma_wait3A_242 : memref<1x1x2x80xi32, #tpu.memory_space<hbm>> -> memref<2x80xi32, #tpu.memory_space<hbm>>
        tpu.wait_dma2 semaphore(%arg14 : memref<!tpu.dma_semaphore, #tpu.memory_space<semaphore_mem>>) src(%dma_wait3A_243 : memref<2x80xi32, #tpu.memory_space<hbm>>) dst(%dma_wait3A_239 : memref<2x80xi32, #tpu.memory_space<vmem>>)
        %eq3A_244 = arith.constant 1 : i32
        %eq3A_245 = arith.cmpi eq, %squeeze3A, %eq3A_244 : i32
        %convert_element_type3A_246 = arith.extui %eq3A_245 : i1 to i32
        %cond3A_247 = arith.constant 0 : i32
        %cond3A_248 = arith.cmpi ne, %convert_element_type3A_246, %cond3A_247 : i32
        scf.if %cond3A_248 {
          %dma_start3A_249 = arith.constant 0 : i32
          %dma_start3A_250 = arith.constant 0 : i32
          %dma_start3A_251 = arith.constant 0 : i32
          %dma_start3A_252 = arith.constant 0 : i32
          %dma_start3A_253 = tpu.memref_slice %arg9[%dma_start3A_250, %dma_start3A_251, %dma_start3A_252] : memref<2x80x128xf32, #tpu.memory_space<vmem>> -> memref<1x80x128xf32, #tpu.memory_space<vmem>>
          %dma_start3A_254 = tpu.memref_squeeze %dma_start3A_253 : memref<1x80x128xf32, #tpu.memory_space<vmem>> -> memref<80x128xf32, #tpu.memory_space<vmem>>
          %dma_start3A_255 = arith.constant 0 : i32
          %dma_start3A_256 = tpu.memref_slice %arg8[%dma_start3A_249, %dma_start3A_255] : memref<8x80xi32, #tpu.memory_space<vmem>> -> memref<1x80xi32, #tpu.memory_space<vmem>>
          %dma_start3A_257 = tpu.memref_squeeze %dma_start3A_256 : memref<1x80xi32, #tpu.memory_space<vmem>> -> memref<80xi32, #tpu.memory_space<vmem>>
          %dma_start3A_258 = arith.constant 0 : i32
          %dma_start3A_259 = arith.constant 0 : i32
          %dma_start3A_260 = tpu.memref_slice %arg2[%dma_start3A_258, %dma_start3A_259] : memref<10000x128xf32, #tpu.memory_space<hbm>> -> memref<10000x128xf32, #tpu.memory_space<hbm>>
          tpu.enqueue_indirect_dma source(%dma_start3A_260 : memref<10000x128xf32, #tpu.memory_space<hbm>>) target(%dma_start3A_254 : memref<80x128xf32, #tpu.memory_space<vmem>>) offsets(%dma_start3A_257 : memref<80xi32, #tpu.memory_space<vmem>>) semaphore(%arg12 : memref<!tpu.dma_semaphore, #tpu.memory_space<semaphore_mem>>)
        } else {
        }
      } else {
      }
      %add3A_196 = arith.constant 4 : i32
      %add3A_197 = arith.addi %add3A_181, %add3A_196 : i32
      %lt3A_198 = arith.constant 125 : i32
      %lt3A_199 = arith.cmpi slt, %add3A_197, %lt3A_198 : i32
      %convert_element_type3A_200 = arith.extui %lt3A_199 : i1 to i32
      %cond3A_201 = arith.constant 0 : i32
      %cond3A_202 = arith.cmpi ne, %convert_element_type3A_200, %cond3A_201 : i32
      scf.if %cond3A_202 {
        %add3A_228 = arith.constant 4 : i32
        %add3A_229 = arith.addi %add3A_181, %add3A_228 : i32
        %dma_start3A_230 = arith.constant 4 : i32
        %dma_start3A_231 = arith.constant 0 : i32
        %dma_start3A_232 = tpu.memref_slice %arg8[%dma_start3A_230, %dma_start3A_231] : memref<8x80xi32, #tpu.memory_space<vmem>> -> memref<2x80xi32, #tpu.memory_space<vmem>>
        %dma_start3A_233 = arith.constant 0 : i32
        %dma_start3A_234 = arith.constant 0 : i32
        %dma_start3A_235 = tpu.memref_slice %arg3[%add3A, %add3A_229, %dma_start3A_233, %dma_start3A_234] : memref<32x125x2x80xi32, #tpu.memory_space<hbm>> -> memref<1x1x2x80xi32, #tpu.memory_space<hbm>>
        %dma_start3A_236 = tpu.memref_squeeze %dma_start3A_235 : memref<1x1x2x80xi32, #tpu.memory_space<hbm>> -> memref<2x80xi32, #tpu.memory_space<hbm>>
        %dma_start3A_237 = arith.constant 4 : i32
        %dma_start3A_238 = arith.constant 0 : i32
        %dma_start3A_239 = tpu.memref_slice %arg8[%dma_start3A_237, %dma_start3A_238] : memref<8x80xi32, #tpu.memory_space<vmem>> -> memref<2x80xi32, #tpu.memory_space<vmem>>
        %dma_start3A_240 = arith.constant 0 : i32
        %dma_start3A_241 = arith.constant 0 : i32
        %dma_start3A_242 = tpu.memref_slice %arg3[%add3A, %add3A_229, %dma_start3A_240, %dma_start3A_241] : memref<32x125x2x80xi32, #tpu.memory_space<hbm>> -> memref<1x1x2x80xi32, #tpu.memory_space<hbm>>
        %dma_start3A_243 = tpu.memref_squeeze %dma_start3A_242 : memref<1x1x2x80xi32, #tpu.memory_space<hbm>> -> memref<2x80xi32, #tpu.memory_space<hbm>>
        tpu.enqueue_dma source(%dma_start3A_243 : memref<2x80xi32, #tpu.memory_space<hbm>>) target(%dma_start3A_239 : memref<2x80xi32, #tpu.memory_space<vmem>>) target_semaphore(%arg16 : memref<!tpu.dma_semaphore, #tpu.memory_space<semaphore_mem>>)
      } else {
      }
      %mul3A_203 = arith.constant 4 : i32
      %mul3A_204 = arith.muli %mul3A_203, %scan3A_127 : i32
      %add3A_205 = arith.constant 3 : i32
      %add3A_206 = arith.addi %mul3A_204, %add3A_205 : i32
      %eq3A_207 = arith.constant 1 : i32
      %eq3A_208 = arith.cmpi eq, %squeeze3A, %eq3A_207 : i32
      %convert_element_type3A_209 = arith.extui %eq3A_208 : i1 to i32
      %cond3A_210 = arith.constant 0 : i32
      %cond3A_211 = arith.cmpi ne, %convert_element_type3A_209, %cond3A_210 : i32
      scf.if %cond3A_211 {
        %dma_wait3A_228 = arith.constant 6 : i32
        %dma_wait3A_229 = arith.constant 1 : i32
        %dma_wait3A_230 = arith.constant 0 : i32
        %dma_wait3A_231 = arith.constant 0 : i32
        %dma_wait3A_232 = tpu.memref_slice %arg9[%dma_wait3A_229, %dma_wait3A_230, %dma_wait3A_231] : memref<2x80x128xf32, #tpu.memory_space<vmem>> -> memref<1x80x128xf32, #tpu.memory_space<vmem>>
        %dma_wait3A_233 = tpu.memref_squeeze %dma_wait3A_232 : memref<1x80x128xf32, #tpu.memory_space<vmem>> -> memref<80x128xf32, #tpu.memory_space<vmem>>
        %dma_wait3A_234 = arith.constant 0 : i32
        %dma_wait3A_235 = tpu.memref_slice %arg8[%dma_wait3A_228, %dma_wait3A_234] : memref<8x80xi32, #tpu.memory_space<vmem>> -> memref<1x80xi32, #tpu.memory_space<vmem>>
        %dma_wait3A_236 = tpu.memref_squeeze %dma_wait3A_235 : memref<1x80xi32, #tpu.memory_space<vmem>> -> memref<80xi32, #tpu.memory_space<vmem>>
        %dma_wait3A_237 = arith.constant 0 : i32
        %dma_wait3A_238 = arith.constant 0 : i32
        %dma_wait3A_239 = tpu.memref_slice %arg2[%dma_wait3A_237, %dma_wait3A_238] : memref<10000x128xf32, #tpu.memory_space<hbm>> -> memref<10000x128xf32, #tpu.memory_space<hbm>>
        tpu.wait_indirect_dma semaphore(%arg13 : memref<!tpu.dma_semaphore, #tpu.memory_space<semaphore_mem>>) src(%dma_wait3A_239 : memref<10000x128xf32, #tpu.memory_space<hbm>>) dst(%dma_wait3A_233 : memref<80x128xf32, #tpu.memory_space<vmem>>)
      } else {
      }
      %run_scoped3A_212 = arith.constant 1 : i32
      %run_scoped3A_213 = arith.constant 7 : i32
      "tpu.region"() ({
        %run_scoped3A_228 = tpu.sem_alloc : memref<!tpu.dma_semaphore, #tpu.memory_space<semaphore_mem>>
        %dma_start3A_229 = arith.constant 0 : i32
        %dma_start3A_230 = arith.constant 0 : i32
        %dma_start3A_231 = tpu.memref_slice %arg9[%run_scoped3A_212, %dma_start3A_229, %dma_start3A_230] : memref<2x80x128xf32, #tpu.memory_space<vmem>> -> memref<1x80x128xf32, #tpu.memory_space<vmem>>
        %dma_start3A_232 = tpu.memref_squeeze %dma_start3A_231 : memref<1x80x128xf32, #tpu.memory_space<vmem>> -> memref<80x128xf32, #tpu.memory_space<vmem>>
        %dma_start3A_233 = arith.constant 0 : i32
        %dma_start3A_234 = tpu.memref_slice %arg8[%run_scoped3A_213, %dma_start3A_233] : memref<8x80xi32, #tpu.memory_space<vmem>> -> memref<1x80xi32, #tpu.memory_space<vmem>>
        %dma_start3A_235 = tpu.memref_squeeze %dma_start3A_234 : memref<1x80xi32, #tpu.memory_space<vmem>> -> memref<80xi32, #tpu.memory_space<vmem>>
        %dma_start3A_236 = arith.constant 0 : i32
        %dma_start3A_237 = arith.constant 0 : i32
        %dma_start3A_238 = tpu.memref_slice %arg10[%dma_start3A_236, %dma_start3A_237] : memref<10240x128xf32, #tpu.memory_space<vmem_shared>> -> memref<10240x128xf32, #tpu.memory_space<vmem_shared>>
        tpu.enqueue_indirect_dma source(%dma_start3A_232 : memref<80x128xf32, #tpu.memory_space<vmem>>) target(%dma_start3A_238 : memref<10240x128xf32, #tpu.memory_space<vmem_shared>>) offsets(%dma_start3A_235 : memref<80xi32, #tpu.memory_space<vmem>>) semaphore(%run_scoped3A_228 : memref<!tpu.dma_semaphore, #tpu.memory_space<semaphore_mem>>) {add = true}
        %dma_wait3A_239 = arith.constant 0 : i32
        %dma_wait3A_240 = arith.constant 0 : i32
        %dma_wait3A_241 = tpu.memref_slice %arg9[%run_scoped3A_212, %dma_wait3A_239, %dma_wait3A_240] : memref<2x80x128xf32, #tpu.memory_space<vmem>> -> memref<1x80x128xf32, #tpu.memory_space<vmem>>
        %dma_wait3A_242 = tpu.memref_squeeze %dma_wait3A_241 : memref<1x80x128xf32, #tpu.memory_space<vmem>> -> memref<80x128xf32, #tpu.memory_space<vmem>>
        %dma_wait3A_243 = arith.constant 0 : i32
        %dma_wait3A_244 = tpu.memref_slice %arg8[%run_scoped3A_213, %dma_wait3A_243] : memref<8x80xi32, #tpu.memory_space<vmem>> -> memref<1x80xi32, #tpu.memory_space<vmem>>
        %dma_wait3A_245 = tpu.memref_squeeze %dma_wait3A_244 : memref<1x80xi32, #tpu.memory_space<vmem>> -> memref<80xi32, #tpu.memory_space<vmem>>
        %dma_wait3A_246 = arith.constant 0 : i32
        %dma_wait3A_247 = arith.constant 0 : i32
        %dma_wait3A_248 = tpu.memref_slice %arg10[%dma_wait3A_246, %dma_wait3A_247] : memref<10240x128xf32, #tpu.memory_space<vmem_shared>> -> memref<10240x128xf32, #tpu.memory_space<vmem_shared>>
        tpu.wait_indirect_dma semaphore(%run_scoped3A_228 : memref<!tpu.dma_semaphore, #tpu.memory_space<semaphore_mem>>) src(%dma_wait3A_242 : memref<80x128xf32, #tpu.memory_space<vmem>>) dst(%dma_wait3A_248 : memref<10240x128xf32, #tpu.memory_space<vmem_shared>>)
        tpu.yield
      }) : () -> ()
      %add3A_214 = arith.constant 2 : i32
      %add3A_215 = arith.addi %add3A_206, %add3A_214 : i32
      %lt3A_216 = arith.constant 125 : i32
      %lt3A_217 = arith.cmpi slt, %add3A_215, %lt3A_216 : i32
      %convert_element_type3A_218 = arith.extui %lt3A_217 : i1 to i32
      %cond3A_219 = arith.constant 0 : i32
      %cond3A_220 = arith.cmpi ne, %convert_element_type3A_218, %cond3A_219 : i32
      scf.if %cond3A_220 {
        %add3A_228 = arith.constant 2 : i32
        %add3A_229 = arith.addi %add3A_206, %add3A_228 : i32
        %dma_wait3A_230 = arith.constant 2 : i32
        %dma_wait3A_231 = arith.constant 0 : i32
        %dma_wait3A_232 = tpu.memref_slice %arg8[%dma_wait3A_230, %dma_wait3A_231] : memref<8x80xi32, #tpu.memory_space<vmem>> -> memref<2x80xi32, #tpu.memory_space<vmem>>
        %dma_wait3A_233 = arith.constant 0 : i32
        %dma_wait3A_234 = arith.constant 0 : i32
        %dma_wait3A_235 = tpu.memref_slice %arg3[%add3A, %add3A_229, %dma_wait3A_233, %dma_wait3A_234] : memref<32x125x2x80xi32, #tpu.memory_space<hbm>> -> memref<1x1x2x80xi32, #tpu.memory_space<hbm>>
        %dma_wait3A_236 = tpu.memref_squeeze %dma_wait3A_235 : memref<1x1x2x80xi32, #tpu.memory_space<hbm>> -> memref<2x80xi32, #tpu.memory_space<hbm>>
        %dma_wait3A_237 = arith.constant 2 : i32
        %dma_wait3A_238 = arith.constant 0 : i32
        %dma_wait3A_239 = tpu.memref_slice %arg8[%dma_wait3A_237, %dma_wait3A_238] : memref<8x80xi32, #tpu.memory_space<vmem>> -> memref<2x80xi32, #tpu.memory_space<vmem>>
        %dma_wait3A_240 = arith.constant 0 : i32
        %dma_wait3A_241 = arith.constant 0 : i32
        %dma_wait3A_242 = tpu.memref_slice %arg3[%add3A, %add3A_229, %dma_wait3A_240, %dma_wait3A_241] : memref<32x125x2x80xi32, #tpu.memory_space<hbm>> -> memref<1x1x2x80xi32, #tpu.memory_space<hbm>>
        %dma_wait3A_243 = tpu.memref_squeeze %dma_wait3A_242 : memref<1x1x2x80xi32, #tpu.memory_space<hbm>> -> memref<2x80xi32, #tpu.memory_space<hbm>>
        tpu.wait_dma2 semaphore(%arg15 : memref<!tpu.dma_semaphore, #tpu.memory_space<semaphore_mem>>) src(%dma_wait3A_243 : memref<2x80xi32, #tpu.memory_space<hbm>>) dst(%dma_wait3A_239 : memref<2x80xi32, #tpu.memory_space<vmem>>)
        %eq3A_244 = arith.constant 1 : i32
        %eq3A_245 = arith.cmpi eq, %squeeze3A, %eq3A_244 : i32
        %convert_element_type3A_246 = arith.extui %eq3A_245 : i1 to i32
        %cond3A_247 = arith.constant 0 : i32
        %cond3A_248 = arith.cmpi ne, %convert_element_type3A_246, %cond3A_247 : i32
        scf.if %cond3A_248 {
          %dma_start3A_249 = arith.constant 2 : i32
          %dma_start3A_250 = arith.constant 1 : i32
          %dma_start3A_251 = arith.constant 0 : i32
          %dma_start3A_252 = arith.constant 0 : i32
          %dma_start3A_253 = tpu.memref_slice %arg9[%dma_start3A_250, %dma_start3A_251, %dma_start3A_252] : memref<2x80x128xf32, #tpu.memory_space<vmem>> -> memref<1x80x128xf32, #tpu.memory_space<vmem>>
          %dma_start3A_254 = tpu.memref_squeeze %dma_start3A_253 : memref<1x80x128xf32, #tpu.memory_space<vmem>> -> memref<80x128xf32, #tpu.memory_space<vmem>>
          %dma_start3A_255 = arith.constant 0 : i32
          %dma_start3A_256 = tpu.memref_slice %arg8[%dma_start3A_249, %dma_start3A_255] : memref<8x80xi32, #tpu.memory_space<vmem>> -> memref<1x80xi32, #tpu.memory_space<vmem>>
          %dma_start3A_257 = tpu.memref_squeeze %dma_start3A_256 : memref<1x80xi32, #tpu.memory_space<vmem>> -> memref<80xi32, #tpu.memory_space<vmem>>
          %dma_start3A_258 = arith.constant 0 : i32
          %dma_start3A_259 = arith.constant 0 : i32
          %dma_start3A_260 = tpu.memref_slice %arg2[%dma_start3A_258, %dma_start3A_259] : memref<10000x128xf32, #tpu.memory_space<hbm>> -> memref<10000x128xf32, #tpu.memory_space<hbm>>
          tpu.enqueue_indirect_dma source(%dma_start3A_260 : memref<10000x128xf32, #tpu.memory_space<hbm>>) target(%dma_start3A_254 : memref<80x128xf32, #tpu.memory_space<vmem>>) offsets(%dma_start3A_257 : memref<80xi32, #tpu.memory_space<vmem>>) semaphore(%arg13 : memref<!tpu.dma_semaphore, #tpu.memory_space<semaphore_mem>>)
        } else {
        }
      } else {
      }
      %add3A_221 = arith.constant 4 : i32
      %add3A_222 = arith.addi %add3A_206, %add3A_221 : i32
      %lt3A_223 = arith.constant 125 : i32
      %lt3A_224 = arith.cmpi slt, %add3A_222, %lt3A_223 : i32
      %convert_element_type3A_225 = arith.extui %lt3A_224 : i1 to i32
      %cond3A_226 = arith.constant 0 : i32
      %cond3A_227 = arith.cmpi ne, %convert_element_type3A_225, %cond3A_226 : i32
      scf.if %cond3A_227 {
        %add3A_228 = arith.constant 4 : i32
        %add3A_229 = arith.addi %add3A_206, %add3A_228 : i32
        %dma_start3A_230 = arith.constant 6 : i32
        %dma_start3A_231 = arith.constant 0 : i32
        %dma_start3A_232 = tpu.memref_slice %arg8[%dma_start3A_230, %dma_start3A_231] : memref<8x80xi32, #tpu.memory_space<vmem>> -> memref<2x80xi32, #tpu.memory_space<vmem>>
        %dma_start3A_233 = arith.constant 0 : i32
        %dma_start3A_234 = arith.constant 0 : i32
        %dma_start3A_235 = tpu.memref_slice %arg3[%add3A, %add3A_229, %dma_start3A_233, %dma_start3A_234] : memref<32x125x2x80xi32, #tpu.memory_space<hbm>> -> memref<1x1x2x80xi32, #tpu.memory_space<hbm>>
        %dma_start3A_236 = tpu.memref_squeeze %dma_start3A_235 : memref<1x1x2x80xi32, #tpu.memory_space<hbm>> -> memref<2x80xi32, #tpu.memory_space<hbm>>
        %dma_start3A_237 = arith.constant 6 : i32
        %dma_start3A_238 = arith.constant 0 : i32
        %dma_start3A_239 = tpu.memref_slice %arg8[%dma_start3A_237, %dma_start3A_238] : memref<8x80xi32, #tpu.memory_space<vmem>> -> memref<2x80xi32, #tpu.memory_space<vmem>>
        %dma_start3A_240 = arith.constant 0 : i32
        %dma_start3A_241 = arith.constant 0 : i32
        %dma_start3A_242 = tpu.memref_slice %arg3[%add3A, %add3A_229, %dma_start3A_240, %dma_start3A_241] : memref<32x125x2x80xi32, #tpu.memory_space<hbm>> -> memref<1x1x2x80xi32, #tpu.memory_space<hbm>>
        %dma_start3A_243 = tpu.memref_squeeze %dma_start3A_242 : memref<1x1x2x80xi32, #tpu.memory_space<hbm>> -> memref<2x80xi32, #tpu.memory_space<hbm>>
        tpu.enqueue_dma source(%dma_start3A_243 : memref<2x80xi32, #tpu.memory_space<hbm>>) target(%dma_start3A_239 : memref<2x80xi32, #tpu.memory_space<vmem>>) target_semaphore(%arg17 : memref<!tpu.dma_semaphore, #tpu.memory_space<semaphore_mem>>)
      } else {
      }
    }
    %scan3A_99 = arith.constant 31 : i32
    %eq3A_100 = arith.constant 1 : i32
    %eq3A_101 = arith.cmpi eq, %squeeze3A, %eq3A_100 : i32
    %convert_element_type3A_102 = arith.extui %eq3A_101 : i1 to i32
    %cond3A_103 = arith.constant 0 : i32
    %cond3A_104 = arith.cmpi ne, %convert_element_type3A_102, %cond3A_103 : i32
    scf.if %cond3A_104 {
      %dma_wait3A_127 = arith.constant 0 : i32
      %dma_wait3A_128 = arith.constant 0 : i32
      %dma_wait3A_129 = arith.constant 0 : i32
      %dma_wait3A_130 = arith.constant 0 : i32
      %dma_wait3A_131 = tpu.memref_slice %arg9[%dma_wait3A_128, %dma_wait3A_129, %dma_wait3A_130] : memref<2x80x128xf32, #tpu.memory_space<vmem>> -> memref<1x80x128xf32, #tpu.memory_space<vmem>>
      %dma_wait3A_132 = tpu.memref_squeeze %dma_wait3A_131 : memref<1x80x128xf32, #tpu.memory_space<vmem>> -> memref<80x128xf32, #tpu.memory_space<vmem>>
      %dma_wait3A_133 = arith.constant 0 : i32
      %dma_wait3A_134 = tpu.memref_slice %arg8[%dma_wait3A_127, %dma_wait3A_133] : memref<8x80xi32, #tpu.memory_space<vmem>> -> memref<1x80xi32, #tpu.memory_space<vmem>>
      %dma_wait3A_135 = tpu.memref_squeeze %dma_wait3A_134 : memref<1x80xi32, #tpu.memory_space<vmem>> -> memref<80xi32, #tpu.memory_space<vmem>>
      %dma_wait3A_136 = arith.constant 0 : i32
      %dma_wait3A_137 = arith.constant 0 : i32
      %dma_wait3A_138 = tpu.memref_slice %arg2[%dma_wait3A_136, %dma_wait3A_137] : memref<10000x128xf32, #tpu.memory_space<hbm>> -> memref<10000x128xf32, #tpu.memory_space<hbm>>
      tpu.wait_indirect_dma semaphore(%arg12 : memref<!tpu.dma_semaphore, #tpu.memory_space<semaphore_mem>>) src(%dma_wait3A_138 : memref<10000x128xf32, #tpu.memory_space<hbm>>) dst(%dma_wait3A_132 : memref<80x128xf32, #tpu.memory_space<vmem>>)
    } else {
    }
    %run_scoped3A = arith.constant 0 : i32
    %run_scoped3A_105 = arith.constant 1 : i32
    "tpu.region"() ({
      %run_scoped3A_127 = tpu.sem_alloc : memref<!tpu.dma_semaphore, #tpu.memory_space<semaphore_mem>>
      %dma_start3A_128 = arith.constant 0 : i32
      %dma_start3A_129 = arith.constant 0 : i32
      %dma_start3A_130 = tpu.memref_slice %arg9[%run_scoped3A, %dma_start3A_128, %dma_start3A_129] : memref<2x80x128xf32, #tpu.memory_space<vmem>> -> memref<1x80x128xf32, #tpu.memory_space<vmem>>
      %dma_start3A_131 = tpu.memref_squeeze %dma_start3A_130 : memref<1x80x128xf32, #tpu.memory_space<vmem>> -> memref<80x128xf32, #tpu.memory_space<vmem>>
      %dma_start3A_132 = arith.constant 0 : i32
      %dma_start3A_133 = tpu.memref_slice %arg8[%run_scoped3A_105, %dma_start3A_132] : memref<8x80xi32, #tpu.memory_space<vmem>> -> memref<1x80xi32, #tpu.memory_space<vmem>>
      %dma_start3A_134 = tpu.memref_squeeze %dma_start3A_133 : memref<1x80xi32, #tpu.memory_space<vmem>> -> memref<80xi32, #tpu.memory_space<vmem>>
      %dma_start3A_135 = arith.constant 0 : i32
      %dma_start3A_136 = arith.constant 0 : i32
      %dma_start3A_137 = tpu.memref_slice %arg10[%dma_start3A_135, %dma_start3A_136] : memref<10240x128xf32, #tpu.memory_space<vmem_shared>> -> memref<10240x128xf32, #tpu.memory_space<vmem_shared>>
      tpu.enqueue_indirect_dma source(%dma_start3A_131 : memref<80x128xf32, #tpu.memory_space<vmem>>) target(%dma_start3A_137 : memref<10240x128xf32, #tpu.memory_space<vmem_shared>>) offsets(%dma_start3A_134 : memref<80xi32, #tpu.memory_space<vmem>>) semaphore(%run_scoped3A_127 : memref<!tpu.dma_semaphore, #tpu.memory_space<semaphore_mem>>) {add = true}
      %dma_wait3A_138 = arith.constant 0 : i32
      %dma_wait3A_139 = arith.constant 0 : i32
      %dma_wait3A_140 = tpu.memref_slice %arg9[%run_scoped3A, %dma_wait3A_138, %dma_wait3A_139] : memref<2x80x128xf32, #tpu.memory_space<vmem>> -> memref<1x80x128xf32, #tpu.memory_space<vmem>>
      %dma_wait3A_141 = tpu.memref_squeeze %dma_wait3A_140 : memref<1x80x128xf32, #tpu.memory_space<vmem>> -> memref<80x128xf32, #tpu.memory_space<vmem>>
      %dma_wait3A_142 = arith.constant 0 : i32
      %dma_wait3A_143 = tpu.memref_slice %arg8[%run_scoped3A_105, %dma_wait3A_142] : memref<8x80xi32, #tpu.memory_space<vmem>> -> memref<1x80xi32, #tpu.memory_space<vmem>>
      %dma_wait3A_144 = tpu.memref_squeeze %dma_wait3A_143 : memref<1x80xi32, #tpu.memory_space<vmem>> -> memref<80xi32, #tpu.memory_space<vmem>>
      %dma_wait3A_145 = arith.constant 0 : i32
      %dma_wait3A_146 = arith.constant 0 : i32
      %dma_wait3A_147 = tpu.memref_slice %arg10[%dma_wait3A_145, %dma_wait3A_146] : memref<10240x128xf32, #tpu.memory_space<vmem_shared>> -> memref<10240x128xf32, #tpu.memory_space<vmem_shared>>
      tpu.wait_indirect_dma semaphore(%run_scoped3A_127 : memref<!tpu.dma_semaphore, #tpu.memory_space<semaphore_mem>>) src(%dma_wait3A_141 : memref<80x128xf32, #tpu.memory_space<vmem>>) dst(%dma_wait3A_147 : memref<10240x128xf32, #tpu.memory_space<vmem_shared>>)
      tpu.yield
    }) : () -> ()
    %add3A_106 = arith.constant 124 : i32
    %add3A_107 = arith.constant 2 : i32
    %add3A_108 = arith.addi %add3A_106, %add3A_107 : i32
    %lt3A = arith.constant 125 : i32
    %lt3A_109 = arith.cmpi slt, %add3A_108, %lt3A : i32
    %convert_element_type3A_110 = arith.extui %lt3A_109 : i1 to i32
    %cond3A_111 = arith.constant 124 : i32
    %cond3A_112 = arith.constant 0 : i32
    %cond3A_113 = arith.cmpi ne, %convert_element_type3A_110, %cond3A_112 : i32
    scf.if %cond3A_113 {
      %add3A_127 = arith.constant 2 : i32
      %add3A_128 = arith.addi %cond3A_111, %add3A_127 : i32
      %dma_wait3A_129 = arith.constant 4 : i32
      %dma_wait3A_130 = arith.constant 0 : i32
      %dma_wait3A_131 = tpu.memref_slice %arg8[%dma_wait3A_129, %dma_wait3A_130] : memref<8x80xi32, #tpu.memory_space<vmem>> -> memref<2x80xi32, #tpu.memory_space<vmem>>
      %dma_wait3A_132 = arith.constant 0 : i32
      %dma_wait3A_133 = arith.constant 0 : i32
      %dma_wait3A_134 = tpu.memref_slice %arg3[%add3A, %add3A_128, %dma_wait3A_132, %dma_wait3A_133] : memref<32x125x2x80xi32, #tpu.memory_space<hbm>> -> memref<1x1x2x80xi32, #tpu.memory_space<hbm>>
      %dma_wait3A_135 = tpu.memref_squeeze %dma_wait3A_134 : memref<1x1x2x80xi32, #tpu.memory_space<hbm>> -> memref<2x80xi32, #tpu.memory_space<hbm>>
      %dma_wait3A_136 = arith.constant 4 : i32
      %dma_wait3A_137 = arith.constant 0 : i32
      %dma_wait3A_138 = tpu.memref_slice %arg8[%dma_wait3A_136, %dma_wait3A_137] : memref<8x80xi32, #tpu.memory_space<vmem>> -> memref<2x80xi32, #tpu.memory_space<vmem>>
      %dma_wait3A_139 = arith.constant 0 : i32
      %dma_wait3A_140 = arith.constant 0 : i32
      %dma_wait3A_141 = tpu.memref_slice %arg3[%add3A, %add3A_128, %dma_wait3A_139, %dma_wait3A_140] : memref<32x125x2x80xi32, #tpu.memory_space<hbm>> -> memref<1x1x2x80xi32, #tpu.memory_space<hbm>>
      %dma_wait3A_142 = tpu.memref_squeeze %dma_wait3A_141 : memref<1x1x2x80xi32, #tpu.memory_space<hbm>> -> memref<2x80xi32, #tpu.memory_space<hbm>>
      tpu.wait_dma2 semaphore(%arg16 : memref<!tpu.dma_semaphore, #tpu.memory_space<semaphore_mem>>) src(%dma_wait3A_142 : memref<2x80xi32, #tpu.memory_space<hbm>>) dst(%dma_wait3A_138 : memref<2x80xi32, #tpu.memory_space<vmem>>)
      %eq3A_143 = arith.constant 1 : i32
      %eq3A_144 = arith.cmpi eq, %squeeze3A, %eq3A_143 : i32
      %convert_element_type3A_145 = arith.extui %eq3A_144 : i1 to i32
      %cond3A_146 = arith.constant 0 : i32
      %cond3A_147 = arith.cmpi ne, %convert_element_type3A_145, %cond3A_146 : i32
      scf.if %cond3A_147 {
        %dma_start3A_148 = arith.constant 4 : i32
        %dma_start3A_149 = arith.constant 0 : i32
        %dma_start3A_150 = arith.constant 0 : i32
        %dma_start3A_151 = arith.constant 0 : i32
        %dma_start3A_152 = tpu.memref_slice %arg9[%dma_start3A_149, %dma_start3A_150, %dma_start3A_151] : memref<2x80x128xf32, #tpu.memory_space<vmem>> -> memref<1x80x128xf32, #tpu.memory_space<vmem>>
        %dma_start3A_153 = tpu.memref_squeeze %dma_start3A_152 : memref<1x80x128xf32, #tpu.memory_space<vmem>> -> memref<80x128xf32, #tpu.memory_space<vmem>>
        %dma_start3A_154 = arith.constant 0 : i32
        %dma_start3A_155 = tpu.memref_slice %arg8[%dma_start3A_148, %dma_start3A_154] : memref<8x80xi32, #tpu.memory_space<vmem>> -> memref<1x80xi32, #tpu.memory_space<vmem>>
        %dma_start3A_156 = tpu.memref_squeeze %dma_start3A_155 : memref<1x80xi32, #tpu.memory_space<vmem>> -> memref<80xi32, #tpu.memory_space<vmem>>
        %dma_start3A_157 = arith.constant 0 : i32
        %dma_start3A_158 = arith.constant 0 : i32
        %dma_start3A_159 = tpu.memref_slice %arg2[%dma_start3A_157, %dma_start3A_158] : memref<10000x128xf32, #tpu.memory_space<hbm>> -> memref<10000x128xf32, #tpu.memory_space<hbm>>
        tpu.enqueue_indirect_dma source(%dma_start3A_159 : memref<10000x128xf32, #tpu.memory_space<hbm>>) target(%dma_start3A_153 : memref<80x128xf32, #tpu.memory_space<vmem>>) offsets(%dma_start3A_156 : memref<80xi32, #tpu.memory_space<vmem>>) semaphore(%arg12 : memref<!tpu.dma_semaphore, #tpu.memory_space<semaphore_mem>>)
      } else {
      }
    } else {
    }
    %add3A_114 = arith.constant 124 : i32
    %add3A_115 = arith.constant 4 : i32
    %add3A_116 = arith.addi %add3A_114, %add3A_115 : i32
    %lt3A_117 = arith.constant 125 : i32
    %lt3A_118 = arith.cmpi slt, %add3A_116, %lt3A_117 : i32
    %convert_element_type3A_119 = arith.extui %lt3A_118 : i1 to i32
    %cond3A_120 = arith.constant 124 : i32
    %cond3A_121 = arith.constant 0 : i32
    %cond3A_122 = arith.cmpi ne, %convert_element_type3A_119, %cond3A_121 : i32
    scf.if %cond3A_122 {
      %add3A_127 = arith.constant 4 : i32
      %add3A_128 = arith.addi %cond3A_120, %add3A_127 : i32
      %dma_start3A_129 = arith.constant 0 : i32
      %dma_start3A_130 = arith.constant 0 : i32
      %dma_start3A_131 = tpu.memref_slice %arg8[%dma_start3A_129, %dma_start3A_130] : memref<8x80xi32, #tpu.memory_space<vmem>> -> memref<2x80xi32, #tpu.memory_space<vmem>>
      %dma_start3A_132 = arith.constant 0 : i32
      %dma_start3A_133 = arith.constant 0 : i32
      %dma_start3A_134 = tpu.memref_slice %arg3[%add3A, %add3A_128, %dma_start3A_132, %dma_start3A_133] : memref<32x125x2x80xi32, #tpu.memory_space<hbm>> -> memref<1x1x2x80xi32, #tpu.memory_space<hbm>>
      %dma_start3A_135 = tpu.memref_squeeze %dma_start3A_134 : memref<1x1x2x80xi32, #tpu.memory_space<hbm>> -> memref<2x80xi32, #tpu.memory_space<hbm>>
      %dma_start3A_136 = arith.constant 0 : i32
      %dma_start3A_137 = arith.constant 0 : i32
      %dma_start3A_138 = tpu.memref_slice %arg8[%dma_start3A_136, %dma_start3A_137] : memref<8x80xi32, #tpu.memory_space<vmem>> -> memref<2x80xi32, #tpu.memory_space<vmem>>
      %dma_start3A_139 = arith.constant 0 : i32
      %dma_start3A_140 = arith.constant 0 : i32
      %dma_start3A_141 = tpu.memref_slice %arg3[%add3A, %add3A_128, %dma_start3A_139, %dma_start3A_140] : memref<32x125x2x80xi32, #tpu.memory_space<hbm>> -> memref<1x1x2x80xi32, #tpu.memory_space<hbm>>
      %dma_start3A_142 = tpu.memref_squeeze %dma_start3A_141 : memref<1x1x2x80xi32, #tpu.memory_space<hbm>> -> memref<2x80xi32, #tpu.memory_space<hbm>>
      tpu.enqueue_dma source(%dma_start3A_142 : memref<2x80xi32, #tpu.memory_space<hbm>>) target(%dma_start3A_138 : memref<2x80xi32, #tpu.memory_space<vmem>>) target_semaphore(%arg14 : memref<!tpu.dma_semaphore, #tpu.memory_space<semaphore_mem>>)
    } else {
    }
    %barrier3A_123 = arith.constant 0 : index
    tpu.barrier barrier_id(%barrier3A_123)
    %mul3A_124 = arith.constant 10240 : i32
    %mul3A_125 = arith.muli %arg0, %mul3A_124 : i32
    %add3A_126 = arith.addi %mul3A_125, %mul3A_2 : i32
    "tpu.region"() ({
      %run_scoped3A_127 = tpu.sem_alloc : memref<!tpu.dma_semaphore, #tpu.memory_space<semaphore_mem>>
      %dma_start3A_128 = arith.constant 0 : i32
      %dma_start3A_129 = tpu.memref_slice %arg7[%add3A_126, %dma_start3A_128] : memref<20480x128xf32, #tpu.memory_space<hbm>> -> memref<640x128xf32, #tpu.memory_space<hbm>>
      %dma_start3A_130 = arith.constant 0 : i32
      %dma_start3A_131 = tpu.memref_slice %arg10[%mul3A_2, %dma_start3A_130] : memref<10240x128xf32, #tpu.memory_space<vmem_shared>> -> memref<640x128xf32, #tpu.memory_space<vmem_shared>>
      tpu.enqueue_dma source(%dma_start3A_131 : memref<640x128xf32, #tpu.memory_space<vmem_shared>>) target(%dma_start3A_129 : memref<640x128xf32, #tpu.memory_space<hbm>>) target_semaphore(%run_scoped3A_127 : memref<!tpu.dma_semaphore, #tpu.memory_space<semaphore_mem>>)
      %dma_wait3A_132 = arith.constant 0 : i32
      %dma_wait3A_133 = tpu.memref_slice %arg7[%add3A_126, %dma_wait3A_132] : memref<20480x128xf32, #tpu.memory_space<hbm>> -> memref<640x128xf32, #tpu.memory_space<hbm>>
      %dma_wait3A_134 = arith.constant 0 : i32
      %dma_wait3A_135 = tpu.memref_slice %arg10[%mul3A_2, %dma_wait3A_134] : memref<10240x128xf32, #tpu.memory_space<vmem_shared>> -> memref<640x128xf32, #tpu.memory_space<vmem_shared>>
      tpu.wait_dma2 semaphore(%run_scoped3A_127 : memref<!tpu.dma_semaphore, #tpu.memory_space<semaphore_mem>>) src(%dma_wait3A_135 : memref<640x128xf32, #tpu.memory_space<vmem_shared>>) dst(%dma_wait3A_133 : memref<640x128xf32, #tpu.memory_space<hbm>>)
      tpu.yield
    }) : () -> ()
    return
  }
}

#map = affine_map<(d0, d1) -> (0, 0)>
#map1 = affine_map<(d0, d1) -> (0, 0, 0, 0)>
#map2 = affine_map<(d0, d1) -> (0, 0, 0)>
#map3 = affine_map<(d0, d1) -> (0)>
module attributes {stable_mosaic.version = 14 : i64} {
  func.func @agg(%arg0: i32, %arg1: i32, %arg2: memref<10000x128xf32, #tpu.memory_space<hbm>>, %arg3: memref<32x125x2x80xi32, #tpu.memory_space<hbm>>, %arg4: memref<10240x128xf32, #tpu.memory_space<hbm>>, %arg5: memref<2x80x128xf32, #tpu.memory_space<hbm>>, %arg6: memref<16xi32, #tpu.memory_space<hbm>>, %arg7: memref<20480x128xf32, #tpu.memory_space<hbm>>, %arg8: memref<8x80xi32, #tpu.memory_space<vmem>>, %arg9: memref<2x80x128xf32, #tpu.memory_space<vmem>>, %arg10: memref<10240x128xf32, #tpu.memory_space<vmem_shared>>, %arg11: memref<16xi32, #tpu.memory_space<vmem>>, %arg12: memref<!tpu.dma_semaphore, #tpu.memory_space<semaphore_mem>>, %arg13: memref<!tpu.dma_semaphore, #tpu.memory_space<semaphore_mem>>, %arg14: memref<!tpu.dma_semaphore, #tpu.memory_space<semaphore_mem>>, %arg15: memref<!tpu.dma_semaphore, #tpu.memory_space<semaphore_mem>>, %arg16: memref<!tpu.dma_semaphore, #tpu.memory_space<semaphore_mem>>, %arg17: memref<!tpu.dma_semaphore, #tpu.memory_space<semaphore_mem>>) attributes {dimension_semantics = [#tpu.dimension_semantics<core_parallel>, #tpu.dimension_semantics<subcore_parallel>], iteration_bounds = array<i64: 2, 16>, scalar_prefetch = 0 : i64, scratch_operands = 10 : i64, tpu.core_type = #tpu.core_type<sc_vector_subcore>, window_params = [{transform_indices = #map}, {transform_indices = #map1}, {transform_indices = #map}, {transform_indices = #map2}, {transform_indices = #map3}, {transform_indices = #map}]} {
    %mul3A = arith.constant 16 : i32
    %mul3A_0 = arith.muli %arg0, %mul3A : i32
    %add3A = arith.addi %mul3A_0, %arg1 : i32
    %mul3A_1 = arith.constant 640 : i32
    %mul3A_2 = arith.muli %arg1, %mul3A_1 : i32
    "tpu.region"() ({
      %run_scoped3A_127 = tpu.sem_alloc : memref<!tpu.dma_semaphore, #tpu.memory_space<semaphore_mem>>
      %dma_start3A_128 = arith.constant 0 : i32
      %dma_start3A_129 = tpu.memref_slice %arg10[%mul3A_2, %dma_start3A_128] : memref<10240x128xf32, #tpu.memory_space<vmem_shared>> -> memref<640x128xf32, #tpu.memory_space<vmem_shared>>
      %dma_start3A_130 = arith.constant 0 : i32
      %dma_start3A_131 = tpu.memref_slice %arg4[%mul3A_2, %dma_start3A_130] : memref<10240x128xf32, #tpu.memory_space<hbm>> -> memref<640x128xf32, #tpu.memory_space<hbm>>
      tpu.enqueue_dma source(%dma_start3A_131 : memref<640x128xf32, #tpu.memory_space<hbm>>) target(%dma_start3A_129 : memref<640x128xf32, #tpu.memory_space<vmem_shared>>) target_semaphore(%run_scoped3A_127 : memref<!tpu.dma_semaphore, #tpu.memory_space<semaphore_mem>>)
      %dma_wait3A_132 = arith.constant 0 : i32
      %dma_wait3A_133 = tpu.memref_slice %arg10[%mul3A_2, %dma_wait3A_132] : memref<10240x128xf32, #tpu.memory_space<vmem_shared>> -> memref<640x128xf32, #tpu.memory_space<vmem_shared>>
      %dma_wait3A_134 = arith.constant 0 : i32
      %dma_wait3A_135 = tpu.memref_slice %arg4[%mul3A_2, %dma_wait3A_134] : memref<10240x128xf32, #tpu.memory_space<hbm>> -> memref<640x128xf32, #tpu.memory_space<hbm>>
      tpu.wait_dma2 semaphore(%run_scoped3A_127 : memref<!tpu.dma_semaphore, #tpu.memory_space<semaphore_mem>>) src(%dma_wait3A_135 : memref<640x128xf32, #tpu.memory_space<hbm>>) dst(%dma_wait3A_133 : memref<640x128xf32, #tpu.memory_space<vmem_shared>>)
      tpu.yield
    }) : () -> ()
    "tpu.region"() ({
      %run_scoped3A_127 = tpu.sem_alloc : memref<!tpu.dma_semaphore, #tpu.memory_space<semaphore_mem>>
      tpu.enqueue_dma source(%arg6 : memref<16xi32, #tpu.memory_space<hbm>>) target(%arg11 : memref<16xi32, #tpu.memory_space<vmem>>) target_semaphore(%run_scoped3A_127 : memref<!tpu.dma_semaphore, #tpu.memory_space<semaphore_mem>>)
      tpu.wait_dma2 semaphore(%run_scoped3A_127 : memref<!tpu.dma_semaphore, #tpu.memory_space<semaphore_mem>>) src(%arg6 : memref<16xi32, #tpu.memory_space<hbm>>) dst(%arg11 : memref<16xi32, #tpu.memory_space<vmem>>)
      tpu.yield
    }) : () -> ()
    "tpu.region"() ({
      %run_scoped3A_127 = tpu.sem_alloc : memref<!tpu.dma_semaphore, #tpu.memory_space<semaphore_mem>>
      tpu.enqueue_dma source(%arg5 : memref<2x80x128xf32, #tpu.memory_space<hbm>>) target(%arg9 : memref<2x80x128xf32, #tpu.memory_space<vmem>>) target_semaphore(%run_scoped3A_127 : memref<!tpu.dma_semaphore, #tpu.memory_space<semaphore_mem>>)
      tpu.wait_dma2 semaphore(%run_scoped3A_127 : memref<!tpu.dma_semaphore, #tpu.memory_space<semaphore_mem>>) src(%arg5 : memref<2x80x128xf32, #tpu.memory_space<hbm>>) dst(%arg9 : memref<2x80x128xf32, #tpu.memory_space<vmem>>)
      tpu.yield
    }) : () -> ()
    %get3A = arith.constant 0 : index
    %get3A_3 = tpu.vector_load %arg11[%get3A] {strides = array<i32>} : memref<16xi32, #tpu.memory_space<vmem>>, vector<16xi32>,
    %get3A_4 = vector.shape_cast %get3A_3 : vector<16xi32> to vector<16xi32>
    %slice3A = vector.extract_strided_slice %get3A_4 {offsets = [0], sizes = [1], strides = [1]} : vector<16xi32> to vector<1xi32>
    %squeeze3A = vector.extract %slice3A[0] : i32 from vector<1xi32>
    %barrier3A = arith.constant 0 : index
    tpu.barrier barrier_id(%barrier3A)
    %dma_start3A = arith.constant 0 : i32
    %dma_start3A_5 = arith.constant 0 : i32
    %dma_start3A_6 = arith.constant 0 : i32
    %dma_start3A_7 = tpu.memref_slice %arg8[%dma_start3A_5, %dma_start3A_6] : memref<8x80xi32, #tpu.memory_space<vmem>> -> memref<2x80xi32, #tpu.memory_space<vmem>>
    %dma_start3A_8 = arith.constant 0 : i32
    %dma_start3A_9 = arith.constant 0 : i32
    %dma_start3A_10 = tpu.memref_slice %arg3[%add3A, %dma_start3A, %dma_start3A_8, %dma_start3A_9] : memref<32x125x2x80xi32, #tpu.memory_space<hbm>> -> memref<1x1x2x80xi32, #tpu.memory_space<hbm>>
    %dma_start3A_11 = tpu.memref_squeeze %dma_start3A_10 : memref<1x1x2x80xi32, #tpu.memory_space<hbm>> -> memref<2x80xi32, #tpu.memory_space<hbm>>
    %dma_start3A_12 = arith.constant 0 : i32
    %dma_start3A_13 = arith.constant 0 : i32
    %dma_start3A_14 = tpu.memref_slice %arg8[%dma_start3A_12, %dma_start3A_13] : memref<8x80xi32, #tpu.memory_space<vmem>> -> memref<2x80xi32, #tpu.memory_space<vmem>>
    %dma_start3A_15 = arith.constant 0 : i32
    %dma_start3A_16 = arith.constant 0 : i32
    %dma_start3A_17 = tpu.memref_slice %arg3[%add3A, %dma_start3A, %dma_start3A_15, %dma_start3A_16] : memref<32x125x2x80xi32, #tpu.memory_space<hbm>> -> memref<1x1x2x80xi32, #tpu.memory_space<hbm>>
    %dma_start3A_18 = tpu.memref_squeeze %dma_start3A_17 : memref<1x1x2x80xi32, #tpu.memory_space<hbm>> -> memref<2x80xi32, #tpu.memory_space<hbm>>
    tpu.enqueue_dma source(%dma_start3A_18 : memref<2x80xi32, #tpu.memory_space<hbm>>) target(%dma_start3A_14 : memref<2x80xi32, #tpu.memory_space<vmem>>) target_semaphore(%arg14 : memref<!tpu.dma_semaphore, #tpu.memory_space<semaphore_mem>>)
    %dma_wait3A = arith.constant 0 : i32
    %dma_wait3A_19 = arith.constant 0 : i32
    %dma_wait3A_20 = arith.constant 0 : i32
    %dma_wait3A_21 = tpu.memref_slice %arg8[%dma_wait3A_19, %dma_wait3A_20] : memref<8x80xi32, #tpu.memory_space<vmem>> -> memref<2x80xi32, #tpu.memory_space<vmem>>
    %dma_wait3A_22 = arith.constant 0 : i32
    %dma_wait3A_23 = arith.constant 0 : i32
    %dma_wait3A_24 = tpu.memref_slice %arg3[%add3A, %dma_wait3A, %dma_wait3A_22, %dma_wait3A_23] : memref<32x125x2x80xi32, #tpu.memory_space<hbm>> -> memref<1x1x2x80xi32, #tpu.memory_space<hbm>>
    %dma_wait3A_25 = tpu.memref_squeeze %dma_wait3A_24 : memref<1x1x2x80xi32, #tpu.memory_space<hbm>> -> memref<2x80xi32, #tpu.memory_space<hbm>>
    %dma_wait3A_26 = arith.constant 0 : i32
    %dma_wait3A_27 = arith.constant 0 : i32
    %dma_wait3A_28 = tpu.memref_slice %arg8[%dma_wait3A_26, %dma_wait3A_27] : memref<8x80xi32, #tpu.memory_space<vmem>> -> memref<2x80xi32, #tpu.memory_space<vmem>>
    %dma_wait3A_29 = arith.constant 0 : i32
    %dma_wait3A_30 = arith.constant 0 : i32
    %dma_wait3A_31 = tpu.memref_slice %arg3[%add3A, %dma_wait3A, %dma_wait3A_29, %dma_wait3A_30] : memref<32x125x2x80xi32, #tpu.memory_space<hbm>> -> memref<1x1x2x80xi32, #tpu.memory_space<hbm>>
    %dma_wait3A_32 = tpu.memref_squeeze %dma_wait3A_31 : memref<1x1x2x80xi32, #tpu.memory_space<hbm>> -> memref<2x80xi32, #tpu.memory_space<hbm>>
    tpu.wait_dma2 semaphore(%arg14 : memref<!tpu.dma_semaphore, #tpu.memory_space<semaphore_mem>>) src(%dma_wait3A_32 : memref<2x80xi32, #tpu.memory_space<hbm>>) dst(%dma_wait3A_28 : memref<2x80xi32, #tpu.memory_space<vmem>>)
    %dma_start3A_33 = arith.constant 1 : i32
    %dma_start3A_34 = arith.constant 2 : i32
    %dma_start3A_35 = arith.constant 0 : i32
    %dma_start3A_36 = tpu.memref_slice %arg8[%dma_start3A_34, %dma_start3A_35] : memref<8x80xi32, #tpu.memory_space<vmem>> -> memref<2x80xi32, #tpu.memory_space<vmem>>
    %dma_start3A_37 = arith.constant 0 : i32
    %dma_start3A_38 = arith.constant 0 : i32
    %dma_start3A_39 = tpu.memref_slice %arg3[%add3A, %dma_start3A_33, %dma_start3A_37, %dma_start3A_38] : memref<32x125x2x80xi32, #tpu.memory_space<hbm>> -> memref<1x1x2x80xi32, #tpu.memory_space<hbm>>
    %dma_start3A_40 = tpu.memref_squeeze %dma_start3A_39 : memref<1x1x2x80xi32, #tpu.memory_space<hbm>> -> memref<2x80xi32, #tpu.memory_space<hbm>>
    %dma_start3A_41 = arith.constant 2 : i32
    %dma_start3A_42 = arith.constant 0 : i32
    %dma_start3A_43 = tpu.memref_slice %arg8[%dma_start3A_41, %dma_start3A_42] : memref<8x80xi32, #tpu.memory_space<vmem>> -> memref<2x80xi32, #tpu.memory_space<vmem>>
    %dma_start3A_44 = arith.constant 0 : i32
    %dma_start3A_45 = arith.constant 0 : i32
    %dma_start3A_46 = tpu.memref_slice %arg3[%add3A, %dma_start3A_33, %dma_start3A_44, %dma_start3A_45] : memref<32x125x2x80xi32, #tpu.memory_space<hbm>> -> memref<1x1x2x80xi32, #tpu.memory_space<hbm>>
    %dma_start3A_47 = tpu.memref_squeeze %dma_start3A_46 : memref<1x1x2x80xi32, #tpu.memory_space<hbm>> -> memref<2x80xi32, #tpu.memory_space<hbm>>
    tpu.enqueue_dma source(%dma_start3A_47 : memref<2x80xi32, #tpu.memory_space<hbm>>) target(%dma_start3A_43 : memref<2x80xi32, #tpu.memory_space<vmem>>) target_semaphore(%arg15 : memref<!tpu.dma_semaphore, #tpu.memory_space<semaphore_mem>>)
    %dma_wait3A_48 = arith.constant 1 : i32
    %dma_wait3A_49 = arith.constant 2 : i32
    %dma_wait3A_50 = arith.constant 0 : i32
    %dma_wait3A_51 = tpu.memref_slice %arg8[%dma_wait3A_49, %dma_wait3A_50] : memref<8x80xi32, #tpu.memory_space<vmem>> -> memref<2x80xi32, #tpu.memory_space<vmem>>
    %dma_wait3A_52 = arith.constant 0 : i32
    %dma_wait3A_53 = arith.constant 0 : i32
    %dma_wait3A_54 = tpu.memref_slice %arg3[%add3A, %dma_wait3A_48, %dma_wait3A_52, %dma_wait3A_53] : memref<32x125x2x80xi32, #tpu.memory_space<hbm>> -> memref<1x1x2x80xi32, #tpu.memory_space<hbm>>
    %dma_wait3A_55 = tpu.memref_squeeze %dma_wait3A_54 : memref<1x1x2x80xi32, #tpu.memory_space<hbm>> -> memref<2x80xi32, #tpu.memory_space<hbm>>
    %dma_wait3A_56 = arith.constant 2 : i32
    %dma_wait3A_57 = arith.constant 0 : i32
    %dma_wait3A_58 = tpu.memref_slice %arg8[%dma_wait3A_56, %dma_wait3A_57] : memref<8x80xi32, #tpu.memory_space<vmem>> -> memref<2x80xi32, #tpu.memory_space<vmem>>
    %dma_wait3A_59 = arith.constant 0 : i32
    %dma_wait3A_60 = arith.constant 0 : i32
    %dma_wait3A_61 = tpu.memref_slice %arg3[%add3A, %dma_wait3A_48, %dma_wait3A_59, %dma_wait3A_60] : memref<32x125x2x80xi32, #tpu.memory_space<hbm>> -> memref<1x1x2x80xi32, #tpu.memory_space<hbm>>
    %dma_wait3A_62 = tpu.memref_squeeze %dma_wait3A_61 : memref<1x1x2x80xi32, #tpu.memory_space<hbm>> -> memref<2x80xi32, #tpu.memory_space<hbm>>
    tpu.wait_dma2 semaphore(%arg15 : memref<!tpu.dma_semaphore, #tpu.memory_space<semaphore_mem>>) src(%dma_wait3A_62 : memref<2x80xi32, #tpu.memory_space<hbm>>) dst(%dma_wait3A_58 : memref<2x80xi32, #tpu.memory_space<vmem>>)
    %eq3A = arith.constant 1 : i32
    %eq3A_63 = arith.cmpi eq, %squeeze3A, %eq3A : i32
    %convert_element_type3A = arith.extui %eq3A_63 : i1 to i32
    %cond3A = arith.constant 0 : i32
    %cond3A_64 = arith.cmpi ne, %convert_element_type3A, %cond3A : i32
    scf.if %cond3A_64 {
      %dma_start3A_127 = arith.constant 0 : i32
      %dma_start3A_128 = arith.constant 0 : i32
      %dma_start3A_129 = arith.constant 0 : i32
      %dma_start3A_130 = arith.constant 0 : i32
      %dma_start3A_131 = tpu.memref_slice %arg9[%dma_start3A_128, %dma_start3A_129, %dma_start3A_130] : memref<2x80x128xf32, #tpu.memory_space<vmem>> -> memref<1x80x128xf32, #tpu.memory_space<vmem>>
      %dma_start3A_132 = tpu.memref_squeeze %dma_start3A_131 : memref<1x80x128xf32, #tpu.memory_space<vmem>> -> memref<80x128xf32, #tpu.memory_space<vmem>>
      %dma_start3A_133 = arith.constant 0 : i32
      %dma_start3A_134 = tpu.memref_slice %arg8[%dma_start3A_127, %dma_start3A_133] : memref<8x80xi32, #tpu.memory_space<vmem>> -> memref<1x80xi32, #tpu.memory_space<vmem>>
      %dma_start3A_135 = tpu.memref_squeeze %dma_start3A_134 : memref<1x80xi32, #tpu.memory_space<vmem>> -> memref<80xi32, #tpu.memory_space<vmem>>
      %dma_start3A_136 = arith.constant 0 : i32
      %dma_start3A_137 = arith.constant 0 : i32
      %dma_start3A_138 = tpu.memref_slice %arg2[%dma_start3A_136, %dma_start3A_137] : memref<10000x128xf32, #tpu.memory_space<hbm>> -> memref<10000x128xf32, #tpu.memory_space<hbm>>
      tpu.enqueue_indirect_dma source(%dma_start3A_138 : memref<10000x128xf32, #tpu.memory_space<hbm>>) target(%dma_start3A_132 : memref<80x128xf32, #tpu.memory_space<vmem>>) offsets(%dma_start3A_135 : memref<80xi32, #tpu.memory_space<vmem>>) semaphore(%arg12 : memref<!tpu.dma_semaphore, #tpu.memory_space<semaphore_mem>>)
      %dma_start3A_139 = arith.constant 2 : i32
      %dma_start3A_140 = arith.constant 1 : i32
      %dma_start3A_141 = arith.constant 0 : i32
      %dma_start3A_142 = arith.constant 0 : i32
      %dma_start3A_143 = tpu.memref_slice %arg9[%dma_start3A_140, %dma_start3A_141, %dma_start3A_142] : memref<2x80x128xf32, #tpu.memory_space<vmem>> -> memref<1x80x128xf32, #tpu.memory_space<vmem>>
      %dma_start3A_144 = tpu.memref_squeeze %dma_start3A_143 : memref<1x80x128xf32, #tpu.memory_space<vmem>> -> memref<80x128xf32, #tpu.memory_space<vmem>>
      %dma_start3A_145 = arith.constant 0 : i32
      %dma_start3A_146 = tpu.memref_slice %arg8[%dma_start3A_139, %dma_start3A_145] : memref<8x80xi32, #tpu.memory_space<vmem>> -> memref<1x80xi32, #tpu.memory_space<vmem>>
      %dma_start3A_147 = tpu.memref_squeeze %dma_start3A_146 : memref<1x80xi32, #tpu.memory_space<vmem>> -> memref<80xi32, #tpu.memory_space<vmem>>
      %dma_start3A_148 = arith.constant 0 : i32
      %dma_start3A_149 = arith.constant 0 : i32
      %dma_start3A_150 = tpu.memref_slice %arg2[%dma_start3A_148, %dma_start3A_149] : memref<10000x128xf32, #tpu.memory_space<hbm>> -> memref<10000x128xf32, #tpu.memory_space<hbm>>
      tpu.enqueue_indirect_dma source(%dma_start3A_150 : memref<10000x128xf32, #tpu.memory_space<hbm>>) target(%dma_start3A_144 : memref<80x128xf32, #tpu.memory_space<vmem>>) offsets(%dma_start3A_147 : memref<80xi32, #tpu.memory_space<vmem>>) semaphore(%arg13 : memref<!tpu.dma_semaphore, #tpu.memory_space<semaphore_mem>>)
    } else {
    }
    %dma_start3A_65 = arith.constant 2 : i32
    %dma_start3A_66 = arith.constant 4 : i32
    %dma_start3A_67 = arith.constant 0 : i32
    %dma_start3A_68 = tpu.memref_slice %arg8[%dma_start3A_66, %dma_start3A_67] : memref<8x80xi32, #tpu.memory_space<vmem>> -> memref<2x80xi32, #tpu.memory_space<vmem>>
    %dma_start3A_69 = arith.constant 0 : i32
    %dma_start3A_70 = arith.constant 0 : i32
    %dma_start3A_71 = tpu.memref_slice %arg3[%add3A, %dma_start3A_65, %dma_start3A_69, %dma_start3A_70] : memref<32x125x2x80xi32, #tpu.memory_space<hbm>> -> memref<1x1x2x80xi32, #tpu.memory_space<hbm>>
    %dma_start3A_72 = tpu.memref_squeeze %dma_start3A_71 : memref<1x1x2x80xi32, #tpu.memory_space<hbm>> -> memref<2x80xi32, #tpu.memory_space<hbm>>
    %dma_start3A_73 = arith.constant 4 : i32
    %dma_start3A_74 = arith.constant 0 : i32
    %dma_start3A_75 = tpu.memref_slice %arg8[%dma_start3A_73, %dma_start3A_74] : memref<8x80xi32, #tpu.memory_space<vmem>> -> memref<2x80xi32, #tpu.memory_space<vmem>>
    %dma_start3A_76 = arith.constant 0 : i32
    %dma_start3A_77 = arith.constant 0 : i32
    %dma_start3A_78 = tpu.memref_slice %arg3[%add3A, %dma_start3A_65, %dma_start3A_76, %dma_start3A_77] : memref<32x125x2x80xi32, #tpu.memory_space<hbm>> -> memref<1x1x2x80xi32, #tpu.memory_space<hbm>>
    %dma_start3A_79 = tpu.memref_squeeze %dma_start3A_78 : memref<1x1x2x80xi32, #tpu.memory_space<hbm>> -> memref<2x80xi32, #tpu.memory_space<hbm>>
    tpu.enqueue_dma source(%dma_start3A_79 : memref<2x80xi32, #tpu.memory_space<hbm>>) target(%dma_start3A_75 : memref<2x80xi32, #tpu.memory_space<vmem>>) target_semaphore(%arg16 : memref<!tpu.dma_semaphore, #tpu.memory_space<semaphore_mem>>)
    %dma_start3A_80 = arith.constant 3 : i32
    %dma_start3A_81 = arith.constant 6 : i32
    %dma_start3A_82 = arith.constant 0 : i32
    %dma_start3A_83 = tpu.memref_slice %arg8[%dma_start3A_81, %dma_start3A_82] : memref<8x80xi32, #tpu.memory_space<vmem>> -> memref<2x80xi32, #tpu.memory_space<vmem>>
    %dma_start3A_84 = arith.constant 0 : i32
    %dma_start3A_85 = arith.constant 0 : i32
    %dma_start3A_86 = tpu.memref_slice %arg3[%add3A, %dma_start3A_80, %dma_start3A_84, %dma_start3A_85] : memref<32x125x2x80xi32, #tpu.memory_space<hbm>> -> memref<1x1x2x80xi32, #tpu.memory_space<hbm>>
    %dma_start3A_87 = tpu.memref_squeeze %dma_start3A_86 : memref<1x1x2x80xi32, #tpu.memory_space<hbm>> -> memref<2x80xi32, #tpu.memory_space<hbm>>
    %dma_start3A_88 = arith.constant 6 : i32
    %dma_start3A_89 = arith.constant 0 : i32
    %dma_start3A_90 = tpu.memref_slice %arg8[%dma_start3A_88, %dma_start3A_89] : memref<8x80xi32, #tpu.memory_space<vmem>> -> memref<2x80xi32, #tpu.memory_space<vmem>>
    %dma_start3A_91 = arith.constant 0 : i32
    %dma_start3A_92 = arith.constant 0 : i32
    %dma_start3A_93 = tpu.memref_slice %arg3[%add3A, %dma_start3A_80, %dma_start3A_91, %dma_start3A_92] : memref<32x125x2x80xi32, #tpu.memory_space<hbm>> -> memref<1x1x2x80xi32, #tpu.memory_space<hbm>>
    %dma_start3A_94 = tpu.memref_squeeze %dma_start3A_93 : memref<1x1x2x80xi32, #tpu.memory_space<hbm>> -> memref<2x80xi32, #tpu.memory_space<hbm>>
    tpu.enqueue_dma source(%dma_start3A_94 : memref<2x80xi32, #tpu.memory_space<hbm>>) target(%dma_start3A_90 : memref<2x80xi32, #tpu.memory_space<vmem>>) target_semaphore(%arg17 : memref<!tpu.dma_semaphore, #tpu.memory_space<semaphore_mem>>)
    %scan3A = arith.constant 0 : i32
    %scan3A_95 = arith.constant 0 : i32
    %scan3A_96 = arith.constant 31 : i32
    %scan3A_97 = arith.addi %scan3A_95, %scan3A_96 : i32
    %scan3A_98 = arith.constant 1 : i32
    scf.for %scan3A_127 = %scan3A_95 to %scan3A_97 step %scan3A_98  : i32 {
      %mul3A_128 = arith.constant 4 : i32
      %mul3A_129 = arith.muli %mul3A_128, %scan3A_127 : i32
      %add3A_130 = arith.constant 0 : i32
      %add3A_131 = arith.addi %mul3A_129, %add3A_130 : i32
      %eq3A_132 = arith.constant 1 : i32
      %eq3A_133 = arith.cmpi eq, %squeeze3A, %eq3A_132 : i32
      %convert_element_type3A_134 = arith.extui %eq3A_133 : i1 to i32
      %cond3A_135 = arith.constant 0 : i32
      %cond3A_136 = arith.cmpi ne, %convert_element_type3A_134, %cond3A_135 : i32
      scf.if %cond3A_136 {
        %dma_wait3A_228 = arith.constant 0 : i32
        %dma_wait3A_229 = arith.constant 0 : i32
        %dma_wait3A_230 = arith.constant 0 : i32
        %dma_wait3A_231 = arith.constant 0 : i32
        %dma_wait3A_232 = tpu.memref_slice %arg9[%dma_wait3A_229, %dma_wait3A_230, %dma_wait3A_231] : memref<2x80x128xf32, #tpu.memory_space<vmem>> -> memref<1x80x128xf32, #tpu.memory_space<vmem>>
        %dma_wait3A_233 = tpu.memref_squeeze %dma_wait3A_232 : memref<1x80x128xf32, #tpu.memory_space<vmem>> -> memref<80x128xf32, #tpu.memory_space<vmem>>
        %dma_wait3A_234 = arith.constant 0 : i32
        %dma_wait3A_235 = tpu.memref_slice %arg8[%dma_wait3A_228, %dma_wait3A_234] : memref<8x80xi32, #tpu.memory_space<vmem>> -> memref<1x80xi32, #tpu.memory_space<vmem>>
        %dma_wait3A_236 = tpu.memref_squeeze %dma_wait3A_235 : memref<1x80xi32, #tpu.memory_space<vmem>> -> memref<80xi32, #tpu.memory_space<vmem>>
        %dma_wait3A_237 = arith.constant 0 : i32
        %dma_wait3A_238 = arith.constant 0 : i32
        %dma_wait3A_239 = tpu.memref_slice %arg2[%dma_wait3A_237, %dma_wait3A_238] : memref<10000x128xf32, #tpu.memory_space<hbm>> -> memref<10000x128xf32, #tpu.memory_space<hbm>>
        tpu.wait_indirect_dma semaphore(%arg12 : memref<!tpu.dma_semaphore, #tpu.memory_space<semaphore_mem>>) src(%dma_wait3A_239 : memref<10000x128xf32, #tpu.memory_space<hbm>>) dst(%dma_wait3A_233 : memref<80x128xf32, #tpu.memory_space<vmem>>)
      } else {
      }
      %run_scoped3A_137 = arith.constant 0 : i32
      %run_scoped3A_138 = arith.constant 1 : i32
      "tpu.region"() ({
        %run_scoped3A_228 = tpu.sem_alloc : memref<!tpu.dma_semaphore, #tpu.memory_space<semaphore_mem>>
        %dma_start3A_229 = arith.constant 0 : i32
        %dma_start3A_230 = arith.constant 0 : i32
        %dma_start3A_231 = tpu.memref_slice %arg9[%run_scoped3A_137, %dma_start3A_229, %dma_start3A_230] : memref<2x80x128xf32, #tpu.memory_space<vmem>> -> memref<1x80x128xf32, #tpu.memory_space<vmem>>
        %dma_start3A_232 = tpu.memref_squeeze %dma_start3A_231 : memref<1x80x128xf32, #tpu.memory_space<vmem>> -> memref<80x128xf32, #tpu.memory_space<vmem>>
        %dma_start3A_233 = arith.constant 0 : i32
        %dma_start3A_234 = tpu.memref_slice %arg8[%run_scoped3A_138, %dma_start3A_233] : memref<8x80xi32, #tpu.memory_space<vmem>> -> memref<1x80xi32, #tpu.memory_space<vmem>>
        %dma_start3A_235 = tpu.memref_squeeze %dma_start3A_234 : memref<1x80xi32, #tpu.memory_space<vmem>> -> memref<80xi32, #tpu.memory_space<vmem>>
        %dma_start3A_236 = arith.constant 0 : i32
        %dma_start3A_237 = arith.constant 0 : i32
        %dma_start3A_238 = tpu.memref_slice %arg10[%dma_start3A_236, %dma_start3A_237] : memref<10240x128xf32, #tpu.memory_space<vmem_shared>> -> memref<10240x128xf32, #tpu.memory_space<vmem_shared>>
        tpu.enqueue_indirect_dma source(%dma_start3A_232 : memref<80x128xf32, #tpu.memory_space<vmem>>) target(%dma_start3A_238 : memref<10240x128xf32, #tpu.memory_space<vmem_shared>>) offsets(%dma_start3A_235 : memref<80xi32, #tpu.memory_space<vmem>>) semaphore(%run_scoped3A_228 : memref<!tpu.dma_semaphore, #tpu.memory_space<semaphore_mem>>) {add = true}
        %dma_wait3A_239 = arith.constant 0 : i32
        %dma_wait3A_240 = arith.constant 0 : i32
        %dma_wait3A_241 = tpu.memref_slice %arg9[%run_scoped3A_137, %dma_wait3A_239, %dma_wait3A_240] : memref<2x80x128xf32, #tpu.memory_space<vmem>> -> memref<1x80x128xf32, #tpu.memory_space<vmem>>
        %dma_wait3A_242 = tpu.memref_squeeze %dma_wait3A_241 : memref<1x80x128xf32, #tpu.memory_space<vmem>> -> memref<80x128xf32, #tpu.memory_space<vmem>>
        %dma_wait3A_243 = arith.constant 0 : i32
        %dma_wait3A_244 = tpu.memref_slice %arg8[%run_scoped3A_138, %dma_wait3A_243] : memref<8x80xi32, #tpu.memory_space<vmem>> -> memref<1x80xi32, #tpu.memory_space<vmem>>
        %dma_wait3A_245 = tpu.memref_squeeze %dma_wait3A_244 : memref<1x80xi32, #tpu.memory_space<vmem>> -> memref<80xi32, #tpu.memory_space<vmem>>
        %dma_wait3A_246 = arith.constant 0 : i32
        %dma_wait3A_247 = arith.constant 0 : i32
        %dma_wait3A_248 = tpu.memref_slice %arg10[%dma_wait3A_246, %dma_wait3A_247] : memref<10240x128xf32, #tpu.memory_space<vmem_shared>> -> memref<10240x128xf32, #tpu.memory_space<vmem_shared>>
        tpu.wait_indirect_dma semaphore(%run_scoped3A_228 : memref<!tpu.dma_semaphore, #tpu.memory_space<semaphore_mem>>) src(%dma_wait3A_242 : memref<80x128xf32, #tpu.memory_space<vmem>>) dst(%dma_wait3A_248 : memref<10240x128xf32, #tpu.memory_space<vmem_shared>>)
        tpu.yield
      }) : () -> ()
      %add3A_139 = arith.constant 2 : i32
      %add3A_140 = arith.addi %add3A_131, %add3A_139 : i32
      %lt3A_141 = arith.constant 125 : i32
      %lt3A_142 = arith.cmpi slt, %add3A_140, %lt3A_141 : i32
      %convert_element_type3A_143 = arith.extui %lt3A_142 : i1 to i32
      %cond3A_144 = arith.constant 0 : i32
      %cond3A_145 = arith.cmpi ne, %convert_element_type3A_143, %cond3A_144 : i32
      scf.if %cond3A_145 {
        %add3A_228 = arith.constant 2 : i32
        %add3A_229 = arith.addi %add3A_131, %add3A_228 : i32
        %dma_wait3A_230 = arith.constant 4 : i32
        %dma_wait3A_231 = arith.constant 0 : i32
        %dma_wait3A_232 = tpu.memref_slice %arg8[%dma_wait3A_230, %dma_wait3A_231] : memref<8x80xi32, #tpu.memory_space<vmem>> -> memref<2x80xi32, #tpu.memory_space<vmem>>
        %dma_wait3A_233 = arith.constant 0 : i32
        %dma_wait3A_234 = arith.constant 0 : i32
        %dma_wait3A_235 = tpu.memref_slice %arg3[%add3A, %add3A_229, %dma_wait3A_233, %dma_wait3A_234] : memref<32x125x2x80xi32, #tpu.memory_space<hbm>> -> memref<1x1x2x80xi32, #tpu.memory_space<hbm>>
        %dma_wait3A_236 = tpu.memref_squeeze %dma_wait3A_235 : memref<1x1x2x80xi32, #tpu.memory_space<hbm>> -> memref<2x80xi32, #tpu.memory_space<hbm>>
        %dma_wait3A_237 = arith.constant 4 : i32
        %dma_wait3A_238 = arith.constant 0 : i32
        %dma_wait3A_239 = tpu.memref_slice %arg8[%dma_wait3A_237, %dma_wait3A_238] : memref<8x80xi32, #tpu.memory_space<vmem>> -> memref<2x80xi32, #tpu.memory_space<vmem>>
        %dma_wait3A_240 = arith.constant 0 : i32
        %dma_wait3A_241 = arith.constant 0 : i32
        %dma_wait3A_242 = tpu.memref_slice %arg3[%add3A, %add3A_229, %dma_wait3A_240, %dma_wait3A_241] : memref<32x125x2x80xi32, #tpu.memory_space<hbm>> -> memref<1x1x2x80xi32, #tpu.memory_space<hbm>>
        %dma_wait3A_243 = tpu.memref_squeeze %dma_wait3A_242 : memref<1x1x2x80xi32, #tpu.memory_space<hbm>> -> memref<2x80xi32, #tpu.memory_space<hbm>>
        tpu.wait_dma2 semaphore(%arg16 : memref<!tpu.dma_semaphore, #tpu.memory_space<semaphore_mem>>) src(%dma_wait3A_243 : memref<2x80xi32, #tpu.memory_space<hbm>>) dst(%dma_wait3A_239 : memref<2x80xi32, #tpu.memory_space<vmem>>)
        %eq3A_244 = arith.constant 1 : i32
        %eq3A_245 = arith.cmpi eq, %squeeze3A, %eq3A_244 : i32
        %convert_element_type3A_246 = arith.extui %eq3A_245 : i1 to i32
        %cond3A_247 = arith.constant 0 : i32
        %cond3A_248 = arith.cmpi ne, %convert_element_type3A_246, %cond3A_247 : i32
        scf.if %cond3A_248 {
          %dma_start3A_249 = arith.constant 4 : i32
          %dma_start3A_250 = arith.constant 0 : i32
          %dma_start3A_251 = arith.constant 0 : i32
          %dma_start3A_252 = arith.constant 0 : i32
          %dma_start3A_253 = tpu.memref_slice %arg9[%dma_start3A_250, %dma_start3A_251, %dma_start3A_252] : memref<2x80x128xf32, #tpu.memory_space<vmem>> -> memref<1x80x128xf32, #tpu.memory_space<vmem>>
          %dma_start3A_254 = tpu.memref_squeeze %dma_start3A_253 : memref<1x80x128xf32, #tpu.memory_space<vmem>> -> memref<80x128xf32, #tpu.memory_space<vmem>>
          %dma_start3A_255 = arith.constant 0 : i32
          %dma_start3A_256 = tpu.memref_slice %arg8[%dma_start3A_249, %dma_start3A_255] : memref<8x80xi32, #tpu.memory_space<vmem>> -> memref<1x80xi32, #tpu.memory_space<vmem>>
          %dma_start3A_257 = tpu.memref_squeeze %dma_start3A_256 : memref<1x80xi32, #tpu.memory_space<vmem>> -> memref<80xi32, #tpu.memory_space<vmem>>
          %dma_start3A_258 = arith.constant 0 : i32
          %dma_start3A_259 = arith.constant 0 : i32
          %dma_start3A_260 = tpu.memref_slice %arg2[%dma_start3A_258, %dma_start3A_259] : memref<10000x128xf32, #tpu.memory_space<hbm>> -> memref<10000x128xf32, #tpu.memory_space<hbm>>
          tpu.enqueue_indirect_dma source(%dma_start3A_260 : memref<10000x128xf32, #tpu.memory_space<hbm>>) target(%dma_start3A_254 : memref<80x128xf32, #tpu.memory_space<vmem>>) offsets(%dma_start3A_257 : memref<80xi32, #tpu.memory_space<vmem>>) semaphore(%arg12 : memref<!tpu.dma_semaphore, #tpu.memory_space<semaphore_mem>>)
        } else {
        }
      } else {
      }
      %add3A_146 = arith.constant 4 : i32
      %add3A_147 = arith.addi %add3A_131, %add3A_146 : i32
      %lt3A_148 = arith.constant 125 : i32
      %lt3A_149 = arith.cmpi slt, %add3A_147, %lt3A_148 : i32
      %convert_element_type3A_150 = arith.extui %lt3A_149 : i1 to i32
      %cond3A_151 = arith.constant 0 : i32
      %cond3A_152 = arith.cmpi ne, %convert_element_type3A_150, %cond3A_151 : i32
      scf.if %cond3A_152 {
        %add3A_228 = arith.constant 4 : i32
        %add3A_229 = arith.addi %add3A_131, %add3A_228 : i32
        %dma_start3A_230 = arith.constant 0 : i32
        %dma_start3A_231 = arith.constant 0 : i32
        %dma_start3A_232 = tpu.memref_slice %arg8[%dma_start3A_230, %dma_start3A_231] : memref<8x80xi32, #tpu.memory_space<vmem>> -> memref<2x80xi32, #tpu.memory_space<vmem>>
        %dma_start3A_233 = arith.constant 0 : i32
        %dma_start3A_234 = arith.constant 0 : i32
        %dma_start3A_235 = tpu.memref_slice %arg3[%add3A, %add3A_229, %dma_start3A_233, %dma_start3A_234] : memref<32x125x2x80xi32, #tpu.memory_space<hbm>> -> memref<1x1x2x80xi32, #tpu.memory_space<hbm>>
        %dma_start3A_236 = tpu.memref_squeeze %dma_start3A_235 : memref<1x1x2x80xi32, #tpu.memory_space<hbm>> -> memref<2x80xi32, #tpu.memory_space<hbm>>
        %dma_start3A_237 = arith.constant 0 : i32
        %dma_start3A_238 = arith.constant 0 : i32
        %dma_start3A_239 = tpu.memref_slice %arg8[%dma_start3A_237, %dma_start3A_238] : memref<8x80xi32, #tpu.memory_space<vmem>> -> memref<2x80xi32, #tpu.memory_space<vmem>>
        %dma_start3A_240 = arith.constant 0 : i32
        %dma_start3A_241 = arith.constant 0 : i32
        %dma_start3A_242 = tpu.memref_slice %arg3[%add3A, %add3A_229, %dma_start3A_240, %dma_start3A_241] : memref<32x125x2x80xi32, #tpu.memory_space<hbm>> -> memref<1x1x2x80xi32, #tpu.memory_space<hbm>>
        %dma_start3A_243 = tpu.memref_squeeze %dma_start3A_242 : memref<1x1x2x80xi32, #tpu.memory_space<hbm>> -> memref<2x80xi32, #tpu.memory_space<hbm>>
        tpu.enqueue_dma source(%dma_start3A_243 : memref<2x80xi32, #tpu.memory_space<hbm>>) target(%dma_start3A_239 : memref<2x80xi32, #tpu.memory_space<vmem>>) target_semaphore(%arg14 : memref<!tpu.dma_semaphore, #tpu.memory_space<semaphore_mem>>)
      } else {
      }
      %mul3A_153 = arith.constant 4 : i32
      %mul3A_154 = arith.muli %mul3A_153, %scan3A_127 : i32
      %add3A_155 = arith.constant 1 : i32
      %add3A_156 = arith.addi %mul3A_154, %add3A_155 : i32
      %eq3A_157 = arith.constant 1 : i32
      %eq3A_158 = arith.cmpi eq, %squeeze3A, %eq3A_157 : i32
      %convert_element_type3A_159 = arith.extui %eq3A_158 : i1 to i32
      %cond3A_160 = arith.constant 0 : i32
      %cond3A_161 = arith.cmpi ne, %convert_element_type3A_159, %cond3A_160 : i32
      scf.if %cond3A_161 {
        %dma_wait3A_228 = arith.constant 2 : i32
        %dma_wait3A_229 = arith.constant 1 : i32
        %dma_wait3A_230 = arith.constant 0 : i32
        %dma_wait3A_231 = arith.constant 0 : i32
        %dma_wait3A_232 = tpu.memref_slice %arg9[%dma_wait3A_229, %dma_wait3A_230, %dma_wait3A_231] : memref<2x80x128xf32, #tpu.memory_space<vmem>> -> memref<1x80x128xf32, #tpu.memory_space<vmem>>
        %dma_wait3A_233 = tpu.memref_squeeze %dma_wait3A_232 : memref<1x80x128xf32, #tpu.memory_space<vmem>> -> memref<80x128xf32, #tpu.memory_space<vmem>>
        %dma_wait3A_234 = arith.constant 0 : i32
        %dma_wait3A_235 = tpu.memref_slice %arg8[%dma_wait3A_228, %dma_wait3A_234] : memref<8x80xi32, #tpu.memory_space<vmem>> -> memref<1x80xi32, #tpu.memory_space<vmem>>
        %dma_wait3A_236 = tpu.memref_squeeze %dma_wait3A_235 : memref<1x80xi32, #tpu.memory_space<vmem>> -> memref<80xi32, #tpu.memory_space<vmem>>
        %dma_wait3A_237 = arith.constant 0 : i32
        %dma_wait3A_238 = arith.constant 0 : i32
        %dma_wait3A_239 = tpu.memref_slice %arg2[%dma_wait3A_237, %dma_wait3A_238] : memref<10000x128xf32, #tpu.memory_space<hbm>> -> memref<10000x128xf32, #tpu.memory_space<hbm>>
        tpu.wait_indirect_dma semaphore(%arg13 : memref<!tpu.dma_semaphore, #tpu.memory_space<semaphore_mem>>) src(%dma_wait3A_239 : memref<10000x128xf32, #tpu.memory_space<hbm>>) dst(%dma_wait3A_233 : memref<80x128xf32, #tpu.memory_space<vmem>>)
      } else {
      }
      %run_scoped3A_162 = arith.constant 1 : i32
      %run_scoped3A_163 = arith.constant 3 : i32
      "tpu.region"() ({
        %run_scoped3A_228 = tpu.sem_alloc : memref<!tpu.dma_semaphore, #tpu.memory_space<semaphore_mem>>
        %dma_start3A_229 = arith.constant 0 : i32
        %dma_start3A_230 = arith.constant 0 : i32
        %dma_start3A_231 = tpu.memref_slice %arg9[%run_scoped3A_162, %dma_start3A_229, %dma_start3A_230] : memref<2x80x128xf32, #tpu.memory_space<vmem>> -> memref<1x80x128xf32, #tpu.memory_space<vmem>>
        %dma_start3A_232 = tpu.memref_squeeze %dma_start3A_231 : memref<1x80x128xf32, #tpu.memory_space<vmem>> -> memref<80x128xf32, #tpu.memory_space<vmem>>
        %dma_start3A_233 = arith.constant 0 : i32
        %dma_start3A_234 = tpu.memref_slice %arg8[%run_scoped3A_163, %dma_start3A_233] : memref<8x80xi32, #tpu.memory_space<vmem>> -> memref<1x80xi32, #tpu.memory_space<vmem>>
        %dma_start3A_235 = tpu.memref_squeeze %dma_start3A_234 : memref<1x80xi32, #tpu.memory_space<vmem>> -> memref<80xi32, #tpu.memory_space<vmem>>
        %dma_start3A_236 = arith.constant 0 : i32
        %dma_start3A_237 = arith.constant 0 : i32
        %dma_start3A_238 = tpu.memref_slice %arg10[%dma_start3A_236, %dma_start3A_237] : memref<10240x128xf32, #tpu.memory_space<vmem_shared>> -> memref<10240x128xf32, #tpu.memory_space<vmem_shared>>
        tpu.enqueue_indirect_dma source(%dma_start3A_232 : memref<80x128xf32, #tpu.memory_space<vmem>>) target(%dma_start3A_238 : memref<10240x128xf32, #tpu.memory_space<vmem_shared>>) offsets(%dma_start3A_235 : memref<80xi32, #tpu.memory_space<vmem>>) semaphore(%run_scoped3A_228 : memref<!tpu.dma_semaphore, #tpu.memory_space<semaphore_mem>>) {add = true}
        %dma_wait3A_239 = arith.constant 0 : i32
        %dma_wait3A_240 = arith.constant 0 : i32
        %dma_wait3A_241 = tpu.memref_slice %arg9[%run_scoped3A_162, %dma_wait3A_239, %dma_wait3A_240] : memref<2x80x128xf32, #tpu.memory_space<vmem>> -> memref<1x80x128xf32, #tpu.memory_space<vmem>>
        %dma_wait3A_242 = tpu.memref_squeeze %dma_wait3A_241 : memref<1x80x128xf32, #tpu.memory_space<vmem>> -> memref<80x128xf32, #tpu.memory_space<vmem>>
        %dma_wait3A_243 = arith.constant 0 : i32
        %dma_wait3A_244 = tpu.memref_slice %arg8[%run_scoped3A_163, %dma_wait3A_243] : memref<8x80xi32, #tpu.memory_space<vmem>> -> memref<1x80xi32, #tpu.memory_space<vmem>>
        %dma_wait3A_245 = tpu.memref_squeeze %dma_wait3A_244 : memref<1x80xi32, #tpu.memory_space<vmem>> -> memref<80xi32, #tpu.memory_space<vmem>>
        %dma_wait3A_246 = arith.constant 0 : i32
        %dma_wait3A_247 = arith.constant 0 : i32
        %dma_wait3A_248 = tpu.memref_slice %arg10[%dma_wait3A_246, %dma_wait3A_247] : memref<10240x128xf32, #tpu.memory_space<vmem_shared>> -> memref<10240x128xf32, #tpu.memory_space<vmem_shared>>
        tpu.wait_indirect_dma semaphore(%run_scoped3A_228 : memref<!tpu.dma_semaphore, #tpu.memory_space<semaphore_mem>>) src(%dma_wait3A_242 : memref<80x128xf32, #tpu.memory_space<vmem>>) dst(%dma_wait3A_248 : memref<10240x128xf32, #tpu.memory_space<vmem_shared>>)
        tpu.yield
      }) : () -> ()
      %add3A_164 = arith.constant 2 : i32
      %add3A_165 = arith.addi %add3A_156, %add3A_164 : i32
      %lt3A_166 = arith.constant 125 : i32
      %lt3A_167 = arith.cmpi slt, %add3A_165, %lt3A_166 : i32
      %convert_element_type3A_168 = arith.extui %lt3A_167 : i1 to i32
      %cond3A_169 = arith.constant 0 : i32
      %cond3A_170 = arith.cmpi ne, %convert_element_type3A_168, %cond3A_169 : i32
      scf.if %cond3A_170 {
        %add3A_228 = arith.constant 2 : i32
        %add3A_229 = arith.addi %add3A_156, %add3A_228 : i32
        %dma_wait3A_230 = arith.constant 6 : i32
        %dma_wait3A_231 = arith.constant 0 : i32
        %dma_wait3A_232 = tpu.memref_slice %arg8[%dma_wait3A_230, %dma_wait3A_231] : memref<8x80xi32, #tpu.memory_space<vmem>> -> memref<2x80xi32, #tpu.memory_space<vmem>>
        %dma_wait3A_233 = arith.constant 0 : i32
        %dma_wait3A_234 = arith.constant 0 : i32
        %dma_wait3A_235 = tpu.memref_slice %arg3[%add3A, %add3A_229, %dma_wait3A_233, %dma_wait3A_234] : memref<32x125x2x80xi32, #tpu.memory_space<hbm>> -> memref<1x1x2x80xi32, #tpu.memory_space<hbm>>
        %dma_wait3A_236 = tpu.memref_squeeze %dma_wait3A_235 : memref<1x1x2x80xi32, #tpu.memory_space<hbm>> -> memref<2x80xi32, #tpu.memory_space<hbm>>
        %dma_wait3A_237 = arith.constant 6 : i32
        %dma_wait3A_238 = arith.constant 0 : i32
        %dma_wait3A_239 = tpu.memref_slice %arg8[%dma_wait3A_237, %dma_wait3A_238] : memref<8x80xi32, #tpu.memory_space<vmem>> -> memref<2x80xi32, #tpu.memory_space<vmem>>
        %dma_wait3A_240 = arith.constant 0 : i32
        %dma_wait3A_241 = arith.constant 0 : i32
        %dma_wait3A_242 = tpu.memref_slice %arg3[%add3A, %add3A_229, %dma_wait3A_240, %dma_wait3A_241] : memref<32x125x2x80xi32, #tpu.memory_space<hbm>> -> memref<1x1x2x80xi32, #tpu.memory_space<hbm>>
        %dma_wait3A_243 = tpu.memref_squeeze %dma_wait3A_242 : memref<1x1x2x80xi32, #tpu.memory_space<hbm>> -> memref<2x80xi32, #tpu.memory_space<hbm>>
        tpu.wait_dma2 semaphore(%arg17 : memref<!tpu.dma_semaphore, #tpu.memory_space<semaphore_mem>>) src(%dma_wait3A_243 : memref<2x80xi32, #tpu.memory_space<hbm>>) dst(%dma_wait3A_239 : memref<2x80xi32, #tpu.memory_space<vmem>>)
        %eq3A_244 = arith.constant 1 : i32
        %eq3A_245 = arith.cmpi eq, %squeeze3A, %eq3A_244 : i32
        %convert_element_type3A_246 = arith.extui %eq3A_245 : i1 to i32
        %cond3A_247 = arith.constant 0 : i32
        %cond3A_248 = arith.cmpi ne, %convert_element_type3A_246, %cond3A_247 : i32
        scf.if %cond3A_248 {
          %dma_start3A_249 = arith.constant 6 : i32
          %dma_start3A_250 = arith.constant 1 : i32
          %dma_start3A_251 = arith.constant 0 : i32
          %dma_start3A_252 = arith.constant 0 : i32
          %dma_start3A_253 = tpu.memref_slice %arg9[%dma_start3A_250, %dma_start3A_251, %dma_start3A_252] : memref<2x80x128xf32, #tpu.memory_space<vmem>> -> memref<1x80x128xf32, #tpu.memory_space<vmem>>
          %dma_start3A_254 = tpu.memref_squeeze %dma_start3A_253 : memref<1x80x128xf32, #tpu.memory_space<vmem>> -> memref<80x128xf32, #tpu.memory_space<vmem>>
          %dma_start3A_255 = arith.constant 0 : i32
          %dma_start3A_256 = tpu.memref_slice %arg8[%dma_start3A_249, %dma_start3A_255] : memref<8x80xi32, #tpu.memory_space<vmem>> -> memref<1x80xi32, #tpu.memory_space<vmem>>
          %dma_start3A_257 = tpu.memref_squeeze %dma_start3A_256 : memref<1x80xi32, #tpu.memory_space<vmem>> -> memref<80xi32, #tpu.memory_space<vmem>>
          %dma_start3A_258 = arith.constant 0 : i32
          %dma_start3A_259 = arith.constant 0 : i32
          %dma_start3A_260 = tpu.memref_slice %arg2[%dma_start3A_258, %dma_start3A_259] : memref<10000x128xf32, #tpu.memory_space<hbm>> -> memref<10000x128xf32, #tpu.memory_space<hbm>>
          tpu.enqueue_indirect_dma source(%dma_start3A_260 : memref<10000x128xf32, #tpu.memory_space<hbm>>) target(%dma_start3A_254 : memref<80x128xf32, #tpu.memory_space<vmem>>) offsets(%dma_start3A_257 : memref<80xi32, #tpu.memory_space<vmem>>) semaphore(%arg13 : memref<!tpu.dma_semaphore, #tpu.memory_space<semaphore_mem>>)
        } else {
        }
      } else {
      }
      %add3A_171 = arith.constant 4 : i32
      %add3A_172 = arith.addi %add3A_156, %add3A_171 : i32
      %lt3A_173 = arith.constant 125 : i32
      %lt3A_174 = arith.cmpi slt, %add3A_172, %lt3A_173 : i32
      %convert_element_type3A_175 = arith.extui %lt3A_174 : i1 to i32
      %cond3A_176 = arith.constant 0 : i32
      %cond3A_177 = arith.cmpi ne, %convert_element_type3A_175, %cond3A_176 : i32
      scf.if %cond3A_177 {
        %add3A_228 = arith.constant 4 : i32
        %add3A_229 = arith.addi %add3A_156, %add3A_228 : i32
        %dma_start3A_230 = arith.constant 2 : i32
        %dma_start3A_231 = arith.constant 0 : i32
        %dma_start3A_232 = tpu.memref_slice %arg8[%dma_start3A_230, %dma_start3A_231] : memref<8x80xi32, #tpu.memory_space<vmem>> -> memref<2x80xi32, #tpu.memory_space<vmem>>
        %dma_start3A_233 = arith.constant 0 : i32
        %dma_start3A_234 = arith.constant 0 : i32
        %dma_start3A_235 = tpu.memref_slice %arg3[%add3A, %add3A_229, %dma_start3A_233, %dma_start3A_234] : memref<32x125x2x80xi32, #tpu.memory_space<hbm>> -> memref<1x1x2x80xi32, #tpu.memory_space<hbm>>
        %dma_start3A_236 = tpu.memref_squeeze %dma_start3A_235 : memref<1x1x2x80xi32, #tpu.memory_space<hbm>> -> memref<2x80xi32, #tpu.memory_space<hbm>>
        %dma_start3A_237 = arith.constant 2 : i32
        %dma_start3A_238 = arith.constant 0 : i32
        %dma_start3A_239 = tpu.memref_slice %arg8[%dma_start3A_237, %dma_start3A_238] : memref<8x80xi32, #tpu.memory_space<vmem>> -> memref<2x80xi32, #tpu.memory_space<vmem>>
        %dma_start3A_240 = arith.constant 0 : i32
        %dma_start3A_241 = arith.constant 0 : i32
        %dma_start3A_242 = tpu.memref_slice %arg3[%add3A, %add3A_229, %dma_start3A_240, %dma_start3A_241] : memref<32x125x2x80xi32, #tpu.memory_space<hbm>> -> memref<1x1x2x80xi32, #tpu.memory_space<hbm>>
        %dma_start3A_243 = tpu.memref_squeeze %dma_start3A_242 : memref<1x1x2x80xi32, #tpu.memory_space<hbm>> -> memref<2x80xi32, #tpu.memory_space<hbm>>
        tpu.enqueue_dma source(%dma_start3A_243 : memref<2x80xi32, #tpu.memory_space<hbm>>) target(%dma_start3A_239 : memref<2x80xi32, #tpu.memory_space<vmem>>) target_semaphore(%arg15 : memref<!tpu.dma_semaphore, #tpu.memory_space<semaphore_mem>>)
      } else {
      }
      %mul3A_178 = arith.constant 4 : i32
      %mul3A_179 = arith.muli %mul3A_178, %scan3A_127 : i32
      %add3A_180 = arith.constant 2 : i32
      %add3A_181 = arith.addi %mul3A_179, %add3A_180 : i32
      %eq3A_182 = arith.constant 1 : i32
      %eq3A_183 = arith.cmpi eq, %squeeze3A, %eq3A_182 : i32
      %convert_element_type3A_184 = arith.extui %eq3A_183 : i1 to i32
      %cond3A_185 = arith.constant 0 : i32
      %cond3A_186 = arith.cmpi ne, %convert_element_type3A_184, %cond3A_185 : i32
      scf.if %cond3A_186 {
        %dma_wait3A_228 = arith.constant 4 : i32
        %dma_wait3A_229 = arith.constant 0 : i32
        %dma_wait3A_230 = arith.constant 0 : i32
        %dma_wait3A_231 = arith.constant 0 : i32
        %dma_wait3A_232 = tpu.memref_slice %arg9[%dma_wait3A_229, %dma_wait3A_230, %dma_wait3A_231] : memref<2x80x128xf32, #tpu.memory_space<vmem>> -> memref<1x80x128xf32, #tpu.memory_space<vmem>>
        %dma_wait3A_233 = tpu.memref_squeeze %dma_wait3A_232 : memref<1x80x128xf32, #tpu.memory_space<vmem>> -> memref<80x128xf32, #tpu.memory_space<vmem>>
        %dma_wait3A_234 = arith.constant 0 : i32
        %dma_wait3A_235 = tpu.memref_slice %arg8[%dma_wait3A_228, %dma_wait3A_234] : memref<8x80xi32, #tpu.memory_space<vmem>> -> memref<1x80xi32, #tpu.memory_space<vmem>>
        %dma_wait3A_236 = tpu.memref_squeeze %dma_wait3A_235 : memref<1x80xi32, #tpu.memory_space<vmem>> -> memref<80xi32, #tpu.memory_space<vmem>>
        %dma_wait3A_237 = arith.constant 0 : i32
        %dma_wait3A_238 = arith.constant 0 : i32
        %dma_wait3A_239 = tpu.memref_slice %arg2[%dma_wait3A_237, %dma_wait3A_238] : memref<10000x128xf32, #tpu.memory_space<hbm>> -> memref<10000x128xf32, #tpu.memory_space<hbm>>
        tpu.wait_indirect_dma semaphore(%arg12 : memref<!tpu.dma_semaphore, #tpu.memory_space<semaphore_mem>>) src(%dma_wait3A_239 : memref<10000x128xf32, #tpu.memory_space<hbm>>) dst(%dma_wait3A_233 : memref<80x128xf32, #tpu.memory_space<vmem>>)
      } else {
      }
      %run_scoped3A_187 = arith.constant 0 : i32
      %run_scoped3A_188 = arith.constant 5 : i32
      "tpu.region"() ({
        %run_scoped3A_228 = tpu.sem_alloc : memref<!tpu.dma_semaphore, #tpu.memory_space<semaphore_mem>>
        %dma_start3A_229 = arith.constant 0 : i32
        %dma_start3A_230 = arith.constant 0 : i32
        %dma_start3A_231 = tpu.memref_slice %arg9[%run_scoped3A_187, %dma_start3A_229, %dma_start3A_230] : memref<2x80x128xf32, #tpu.memory_space<vmem>> -> memref<1x80x128xf32, #tpu.memory_space<vmem>>
        %dma_start3A_232 = tpu.memref_squeeze %dma_start3A_231 : memref<1x80x128xf32, #tpu.memory_space<vmem>> -> memref<80x128xf32, #tpu.memory_space<vmem>>
        %dma_start3A_233 = arith.constant 0 : i32
        %dma_start3A_234 = tpu.memref_slice %arg8[%run_scoped3A_188, %dma_start3A_233] : memref<8x80xi32, #tpu.memory_space<vmem>> -> memref<1x80xi32, #tpu.memory_space<vmem>>
        %dma_start3A_235 = tpu.memref_squeeze %dma_start3A_234 : memref<1x80xi32, #tpu.memory_space<vmem>> -> memref<80xi32, #tpu.memory_space<vmem>>
        %dma_start3A_236 = arith.constant 0 : i32
        %dma_start3A_237 = arith.constant 0 : i32
        %dma_start3A_238 = tpu.memref_slice %arg10[%dma_start3A_236, %dma_start3A_237] : memref<10240x128xf32, #tpu.memory_space<vmem_shared>> -> memref<10240x128xf32, #tpu.memory_space<vmem_shared>>
        tpu.enqueue_indirect_dma source(%dma_start3A_232 : memref<80x128xf32, #tpu.memory_space<vmem>>) target(%dma_start3A_238 : memref<10240x128xf32, #tpu.memory_space<vmem_shared>>) offsets(%dma_start3A_235 : memref<80xi32, #tpu.memory_space<vmem>>) semaphore(%run_scoped3A_228 : memref<!tpu.dma_semaphore, #tpu.memory_space<semaphore_mem>>) {add = true}
        %dma_wait3A_239 = arith.constant 0 : i32
        %dma_wait3A_240 = arith.constant 0 : i32
        %dma_wait3A_241 = tpu.memref_slice %arg9[%run_scoped3A_187, %dma_wait3A_239, %dma_wait3A_240] : memref<2x80x128xf32, #tpu.memory_space<vmem>> -> memref<1x80x128xf32, #tpu.memory_space<vmem>>
        %dma_wait3A_242 = tpu.memref_squeeze %dma_wait3A_241 : memref<1x80x128xf32, #tpu.memory_space<vmem>> -> memref<80x128xf32, #tpu.memory_space<vmem>>
        %dma_wait3A_243 = arith.constant 0 : i32
        %dma_wait3A_244 = tpu.memref_slice %arg8[%run_scoped3A_188, %dma_wait3A_243] : memref<8x80xi32, #tpu.memory_space<vmem>> -> memref<1x80xi32, #tpu.memory_space<vmem>>
        %dma_wait3A_245 = tpu.memref_squeeze %dma_wait3A_244 : memref<1x80xi32, #tpu.memory_space<vmem>> -> memref<80xi32, #tpu.memory_space<vmem>>
        %dma_wait3A_246 = arith.constant 0 : i32
        %dma_wait3A_247 = arith.constant 0 : i32
        %dma_wait3A_248 = tpu.memref_slice %arg10[%dma_wait3A_246, %dma_wait3A_247] : memref<10240x128xf32, #tpu.memory_space<vmem_shared>> -> memref<10240x128xf32, #tpu.memory_space<vmem_shared>>
        tpu.wait_indirect_dma semaphore(%run_scoped3A_228 : memref<!tpu.dma_semaphore, #tpu.memory_space<semaphore_mem>>) src(%dma_wait3A_242 : memref<80x128xf32, #tpu.memory_space<vmem>>) dst(%dma_wait3A_248 : memref<10240x128xf32, #tpu.memory_space<vmem_shared>>)
        tpu.yield
      }) : () -> ()
      %add3A_189 = arith.constant 2 : i32
      %add3A_190 = arith.addi %add3A_181, %add3A_189 : i32
      %lt3A_191 = arith.constant 125 : i32
      %lt3A_192 = arith.cmpi slt, %add3A_190, %lt3A_191 : i32
      %convert_element_type3A_193 = arith.extui %lt3A_192 : i1 to i32
      %cond3A_194 = arith.constant 0 : i32
      %cond3A_195 = arith.cmpi ne, %convert_element_type3A_193, %cond3A_194 : i32
      scf.if %cond3A_195 {
        %add3A_228 = arith.constant 2 : i32
        %add3A_229 = arith.addi %add3A_181, %add3A_228 : i32
        %dma_wait3A_230 = arith.constant 0 : i32
        %dma_wait3A_231 = arith.constant 0 : i32
        %dma_wait3A_232 = tpu.memref_slice %arg8[%dma_wait3A_230, %dma_wait3A_231] : memref<8x80xi32, #tpu.memory_space<vmem>> -> memref<2x80xi32, #tpu.memory_space<vmem>>
        %dma_wait3A_233 = arith.constant 0 : i32
        %dma_wait3A_234 = arith.constant 0 : i32
        %dma_wait3A_235 = tpu.memref_slice %arg3[%add3A, %add3A_229, %dma_wait3A_233, %dma_wait3A_234] : memref<32x125x2x80xi32, #tpu.memory_space<hbm>> -> memref<1x1x2x80xi32, #tpu.memory_space<hbm>>
        %dma_wait3A_236 = tpu.memref_squeeze %dma_wait3A_235 : memref<1x1x2x80xi32, #tpu.memory_space<hbm>> -> memref<2x80xi32, #tpu.memory_space<hbm>>
        %dma_wait3A_237 = arith.constant 0 : i32
        %dma_wait3A_238 = arith.constant 0 : i32
        %dma_wait3A_239 = tpu.memref_slice %arg8[%dma_wait3A_237, %dma_wait3A_238] : memref<8x80xi32, #tpu.memory_space<vmem>> -> memref<2x80xi32, #tpu.memory_space<vmem>>
        %dma_wait3A_240 = arith.constant 0 : i32
        %dma_wait3A_241 = arith.constant 0 : i32
        %dma_wait3A_242 = tpu.memref_slice %arg3[%add3A, %add3A_229, %dma_wait3A_240, %dma_wait3A_241] : memref<32x125x2x80xi32, #tpu.memory_space<hbm>> -> memref<1x1x2x80xi32, #tpu.memory_space<hbm>>
        %dma_wait3A_243 = tpu.memref_squeeze %dma_wait3A_242 : memref<1x1x2x80xi32, #tpu.memory_space<hbm>> -> memref<2x80xi32, #tpu.memory_space<hbm>>
        tpu.wait_dma2 semaphore(%arg14 : memref<!tpu.dma_semaphore, #tpu.memory_space<semaphore_mem>>) src(%dma_wait3A_243 : memref<2x80xi32, #tpu.memory_space<hbm>>) dst(%dma_wait3A_239 : memref<2x80xi32, #tpu.memory_space<vmem>>)
        %eq3A_244 = arith.constant 1 : i32
        %eq3A_245 = arith.cmpi eq, %squeeze3A, %eq3A_244 : i32
        %convert_element_type3A_246 = arith.extui %eq3A_245 : i1 to i32
        %cond3A_247 = arith.constant 0 : i32
        %cond3A_248 = arith.cmpi ne, %convert_element_type3A_246, %cond3A_247 : i32
        scf.if %cond3A_248 {
          %dma_start3A_249 = arith.constant 0 : i32
          %dma_start3A_250 = arith.constant 0 : i32
          %dma_start3A_251 = arith.constant 0 : i32
          %dma_start3A_252 = arith.constant 0 : i32
          %dma_start3A_253 = tpu.memref_slice %arg9[%dma_start3A_250, %dma_start3A_251, %dma_start3A_252] : memref<2x80x128xf32, #tpu.memory_space<vmem>> -> memref<1x80x128xf32, #tpu.memory_space<vmem>>
          %dma_start3A_254 = tpu.memref_squeeze %dma_start3A_253 : memref<1x80x128xf32, #tpu.memory_space<vmem>> -> memref<80x128xf32, #tpu.memory_space<vmem>>
          %dma_start3A_255 = arith.constant 0 : i32
          %dma_start3A_256 = tpu.memref_slice %arg8[%dma_start3A_249, %dma_start3A_255] : memref<8x80xi32, #tpu.memory_space<vmem>> -> memref<1x80xi32, #tpu.memory_space<vmem>>
          %dma_start3A_257 = tpu.memref_squeeze %dma_start3A_256 : memref<1x80xi32, #tpu.memory_space<vmem>> -> memref<80xi32, #tpu.memory_space<vmem>>
          %dma_start3A_258 = arith.constant 0 : i32
          %dma_start3A_259 = arith.constant 0 : i32
          %dma_start3A_260 = tpu.memref_slice %arg2[%dma_start3A_258, %dma_start3A_259] : memref<10000x128xf32, #tpu.memory_space<hbm>> -> memref<10000x128xf32, #tpu.memory_space<hbm>>
          tpu.enqueue_indirect_dma source(%dma_start3A_260 : memref<10000x128xf32, #tpu.memory_space<hbm>>) target(%dma_start3A_254 : memref<80x128xf32, #tpu.memory_space<vmem>>) offsets(%dma_start3A_257 : memref<80xi32, #tpu.memory_space<vmem>>) semaphore(%arg12 : memref<!tpu.dma_semaphore, #tpu.memory_space<semaphore_mem>>)
        } else {
        }
      } else {
      }
      %add3A_196 = arith.constant 4 : i32
      %add3A_197 = arith.addi %add3A_181, %add3A_196 : i32
      %lt3A_198 = arith.constant 125 : i32
      %lt3A_199 = arith.cmpi slt, %add3A_197, %lt3A_198 : i32
      %convert_element_type3A_200 = arith.extui %lt3A_199 : i1 to i32
      %cond3A_201 = arith.constant 0 : i32
      %cond3A_202 = arith.cmpi ne, %convert_element_type3A_200, %cond3A_201 : i32
      scf.if %cond3A_202 {
        %add3A_228 = arith.constant 4 : i32
        %add3A_229 = arith.addi %add3A_181, %add3A_228 : i32
        %dma_start3A_230 = arith.constant 4 : i32
        %dma_start3A_231 = arith.constant 0 : i32
        %dma_start3A_232 = tpu.memref_slice %arg8[%dma_start3A_230, %dma_start3A_231] : memref<8x80xi32, #tpu.memory_space<vmem>> -> memref<2x80xi32, #tpu.memory_space<vmem>>
        %dma_start3A_233 = arith.constant 0 : i32
        %dma_start3A_234 = arith.constant 0 : i32
        %dma_start3A_235 = tpu.memref_slice %arg3[%add3A, %add3A_229, %dma_start3A_233, %dma_start3A_234] : memref<32x125x2x80xi32, #tpu.memory_space<hbm>> -> memref<1x1x2x80xi32, #tpu.memory_space<hbm>>
        %dma_start3A_236 = tpu.memref_squeeze %dma_start3A_235 : memref<1x1x2x80xi32, #tpu.memory_space<hbm>> -> memref<2x80xi32, #tpu.memory_space<hbm>>
        %dma_start3A_237 = arith.constant 4 : i32
        %dma_start3A_238 = arith.constant 0 : i32
        %dma_start3A_239 = tpu.memref_slice %arg8[%dma_start3A_237, %dma_start3A_238] : memref<8x80xi32, #tpu.memory_space<vmem>> -> memref<2x80xi32, #tpu.memory_space<vmem>>
        %dma_start3A_240 = arith.constant 0 : i32
        %dma_start3A_241 = arith.constant 0 : i32
        %dma_start3A_242 = tpu.memref_slice %arg3[%add3A, %add3A_229, %dma_start3A_240, %dma_start3A_241] : memref<32x125x2x80xi32, #tpu.memory_space<hbm>> -> memref<1x1x2x80xi32, #tpu.memory_space<hbm>>
        %dma_start3A_243 = tpu.memref_squeeze %dma_start3A_242 : memref<1x1x2x80xi32, #tpu.memory_space<hbm>> -> memref<2x80xi32, #tpu.memory_space<hbm>>
        tpu.enqueue_dma source(%dma_start3A_243 : memref<2x80xi32, #tpu.memory_space<hbm>>) target(%dma_start3A_239 : memref<2x80xi32, #tpu.memory_space<vmem>>) target_semaphore(%arg16 : memref<!tpu.dma_semaphore, #tpu.memory_space<semaphore_mem>>)
      } else {
      }
      %mul3A_203 = arith.constant 4 : i32
      %mul3A_204 = arith.muli %mul3A_203, %scan3A_127 : i32
      %add3A_205 = arith.constant 3 : i32
      %add3A_206 = arith.addi %mul3A_204, %add3A_205 : i32
      %eq3A_207 = arith.constant 1 : i32
      %eq3A_208 = arith.cmpi eq, %squeeze3A, %eq3A_207 : i32
      %convert_element_type3A_209 = arith.extui %eq3A_208 : i1 to i32
      %cond3A_210 = arith.constant 0 : i32
      %cond3A_211 = arith.cmpi ne, %convert_element_type3A_209, %cond3A_210 : i32
      scf.if %cond3A_211 {
        %dma_wait3A_228 = arith.constant 6 : i32
        %dma_wait3A_229 = arith.constant 1 : i32
        %dma_wait3A_230 = arith.constant 0 : i32
        %dma_wait3A_231 = arith.constant 0 : i32
        %dma_wait3A_232 = tpu.memref_slice %arg9[%dma_wait3A_229, %dma_wait3A_230, %dma_wait3A_231] : memref<2x80x128xf32, #tpu.memory_space<vmem>> -> memref<1x80x128xf32, #tpu.memory_space<vmem>>
        %dma_wait3A_233 = tpu.memref_squeeze %dma_wait3A_232 : memref<1x80x128xf32, #tpu.memory_space<vmem>> -> memref<80x128xf32, #tpu.memory_space<vmem>>
        %dma_wait3A_234 = arith.constant 0 : i32
        %dma_wait3A_235 = tpu.memref_slice %arg8[%dma_wait3A_228, %dma_wait3A_234] : memref<8x80xi32, #tpu.memory_space<vmem>> -> memref<1x80xi32, #tpu.memory_space<vmem>>
        %dma_wait3A_236 = tpu.memref_squeeze %dma_wait3A_235 : memref<1x80xi32, #tpu.memory_space<vmem>> -> memref<80xi32, #tpu.memory_space<vmem>>
        %dma_wait3A_237 = arith.constant 0 : i32
        %dma_wait3A_238 = arith.constant 0 : i32
        %dma_wait3A_239 = tpu.memref_slice %arg2[%dma_wait3A_237, %dma_wait3A_238] : memref<10000x128xf32, #tpu.memory_space<hbm>> -> memref<10000x128xf32, #tpu.memory_space<hbm>>
        tpu.wait_indirect_dma semaphore(%arg13 : memref<!tpu.dma_semaphore, #tpu.memory_space<semaphore_mem>>) src(%dma_wait3A_239 : memref<10000x128xf32, #tpu.memory_space<hbm>>) dst(%dma_wait3A_233 : memref<80x128xf32, #tpu.memory_space<vmem>>)
      } else {
      }
      %run_scoped3A_212 = arith.constant 1 : i32
      %run_scoped3A_213 = arith.constant 7 : i32
      "tpu.region"() ({
        %run_scoped3A_228 = tpu.sem_alloc : memref<!tpu.dma_semaphore, #tpu.memory_space<semaphore_mem>>
        %dma_start3A_229 = arith.constant 0 : i32
        %dma_start3A_230 = arith.constant 0 : i32
        %dma_start3A_231 = tpu.memref_slice %arg9[%run_scoped3A_212, %dma_start3A_229, %dma_start3A_230] : memref<2x80x128xf32, #tpu.memory_space<vmem>> -> memref<1x80x128xf32, #tpu.memory_space<vmem>>
        %dma_start3A_232 = tpu.memref_squeeze %dma_start3A_231 : memref<1x80x128xf32, #tpu.memory_space<vmem>> -> memref<80x128xf32, #tpu.memory_space<vmem>>
        %dma_start3A_233 = arith.constant 0 : i32
        %dma_start3A_234 = tpu.memref_slice %arg8[%run_scoped3A_213, %dma_start3A_233] : memref<8x80xi32, #tpu.memory_space<vmem>> -> memref<1x80xi32, #tpu.memory_space<vmem>>
        %dma_start3A_235 = tpu.memref_squeeze %dma_start3A_234 : memref<1x80xi32, #tpu.memory_space<vmem>> -> memref<80xi32, #tpu.memory_space<vmem>>
        %dma_start3A_236 = arith.constant 0 : i32
        %dma_start3A_237 = arith.constant 0 : i32
        %dma_start3A_238 = tpu.memref_slice %arg10[%dma_start3A_236, %dma_start3A_237] : memref<10240x128xf32, #tpu.memory_space<vmem_shared>> -> memref<10240x128xf32, #tpu.memory_space<vmem_shared>>
        tpu.enqueue_indirect_dma source(%dma_start3A_232 : memref<80x128xf32, #tpu.memory_space<vmem>>) target(%dma_start3A_238 : memref<10240x128xf32, #tpu.memory_space<vmem_shared>>) offsets(%dma_start3A_235 : memref<80xi32, #tpu.memory_space<vmem>>) semaphore(%run_scoped3A_228 : memref<!tpu.dma_semaphore, #tpu.memory_space<semaphore_mem>>) {add = true}
        %dma_wait3A_239 = arith.constant 0 : i32
        %dma_wait3A_240 = arith.constant 0 : i32
        %dma_wait3A_241 = tpu.memref_slice %arg9[%run_scoped3A_212, %dma_wait3A_239, %dma_wait3A_240] : memref<2x80x128xf32, #tpu.memory_space<vmem>> -> memref<1x80x128xf32, #tpu.memory_space<vmem>>
        %dma_wait3A_242 = tpu.memref_squeeze %dma_wait3A_241 : memref<1x80x128xf32, #tpu.memory_space<vmem>> -> memref<80x128xf32, #tpu.memory_space<vmem>>
        %dma_wait3A_243 = arith.constant 0 : i32
        %dma_wait3A_244 = tpu.memref_slice %arg8[%run_scoped3A_213, %dma_wait3A_243] : memref<8x80xi32, #tpu.memory_space<vmem>> -> memref<1x80xi32, #tpu.memory_space<vmem>>
        %dma_wait3A_245 = tpu.memref_squeeze %dma_wait3A_244 : memref<1x80xi32, #tpu.memory_space<vmem>> -> memref<80xi32, #tpu.memory_space<vmem>>
        %dma_wait3A_246 = arith.constant 0 : i32
        %dma_wait3A_247 = arith.constant 0 : i32
        %dma_wait3A_248 = tpu.memref_slice %arg10[%dma_wait3A_246, %dma_wait3A_247] : memref<10240x128xf32, #tpu.memory_space<vmem_shared>> -> memref<10240x128xf32, #tpu.memory_space<vmem_shared>>
        tpu.wait_indirect_dma semaphore(%run_scoped3A_228 : memref<!tpu.dma_semaphore, #tpu.memory_space<semaphore_mem>>) src(%dma_wait3A_242 : memref<80x128xf32, #tpu.memory_space<vmem>>) dst(%dma_wait3A_248 : memref<10240x128xf32, #tpu.memory_space<vmem_shared>>)
        tpu.yield
      }) : () -> ()
      %add3A_214 = arith.constant 2 : i32
      %add3A_215 = arith.addi %add3A_206, %add3A_214 : i32
      %lt3A_216 = arith.constant 125 : i32
      %lt3A_217 = arith.cmpi slt, %add3A_215, %lt3A_216 : i32
      %convert_element_type3A_218 = arith.extui %lt3A_217 : i1 to i32
      %cond3A_219 = arith.constant 0 : i32
      %cond3A_220 = arith.cmpi ne, %convert_element_type3A_218, %cond3A_219 : i32
      scf.if %cond3A_220 {
        %add3A_228 = arith.constant 2 : i32
        %add3A_229 = arith.addi %add3A_206, %add3A_228 : i32
        %dma_wait3A_230 = arith.constant 2 : i32
        %dma_wait3A_231 = arith.constant 0 : i32
        %dma_wait3A_232 = tpu.memref_slice %arg8[%dma_wait3A_230, %dma_wait3A_231] : memref<8x80xi32, #tpu.memory_space<vmem>> -> memref<2x80xi32, #tpu.memory_space<vmem>>
        %dma_wait3A_233 = arith.constant 0 : i32
        %dma_wait3A_234 = arith.constant 0 : i32
        %dma_wait3A_235 = tpu.memref_slice %arg3[%add3A, %add3A_229, %dma_wait3A_233, %dma_wait3A_234] : memref<32x125x2x80xi32, #tpu.memory_space<hbm>> -> memref<1x1x2x80xi32, #tpu.memory_space<hbm>>
        %dma_wait3A_236 = tpu.memref_squeeze %dma_wait3A_235 : memref<1x1x2x80xi32, #tpu.memory_space<hbm>> -> memref<2x80xi32, #tpu.memory_space<hbm>>
        %dma_wait3A_237 = arith.constant 2 : i32
        %dma_wait3A_238 = arith.constant 0 : i32
        %dma_wait3A_239 = tpu.memref_slice %arg8[%dma_wait3A_237, %dma_wait3A_238] : memref<8x80xi32, #tpu.memory_space<vmem>> -> memref<2x80xi32, #tpu.memory_space<vmem>>
        %dma_wait3A_240 = arith.constant 0 : i32
        %dma_wait3A_241 = arith.constant 0 : i32
        %dma_wait3A_242 = tpu.memref_slice %arg3[%add3A, %add3A_229, %dma_wait3A_240, %dma_wait3A_241] : memref<32x125x2x80xi32, #tpu.memory_space<hbm>> -> memref<1x1x2x80xi32, #tpu.memory_space<hbm>>
        %dma_wait3A_243 = tpu.memref_squeeze %dma_wait3A_242 : memref<1x1x2x80xi32, #tpu.memory_space<hbm>> -> memref<2x80xi32, #tpu.memory_space<hbm>>
        tpu.wait_dma2 semaphore(%arg15 : memref<!tpu.dma_semaphore, #tpu.memory_space<semaphore_mem>>) src(%dma_wait3A_243 : memref<2x80xi32, #tpu.memory_space<hbm>>) dst(%dma_wait3A_239 : memref<2x80xi32, #tpu.memory_space<vmem>>)
        %eq3A_244 = arith.constant 1 : i32
        %eq3A_245 = arith.cmpi eq, %squeeze3A, %eq3A_244 : i32
        %convert_element_type3A_246 = arith.extui %eq3A_245 : i1 to i32
        %cond3A_247 = arith.constant 0 : i32
        %cond3A_248 = arith.cmpi ne, %convert_element_type3A_246, %cond3A_247 : i32
        scf.if %cond3A_248 {
          %dma_start3A_249 = arith.constant 2 : i32
          %dma_start3A_250 = arith.constant 1 : i32
          %dma_start3A_251 = arith.constant 0 : i32
          %dma_start3A_252 = arith.constant 0 : i32
          %dma_start3A_253 = tpu.memref_slice %arg9[%dma_start3A_250, %dma_start3A_251, %dma_start3A_252] : memref<2x80x128xf32, #tpu.memory_space<vmem>> -> memref<1x80x128xf32, #tpu.memory_space<vmem>>
          %dma_start3A_254 = tpu.memref_squeeze %dma_start3A_253 : memref<1x80x128xf32, #tpu.memory_space<vmem>> -> memref<80x128xf32, #tpu.memory_space<vmem>>
          %dma_start3A_255 = arith.constant 0 : i32
          %dma_start3A_256 = tpu.memref_slice %arg8[%dma_start3A_249, %dma_start3A_255] : memref<8x80xi32, #tpu.memory_space<vmem>> -> memref<1x80xi32, #tpu.memory_space<vmem>>
          %dma_start3A_257 = tpu.memref_squeeze %dma_start3A_256 : memref<1x80xi32, #tpu.memory_space<vmem>> -> memref<80xi32, #tpu.memory_space<vmem>>
          %dma_start3A_258 = arith.constant 0 : i32
          %dma_start3A_259 = arith.constant 0 : i32
          %dma_start3A_260 = tpu.memref_slice %arg2[%dma_start3A_258, %dma_start3A_259] : memref<10000x128xf32, #tpu.memory_space<hbm>> -> memref<10000x128xf32, #tpu.memory_space<hbm>>
          tpu.enqueue_indirect_dma source(%dma_start3A_260 : memref<10000x128xf32, #tpu.memory_space<hbm>>) target(%dma_start3A_254 : memref<80x128xf32, #tpu.memory_space<vmem>>) offsets(%dma_start3A_257 : memref<80xi32, #tpu.memory_space<vmem>>) semaphore(%arg13 : memref<!tpu.dma_semaphore, #tpu.memory_space<semaphore_mem>>)
        } else {
        }
      } else {
      }
      %add3A_221 = arith.constant 4 : i32
      %add3A_222 = arith.addi %add3A_206, %add3A_221 : i32
      %lt3A_223 = arith.constant 125 : i32
      %lt3A_224 = arith.cmpi slt, %add3A_222, %lt3A_223 : i32
      %convert_element_type3A_225 = arith.extui %lt3A_224 : i1 to i32
      %cond3A_226 = arith.constant 0 : i32
      %cond3A_227 = arith.cmpi ne, %convert_element_type3A_225, %cond3A_226 : i32
      scf.if %cond3A_227 {
        %add3A_228 = arith.constant 4 : i32
        %add3A_229 = arith.addi %add3A_206, %add3A_228 : i32
        %dma_start3A_230 = arith.constant 6 : i32
        %dma_start3A_231 = arith.constant 0 : i32
        %dma_start3A_232 = tpu.memref_slice %arg8[%dma_start3A_230, %dma_start3A_231] : memref<8x80xi32, #tpu.memory_space<vmem>> -> memref<2x80xi32, #tpu.memory_space<vmem>>
        %dma_start3A_233 = arith.constant 0 : i32
        %dma_start3A_234 = arith.constant 0 : i32
        %dma_start3A_235 = tpu.memref_slice %arg3[%add3A, %add3A_229, %dma_start3A_233, %dma_start3A_234] : memref<32x125x2x80xi32, #tpu.memory_space<hbm>> -> memref<1x1x2x80xi32, #tpu.memory_space<hbm>>
        %dma_start3A_236 = tpu.memref_squeeze %dma_start3A_235 : memref<1x1x2x80xi32, #tpu.memory_space<hbm>> -> memref<2x80xi32, #tpu.memory_space<hbm>>
        %dma_start3A_237 = arith.constant 6 : i32
        %dma_start3A_238 = arith.constant 0 : i32
        %dma_start3A_239 = tpu.memref_slice %arg8[%dma_start3A_237, %dma_start3A_238] : memref<8x80xi32, #tpu.memory_space<vmem>> -> memref<2x80xi32, #tpu.memory_space<vmem>>
        %dma_start3A_240 = arith.constant 0 : i32
        %dma_start3A_241 = arith.constant 0 : i32
        %dma_start3A_242 = tpu.memref_slice %arg3[%add3A, %add3A_229, %dma_start3A_240, %dma_start3A_241] : memref<32x125x2x80xi32, #tpu.memory_space<hbm>> -> memref<1x1x2x80xi32, #tpu.memory_space<hbm>>
        %dma_start3A_243 = tpu.memref_squeeze %dma_start3A_242 : memref<1x1x2x80xi32, #tpu.memory_space<hbm>> -> memref<2x80xi32, #tpu.memory_space<hbm>>
        tpu.enqueue_dma source(%dma_start3A_243 : memref<2x80xi32, #tpu.memory_space<hbm>>) target(%dma_start3A_239 : memref<2x80xi32, #tpu.memory_space<vmem>>) target_semaphore(%arg17 : memref<!tpu.dma_semaphore, #tpu.memory_space<semaphore_mem>>)
      } else {
      }
    }
    %scan3A_99 = arith.constant 31 : i32
    %eq3A_100 = arith.constant 1 : i32
    %eq3A_101 = arith.cmpi eq, %squeeze3A, %eq3A_100 : i32
    %convert_element_type3A_102 = arith.extui %eq3A_101 : i1 to i32
    %cond3A_103 = arith.constant 0 : i32
    %cond3A_104 = arith.cmpi ne, %convert_element_type3A_102, %cond3A_103 : i32
    scf.if %cond3A_104 {
      %dma_wait3A_127 = arith.constant 0 : i32
      %dma_wait3A_128 = arith.constant 0 : i32
      %dma_wait3A_129 = arith.constant 0 : i32
      %dma_wait3A_130 = arith.constant 0 : i32
      %dma_wait3A_131 = tpu.memref_slice %arg9[%dma_wait3A_128, %dma_wait3A_129, %dma_wait3A_130] : memref<2x80x128xf32, #tpu.memory_space<vmem>> -> memref<1x80x128xf32, #tpu.memory_space<vmem>>
      %dma_wait3A_132 = tpu.memref_squeeze %dma_wait3A_131 : memref<1x80x128xf32, #tpu.memory_space<vmem>> -> memref<80x128xf32, #tpu.memory_space<vmem>>
      %dma_wait3A_133 = arith.constant 0 : i32
      %dma_wait3A_134 = tpu.memref_slice %arg8[%dma_wait3A_127, %dma_wait3A_133] : memref<8x80xi32, #tpu.memory_space<vmem>> -> memref<1x80xi32, #tpu.memory_space<vmem>>
      %dma_wait3A_135 = tpu.memref_squeeze %dma_wait3A_134 : memref<1x80xi32, #tpu.memory_space<vmem>> -> memref<80xi32, #tpu.memory_space<vmem>>
      %dma_wait3A_136 = arith.constant 0 : i32
      %dma_wait3A_137 = arith.constant 0 : i32
      %dma_wait3A_138 = tpu.memref_slice %arg2[%dma_wait3A_136, %dma_wait3A_137] : memref<10000x128xf32, #tpu.memory_space<hbm>> -> memref<10000x128xf32, #tpu.memory_space<hbm>>
      tpu.wait_indirect_dma semaphore(%arg12 : memref<!tpu.dma_semaphore, #tpu.memory_space<semaphore_mem>>) src(%dma_wait3A_138 : memref<10000x128xf32, #tpu.memory_space<hbm>>) dst(%dma_wait3A_132 : memref<80x128xf32, #tpu.memory_space<vmem>>)
    } else {
    }
    %run_scoped3A = arith.constant 0 : i32
    %run_scoped3A_105 = arith.constant 1 : i32
    "tpu.region"() ({
      %run_scoped3A_127 = tpu.sem_alloc : memref<!tpu.dma_semaphore, #tpu.memory_space<semaphore_mem>>
      %dma_start3A_128 = arith.constant 0 : i32
      %dma_start3A_129 = arith.constant 0 : i32
      %dma_start3A_130 = tpu.memref_slice %arg9[%run_scoped3A, %dma_start3A_128, %dma_start3A_129] : memref<2x80x128xf32, #tpu.memory_space<vmem>> -> memref<1x80x128xf32, #tpu.memory_space<vmem>>
      %dma_start3A_131 = tpu.memref_squeeze %dma_start3A_130 : memref<1x80x128xf32, #tpu.memory_space<vmem>> -> memref<80x128xf32, #tpu.memory_space<vmem>>
      %dma_start3A_132 = arith.constant 0 : i32
      %dma_start3A_133 = tpu.memref_slice %arg8[%run_scoped3A_105, %dma_start3A_132] : memref<8x80xi32, #tpu.memory_space<vmem>> -> memref<1x80xi32, #tpu.memory_space<vmem>>
      %dma_start3A_134 = tpu.memref_squeeze %dma_start3A_133 : memref<1x80xi32, #tpu.memory_space<vmem>> -> memref<80xi32, #tpu.memory_space<vmem>>
      %dma_start3A_135 = arith.constant 0 : i32
      %dma_start3A_136 = arith.constant 0 : i32
      %dma_start3A_137 = tpu.memref_slice %arg10[%dma_start3A_135, %dma_start3A_136] : memref<10240x128xf32, #tpu.memory_space<vmem_shared>> -> memref<10240x128xf32, #tpu.memory_space<vmem_shared>>
      tpu.enqueue_indirect_dma source(%dma_start3A_131 : memref<80x128xf32, #tpu.memory_space<vmem>>) target(%dma_start3A_137 : memref<10240x128xf32, #tpu.memory_space<vmem_shared>>) offsets(%dma_start3A_134 : memref<80xi32, #tpu.memory_space<vmem>>) semaphore(%run_scoped3A_127 : memref<!tpu.dma_semaphore, #tpu.memory_space<semaphore_mem>>) {add = true}
      %dma_wait3A_138 = arith.constant 0 : i32
      %dma_wait3A_139 = arith.constant 0 : i32
      %dma_wait3A_140 = tpu.memref_slice %arg9[%run_scoped3A, %dma_wait3A_138, %dma_wait3A_139] : memref<2x80x128xf32, #tpu.memory_space<vmem>> -> memref<1x80x128xf32, #tpu.memory_space<vmem>>
      %dma_wait3A_141 = tpu.memref_squeeze %dma_wait3A_140 : memref<1x80x128xf32, #tpu.memory_space<vmem>> -> memref<80x128xf32, #tpu.memory_space<vmem>>
      %dma_wait3A_142 = arith.constant 0 : i32
      %dma_wait3A_143 = tpu.memref_slice %arg8[%run_scoped3A_105, %dma_wait3A_142] : memref<8x80xi32, #tpu.memory_space<vmem>> -> memref<1x80xi32, #tpu.memory_space<vmem>>
      %dma_wait3A_144 = tpu.memref_squeeze %dma_wait3A_143 : memref<1x80xi32, #tpu.memory_space<vmem>> -> memref<80xi32, #tpu.memory_space<vmem>>
      %dma_wait3A_145 = arith.constant 0 : i32
      %dma_wait3A_146 = arith.constant 0 : i32
      %dma_wait3A_147 = tpu.memref_slice %arg10[%dma_wait3A_145, %dma_wait3A_146] : memref<10240x128xf32, #tpu.memory_space<vmem_shared>> -> memref<10240x128xf32, #tpu.memory_space<vmem_shared>>
      tpu.wait_indirect_dma semaphore(%run_scoped3A_127 : memref<!tpu.dma_semaphore, #tpu.memory_space<semaphore_mem>>) src(%dma_wait3A_141 : memref<80x128xf32, #tpu.memory_space<vmem>>) dst(%dma_wait3A_147 : memref<10240x128xf32, #tpu.memory_space<vmem_shared>>)
      tpu.yield
    }) : () -> ()
    %add3A_106 = arith.constant 124 : i32
    %add3A_107 = arith.constant 2 : i32
    %add3A_108 = arith.addi %add3A_106, %add3A_107 : i32
    %lt3A = arith.constant 125 : i32
    %lt3A_109 = arith.cmpi slt, %add3A_108, %lt3A : i32
    %convert_element_type3A_110 = arith.extui %lt3A_109 : i1 to i32
    %cond3A_111 = arith.constant 124 : i32
    %cond3A_112 = arith.constant 0 : i32
    %cond3A_113 = arith.cmpi ne, %convert_element_type3A_110, %cond3A_112 : i32
    scf.if %cond3A_113 {
      %add3A_127 = arith.constant 2 : i32
      %add3A_128 = arith.addi %cond3A_111, %add3A_127 : i32
      %dma_wait3A_129 = arith.constant 4 : i32
      %dma_wait3A_130 = arith.constant 0 : i32
      %dma_wait3A_131 = tpu.memref_slice %arg8[%dma_wait3A_129, %dma_wait3A_130] : memref<8x80xi32, #tpu.memory_space<vmem>> -> memref<2x80xi32, #tpu.memory_space<vmem>>
      %dma_wait3A_132 = arith.constant 0 : i32
      %dma_wait3A_133 = arith.constant 0 : i32
      %dma_wait3A_134 = tpu.memref_slice %arg3[%add3A, %add3A_128, %dma_wait3A_132, %dma_wait3A_133] : memref<32x125x2x80xi32, #tpu.memory_space<hbm>> -> memref<1x1x2x80xi32, #tpu.memory_space<hbm>>
      %dma_wait3A_135 = tpu.memref_squeeze %dma_wait3A_134 : memref<1x1x2x80xi32, #tpu.memory_space<hbm>> -> memref<2x80xi32, #tpu.memory_space<hbm>>
      %dma_wait3A_136 = arith.constant 4 : i32
      %dma_wait3A_137 = arith.constant 0 : i32
      %dma_wait3A_138 = tpu.memref_slice %arg8[%dma_wait3A_136, %dma_wait3A_137] : memref<8x80xi32, #tpu.memory_space<vmem>> -> memref<2x80xi32, #tpu.memory_space<vmem>>
      %dma_wait3A_139 = arith.constant 0 : i32
      %dma_wait3A_140 = arith.constant 0 : i32
      %dma_wait3A_141 = tpu.memref_slice %arg3[%add3A, %add3A_128, %dma_wait3A_139, %dma_wait3A_140] : memref<32x125x2x80xi32, #tpu.memory_space<hbm>> -> memref<1x1x2x80xi32, #tpu.memory_space<hbm>>
      %dma_wait3A_142 = tpu.memref_squeeze %dma_wait3A_141 : memref<1x1x2x80xi32, #tpu.memory_space<hbm>> -> memref<2x80xi32, #tpu.memory_space<hbm>>
      tpu.wait_dma2 semaphore(%arg16 : memref<!tpu.dma_semaphore, #tpu.memory_space<semaphore_mem>>) src(%dma_wait3A_142 : memref<2x80xi32, #tpu.memory_space<hbm>>) dst(%dma_wait3A_138 : memref<2x80xi32, #tpu.memory_space<vmem>>)
      %eq3A_143 = arith.constant 1 : i32
      %eq3A_144 = arith.cmpi eq, %squeeze3A, %eq3A_143 : i32
      %convert_element_type3A_145 = arith.extui %eq3A_144 : i1 to i32
      %cond3A_146 = arith.constant 0 : i32
      %cond3A_147 = arith.cmpi ne, %convert_element_type3A_145, %cond3A_146 : i32
      scf.if %cond3A_147 {
        %dma_start3A_148 = arith.constant 4 : i32
        %dma_start3A_149 = arith.constant 0 : i32
        %dma_start3A_150 = arith.constant 0 : i32
        %dma_start3A_151 = arith.constant 0 : i32
        %dma_start3A_152 = tpu.memref_slice %arg9[%dma_start3A_149, %dma_start3A_150, %dma_start3A_151] : memref<2x80x128xf32, #tpu.memory_space<vmem>> -> memref<1x80x128xf32, #tpu.memory_space<vmem>>
        %dma_start3A_153 = tpu.memref_squeeze %dma_start3A_152 : memref<1x80x128xf32, #tpu.memory_space<vmem>> -> memref<80x128xf32, #tpu.memory_space<vmem>>
        %dma_start3A_154 = arith.constant 0 : i32
        %dma_start3A_155 = tpu.memref_slice %arg8[%dma_start3A_148, %dma_start3A_154] : memref<8x80xi32, #tpu.memory_space<vmem>> -> memref<1x80xi32, #tpu.memory_space<vmem>>
        %dma_start3A_156 = tpu.memref_squeeze %dma_start3A_155 : memref<1x80xi32, #tpu.memory_space<vmem>> -> memref<80xi32, #tpu.memory_space<vmem>>
        %dma_start3A_157 = arith.constant 0 : i32
        %dma_start3A_158 = arith.constant 0 : i32
        %dma_start3A_159 = tpu.memref_slice %arg2[%dma_start3A_157, %dma_start3A_158] : memref<10000x128xf32, #tpu.memory_space<hbm>> -> memref<10000x128xf32, #tpu.memory_space<hbm>>
        tpu.enqueue_indirect_dma source(%dma_start3A_159 : memref<10000x128xf32, #tpu.memory_space<hbm>>) target(%dma_start3A_153 : memref<80x128xf32, #tpu.memory_space<vmem>>) offsets(%dma_start3A_156 : memref<80xi32, #tpu.memory_space<vmem>>) semaphore(%arg12 : memref<!tpu.dma_semaphore, #tpu.memory_space<semaphore_mem>>)
      } else {
      }
    } else {
    }
    %add3A_114 = arith.constant 124 : i32
    %add3A_115 = arith.constant 4 : i32
    %add3A_116 = arith.addi %add3A_114, %add3A_115 : i32
    %lt3A_117 = arith.constant 125 : i32
    %lt3A_118 = arith.cmpi slt, %add3A_116, %lt3A_117 : i32
    %convert_element_type3A_119 = arith.extui %lt3A_118 : i1 to i32
    %cond3A_120 = arith.constant 124 : i32
    %cond3A_121 = arith.constant 0 : i32
    %cond3A_122 = arith.cmpi ne, %convert_element_type3A_119, %cond3A_121 : i32
    scf.if %cond3A_122 {
      %add3A_127 = arith.constant 4 : i32
      %add3A_128 = arith.addi %cond3A_120, %add3A_127 : i32
      %dma_start3A_129 = arith.constant 0 : i32
      %dma_start3A_130 = arith.constant 0 : i32
      %dma_start3A_131 = tpu.memref_slice %arg8[%dma_start3A_129, %dma_start3A_130] : memref<8x80xi32, #tpu.memory_space<vmem>> -> memref<2x80xi32, #tpu.memory_space<vmem>>
      %dma_start3A_132 = arith.constant 0 : i32
      %dma_start3A_133 = arith.constant 0 : i32
      %dma_start3A_134 = tpu.memref_slice %arg3[%add3A, %add3A_128, %dma_start3A_132, %dma_start3A_133] : memref<32x125x2x80xi32, #tpu.memory_space<hbm>> -> memref<1x1x2x80xi32, #tpu.memory_space<hbm>>
      %dma_start3A_135 = tpu.memref_squeeze %dma_start3A_134 : memref<1x1x2x80xi32, #tpu.memory_space<hbm>> -> memref<2x80xi32, #tpu.memory_space<hbm>>
      %dma_start3A_136 = arith.constant 0 : i32
      %dma_start3A_137 = arith.constant 0 : i32
      %dma_start3A_138 = tpu.memref_slice %arg8[%dma_start3A_136, %dma_start3A_137] : memref<8x80xi32, #tpu.memory_space<vmem>> -> memref<2x80xi32, #tpu.memory_space<vmem>>
      %dma_start3A_139 = arith.constant 0 : i32
      %dma_start3A_140 = arith.constant 0 : i32
      %dma_start3A_141 = tpu.memref_slice %arg3[%add3A, %add3A_128, %dma_start3A_139, %dma_start3A_140] : memref<32x125x2x80xi32, #tpu.memory_space<hbm>> -> memref<1x1x2x80xi32, #tpu.memory_space<hbm>>
      %dma_start3A_142 = tpu.memref_squeeze %dma_start3A_141 : memref<1x1x2x80xi32, #tpu.memory_space<hbm>> -> memref<2x80xi32, #tpu.memory_space<hbm>>
      tpu.enqueue_dma source(%dma_start3A_142 : memref<2x80xi32, #tpu.memory_space<hbm>>) target(%dma_start3A_138 : memref<2x80xi32, #tpu.memory_space<vmem>>) target_semaphore(%arg14 : memref<!tpu.dma_semaphore, #tpu.memory_space<semaphore_mem>>)
    } else {
    }
    %barrier3A_123 = arith.constant 0 : index
    tpu.barrier barrier_id(%barrier3A_123)
    %mul3A_124 = arith.constant 10240 : i32
    %mul3A_125 = arith.muli %arg0, %mul3A_124 : i32
    %add3A_126 = arith.addi %mul3A_125, %mul3A_2 : i32
    "tpu.region"() ({
      %run_scoped3A_127 = tpu.sem_alloc : memref<!tpu.dma_semaphore, #tpu.memory_space<semaphore_mem>>
      %dma_start3A_128 = arith.constant 0 : i32
      %dma_start3A_129 = tpu.memref_slice %arg7[%add3A_126, %dma_start3A_128] : memref<20480x128xf32, #tpu.memory_space<hbm>> -> memref<640x128xf32, #tpu.memory_space<hbm>>
      %dma_start3A_130 = arith.constant 0 : i32
      %dma_start3A_131 = tpu.memref_slice %arg10[%mul3A_2, %dma_start3A_130] : memref<10240x128xf32, #tpu.memory_space<vmem_shared>> -> memref<640x128xf32, #tpu.memory_space<vmem_shared>>
      tpu.enqueue_dma source(%dma_start3A_131 : memref<640x128xf32, #tpu.memory_space<vmem_shared>>) target(%dma_start3A_129 : memref<640x128xf32, #tpu.memory_space<hbm>>) target_semaphore(%run_scoped3A_127 : memref<!tpu.dma_semaphore, #tpu.memory_space<semaphore_mem>>)
      %dma_wait3A_132 = arith.constant 0 : i32
      %dma_wait3A_133 = tpu.memref_slice %arg7[%add3A_126, %dma_wait3A_132] : memref<20480x128xf32, #tpu.memory_space<hbm>> -> memref<640x128xf32, #tpu.memory_space<hbm>>
      %dma_wait3A_134 = arith.constant 0 : i32
      %dma_wait3A_135 = tpu.memref_slice %arg10[%mul3A_2, %dma_wait3A_134] : memref<10240x128xf32, #tpu.memory_space<vmem_shared>> -> memref<640x128xf32, #tpu.memory_space<vmem_shared>>
      tpu.wait_dma2 semaphore(%run_scoped3A_127 : memref<!tpu.dma_semaphore, #tpu.memory_space<semaphore_mem>>) src(%dma_wait3A_135 : memref<640x128xf32, #tpu.memory_space<vmem_shared>>) dst(%dma_wait3A_133 : memref<640x128xf32, #tpu.memory_space<hbm>>)
      tpu.yield
    }) : () -> ()
    return
  }
}

module attributes {stable_mosaic.version = 14 : i64} {
  func.func @_xw_body(%arg0: i32, %arg1: memref<1000x128xf32, #tpu.memory_space<vmem>>, %arg2: memref<128x128xf32, #tpu.memory_space<vmem>>, %arg3: memref<1x128xf32, #tpu.memory_space<vmem>>, %arg4: memref<1000x128xf32, #tpu.memory_space<vmem>>) attributes {dimension_semantics = [#tpu.dimension_semantics<arbitrary>], iteration_bounds = array<i64: 10>, scalar_prefetch = 0 : i64, scratch_operands = 0 : i64, tpu.core_type = #tpu.core_type<tc>, window_params = [{transform_indices = @transform_0, window_bounds = array<i64: 1000, 128>}, {pipeline_mode = #tpu.pipeline_mode<synchronous>, transform_indices = @transform_1, window_bounds = array<i64: 128, 128>}, {pipeline_mode = #tpu.pipeline_mode<synchronous>, transform_indices = @transform_2, window_bounds = array<i64: 1, 128>}, {transform_indices = @transform_3, window_bounds = array<i64: 1000, 128>}]} {
    %get3A = arith.constant 0 : index
    %get3A_0 = arith.constant 0 : index
    %get3A_1 = vector.load %arg1[%get3A, %get3A_0] : memref<1000x128xf32, #tpu.memory_space<vmem>>, vector<1000x128xf32>
    %get3A_2 = arith.constant 0 : index
    %get3A_3 = arith.constant 0 : index
    %get3A_4 = vector.load %arg2[%get3A_2, %get3A_3] : memref<128x128xf32, #tpu.memory_space<vmem>>, vector<128x128xf32>
    %dot_general3A = arith.constant dense<0.000000e+00> : vector<1000x128xf32>
    %dot_general3A_5 = tpu.matmul %get3A_1, %get3A_4, %dot_general3A {dimension_numbers = #tpu.dot_dimension_numbers<[1], [1], [0], [0], [0, 0, 1, 0], [], []>, precision = #tpu.contract_precision<fp32>, transpose_lhs_hint = false} : vector<1000x128xf32>, vector<128x128xf32>, vector<1000x128xf32> -> vector<1000x128xf32>
    %get3A_6 = arith.constant 0 : index
    %get3A_7 = arith.constant 0 : index
    %get3A_8 = vector.load %arg3[%get3A_6, %get3A_7] : memref<1x128xf32, #tpu.memory_space<vmem>>, vector<1x128xf32>
    %add3A = vector.broadcast %get3A_8 : vector<1x128xf32> to vector<1000x128xf32>
    %add3A_9 = arith.addf %dot_general3A_5, %add3A : vector<1000x128xf32>
    %swap3A = arith.constant 0 : index
    %swap3A_10 = arith.constant 0 : index
    %swap3A_11 = vector.load %arg4[%swap3A, %swap3A_10] : memref<1000x128xf32, #tpu.memory_space<vmem>>, vector<1000x128xf32>
    tpu.vector_store %arg4[%swap3A, %swap3A_10], %add3A_9 {strides = array<i32>} : memref<1000x128xf32, #tpu.memory_space<vmem>>, vector<1000x128xf32>,
    return
  }
  func.func @transform_0(%arg0: i32) -> (i32, i32) {
    %c0_i32 = arith.constant 0 : i32
    %c0_i32_0 = arith.constant 0 : i32
    return %arg0, %c0_i32 : i32, i32
  }
  func.func @transform_1(%arg0: i32) -> (i32, i32) {
    %c0_i32 = arith.constant 0 : i32
    %c0_i32_0 = arith.constant 0 : i32
    %c0_i32_1 = arith.constant 0 : i32
    return %c0_i32, %c0_i32_0 : i32, i32
  }
  func.func @transform_2(%arg0: i32) -> (i32, i32) {
    %c0_i32 = arith.constant 0 : i32
    %c0_i32_0 = arith.constant 0 : i32
    %c0_i32_1 = arith.constant 0 : i32
    return %c0_i32, %c0_i32_0 : i32, i32
  }
  func.func @transform_3(%arg0: i32) -> (i32, i32) {
    %c0_i32 = arith.constant 0 : i32
    %c0_i32_0 = arith.constant 0 : i32
    return %arg0, %c0_i32 : i32, i32
  }
}

module attributes {stable_mosaic.version = 14 : i64} {
  func.func @_layer1_body(%arg0: i32, %arg1: memref<2x1000x128xf32, #tpu.memory_space<vmem>>, %arg2: memref<2x1000x128xf32, #tpu.memory_space<vmem>>, %arg3: memref<1000x128xf32, #tpu.memory_space<vmem>>, %arg4: memref<128x128xf32, #tpu.memory_space<vmem>>, %arg5: memref<1000x128xf32, #tpu.memory_space<vmem>>, %arg6: memref<1000x1xf32, #tpu.memory_space<vmem>>) attributes {dimension_semantics = [#tpu.dimension_semantics<arbitrary>], iteration_bounds = array<i64: 10>, scalar_prefetch = 0 : i64, scratch_operands = 0 : i64, tpu.core_type = #tpu.core_type<tc>, window_params = [{transform_indices = @transform_0, window_bounds = array<i64: 2, 1000, 128>}, {transform_indices = @transform_1, window_bounds = array<i64: 2, 1000, 128>}, {transform_indices = @transform_2, window_bounds = array<i64: 1000, 128>}, {pipeline_mode = #tpu.pipeline_mode<synchronous>, transform_indices = @transform_3, window_bounds = array<i64: 128, 128>}, {transform_indices = @transform_4, window_bounds = array<i64: 1000, 128>}, {transform_indices = @transform_5, window_bounds = array<i64: 1000, 1>}]} {
    %get3A = arith.constant 0 : index
    %get3A_0 = arith.constant 0 : index
    %get3A_1 = arith.constant 0 : index
    %get3A_2 = vector.load %arg1[%get3A, %get3A_0, %get3A_1] : memref<2x1000x128xf32, #tpu.memory_space<vmem>>, vector<1x1000x128xf32>
    %get3A_3 = vector.shape_cast %get3A_2 : vector<1x1000x128xf32> to vector<1000x128xf32>
    %get3A_4 = arith.constant 1 : index
    %get3A_5 = arith.constant 0 : index
    %get3A_6 = arith.constant 0 : index
    %get3A_7 = vector.load %arg1[%get3A_4, %get3A_5, %get3A_6] : memref<2x1000x128xf32, #tpu.memory_space<vmem>>, vector<1x1000x128xf32>
    %get3A_8 = vector.shape_cast %get3A_7 : vector<1x1000x128xf32> to vector<1000x128xf32>
    %add3A = arith.addf %get3A_3, %get3A_8 : vector<1000x128xf32>
    %get3A_9 = arith.constant 0 : index
    %get3A_10 = arith.constant 0 : index
    %get3A_11 = arith.constant 0 : index
    %get3A_12 = vector.load %arg2[%get3A_9, %get3A_10, %get3A_11] : memref<2x1000x128xf32, #tpu.memory_space<vmem>>, vector<1x1000x128xf32>
    %get3A_13 = vector.shape_cast %get3A_12 : vector<1x1000x128xf32> to vector<1000x128xf32>
    %get3A_14 = arith.constant 1 : index
    %get3A_15 = arith.constant 0 : index
    %get3A_16 = arith.constant 0 : index
    %get3A_17 = vector.load %arg2[%get3A_14, %get3A_15, %get3A_16] : memref<2x1000x128xf32, #tpu.memory_space<vmem>>, vector<1x1000x128xf32>
    %get3A_18 = vector.shape_cast %get3A_17 : vector<1x1000x128xf32> to vector<1000x128xf32>
    %add3A_19 = arith.addf %get3A_13, %get3A_18 : vector<1000x128xf32>
    %slice3A = vector.extract_strided_slice %add3A_19 {offsets = [0, 0], sizes = [1000, 1], strides = [1, 1]} : vector<1000x128xf32> to vector<1000x1xf32>
    %max3A = arith.constant 1.000000e+00 : f32
    %max3A_20 = vector.broadcast %max3A : f32 to vector<1000x1xf32>
    %max3A_21 = arith.maximumf %slice3A, %max3A_20 : vector<1000x1xf32>
    %div3A = vector.broadcast %max3A_21 : vector<1000x1xf32> to vector<1000x128xf32>
    %div3A_22 = arith.divf %add3A, %div3A : vector<1000x128xf32>
    %get3A_23 = arith.constant 0 : index
    %get3A_24 = arith.constant 0 : index
    %get3A_25 = vector.load %arg4[%get3A_23, %get3A_24] : memref<128x128xf32, #tpu.memory_space<vmem>>, vector<128x128xf32>
    %dot_general3A = arith.constant dense<0.000000e+00> : vector<1000x128xf32>
    %dot_general3A_26 = tpu.matmul %div3A_22, %get3A_25, %dot_general3A {dimension_numbers = #tpu.dot_dimension_numbers<[1], [1], [0], [0], [0, 0, 1, 0], [], []>, precision = #tpu.contract_precision<fp32>, transpose_lhs_hint = false} : vector<1000x128xf32>, vector<128x128xf32>, vector<1000x128xf32> -> vector<1000x128xf32>
    %get3A_27 = arith.constant 0 : index
    %get3A_28 = arith.constant 0 : index
    %get3A_29 = vector.load %arg3[%get3A_27, %get3A_28] : memref<1000x128xf32, #tpu.memory_space<vmem>>, vector<1000x128xf32>
    %add3A_30 = arith.addf %dot_general3A_26, %get3A_29 : vector<1000x128xf32>
    %ge3A = arith.constant 0.000000e+00 : f32
    %ge3A_31 = vector.broadcast %ge3A : f32 to vector<1000x128xf32>
    %ge3A_32 = arith.cmpf oge, %add3A_30, %ge3A_31 : vector<1000x128xf32>
    %mul3A = arith.constant 0.00999999977 : f32
    %mul3A_33 = vector.broadcast %mul3A : f32 to vector<1000x128xf32>
    %mul3A_34 = arith.mulf %mul3A_33, %add3A_30 : vector<1000x128xf32>
    %select_n3A = arith.select %ge3A_32, %add3A_30, %mul3A_34 : vector<1000x128xi1>, vector<1000x128xf32>
    %swap3A = arith.constant 0 : index
    %swap3A_35 = arith.constant 0 : index
    %swap3A_36 = vector.load %arg5[%swap3A, %swap3A_35] : memref<1000x128xf32, #tpu.memory_space<vmem>>, vector<1000x128xf32>
    tpu.vector_store %arg5[%swap3A, %swap3A_35], %select_n3A {strides = array<i32>} : memref<1000x128xf32, #tpu.memory_space<vmem>>, vector<1000x128xf32>,
    %swap3A_37 = arith.constant 0 : index
    %swap3A_38 = arith.constant 0 : index
    %swap3A_39 = vector.load %arg6[%swap3A_37, %swap3A_38] : memref<1000x1xf32, #tpu.memory_space<vmem>>, vector<1000x1xf32>
    tpu.vector_store %arg6[%swap3A_37, %swap3A_38], %slice3A {strides = array<i32>} : memref<1000x1xf32, #tpu.memory_space<vmem>>, vector<1000x1xf32>,
    return
  }
  func.func @transform_0(%arg0: i32) -> (i32, i32, i32) {
    %c0_i32 = arith.constant 0 : i32
    %c0_i32_0 = arith.constant 0 : i32
    %c0_i32_1 = arith.constant 0 : i32
    return %c0_i32, %arg0, %c0_i32_0 : i32, i32, i32
  }
  func.func @transform_1(%arg0: i32) -> (i32, i32, i32) {
    %c0_i32 = arith.constant 0 : i32
    %c0_i32_0 = arith.constant 0 : i32
    %c0_i32_1 = arith.constant 0 : i32
    return %c0_i32, %arg0, %c0_i32_0 : i32, i32, i32
  }
  func.func @transform_2(%arg0: i32) -> (i32, i32) {
    %c0_i32 = arith.constant 0 : i32
    %c0_i32_0 = arith.constant 0 : i32
    return %arg0, %c0_i32 : i32, i32
  }
  func.func @transform_3(%arg0: i32) -> (i32, i32) {
    %c0_i32 = arith.constant 0 : i32
    %c0_i32_0 = arith.constant 0 : i32
    %c0_i32_1 = arith.constant 0 : i32
    return %c0_i32, %c0_i32_0 : i32, i32
  }
  func.func @transform_4(%arg0: i32) -> (i32, i32) {
    %c0_i32 = arith.constant 0 : i32
    %c0_i32_0 = arith.constant 0 : i32
    return %arg0, %c0_i32 : i32, i32
  }
  func.func @transform_5(%arg0: i32) -> (i32, i32) {
    %c0_i32 = arith.constant 0 : i32
    %c0_i32_0 = arith.constant 0 : i32
    return %arg0, %c0_i32 : i32, i32
  }
}

module attributes {stable_mosaic.version = 14 : i64} {
  func.func @_layer2_body(%arg0: i32, %arg1: memref<2x1000x128xf32, #tpu.memory_space<vmem>>, %arg2: memref<1000x1xf32, #tpu.memory_space<vmem>>, %arg3: memref<1000x128xf32, #tpu.memory_space<vmem>>, %arg4: memref<128x128xf32, #tpu.memory_space<vmem>>, %arg5: memref<1000x128xf32, #tpu.memory_space<vmem>>) attributes {dimension_semantics = [#tpu.dimension_semantics<arbitrary>], iteration_bounds = array<i64: 10>, scalar_prefetch = 0 : i64, scratch_operands = 0 : i64, tpu.core_type = #tpu.core_type<tc>, window_params = [{transform_indices = @transform_0, window_bounds = array<i64: 2, 1000, 128>}, {transform_indices = @transform_1, window_bounds = array<i64: 1000, 1>}, {transform_indices = @transform_2, window_bounds = array<i64: 1000, 128>}, {pipeline_mode = #tpu.pipeline_mode<synchronous>, transform_indices = @transform_3, window_bounds = array<i64: 128, 128>}, {transform_indices = @transform_4, window_bounds = array<i64: 1000, 128>}]} {
    %get3A = arith.constant 0 : index
    %get3A_0 = arith.constant 0 : index
    %get3A_1 = arith.constant 0 : index
    %get3A_2 = vector.load %arg1[%get3A, %get3A_0, %get3A_1] : memref<2x1000x128xf32, #tpu.memory_space<vmem>>, vector<1x1000x128xf32>
    %get3A_3 = vector.shape_cast %get3A_2 : vector<1x1000x128xf32> to vector<1000x128xf32>
    %get3A_4 = arith.constant 1 : index
    %get3A_5 = arith.constant 0 : index
    %get3A_6 = arith.constant 0 : index
    %get3A_7 = vector.load %arg1[%get3A_4, %get3A_5, %get3A_6] : memref<2x1000x128xf32, #tpu.memory_space<vmem>>, vector<1x1000x128xf32>
    %get3A_8 = vector.shape_cast %get3A_7 : vector<1x1000x128xf32> to vector<1000x128xf32>
    %add3A = arith.addf %get3A_3, %get3A_8 : vector<1000x128xf32>
    %get3A_9 = arith.constant 0 : index
    %get3A_10 = arith.constant 0 : index
    %get3A_11 = vector.load %arg2[%get3A_9, %get3A_10] : memref<1000x1xf32, #tpu.memory_space<vmem>>, vector<1000x1xf32>
    %max3A = arith.constant 1.000000e+00 : f32
    %max3A_12 = vector.broadcast %max3A : f32 to vector<1000x1xf32>
    %max3A_13 = arith.maximumf %get3A_11, %max3A_12 : vector<1000x1xf32>
    %div3A = vector.broadcast %max3A_13 : vector<1000x1xf32> to vector<1000x128xf32>
    %div3A_14 = arith.divf %add3A, %div3A : vector<1000x128xf32>
    %get3A_15 = arith.constant 0 : index
    %get3A_16 = arith.constant 0 : index
    %get3A_17 = vector.load %arg4[%get3A_15, %get3A_16] : memref<128x128xf32, #tpu.memory_space<vmem>>, vector<128x128xf32>
    %dot_general3A = arith.constant dense<0.000000e+00> : vector<1000x128xf32>
    %dot_general3A_18 = tpu.matmul %div3A_14, %get3A_17, %dot_general3A {dimension_numbers = #tpu.dot_dimension_numbers<[1], [1], [0], [0], [0, 0, 1, 0], [], []>, precision = #tpu.contract_precision<fp32>, transpose_lhs_hint = false} : vector<1000x128xf32>, vector<128x128xf32>, vector<1000x128xf32> -> vector<1000x128xf32>
    %get3A_19 = arith.constant 0 : index
    %get3A_20 = arith.constant 0 : index
    %get3A_21 = vector.load %arg3[%get3A_19, %get3A_20] : memref<1000x128xf32, #tpu.memory_space<vmem>>, vector<1000x128xf32>
    %add3A_22 = arith.addf %dot_general3A_18, %get3A_21 : vector<1000x128xf32>
    %swap3A = arith.constant 0 : index
    %swap3A_23 = arith.constant 0 : index
    %swap3A_24 = vector.load %arg5[%swap3A, %swap3A_23] : memref<1000x128xf32, #tpu.memory_space<vmem>>, vector<1000x128xf32>
    tpu.vector_store %arg5[%swap3A, %swap3A_23], %add3A_22 {strides = array<i32>} : memref<1000x128xf32, #tpu.memory_space<vmem>>, vector<1000x128xf32>,
    return
  }
  func.func @transform_0(%arg0: i32) -> (i32, i32, i32) {
    %c0_i32 = arith.constant 0 : i32
    %c0_i32_0 = arith.constant 0 : i32
    %c0_i32_1 = arith.constant 0 : i32
    return %c0_i32, %arg0, %c0_i32_0 : i32, i32, i32
  }
  func.func @transform_1(%arg0: i32) -> (i32, i32) {
    %c0_i32 = arith.constant 0 : i32
    %c0_i32_0 = arith.constant 0 : i32
    return %arg0, %c0_i32 : i32, i32
  }
  func.func @transform_2(%arg0: i32) -> (i32, i32) {
    %c0_i32 = arith.constant 0 : i32
    %c0_i32_0 = arith.constant 0 : i32
    return %arg0, %c0_i32 : i32, i32
  }
  func.func @transform_3(%arg0: i32) -> (i32, i32) {
    %c0_i32 = arith.constant 0 : i32
    %c0_i32_0 = arith.constant 0 : i32
    %c0_i32_1 = arith.constant 0 : i32
    return %c0_i32, %c0_i32_0 : i32, i32
  }
  func.func @transform_4(%arg0: i32) -> (i32, i32) {
    %c0_i32 = arith.constant 0 : i32
    %c0_i32_0 = arith.constant 0 : i32
    return %arg0, %c0_i32 : i32, i32
  }
}

</mosaic_0001>

<sc_bundles>
// kernel: kernel.12.cloned.1.call-start
scs
__scs_entry_jumppad:
0x0: {  	(pc) =	sbr.rel $0x88, $3  }
0x1: {  	(tag) =	ssettag $0x0;
	lr =	simm.s32 $0x1  }
0x2: {  	[smem:$0x3F99] =	sst lr;
	_ =	strace $0xD0000000  }
0x3: {  	_ = 	snop  }
0x4: {  	_ = 	snop  }
0x5: {  	_ = 	snop  }
0x6: {  	_ = 	snop  }
0x7: {  	_ = 	snop  }
__scs_overlays_trampoline_lowered:
0x8: {  	[smem:$0x3FA8] =	sst s0  }
0x9: {  	[smem:$0x3FA9] =	sst s1  }
0xa: {  	[smem:$0x3FAA] =	sst s2  }
0xb: {  	[smem:$0x3FAB] =	sst s3  }
0xc: {  	[smem:$0x3FAC] =	sst s4  }
0xd: {  	[smem:$0x3FAD] =	sst s5  }
0xe: {  	[smem:$0x3FAE] =	sst s6  }
0xf: {  	[smem:$0x3FAF] =	sst s7  }
0x10: {  	[smem:$0x3FB0] =	sst s8  }
0x11: {  	[smem:$0x3FB1] =	sst s9;
	s0 =	simm.s32 @!p0 $0x0  }
0x12: {  	s1 =	sld [smem:$0x3F97];
	s0 =	simm.s32 @p0 $0x1  }
0x13: {  	[smem:$0x3FB2] =	sst s0;
	s0 =	simm.s32 @!p1 $0x0  }
0x14: {  	s2 =	sld [smem:$0x3F96];
	s0 =	simm.s32 @p1 $0x1  }
0x15: {  	[smem:$0x3FB3] =	sst s0;
	s0 =	simm.s32 @!p2 $0x0  }
0x16: {  	s3 =	sld [smem:$0x3FDB];
	s0 =	simm.s32 @p2 $0x1  }
0x17: {  	s4 =	simm.s32 $0x1BF5;
	[smem:$0x3FB5] =	sst s0  }
0x18: {  	s0 =	sld [smem:$0x3F98];
	_ =	swait.ge [sflag:s4], $0x0  }
0x19: {  	s7 =	sld [smem:$0x3F99]  }
0x1a: {  	s8 =	sadd.s32 $0xFFFFE003, lr  }
0x1b: {  	s9 =	sadd.s32 $0xFFFFFEF7, lr;
	s5 =	simm.s32 $0xFFFFFFFF;
	p2 =	slt.u32 s8, $0xFFFFF086  }
0x1c: {  	p1 =	slt.u32 s9, $0xF7A;
	s5 =	simm.s32 @!p2 $0x0  }
0x1d: {  	s5 =	simm.s32 @p1 $0x1;
	p0 =	seq.s32 s7, s2  }
0x1e: {  	s7 =	smul.u32 @!p0 $0xF7A, s2;
	p2 =	seq.s32 @!p0 s5, $0x0  }
0x1f: {  	s9 =	smul.u32 $0xF7A, s1;
	s8 =	simm.s32 @!p0 $0x1BF5;
	p2 =	por !p2, p0  }
0x20: {  	[sflag:s8] =	ssyncset.s32 @!p0 $0xFFFFF086;
	s6 =	sadd.s32 @!p0 s3, s7;
	s7 =	simm.s32 @!p0 $0x108  }
0x21: {  	s3 =	sadd.s32 s3, s9;
	s6 =	sadd.s32 @!p0 $0x88, s6;
	s7 =	simm.s32 @p2 $0x1082  }
0x22: {  	[simem:s7], [sflag:s8] =	dma.local @!p0 [hbm:s6], $0xF7A  }
0x23: {  	s9 =	sor.u32 $0xD0000000, s2;
	s6 =	simm.s32 $0x108;
	_ =	swait.ge @!p0 [sflag:s8], $0x0  }
0x24: {  	s3 =	sadd.s32 $0x88, s3;
	s6 =	simm.s32 @!p1 $0x1082;
	[sflag:s4] =	ssyncset.s32 $0xFFFFF086  }
0x25: {  	[simem:s6], [sflag:s4] =	dma.local [hbm:s3], $0xF7A  }
0x26: {  	[smem:$0x3F99] =	sst s1;
	(tag) =	ssettag s2;
	_ =	strace s9  }
0x27: {  	s1 =	sld [smem:$0x3FA9]  }
0x28: {  	s2 =	sld [smem:$0x3FAA]  }
0x29: {  	s4 =	sld [smem:$0x3FAC]  }
0x2a: {  	p0 =	seq.s32 s5, $0x0;
	s5 =	sld [smem:$0x3FAD]  }
0x2b: {  	s6 =	sld [smem:$0x3FAE]  }
0x2c: {  	s7 =	sld [smem:$0x3FAF]  }
0x2d: {  	s3 =	simm.s32 $0x108;
	s8 =	sld [smem:$0x3FB0]  }
0x2e: {  	s3 =	simm.s32 @!p0 $0x1082;
	s9 =	sld [smem:$0x3FB1]  }
0x2f: {  	lr =	sadd.s32 s0, s3;
	s0 =	sld [smem:$0x3FA8]  }
0x30: {  	s3 =	sld [smem:$0x3FAB]  }
0x31: {  	[smem:$0x3FB4] =	sst s10  }
0x32: {  	s10 =	sld [smem:$0x3FB2];
	_ =	sdelay $0x3  }
0x33: {  	p0 =	seq.s32 s10, $0x1;
	s10 =	sld [smem:$0x3FB4];
	_ =	sdelay $0x3  }
0x34: {  	[smem:$0x3FB4] =	sst s10  }
0x35: {  	s10 =	sld [smem:$0x3FB3];
	_ =	sdelay $0x3  }
0x36: {  	p1 =	seq.s32 s10, $0x1;
	s10 =	sld [smem:$0x3FB4];
	_ =	sdelay $0x3  }
0x37: {  	[smem:$0x3FB4] =	sst s10  }
0x38: {  	s10 =	sld [smem:$0x3FB5]  }
0x39: {  	_ = 	snop;
	(pc) =	sbr.ind lr, $3  }
0x3a: {  	_ = 	snop  }
0x3b: {  	_ = 	snop  }
0x3c: {  	p2 =	seq.s32 s10, $0x1;
	s10 =	sld [smem:$0x3FB4]  }
0x3d: {  	_ =	shalt  }
0x3e: {  	_ =	shalt  }
0x3f: {  	_ =	shalt  }
0x40: {  	_ =	shalt  }
0x41: {  	_ =	shalt  }
0x42: {  	_ =	shalt  }
0x43: {  	_ =	shalt  }
0x44: {  	_ =	shalt  }
0x45: {  	_ =	shalt  }
0x46: {  	_ =	shalt  }
0x47: {  	_ =	shalt  }
0x48: {  	_ =	shalt  }
0x49: {  	_ =	shalt  }
0x4a: {  	_ =	shalt  }
0x4b: {  	_ =	shalt  }
0x4c: {  	_ =	shalt  }
0x4d: {  	_ =	shalt  }
0x4e: {  	_ =	shalt  }
0x4f: {  	_ =	shalt  }
0x50: {  	_ =	shalt  }
0x51: {  	_ =	shalt  }
0x52: {  	_ =	shalt  }
0x53: {  	_ =	shalt  }
0x54: {  	_ =	shalt  }
0x55: {  	_ =	shalt  }
0x56: {  	_ =	shalt  }
0x57: {  	_ =	shalt  }
0x58: {  	_ =	shalt  }
0x59: {  	_ =	shalt  }
0x5a: {  	_ =	shalt  }
0x5b: {  	_ =	shalt  }
0x5c: {  	_ =	shalt  }
0x5d: {  	_ =	shalt  }
0x5e: {  	_ =	shalt  }
0x5f: {  	_ =	shalt  }
0x60: {  	_ =	shalt  }
0x61: {  	_ =	shalt  }
0x62: {  	_ =	shalt  }
0x63: {  	_ =	shalt  }
0x64: {  	_ =	shalt  }
0x65: {  	_ =	shalt  }
0x66: {  	_ =	shalt  }
0x67: {  	_ =	shalt  }
0x68: {  	_ =	shalt  }
0x69: {  	_ =	shalt  }
0x6a: {  	_ =	shalt  }
0x6b: {  	_ =	shalt  }
0x6c: {  	_ =	shalt  }
0x6d: {  	_ =	shalt  }
0x6e: {  	_ =	shalt  }
0x6f: {  	_ =	shalt  }
0x70: {  	_ =	shalt  }
0x71: {  	_ =	shalt  }
0x72: {  	_ =	shalt  }
0x73: {  	_ =	shalt  }
0x74: {  	_ =	shalt  }
0x75: {  	_ =	shalt  }
0x76: {  	_ =	shalt  }
0x77: {  	_ =	shalt  }
0x78: {  	_ =	shalt  }
0x79: {  	_ =	shalt  }
0x7a: {  	_ =	shalt  }
0x7b: {  	_ =	shalt  }
0x7c: {  	_ =	shalt  }
0x7d: {  	_ =	shalt  }
0x7e: {  	_ =	shalt  }
0x7f: {  	_ =	shalt  }
0x80: {  	_ =	shalt  }
0x81: {  	_ =	shalt  }
0x82: {  	_ =	shalt  }
0x83: {  	_ =	shalt  }
0x84: {  	_ =	shalt  }
0x85: {  	_ =	shalt  }
0x86: {  	_ =	shalt  }
0x87: {  	_ =	shalt  }
.Lfunc_end0:
.L_simem_size_0:
called_computation.1_lowered:
.L_overlay_start_0:
0x88: {  	s2 =	sld [smem:$0x3FD9]  }
0x89: {  	s3 =	sld [smem:$0x3FFE];
	_ =	sdelay $0x1  }
0x8a: {  	s1 =	srdreg.scid  }
0x8b: {  	s0 =	sand.u32 $0x1, s1  }
0x8c: {  	s17 =	sshll.u32 s0, $0xA;
	s2 =	sadd.s32 s3, s2  }
0x8d: {  	s2 =	sadd.s32 s2, s17  }
0x8e: {  	[smem:$0x3FC0] =	sst s2  }
0x8f: {  	_ = 	snop  }
0x90: {  	s18 =	sld [smem:$0x3FC9];
	(tm) =	ssettm $0x1  }
0x91: {  	s19 =	sld [smem:$0x3FFB];
	_ =	sdelay $0x3  }
0x92: {  	_ =	strace s19  }
0x93: {  	s2 =	sld [smem:$0x3FFC];
	_ =	sdelay $0x3  }
0x94: {  	_ =	strace s2  }
0x95: {  	s2 =	sld [smem:$0x3FFD];
	_ =	sdelay $0x3  }
0x96: {  	_ =	strace s2  }
0x97: {  	_ =	strace $0x8FFFFFFF  }
0x98: {  	s20 =	sld [smem:$0x3FDB];
	_ =	sdelay $0x1  }
0x99: {  	s4 =	simm.s32 $_scs_section_size  }
0x9a: {  	s5 =	simm.s32 $_size__tile_overlayer_lowered;
	s6 =	simm.s32 $_tile_overlayer_lowered  }
0x9b: {  	s7 =	simm.s32 $0x1BFF;
	s21 =	sshll.u32 s6, $0x1;
	s4 =	sadd.s32 s4, s20  }
0x9c: {  	s22 =	simm.s32 $0x0;
	s5 =	sshll.u32 s5, $0x1;
	s6 =	sadd.s32 s21, s4  }
0x9d: {  	[timem:s22], [sflag:s7] =	dma.local [hbm:s6], s5  }
0x9e: {  	_ =	swait.ge [sflag:s7], s5  }
0x9f: {  	s5 =	ssub.s32 $0x0, s5;
	[sflag:s7] =	ssyncset.done $0x0  }
0xa0: {  	[sflag:s7] =	ssyncadd.s32 s5;
	_ =	sdelay $0x1  }
0xa1: {  	s23 =	simm.s32 $0x1B8B  }
0xa2: {  	_ =	swait.ge [sflag:s23], $0x1  }
0xa3: {  	[sflag:s23] =	ssyncset.done $0x0  }
0xa4: {  	[sflag:s23] =	ssyncadd.s32 $0xFFFFFFFF  }
0xa5: {  	s5 =	sld [smem:$0x0]  }
0xa6: {  	s6 =	sand.u32 $0xFFFFFFFE, s1  }
0xa7: {  	p0 =	sne.s32 s1, s6  }
0xa8: {  	s6 =	sshll.u32 @p0 s6, $0xE  }
0xa9: {  	s6 =	sadd.s32 @p0 $0x11B8D, s6;
	s7 =	sshll.u32 @p0 s5, $0x11  }
0xaa: {  	s6 =	sor.u32 @p0 s7, s6  }
0xab: {  	[sflag:s6] =	ssyncadd.remote.s32 @p0 $0x1;
	_ =	sdelay $0x1  }
0xac: {  	s6 =	simm.s32 @p0 $0x1B8D  }
0xad: {  	_ =	swait.eq @p0 [sflag:s6], $0x1  }
0xae: {  	[sflag:s6] =	ssyncadd.s32 @p0 $0xFFFFFFFF  }
0xaf: {  	s7 =	sshll.u32 @!p0 s1, $0xE  }
0xb0: {  	s7 =	sor.u32 @!p0 $0x4000, s7;
	s6 =	simm.s32 @!p0 $0x1B8D  }
0xb1: {  	s5 =	sshll.u32 @!p0 s5, $0x11;
	s7 =	sadd.s32 @!p0 $0x11B8D, s7;
	_ =	swait.eq @!p0 [sflag:s6], $0x1  }
0xb2: {  	s5 =	sor.u32 @!p0 s5, s7;
	[sflag:s6] =	ssyncadd.s32 @!p0 $0xFFFFFFFF  }
0xb3: {  	s25 =	simm.s32 $0x1B8E;
	s24 =	sld [smem:$0x3FFE];
	[sflag:s5] =	ssyncadd.remote.s32 @!p0 $0x1  }
0xb4: {  	s26 =	simm.s32 $execute0_lowered;
	[smem:$0x3FD2] =	sst s25  }
0xb5: {  	s6 =	sshll.u32 s26, $0x1;
	_ =	strace $0x80000049;
	[dreg:$0x1] =	wrdreg $0xFFFFFFFF  }
0xb6: {  	s28 =	simm.s32 $_size_execute0_lowered;
	s4 =	sadd.s32 s4, s6;
	[dreg:$0x0] =	wrdreg $0x0  }
0xb7: {  	s6 =	sshll.u32 s28, $0x1;
	[dreg:$0x2] =	wrdreg s4  }
0xb8: {  	[dreg:$0x3] =	wrdreg s6  }
0xb9: {  	[dreg:$0x4] =	wrdreg $0xC0  }
0xba: {  	_ =	task [dreg:s22], $0x5FFFF  }
0xbb: {  	[dreg:$0x1] =	wrdreg $0xFFFFFFFF  }
0xbc: {  	[dreg:$0x0] =	wrdreg $0x60  }
0xbd: {  	[dreg:$0x2] =	wrdreg s18  }
0xbe: {  	[dreg:$0x3] =	wrdreg s24  }
0xbf: {  	[dreg:$0x4] =	wrdreg $0x54000  }
0xc0: {  	[dreg:$0x5] =	wrdreg $0xA  }
0xc1: {  	_ =	task.clear_ibuf [dreg:s22], $0x6FFFF;
	_ =	strace $0x90000049  }
0xc2: {  	s29 =	simm.s32 $0xA;
	_ =	strace $0x8000004B  }
0xc3: {  	_ =	swait.ge [sflag:s29], $0x1  }
0xc4: {  	[sflag:s29] =	ssyncadd.s32 $0xFFFFFFFF  }
0xc5: {  	_ =	strace $0x9000004B  }
0xc6: {  	_ =	sfence  }
0xc7: {  	s30 =	sld [smem:$0x0];
	_ =	sdelay $0x2  }
0xc8: {  	s31 =	sshll.u32 s1, $0xD;
	s1 =	sshrl.u32 s1, $0x2  }
0xc9: {  	s4 =	sand.u32 $0x4000, s31;
	s1 =	sadd.s32 s1, s30  }
0xca: {  	s0 =	sor.u32 s4, s0;
	s1 =	sshll.u32 s1, $0x11  }
0xcb: {  	s0 =	sor.u32 s1, s0  }
0xcc: {  	s0 =	sadd.s32 $0x8F2B, s0  }
0xcd: {  	[sflag:s0] =	ssyncadd.remote.s32 $0x1  }
0xce: {  	_ =	sfence.sel $0xFFFF  }
0xcf: {  	[dreg:$0x0] =	wrdreg $0xFFFFFFFF;
	(pc) =	sbr.abs _section_cstart, $3  }
0xd0: {  	[dreg:$0x1] =	wrdreg $0xFFFFFFFF  }
0xd1: {  	_ =	task.clear_ibuf [dreg:s22], $0x2FFFF;
	_ =	strace $0x9FFFFFFF  }
0xd2: {  	(tm) =	ssettm $0x7FFFFFFF  }
0xd3: {  	_ =	shalt  }
tec
execute0_lowered:
.L_overlay_start_1:
0x0: {  	(tag) =	ssettag $0x1  }
0x1: {  	s1 =	rddreg [dreg:$0x0]  }
0x2: {  	s0 =	rddreg [dreg:$0x1]  }
0x3: {  	s3 =	rddreg [dreg:$0x2];
	s4 =	simm.s32 $0x0  }
0x4: {  	s12 =	stileid.u32;
	s6 =	srdreg.scid;
	s29 =	simm.s32 $0x300  }
0x5: {  	s30 =	simm.s32 $0x50;
	s31 =	simm.s32 $0x180;
	s28 =	simm.s32 $0x0  }
0x6: {  	[smem:$0x7FF] =	sst s4;
	s2 =	smul.u32 $0x2800, s12;
	s5 =	sadd.s32 $0x2800, s0  }
0x7: {  	s6 =	sand.u32 $0x1, s6;
	s8 =	sadd.s32 $0x21C00, s0;
	s26 =	smul.u32 $0x50000, s12  }
0x8: {  	s9 =	sadd.s32 $0x9A600, s0;
	s19 =	sshll.u32 s12, $0x6;
	s21 =	smul.u32 $0x7D00, s12  }
0x9: {  	_ =	strace $0x8000004A;
	[dreg:$0x4] =	wrdreg s8;
	s25 =	smul.u32 $0x28000, s6  }
0xa: {  	[dreg:$0x5] =	wrdreg s9;
	s10 =	sshll.u32 s6, $0x4;
	s13 =	ssub.s32 $0x2, s6  }
0xb: {  	s6 =	smul.u32 $0x7D000, s6;
	s8 =	simm.s32 $0x400;
	s7 =	sadd.s32 s2, s0  }
0xc: {  	s10 =	sor.u32 s12, s10;
	s11 =	sshrl.u32 s13, $0x1;
	s9 =	sshrl.u32 s26, $0x2  }
0xd: {  	s2 =	sadd.s32 s2, s25;
	s10 =	smul.u32 $0x7D00, s10;
	s14 =	ssub.s32 s13, s11  }
0xe: {  	s15 =	sadd.s32 s9, s3;
	s7 =	sadd.s32 $0x22600, s7;
	s24 =	sadd.s32 s21, s6  }
0xf: {  	s21 =	simm.s32 $0x7;
	s0 =	sadd.s32 s2, s0;
	[dreg:$0x6] =	wrdreg s7  }
0x10: {  	s2 =	smax.u32 s14, $0x1;
	s25 =	sadd.s32 $0x700, s24;
	s6 =	sadd.s32 $0x600, s24  }
0x11: {  	s7 =	sadd.s32 $0x500, s24;
	s18 =	sshrl.u32 s10, $0x3;
	s10 =	sor.u32 $0x1C07, s19  }
0x12: {  	s0 =	sadd.s32 $0x9A800, s0;
	[dreg:$0xd] =	wrdreg s2;
	s2 =	sshrl.u32 s25, $0x3  }
0x13: {  	s6 =	sshrl.u32 s6, $0x3;
	s26 =	sshrl.u32 s7, $0x3;
	[dreg:$0xc] =	wrdreg s0  }
0x14: {  	s7 =	sshrl.u32 s15, $0x3;
	s20 =	sadd.s32 s5, s18;
	[dreg:$0x8] =	wrdreg s10  }
0x15: {  	s16 =	sadd.s32 s2, s5;
	s17 =	sadd.s32 s6, s5;
	[dreg:$0xf] =	wrdreg s7  }
.Ltmp0:
0x16: {  	s0 =	sadd.s32 $0x400, s24;
	[dreg:$0x7] =	wrdreg s20;
	(pc) =	sbr.rel .LBB2_1-.Ltmp0, $4  }
0x17: {  	s18 =	sadd.s32 s26, s5;
	s22 =	sadd.s32 $0x20, s20;
	[dreg:$0xe] =	wrdreg s0  }
0x18: {  	s26 =	simm.s32 $0x4;
	s23 =	sadd.s32 $0x40, s20;
	[dreg:$0x9] =	wrdreg s22  }
0x19: {  	s2 =	simm.s32 $0x6;
	s9 =	sadd.s32 $0x60, s20;
	[dreg:$0xa] =	wrdreg s23  }
0x1a: {  	s0 =	simm.s32 $0x2C00;
	[dreg:$0xb] =	wrdreg s9;
	s22 =	simm.s32 $0x380  }
.LBB2_4:
0x1b: {  	_ =	swait.ge @!p0 [sflag:s13], $0x2800  }
0x1c: {  	[sflag:s13] =	ssyncset.done @!p0 $0x0  }
0x1d: {  	s8 =	simm.s32 $0x400;
	s6 =	simm.s32 $0x80;
	[sflag:s13] =	ssyncadd.s32 @!p0 $0xFFFFD800  }
0x1e: {  	[spmem:s3] =	stream.indirect.scatter.add.f32 [tilespmem:s8], [sflag:$0x7], $0x80, s6, s30, $0xb8;
	[tilespmem:$0x19480] =	vst v63  }
0x1f: {  	_ =	swait.ge [sflag:s21], $0x2800  }
0x20: {  	[sflag:s21] =	ssyncset.done $0x0  }
0x21: {  	[sflag:s21] =	ssyncadd.s32 $0xFFFFD800  }
0x22: {  	[bflag:$0x0] =	sbarrier.arrive $0xFFFF  }
0x23: {  	s10 =	rddreg [dreg:$0x8]  }
0x24: {  	s24 =	rddreg [dreg:$0xc]  }
0x25: {  	s7 =	rddreg [dreg:$0xf]  }
0x26: {  	[hbm:s24], [sflag:s10] =	dma.local [spmem:s7], $0x2800  }
0x27: {  	_ =	swait.ge [sflag:s21], $0x2800  }
0x28: {  	s28 =	sadd.s32 $0x1, s28;
	s25 =	rddreg [dreg:$0xd]  }
0x29: {  	p0 =	sne.s32 s28, s25  }
.Ltmp1:
0x2a: {  	_ = 	snop;
	(pc) =	sbr.rel @!p0 .LBB2_5-.Ltmp1, $3  }
0x2b: {  	_ =	sdelay $0x1  }
0x2c: {  	[sflag:s21] =	ssyncset.done $0x0  }
0x2d: {  	[sflag:s21] =	ssyncadd.s32 $0xFFFFD800  }
.LBB2_1:
0x2e: {  	s6 =	rddreg [dreg:$0x6]  }
0x2f: {  	[spmem:s7], [sflag:s10] =	dma.local [hbm:s6], $0x2800  }
0x30: {  	_ =	swait.ge [sflag:s21], $0x2800  }
0x31: {  	[sflag:s21] =	ssyncset.done $0x0  }
0x32: {  	s11 =	simm.s32 $0x19400;
	s10 =	rddreg [dreg:$0x5];
	[sflag:s21] =	ssyncadd.s32 $0xFFFFD800  }
0x33: {  	[tilespmem:s11], [sflag:$0x7] =	stream.linear.gather [hbm4b:s10+s4], $0x80, $0x38;
	[tilespmem:$0x19480] =	vst v63  }
0x34: {  	_ =	swait.ge [sflag:s21], $0x80  }
0x35: {  	[sflag:s21] =	ssyncset.done $0x0  }
0x36: {  	s12 =	rddreg [dreg:$0x4];
	[sflag:s21] =	ssyncadd.s32 $0xFFFFFF80  }
0x37: {  	[tilespmem:s8], [sflag:$0x7] =	stream.linear.gather [hbm4b:s12+s4], $0x5000, $0x38;
	[tilespmem:$0x19480] =	vst v63  }
0x38: {  	_ =	swait.ge [sflag:s21], $0x5000  }
0x39: {  	[sflag:s21] =	ssyncset.done $0x0  }
0x3a: {  	[sflag:s21] =	ssyncadd.s32 $0xFFFFB000  }
0x3b: {  	v0 =	vld [tilespmem:$0x19400];
	_ =	sdelay $0x4  }
0x3c: {  	(v2sf) =	vpush v0, $0x0;
	_ =	sdelay $0xe  }
0x3d: {  	s13 =	spop (v2sf)  }
0x3e: {  	[bflag:$0x0] =	sbarrier.arrive $0xFFFF  }
0x3f: {  	s15 =	simm.s32 $0x3;
	s14 =	rddreg [dreg:$0x7]  }
0x40: {  	[tilespmem:s4], [sflag:$0x3] =	stream.linear.gather [hbm4b:s14+s4], $0x100, $0x38;
	[tilespmem:$0x19480] =	vst v63  }
0x41: {  	_ =	swait.ge [sflag:s15], $0x100  }
0x42: {  	[sflag:s15] =	ssyncset.done $0x0  }
0x43: {  	s20 =	simm.s32 $0x100;
	s19 =	rddreg [dreg:$0x9];
	[sflag:s15] =	ssyncadd.s32 $0xFFFFFF00  }
0x44: {  	[tilespmem:s20], [sflag:$0x4] =	stream.linear.gather [hbm4b:s19+s4], $0x100, $0x38;
	[tilespmem:$0x19480] =	vst v63  }
0x45: {  	p0 =	sne.s32 s13, $0x1;
	_ =	swait.ge [sflag:s26], $0x100  }
0x46: {  	s25 =	simm.s32 @!p0 $0x50;
	[sflag:s26] =	ssyncset.done $0x0  }
0x47: {  	s6 =	simm.s32 @!p0 $0x0;
	s7 =	simm.s32 @!p0 $0x400;
	[sflag:s26] =	ssyncadd.s32 $0xFFFFFF00  }
0x48: {  	[tilespmem:s7], [sflag:$0x1] =	stream.indirect.gather @!p0 [hbm4b:s1+s25], $0x80, s6, s25, $0xb8;
	[tilespmem:$0x19480] =	vst v63  }
0x49: {  	s12 =	simm.s32 @!p0 $0x100;
	s8 =	simm.s32 @!p0 $0x2C00;
	s9 =	rddreg [dreg:$0xa]  }
0x4a: {  	[tilespmem:s8], [sflag:$0x2] =	stream.indirect.gather @!p0 [hbm4b:s1+s25], $0x80, s12, s25, $0xb8;
	[tilespmem:$0x19480] =	vst v63  }
0x4b: {  	s23 =	simm.s32 $0x200;
	s24 =	rddreg [dreg:$0xb]  }
0x4c: {  	[tilespmem:s23], [sflag:$0x5] =	stream.linear.gather [hbm4b:s9+s4], $0x100, $0x38;
	[tilespmem:$0x19480] =	vst v63  }
0x4d: {  	s19 =	rddreg [dreg:$0xe];
	s12 =	simm.s32 $0x0  }
0x4e: {  	[tilespmem:s29], [sflag:$0x6] =	stream.linear.gather [hbm4b:s24+s4], $0x100, $0x38;
	[tilespmem:$0x19480] =	vst v63  }
.LBB2_2:
0x4f: {  	s14 =	simm.s32 @p0 $0x50  }
0x50: {  	s13 =	simm.s32 @p0 $0x80;
	s15 =	simm.s32 @p0 $0x400;
	s9 =	simm.s32 @p0 $0x7  }
0x51: {  	[spmem:s3] =	stream.indirect.scatter.add.f32 @p0 [tilespmem:s15], [sflag:$0x7], $0x80, s13, s14, $0xb8;
	[tilespmem:$0x19480] =	vst v63  }
0x52: {  	_ =	swait.ge @p0 [sflag:s9], $0x2800  }
0x53: {  	[sflag:s9] =	ssyncset.done @p0 $0x0  }
0x54: {  	s13 =	simm.s32 @p0 $0x5;
	[sflag:s9] =	ssyncadd.s32 @p0 $0xFFFFD800  }
0x55: {  	_ =	swait.ge @p0 [sflag:s13], $0x100  }
0x56: {  	s23 =	sshrl.u32 @p0 s19, $0x3;
	[sflag:s13] =	ssyncset.done @p0 $0x0  }
0x57: {  	[sflag:s13] =	ssyncadd.s32 @p0 $0xFFFFFF00;
	s13 =	sadd.s32 @p0 s5, s23;
	s23 =	simm.s32 @p0 $0x0  }
0x58: {  	[tilespmem:s23], [sflag:$0x3] =	stream.linear.gather @p0 [hbm4b:s13+s23], $0x100, $0x38;
	[tilespmem:$0x19480] =	vst v63  }
0x59: {  	s13 =	simm.s32 @!p0 $0x1  }
0x5a: {  	_ =	swait.ge @!p0 [sflag:s13], $0x2800  }
0x5b: {  	[sflag:s13] =	ssyncset.done @!p0 $0x0  }
0x5c: {  	s23 =	simm.s32 @!p0 $0x80;
	[sflag:s13] =	ssyncadd.s32 @!p0 $0xFFFFD800  }
0x5d: {  	[spmem:s3] =	stream.indirect.scatter.add.f32 @!p0 [tilespmem:s7], [sflag:$0x7], $0x80, s23, s25, $0xb8;
	[tilespmem:$0x19480] =	vst v63  }
0x5e: {  	s23 =	simm.s32 @!p0 $0x7  }
0x5f: {  	_ =	swait.ge @!p0 [sflag:s23], $0x2800  }
0x60: {  	[sflag:s23] =	ssyncset.done @!p0 $0x0  }
0x61: {  	s11 =	simm.s32 @!p0 $0x5;
	[sflag:s23] =	ssyncadd.s32 @!p0 $0xFFFFD800  }
0x62: {  	_ =	swait.ge @!p0 [sflag:s11], $0x100  }
0x63: {  	[sflag:s11] =	ssyncset.done @!p0 $0x0  }
0x64: {  	[sflag:s11] =	ssyncadd.s32 @!p0 $0xFFFFFF00;
	s11 =	simm.s32 @!p0 $0x200  }
0x65: {  	[tilespmem:s7], [sflag:$0x1] =	stream.indirect.gather @!p0 [hbm4b:s1+s25], $0x80, s11, s25, $0xb8;
	[tilespmem:$0x19480] =	vst v63  }
0x66: {  	s11 =	sshrl.u32 @!p0 s19, $0x3  }
0x67: {  	s11 =	sadd.s32 @!p0 s5, s11  }
0x68: {  	[tilespmem:s6], [sflag:$0x3] =	stream.linear.gather @!p0 [hbm4b:s11+s6], $0x100, $0x38;
	[tilespmem:$0x19480] =	vst v63  }
0x69: {  	s11 =	simm.s32 @!p0 $0x2  }
0x6a: {  	_ =	swait.ge @!p0 [sflag:s11], $0x2800  }
0x6b: {  	[sflag:s11] =	ssyncset.done @!p0 $0x0  }
0x6c: {  	[sflag:s11] =	ssyncadd.s32 @!p0 $0xFFFFD800  }
0x6d: {  	[spmem:s3] =	stream.indirect.scatter.add.f32 [tilespmem:s0], [sflag:$0x7], $0x80, s31, s30, $0xb8;
	[tilespmem:$0x19480] =	vst v63  }
0x6e: {  	_ =	swait.ge [sflag:s21], $0x2800  }
0x6f: {  	[sflag:s21] =	ssyncset.done $0x0  }
0x70: {  	[sflag:s21] =	ssyncadd.s32 $0xFFFFD800  }
0x71: {  	_ =	swait.ge [sflag:s2], $0x100  }
0x72: {  	[sflag:s2] =	ssyncset.done $0x0  }
0x73: {  	s24 =	simm.s32 @!p0 $0x300;
	p1 =	seq.s32 s12, $0xF00;
	[sflag:s2] =	ssyncadd.s32 $0xFFFFFF00  }
0x74: {  	[tilespmem:s8], [sflag:$0x2] =	stream.indirect.gather @!p0 [hbm4b:s1+s25], $0x80, s24, s25, $0xb8;
	[tilespmem:$0x19480] =	vst v63  }
0x75: {  	s10 =	simm.s32 @!p1 $0x0;
	s20 =	simm.s32 @!p1 $0x100;
	s24 =	sadd.s32 @!p1 s12, s18  }
0x76: {  	[tilespmem:s20], [sflag:$0x4] =	stream.linear.gather @!p1 [hbm4b:s24+s10], $0x100, $0x38;
	[tilespmem:$0x19480] =	vst v63  }
0x77: {  	s20 =	simm.s32 @p0 $0x280  }
0x78: {  	[spmem:s3] =	stream.indirect.scatter.add.f32 @p0 [tilespmem:s15], [sflag:$0x7], $0x80, s20, s14, $0xb8;
	[tilespmem:$0x19480] =	vst v63  }
0x79: {  	_ =	swait.ge @p0 [sflag:s9], $0x2800  }
0x7a: {  	[sflag:s9] =	ssyncset.done @p0 $0x0  }
0x7b: {  	[sflag:s9] =	ssyncadd.s32 @p0 $0xFFFFD800;
	s9 =	simm.s32 @p0 $0x3  }
0x7c: {  	_ =	swait.ge @p0 [sflag:s9], $0x100  }
0x7d: {  	[sflag:s9] =	ssyncset.done @p0 $0x0  }
0x7e: {  	[sflag:s9] =	ssyncadd.s32 @p0 $0xFFFFFF00  }
0x7f: {  	_ =	swait.ge @!p0 [sflag:s13], $0x2800  }
0x80: {  	[sflag:s13] =	ssyncset.done @!p0 $0x0  }
0x81: {  	s9 =	simm.s32 @!p0 $0x280;
	[sflag:s13] =	ssyncadd.s32 @!p0 $0xFFFFD800  }
0x82: {  	[spmem:s3] =	stream.indirect.scatter.add.f32 @!p0 [tilespmem:s7], [sflag:$0x7], $0x80, s9, s25, $0xb8;
	[tilespmem:$0x19480] =	vst v63  }
0x83: {  	_ =	swait.ge @!p0 [sflag:s23], $0x2800  }
0x84: {  	[sflag:s23] =	ssyncset.done @!p0 $0x0  }
0x85: {  	s9 =	simm.s32 @!p0 $0x3;
	[sflag:s23] =	ssyncadd.s32 @!p0 $0xFFFFD800  }
0x86: {  	_ =	swait.ge @!p0 [sflag:s9], $0x100  }
0x87: {  	[sflag:s9] =	ssyncset.done @!p0 $0x0  }
0x88: {  	[sflag:s9] =	ssyncadd.s32 @!p0 $0xFFFFFF00  }
0x89: {  	[tilespmem:s7], [sflag:$0x1] =	stream.indirect.gather @!p0 [hbm4b:s1+s25], $0x80, s6, s25, $0xb8;
	[tilespmem:$0x19480] =	vst v63  }
0x8a: {  	s14 =	simm.s32 @!p1 $0x200;
	s9 =	sadd.s32 @!p1 s12, s17  }
0x8b: {  	[tilespmem:s14], [sflag:$0x5] =	stream.linear.gather @!p1 [hbm4b:s9+s10], $0x100, $0x38;
	[tilespmem:$0x19480] =	vst v63  }
0x8c: {  	_ =	swait.ge @!p0 [sflag:s11], $0x2800  }
0x8d: {  	[sflag:s11] =	ssyncset.done @!p0 $0x0  }
.Ltmp2:
0x8e: {  	[sflag:s11] =	ssyncadd.s32 @!p0 $0xFFFFD800;
	(pc) =	sbr.rel @p1 .LBB2_4-.Ltmp2, $4  }
0x8f: {  	[spmem:s3] =	stream.indirect.scatter.add.f32 [tilespmem:s0], [sflag:$0x7], $0x80, s22, s30, $0xb8;
	[tilespmem:$0x19480] =	vst v63  }
0x90: {  	_ =	swait.ge [sflag:s21], $0x2800  }
0x91: {  	[sflag:s21] =	ssyncset.done $0x0  }
0x92: {  	[sflag:s21] =	ssyncadd.s32 $0xFFFFD800  }
0x93: {  	_ =	swait.ge [sflag:s26], $0x100  }
.Ltmp3:
0x94: {  	s9 =	simm.s32 @!p0 $0x50;
	[sflag:s26] =	ssyncset.done $0x0;
	(pc) =	sbr.rel .LBB2_2-.Ltmp3, $4  }
0x95: {  	s10 =	simm.s32 @!p0 $0x100;
	s11 =	simm.s32 @!p0 $0x2C00;
	[sflag:s26] =	ssyncadd.s32 $0xFFFFFF00  }
0x96: {  	[tilespmem:s11], [sflag:$0x2] =	stream.indirect.gather @!p0 [hbm4b:s1+s9], $0x80, s10, s9, $0xb8;
	[tilespmem:$0x19480] =	vst v63  }
0x97: {  	s24 =	sadd.s32 s12, s16;
	s12 =	sadd.s32 $0x80, s12;
	s19 =	sadd.s32 $0x400, s19  }
0x98: {  	[tilespmem:s29], [sflag:$0x6] =	stream.linear.gather [hbm4b:s24+s4], $0x100, $0x38;
	[tilespmem:$0x19480] =	vst v63  }
.LBB2_5:
0x99: {  	_ =	sfence.sel $0x180000  }
0x9a: {  	[bflag:$0x0] =	sbarrier.arrive $0xFFFF  }
0x9b: {  	_ =	strace $0x9000004A  }
0x9c: {  	s0 =	stileid.u32;
	[bflag:$0x2] =	sbarrier.arrive $0xFFFF  }
0x9d: {  	p0 =	sne.s32 s0, $0x0;
	s0 =	rddreg [dreg:$0x3]  }
0x9e: {  	s0 =	sadd.s32 @!p0 $0x100000, s0  }
0x9f: {  	[sflag:s0] =	ssyncadd.tile.s32 @!p0 $0x1;
	_ =	shalt  }
.Lfunc_end2:
_tile_overlayer_lowered:
.L_overlay_start_2:
0xa0: {  	(tag) =	ssettag $0x2  }
0xa1: {  	s0 =	rddreg [dreg:$0x0];
	s2 =	stileid.u32  }
0xa2: {  	s1 =	rddreg [dreg:$0x1];
	p0 =	sne.s32 s2, $0x0  }
0xa3: {  	s3 =	rddreg [dreg:$0x2];
	[bflag:$0x3] =	sbarrier.arrive $0xFFFF;
	s2 =	simm.s32 @!p0 $0x1C07  }
0xa4: {  	[timem:s3], [sflag:s2] =	dma.local @!p0 [hbm:s0], s1  }
0xa5: {  	s0 =	simm.s32 @!p0 $0x7  }
0xa6: {  	_ =	swait.ge @!p0 [sflag:s0], s1  }
0xa7: {  	s1 =	ssub.s32 @!p0 $0x0, s1;
	[sflag:s0] =	ssyncset.done @!p0 $0x0  }
0xa8: {  	[sflag:s0] =	ssyncadd.s32 @!p0 s1  }
0xa9: {  	[bflag:$0x3] =	sbarrier.arrive $0xFFFF  }
0xaa: {  	_ =	shalt  }

// kernel: kernel.15.cloned.1.call-start
scs
__scs_entry_jumppad:
0x0: {  	(pc) =	sbr.rel $0x88, $3  }
0x1: {  	(tag) =	ssettag $0x0;
	lr =	simm.s32 $0x1  }
0x2: {  	[smem:$0x3F99] =	sst lr;
	_ =	strace $0xD0000000  }
0x3: {  	_ = 	snop  }
0x4: {  	_ = 	snop  }
0x5: {  	_ = 	snop  }
0x6: {  	_ = 	snop  }
0x7: {  	_ = 	snop  }
__scs_overlays_trampoline_lowered:
0x8: {  	[smem:$0x3FA8] =	sst s0  }
0x9: {  	[smem:$0x3FA9] =	sst s1  }
0xa: {  	[smem:$0x3FAA] =	sst s2  }
0xb: {  	[smem:$0x3FAB] =	sst s3  }
0xc: {  	[smem:$0x3FAC] =	sst s4  }
0xd: {  	[smem:$0x3FAD] =	sst s5  }
0xe: {  	[smem:$0x3FAE] =	sst s6  }
0xf: {  	[smem:$0x3FAF] =	sst s7  }
0x10: {  	[smem:$0x3FB0] =	sst s8  }
0x11: {  	[smem:$0x3FB1] =	sst s9;
	s0 =	simm.s32 @!p0 $0x0  }
0x12: {  	s1 =	sld [smem:$0x3F97];
	s0 =	simm.s32 @p0 $0x1  }
0x13: {  	[smem:$0x3FB2] =	sst s0;
	s0 =	simm.s32 @!p1 $0x0  }
0x14: {  	s2 =	sld [smem:$0x3F96];
	s0 =	simm.s32 @p1 $0x1  }
0x15: {  	[smem:$0x3FB3] =	sst s0;
	s0 =	simm.s32 @!p2 $0x0  }
0x16: {  	s3 =	sld [smem:$0x3FDB];
	s0 =	simm.s32 @p2 $0x1  }
0x17: {  	s4 =	simm.s32 $0x1BF5;
	[smem:$0x3FB5] =	sst s0  }
0x18: {  	s0 =	sld [smem:$0x3F98];
	_ =	swait.ge [sflag:s4], $0x0  }
0x19: {  	s7 =	sld [smem:$0x3F99]  }
0x1a: {  	s8 =	sadd.s32 $0xFFFFE003, lr  }
0x1b: {  	s9 =	sadd.s32 $0xFFFFFEF7, lr;
	s5 =	simm.s32 $0xFFFFFFFF;
	p2 =	slt.u32 s8, $0xFFFFF086  }
0x1c: {  	p1 =	slt.u32 s9, $0xF7A;
	s5 =	simm.s32 @!p2 $0x0  }
0x1d: {  	s5 =	simm.s32 @p1 $0x1;
	p0 =	seq.s32 s7, s2  }
0x1e: {  	s7 =	smul.u32 @!p0 $0xF7A, s2;
	p2 =	seq.s32 @!p0 s5, $0x0  }
0x1f: {  	s9 =	smul.u32 $0xF7A, s1;
	s8 =	simm.s32 @!p0 $0x1BF5;
	p2 =	por !p2, p0  }
0x20: {  	[sflag:s8] =	ssyncset.s32 @!p0 $0xFFFFF086;
	s6 =	sadd.s32 @!p0 s3, s7;
	s7 =	simm.s32 @!p0 $0x108  }
0x21: {  	s3 =	sadd.s32 s3, s9;
	s6 =	sadd.s32 @!p0 $0x88, s6;
	s7 =	simm.s32 @p2 $0x1082  }
0x22: {  	[simem:s7], [sflag:s8] =	dma.local @!p0 [hbm:s6], $0xF7A  }
0x23: {  	s9 =	sor.u32 $0xD0000000, s2;
	s6 =	simm.s32 $0x108;
	_ =	swait.ge @!p0 [sflag:s8], $0x0  }
0x24: {  	s3 =	sadd.s32 $0x88, s3;
	s6 =	simm.s32 @!p1 $0x1082;
	[sflag:s4] =	ssyncset.s32 $0xFFFFF086  }
0x25: {  	[simem:s6], [sflag:s4] =	dma.local [hbm:s3], $0xF7A  }
0x26: {  	[smem:$0x3F99] =	sst s1;
	(tag) =	ssettag s2;
	_ =	strace s9  }
0x27: {  	s1 =	sld [smem:$0x3FA9]  }
0x28: {  	s2 =	sld [smem:$0x3FAA]  }
0x29: {  	s4 =	sld [smem:$0x3FAC]  }
0x2a: {  	p0 =	seq.s32 s5, $0x0;
	s5 =	sld [smem:$0x3FAD]  }
0x2b: {  	s6 =	sld [smem:$0x3FAE]  }
0x2c: {  	s7 =	sld [smem:$0x3FAF]  }
0x2d: {  	s3 =	simm.s32 $0x108;
	s8 =	sld [smem:$0x3FB0]  }
0x2e: {  	s3 =	simm.s32 @!p0 $0x1082;
	s9 =	sld [smem:$0x3FB1]  }
0x2f: {  	lr =	sadd.s32 s0, s3;
	s0 =	sld [smem:$0x3FA8]  }
0x30: {  	s3 =	sld [smem:$0x3FAB]  }
0x31: {  	[smem:$0x3FB4] =	sst s10  }
0x32: {  	s10 =	sld [smem:$0x3FB2];
	_ =	sdelay $0x3  }
0x33: {  	p0 =	seq.s32 s10, $0x1;
	s10 =	sld [smem:$0x3FB4];
	_ =	sdelay $0x3  }
0x34: {  	[smem:$0x3FB4] =	sst s10  }
0x35: {  	s10 =	sld [smem:$0x3FB3];
	_ =	sdelay $0x3  }
0x36: {  	p1 =	seq.s32 s10, $0x1;
	s10 =	sld [smem:$0x3FB4];
	_ =	sdelay $0x3  }
0x37: {  	[smem:$0x3FB4] =	sst s10  }
0x38: {  	s10 =	sld [smem:$0x3FB5]  }
0x39: {  	_ = 	snop;
	(pc) =	sbr.ind lr, $3  }
0x3a: {  	_ = 	snop  }
0x3b: {  	_ = 	snop  }
0x3c: {  	p2 =	seq.s32 s10, $0x1;
	s10 =	sld [smem:$0x3FB4]  }
0x3d: {  	_ =	shalt  }
0x3e: {  	_ =	shalt  }
0x3f: {  	_ =	shalt  }
0x40: {  	_ =	shalt  }
0x41: {  	_ =	shalt  }
0x42: {  	_ =	shalt  }
0x43: {  	_ =	shalt  }
0x44: {  	_ =	shalt  }
0x45: {  	_ =	shalt  }
0x46: {  	_ =	shalt  }
0x47: {  	_ =	shalt  }
0x48: {  	_ =	shalt  }
0x49: {  	_ =	shalt  }
0x4a: {  	_ =	shalt  }
0x4b: {  	_ =	shalt  }
0x4c: {  	_ =	shalt  }
0x4d: {  	_ =	shalt  }
0x4e: {  	_ =	shalt  }
0x4f: {  	_ =	shalt  }
0x50: {  	_ =	shalt  }
0x51: {  	_ =	shalt  }
0x52: {  	_ =	shalt  }
0x53: {  	_ =	shalt  }
0x54: {  	_ =	shalt  }
0x55: {  	_ =	shalt  }
0x56: {  	_ =	shalt  }
0x57: {  	_ =	shalt  }
0x58: {  	_ =	shalt  }
0x59: {  	_ =	shalt  }
0x5a: {  	_ =	shalt  }
0x5b: {  	_ =	shalt  }
0x5c: {  	_ =	shalt  }
0x5d: {  	_ =	shalt  }
0x5e: {  	_ =	shalt  }
0x5f: {  	_ =	shalt  }
0x60: {  	_ =	shalt  }
0x61: {  	_ =	shalt  }
0x62: {  	_ =	shalt  }
0x63: {  	_ =	shalt  }
0x64: {  	_ =	shalt  }
0x65: {  	_ =	shalt  }
0x66: {  	_ =	shalt  }
0x67: {  	_ =	shalt  }
0x68: {  	_ =	shalt  }
0x69: {  	_ =	shalt  }
0x6a: {  	_ =	shalt  }
0x6b: {  	_ =	shalt  }
0x6c: {  	_ =	shalt  }
0x6d: {  	_ =	shalt  }
0x6e: {  	_ =	shalt  }
0x6f: {  	_ =	shalt  }
0x70: {  	_ =	shalt  }
0x71: {  	_ =	shalt  }
0x72: {  	_ =	shalt  }
0x73: {  	_ =	shalt  }
0x74: {  	_ =	shalt  }
0x75: {  	_ =	shalt  }
0x76: {  	_ =	shalt  }
0x77: {  	_ =	shalt  }
0x78: {  	_ =	shalt  }
0x79: {  	_ =	shalt  }
0x7a: {  	_ =	shalt  }
0x7b: {  	_ =	shalt  }
0x7c: {  	_ =	shalt  }
0x7d: {  	_ =	shalt  }
0x7e: {  	_ =	shalt  }
0x7f: {  	_ =	shalt  }
0x80: {  	_ =	shalt  }
0x81: {  	_ =	shalt  }
0x82: {  	_ =	shalt  }
0x83: {  	_ =	shalt  }
0x84: {  	_ =	shalt  }
0x85: {  	_ =	shalt  }
0x86: {  	_ =	shalt  }
0x87: {  	_ =	shalt  }
.Lfunc_end0:
.L_simem_size_0:
called_computation.2_lowered:
.L_overlay_start_0:
0x88: {  	s2 =	sld [smem:$0x3FD9]  }
0x89: {  	s3 =	sld [smem:$0x3FFE];
	_ =	sdelay $0x1  }
0x8a: {  	s1 =	srdreg.scid  }
0x8b: {  	s0 =	sand.u32 $0x1, s1  }
0x8c: {  	s17 =	sshll.u32 s0, $0xA;
	s2 =	sadd.s32 s3, s2  }
0x8d: {  	s2 =	sadd.s32 s2, s17  }
0x8e: {  	[smem:$0x3FC0] =	sst s2  }
0x8f: {  	_ = 	snop  }
0x90: {  	s2 =	sld [smem:$0x3FD0];
	(tm) =	ssettm $0x1  }
0x91: {  	s18 =	sld [smem:$0x3FFB];
	_ =	sdelay $0x3  }
0x92: {  	_ =	strace s18  }
0x93: {  	s3 =	sld [smem:$0x3FFC];
	_ =	sdelay $0x3  }
0x94: {  	_ =	strace s3  }
0x95: {  	s3 =	sld [smem:$0x3FFD];
	_ =	sdelay $0x3  }
0x96: {  	_ =	strace s3  }
0x97: {  	_ =	strace $0x8FFFFFFF  }
0x98: {  	s19 =	sld [smem:$0x3FDB];
	_ =	sdelay $0x1  }
0x99: {  	s4 =	simm.s32 $_scs_section_size  }
0x9a: {  	s5 =	simm.s32 $_size__tile_overlayer_lowered;
	s6 =	simm.s32 $_tile_overlayer_lowered  }
0x9b: {  	s22 =	simm.s32 $0x1BFF;
	s21 =	sshll.u32 s6, $0x1;
	s3 =	sadd.s32 s4, s19  }
0x9c: {  	s7 =	simm.s32 $0x0;
	s20 =	sshll.u32 s5, $0x1;
	s5 =	sadd.s32 s21, s3  }
0x9d: {  	[timem:s7], [sflag:s22] =	dma.local [hbm:s5], s20  }
0x9e: {  	_ =	swait.ge [sflag:s22], s20  }
0x9f: {  	s4 =	ssub.s32 $0x0, s20;
	[sflag:s22] =	ssyncset.done $0x0  }
0xa0: {  	[sflag:s22] =	ssyncadd.s32 s4;
	_ =	sdelay $0x1  }
0xa1: {  	s23 =	simm.s32 $0x1B8B  }
0xa2: {  	_ =	swait.ge [sflag:s23], $0x1  }
0xa3: {  	[sflag:s23] =	ssyncset.done $0x0  }
0xa4: {  	s25 =	simm.s32 $0x1B8E;
	s24 =	sld [smem:$0x3FFE];
	[sflag:s23] =	ssyncadd.s32 $0xFFFFFFFF  }
0xa5: {  	s26 =	simm.s32 $execute0_lowered;
	[smem:$0x3FD2] =	sst s25  }
0xa6: {  	s5 =	sshll.u32 s26, $0x1;
	_ =	strace $0x8000004C;
	[dreg:$0x1] =	wrdreg $0xFFFFFFFF  }
0xa7: {  	s28 =	simm.s32 $_size_execute0_lowered;
	s3 =	sadd.s32 s3, s5;
	[dreg:$0x0] =	wrdreg $0x0  }
0xa8: {  	s5 =	sshll.u32 s28, $0x1;
	[dreg:$0x2] =	wrdreg s3  }
0xa9: {  	[dreg:$0x3] =	wrdreg s5  }
0xaa: {  	[dreg:$0x4] =	wrdreg $0xC0  }
0xab: {  	_ =	task [dreg:s7], $0x5FFFF  }
0xac: {  	[dreg:$0x1] =	wrdreg $0xFFFFFFFF  }
0xad: {  	[dreg:$0x0] =	wrdreg $0x60  }
0xae: {  	[dreg:$0x2] =	wrdreg s2  }
0xaf: {  	[dreg:$0x3] =	wrdreg s24  }
0xb0: {  	[dreg:$0x4] =	wrdreg $0x54000  }
0xb1: {  	[dreg:$0x5] =	wrdreg $0x9  }
0xb2: {  	_ =	task.clear_ibuf [dreg:s7], $0x6FFFF;
	_ =	strace $0x9000004C  }
0xb3: {  	s29 =	simm.s32 $0x9;
	_ =	strace $0x8000004E  }
0xb4: {  	_ =	swait.ge [sflag:s29], $0x1  }
0xb5: {  	[sflag:s29] =	ssyncadd.s32 $0xFFFFFFFF  }
0xb6: {  	_ =	strace $0x9000004E  }
0xb7: {  	_ =	sfence  }
0xb8: {  	s30 =	sld [smem:$0x0];
	_ =	sdelay $0x2  }
0xb9: {  	s31 =	sshll.u32 s1, $0xD;
	s1 =	sshrl.u32 s1, $0x2  }
0xba: {  	s3 =	sand.u32 $0x4000, s31;
	s1 =	sadd.s32 s1, s30  }
0xbb: {  	s0 =	sor.u32 s3, s0;
	s1 =	sshll.u32 s1, $0x11  }
0xbc: {  	s0 =	sor.u32 s1, s0  }
0xbd: {  	s0 =	sadd.s32 $0x8F2B, s0  }
0xbe: {  	[sflag:s0] =	ssyncadd.remote.s32 $0x1  }
0xbf: {  	_ =	sfence.sel $0xFFFF  }
0xc0: {  	[dreg:$0x0] =	wrdreg $0xFFFFFFFF;
	(pc) =	sbr.abs _section_cstart, $3  }
0xc1: {  	[dreg:$0x1] =	wrdreg $0xFFFFFFFF  }
0xc2: {  	_ =	task.clear_ibuf [dreg:s7], $0x2FFFF;
	_ =	strace $0x9FFFFFFF  }
0xc3: {  	(tm) =	ssettm $0x7FFFFFFF  }
tec
execute0_lowered:
.L_overlay_start_1:
0x0: {  	(tag) =	ssettag $0x1  }
0x1: {  	s1 =	rddreg [dreg:$0x0]  }
0x2: {  	s0 =	rddreg [dreg:$0x1]  }
0x3: {  	s3 =	rddreg [dreg:$0x2];
	s4 =	simm.s32 $0x0  }
0x4: {  	s12 =	stileid.u32;
	s6 =	srdreg.scid;
	s29 =	simm.s32 $0x300  }
0x5: {  	s30 =	simm.s32 $0x50;
	s31 =	simm.s32 $0x180;
	s28 =	simm.s32 $0x0  }
0x6: {  	[smem:$0x7FF] =	sst s4;
	s2 =	smul.u32 $0x2800, s12;
	s5 =	sadd.s32 $0x2800, s0  }
0x7: {  	s6 =	sand.u32 $0x1, s6;
	s8 =	sadd.s32 $0x21C00, s0;
	s26 =	smul.u32 $0x50000, s12  }
0x8: {  	s9 =	sadd.s32 $0x9A600, s0;
	s19 =	sshll.u32 s12, $0x6;
	s21 =	smul.u32 $0x7D00, s12  }
0x9: {  	_ =	strace $0x8000004D;
	[dreg:$0x4] =	wrdreg s8;
	s25 =	smul.u32 $0x28000, s6  }
0xa: {  	[dreg:$0x5] =	wrdreg s9;
	s10 =	sshll.u32 s6, $0x4;
	s13 =	ssub.s32 $0x2, s6  }
0xb: {  	s6 =	smul.u32 $0x7D000, s6;
	s8 =	simm.s32 $0x400;
	s7 =	sadd.s32 s2, s0  }
0xc: {  	s10 =	sor.u32 s12, s10;
	s11 =	sshrl.u32 s13, $0x1;
	s9 =	sshrl.u32 s26, $0x2  }
0xd: {  	s2 =	sadd.s32 s2, s25;
	s10 =	smul.u32 $0x7D00, s10;
	s14 =	ssub.s32 s13, s11  }
0xe: {  	s15 =	sadd.s32 s9, s3;
	s7 =	sadd.s32 $0x22600, s7;
	s24 =	sadd.s32 s21, s6  }
0xf: {  	s21 =	simm.s32 $0x7;
	s0 =	sadd.s32 s2, s0;
	[dreg:$0x6] =	wrdreg s7  }
0x10: {  	s2 =	smax.u32 s14, $0x1;
	s25 =	sadd.s32 $0x700, s24;
	s6 =	sadd.s32 $0x600, s24  }
0x11: {  	s7 =	sadd.s32 $0x500, s24;
	s18 =	sshrl.u32 s10, $0x3;
	s10 =	sor.u32 $0x1C07, s19  }
0x12: {  	s0 =	sadd.s32 $0x4A600, s0;
	[dreg:$0xd] =	wrdreg s2;
	s2 =	sshrl.u32 s25, $0x3  }
0x13: {  	s6 =	sshrl.u32 s6, $0x3;
	s26 =	sshrl.u32 s7, $0x3;
	[dreg:$0xc] =	wrdreg s0  }
0x14: {  	s7 =	sshrl.u32 s15, $0x3;
	s20 =	sadd.s32 s5, s18;
	[dreg:$0x8] =	wrdreg s10  }
0x15: {  	s16 =	sadd.s32 s2, s5;
	s17 =	sadd.s32 s6, s5;
	[dreg:$0xf] =	wrdreg s7  }
.Ltmp0:
0x16: {  	s0 =	sadd.s32 $0x400, s24;
	[dreg:$0x7] =	wrdreg s20;
	(pc) =	sbr.rel .LBB2_1-.Ltmp0, $4  }
0x17: {  	s18 =	sadd.s32 s26, s5;
	s22 =	sadd.s32 $0x20, s20;
	[dreg:$0xe] =	wrdreg s0  }
0x18: {  	s26 =	simm.s32 $0x4;
	s23 =	sadd.s32 $0x40, s20;
	[dreg:$0x9] =	wrdreg s22  }
0x19: {  	s2 =	simm.s32 $0x6;
	s9 =	sadd.s32 $0x60, s20;
	[dreg:$0xa] =	wrdreg s23  }
0x1a: {  	s0 =	simm.s32 $0x2C00;
	[dreg:$0xb] =	wrdreg s9;
	s22 =	simm.s32 $0x380  }
.LBB2_4:
0x1b: {  	_ =	swait.ge @!p0 [sflag:s13], $0x2800  }
0x1c: {  	[sflag:s13] =	ssyncset.done @!p0 $0x0  }
0x1d: {  	s8 =	simm.s32 $0x400;
	s6 =	simm.s32 $0x80;
	[sflag:s13] =	ssyncadd.s32 @!p0 $0xFFFFD800  }
0x1e: {  	[spmem:s3] =	stream.indirect.scatter.add.f32 [tilespmem:s8], [sflag:$0x7], $0x80, s6, s30, $0xb8;
	[tilespmem:$0x19480] =	vst v63  }
0x1f: {  	_ =	swait.ge [sflag:s21], $0x2800  }
0x20: {  	[sflag:s21] =	ssyncset.done $0x0  }
0x21: {  	[sflag:s21] =	ssyncadd.s32 $0xFFFFD800  }
0x22: {  	[bflag:$0x0] =	sbarrier.arrive $0xFFFF  }
0x23: {  	s10 =	rddreg [dreg:$0x8]  }
0x24: {  	s24 =	rddreg [dreg:$0xc]  }
0x25: {  	s7 =	rddreg [dreg:$0xf]  }
0x26: {  	[hbm:s24], [sflag:s10] =	dma.local [spmem:s7], $0x2800  }
0x27: {  	_ =	swait.ge [sflag:s21], $0x2800  }
0x28: {  	s28 =	sadd.s32 $0x1, s28;
	s25 =	rddreg [dreg:$0xd]  }
0x29: {  	p0 =	sne.s32 s28, s25  }
.Ltmp1:
0x2a: {  	_ = 	snop;
	(pc) =	sbr.rel @!p0 .LBB2_5-.Ltmp1, $3  }
0x2b: {  	_ =	sdelay $0x1  }
0x2c: {  	[sflag:s21] =	ssyncset.done $0x0  }
0x2d: {  	[sflag:s21] =	ssyncadd.s32 $0xFFFFD800  }
.LBB2_1:
0x2e: {  	s6 =	rddreg [dreg:$0x6]  }
0x2f: {  	[spmem:s7], [sflag:s10] =	dma.local [hbm:s6], $0x2800  }
0x30: {  	_ =	swait.ge [sflag:s21], $0x2800  }
0x31: {  	[sflag:s21] =	ssyncset.done $0x0  }
0x32: {  	s11 =	simm.s32 $0x19400;
	s10 =	rddreg [dreg:$0x5];
	[sflag:s21] =	ssyncadd.s32 $0xFFFFD800  }
0x33: {  	[tilespmem:s11], [sflag:$0x7] =	stream.linear.gather [hbm4b:s10+s4], $0x80, $0x38;
	[tilespmem:$0x19480] =	vst v63  }
0x34: {  	_ =	swait.ge [sflag:s21], $0x80  }
0x35: {  	[sflag:s21] =	ssyncset.done $0x0  }
0x36: {  	s12 =	rddreg [dreg:$0x4];
	[sflag:s21] =	ssyncadd.s32 $0xFFFFFF80  }
0x37: {  	[tilespmem:s8], [sflag:$0x7] =	stream.linear.gather [hbm4b:s12+s4], $0x5000, $0x38;
	[tilespmem:$0x19480] =	vst v63  }
0x38: {  	_ =	swait.ge [sflag:s21], $0x5000  }
0x39: {  	[sflag:s21] =	ssyncset.done $0x0  }
0x3a: {  	[sflag:s21] =	ssyncadd.s32 $0xFFFFB000  }
0x3b: {  	v0 =	vld [tilespmem:$0x19400];
	_ =	sdelay $0x4  }
0x3c: {  	(v2sf) =	vpush v0, $0x0;
	_ =	sdelay $0xe  }
0x3d: {  	s13 =	spop (v2sf)  }
0x3e: {  	[bflag:$0x0] =	sbarrier.arrive $0xFFFF  }
0x3f: {  	s15 =	simm.s32 $0x3;
	s14 =	rddreg [dreg:$0x7]  }
0x40: {  	[tilespmem:s4], [sflag:$0x3] =	stream.linear.gather [hbm4b:s14+s4], $0x100, $0x38;
	[tilespmem:$0x19480] =	vst v63  }
0x41: {  	_ =	swait.ge [sflag:s15], $0x100  }
0x42: {  	[sflag:s15] =	ssyncset.done $0x0  }
0x43: {  	s20 =	simm.s32 $0x100;
	s19 =	rddreg [dreg:$0x9];
	[sflag:s15] =	ssyncadd.s32 $0xFFFFFF00  }
0x44: {  	[tilespmem:s20], [sflag:$0x4] =	stream.linear.gather [hbm4b:s19+s4], $0x100, $0x38;
	[tilespmem:$0x19480] =	vst v63  }
0x45: {  	p0 =	sne.s32 s13, $0x1;
	_ =	swait.ge [sflag:s26], $0x100  }
0x46: {  	s25 =	simm.s32 @!p0 $0x50;
	[sflag:s26] =	ssyncset.done $0x0  }
0x47: {  	s6 =	simm.s32 @!p0 $0x0;
	s7 =	simm.s32 @!p0 $0x400;
	[sflag:s26] =	ssyncadd.s32 $0xFFFFFF00  }
0x48: {  	[tilespmem:s7], [sflag:$0x1] =	stream.indirect.gather @!p0 [hbm4b:s1+s25], $0x80, s6, s25, $0xb8;
	[tilespmem:$0x19480] =	vst v63  }
0x49: {  	s12 =	simm.s32 @!p0 $0x100;
	s8 =	simm.s32 @!p0 $0x2C00;
	s9 =	rddreg [dreg:$0xa]  }
0x4a: {  	[tilespmem:s8], [sflag:$0x2] =	stream.indirect.gather @!p0 [hbm4b:s1+s25], $0x80, s12, s25, $0xb8;
	[tilespmem:$0x19480] =	vst v63  }
0x4b: {  	s23 =	simm.s32 $0x200;
	s24 =	rddreg [dreg:$0xb]  }
0x4c: {  	[tilespmem:s23], [sflag:$0x5] =	stream.linear.gather [hbm4b:s9+s4], $0x100, $0x38;
	[tilespmem:$0x19480] =	vst v63  }
0x4d: {  	s19 =	rddreg [dreg:$0xe];
	s12 =	simm.s32 $0x0  }
0x4e: {  	[tilespmem:s29], [sflag:$0x6] =	stream.linear.gather [hbm4b:s24+s4], $0x100, $0x38;
	[tilespmem:$0x19480] =	vst v63  }
.LBB2_2:
0x4f: {  	s14 =	simm.s32 @p0 $0x50  }
0x50: {  	s13 =	simm.s32 @p0 $0x80;
	s15 =	simm.s32 @p0 $0x400;
	s9 =	simm.s32 @p0 $0x7  }
0x51: {  	[spmem:s3] =	stream.indirect.scatter.add.f32 @p0 [tilespmem:s15], [sflag:$0x7], $0x80, s13, s14, $0xb8;
	[tilespmem:$0x19480] =	vst v63  }
0x52: {  	_ =	swait.ge @p0 [sflag:s9], $0x2800  }
0x53: {  	[sflag:s9] =	ssyncset.done @p0 $0x0  }
0x54: {  	s13 =	simm.s32 @p0 $0x5;
	[sflag:s9] =	ssyncadd.s32 @p0 $0xFFFFD800  }
0x55: {  	_ =	swait.ge @p0 [sflag:s13], $0x100  }
0x56: {  	s23 =	sshrl.u32 @p0 s19, $0x3;
	[sflag:s13] =	ssyncset.done @p0 $0x0  }
0x57: {  	[sflag:s13] =	ssyncadd.s32 @p0 $0xFFFFFF00;
	s13 =	sadd.s32 @p0 s5, s23;
	s23 =	simm.s32 @p0 $0x0  }
0x58: {  	[tilespmem:s23], [sflag:$0x3] =	stream.linear.gather @p0 [hbm4b:s13+s23], $0x100, $0x38;
	[tilespmem:$0x19480] =	vst v63  }
0x59: {  	s13 =	simm.s32 @!p0 $0x1  }
0x5a: {  	_ =	swait.ge @!p0 [sflag:s13], $0x2800  }
0x5b: {  	[sflag:s13] =	ssyncset.done @!p0 $0x0  }
0x5c: {  	s23 =	simm.s32 @!p0 $0x80;
	[sflag:s13] =	ssyncadd.s32 @!p0 $0xFFFFD800  }
0x5d: {  	[spmem:s3] =	stream.indirect.scatter.add.f32 @!p0 [tilespmem:s7], [sflag:$0x7], $0x80, s23, s25, $0xb8;
	[tilespmem:$0x19480] =	vst v63  }
0x5e: {  	s23 =	simm.s32 @!p0 $0x7  }
0x5f: {  	_ =	swait.ge @!p0 [sflag:s23], $0x2800  }
0x60: {  	[sflag:s23] =	ssyncset.done @!p0 $0x0  }
0x61: {  	s11 =	simm.s32 @!p0 $0x5;
	[sflag:s23] =	ssyncadd.s32 @!p0 $0xFFFFD800  }
0x62: {  	_ =	swait.ge @!p0 [sflag:s11], $0x100  }
0x63: {  	[sflag:s11] =	ssyncset.done @!p0 $0x0  }
0x64: {  	[sflag:s11] =	ssyncadd.s32 @!p0 $0xFFFFFF00;
	s11 =	simm.s32 @!p0 $0x200  }
0x65: {  	[tilespmem:s7], [sflag:$0x1] =	stream.indirect.gather @!p0 [hbm4b:s1+s25], $0x80, s11, s25, $0xb8;
	[tilespmem:$0x19480] =	vst v63  }
0x66: {  	s11 =	sshrl.u32 @!p0 s19, $0x3  }
0x67: {  	s11 =	sadd.s32 @!p0 s5, s11  }
0x68: {  	[tilespmem:s6], [sflag:$0x3] =	stream.linear.gather @!p0 [hbm4b:s11+s6], $0x100, $0x38;
	[tilespmem:$0x19480] =	vst v63  }
0x69: {  	s11 =	simm.s32 @!p0 $0x2  }
0x6a: {  	_ =	swait.ge @!p0 [sflag:s11], $0x2800  }
0x6b: {  	[sflag:s11] =	ssyncset.done @!p0 $0x0  }
0x6c: {  	[sflag:s11] =	ssyncadd.s32 @!p0 $0xFFFFD800  }
0x6d: {  	[spmem:s3] =	stream.indirect.scatter.add.f32 [tilespmem:s0], [sflag:$0x7], $0x80, s31, s30, $0xb8;
	[tilespmem:$0x19480] =	vst v63  }
0x6e: {  	_ =	swait.ge [sflag:s21], $0x2800  }
0x6f: {  	[sflag:s21] =	ssyncset.done $0x0  }
0x70: {  	[sflag:s21] =	ssyncadd.s32 $0xFFFFD800  }
0x71: {  	_ =	swait.ge [sflag:s2], $0x100  }
0x72: {  	[sflag:s2] =	ssyncset.done $0x0  }
0x73: {  	s24 =	simm.s32 @!p0 $0x300;
	p1 =	seq.s32 s12, $0xF00;
	[sflag:s2] =	ssyncadd.s32 $0xFFFFFF00  }
0x74: {  	[tilespmem:s8], [sflag:$0x2] =	stream.indirect.gather @!p0 [hbm4b:s1+s25], $0x80, s24, s25, $0xb8;
	[tilespmem:$0x19480] =	vst v63  }
0x75: {  	s10 =	simm.s32 @!p1 $0x0;
	s20 =	simm.s32 @!p1 $0x100;
	s24 =	sadd.s32 @!p1 s12, s18  }
0x76: {  	[tilespmem:s20], [sflag:$0x4] =	stream.linear.gather @!p1 [hbm4b:s24+s10], $0x100, $0x38;
	[tilespmem:$0x19480] =	vst v63  }
0x77: {  	s20 =	simm.s32 @p0 $0x280  }
0x78: {  	[spmem:s3] =	stream.indirect.scatter.add.f32 @p0 [tilespmem:s15], [sflag:$0x7], $0x80, s20, s14, $0xb8;
	[tilespmem:$0x19480] =	vst v63  }
0x79: {  	_ =	swait.ge @p0 [sflag:s9], $0x2800  }
0x7a: {  	[sflag:s9] =	ssyncset.done @p0 $0x0  }
0x7b: {  	[sflag:s9] =	ssyncadd.s32 @p0 $0xFFFFD800;
	s9 =	simm.s32 @p0 $0x3  }
0x7c: {  	_ =	swait.ge @p0 [sflag:s9], $0x100  }
0x7d: {  	[sflag:s9] =	ssyncset.done @p0 $0x0  }
0x7e: {  	[sflag:s9] =	ssyncadd.s32 @p0 $0xFFFFFF00  }
0x7f: {  	_ =	swait.ge @!p0 [sflag:s13], $0x2800  }
0x80: {  	[sflag:s13] =	ssyncset.done @!p0 $0x0  }
0x81: {  	s9 =	simm.s32 @!p0 $0x280;
	[sflag:s13] =	ssyncadd.s32 @!p0 $0xFFFFD800  }
0x82: {  	[spmem:s3] =	stream.indirect.scatter.add.f32 @!p0 [tilespmem:s7], [sflag:$0x7], $0x80, s9, s25, $0xb8;
	[tilespmem:$0x19480] =	vst v63  }
0x83: {  	_ =	swait.ge @!p0 [sflag:s23], $0x2800  }
0x84: {  	[sflag:s23] =	ssyncset.done @!p0 $0x0  }
0x85: {  	s9 =	simm.s32 @!p0 $0x3;
	[sflag:s23] =	ssyncadd.s32 @!p0 $0xFFFFD800  }
0x86: {  	_ =	swait.ge @!p0 [sflag:s9], $0x100  }
0x87: {  	[sflag:s9] =	ssyncset.done @!p0 $0x0  }
0x88: {  	[sflag:s9] =	ssyncadd.s32 @!p0 $0xFFFFFF00  }
0x89: {  	[tilespmem:s7], [sflag:$0x1] =	stream.indirect.gather @!p0 [hbm4b:s1+s25], $0x80, s6, s25, $0xb8;
	[tilespmem:$0x19480] =	vst v63  }
0x8a: {  	s14 =	simm.s32 @!p1 $0x200;
	s9 =	sadd.s32 @!p1 s12, s17  }
0x8b: {  	[tilespmem:s14], [sflag:$0x5] =	stream.linear.gather @!p1 [hbm4b:s9+s10], $0x100, $0x38;
	[tilespmem:$0x19480] =	vst v63  }
0x8c: {  	_ =	swait.ge @!p0 [sflag:s11], $0x2800  }
0x8d: {  	[sflag:s11] =	ssyncset.done @!p0 $0x0  }
.Ltmp2:
0x8e: {  	[sflag:s11] =	ssyncadd.s32 @!p0 $0xFFFFD800;
	(pc) =	sbr.rel @p1 .LBB2_4-.Ltmp2, $4  }
0x8f: {  	[spmem:s3] =	stream.indirect.scatter.add.f32 [tilespmem:s0], [sflag:$0x7], $0x80, s22, s30, $0xb8;
	[tilespmem:$0x19480] =	vst v63  }
0x90: {  	_ =	swait.ge [sflag:s21], $0x2800  }
0x91: {  	[sflag:s21] =	ssyncset.done $0x0  }
0x92: {  	[sflag:s21] =	ssyncadd.s32 $0xFFFFD800  }
0x93: {  	_ =	swait.ge [sflag:s26], $0x100  }
.Ltmp3:
0x94: {  	s9 =	simm.s32 @!p0 $0x50;
	[sflag:s26] =	ssyncset.done $0x0;
	(pc) =	sbr.rel .LBB2_2-.Ltmp3, $4  }
0x95: {  	s10 =	simm.s32 @!p0 $0x100;
	s11 =	simm.s32 @!p0 $0x2C00;
	[sflag:s26] =	ssyncadd.s32 $0xFFFFFF00  }
0x96: {  	[tilespmem:s11], [sflag:$0x2] =	stream.indirect.gather @!p0 [hbm4b:s1+s9], $0x80, s10, s9, $0xb8;
	[tilespmem:$0x19480] =	vst v63  }
0x97: {  	s24 =	sadd.s32 s12, s16;
	s12 =	sadd.s32 $0x80, s12;
	s19 =	sadd.s32 $0x400, s19  }
0x98: {  	[tilespmem:s29], [sflag:$0x6] =	stream.linear.gather [hbm4b:s24+s4], $0x100, $0x38;
	[tilespmem:$0x19480] =	vst v63  }
.LBB2_5:
0x99: {  	_ =	sfence.sel $0x180000  }
0x9a: {  	[bflag:$0x0] =	sbarrier.arrive $0xFFFF  }
0x9b: {  	_ =	strace $0x9000004D  }
0x9c: {  	s0 =	stileid.u32;
	[bflag:$0x2] =	sbarrier.arrive $0xFFFF  }
0x9d: {  	p0 =	sne.s32 s0, $0x0;
	s0 =	rddreg [dreg:$0x3]  }
0x9e: {  	s0 =	sadd.s32 @!p0 $0x100000, s0  }
0x9f: {  	[sflag:s0] =	ssyncadd.tile.s32 @!p0 $0x1;
	_ =	shalt  }
.Lfunc_end2:
_tile_overlayer_lowered:
.L_overlay_start_2:
0xa0: {  	(tag) =	ssettag $0x2  }
0xa1: {  	s0 =	rddreg [dreg:$0x0];
	s2 =	stileid.u32  }
0xa2: {  	s1 =	rddreg [dreg:$0x1];
	p0 =	sne.s32 s2, $0x0  }
0xa3: {  	s3 =	rddreg [dreg:$0x2];
	[bflag:$0x3] =	sbarrier.arrive $0xFFFF;
	s2 =	simm.s32 @!p0 $0x1C07  }
0xa4: {  	[timem:s3], [sflag:s2] =	dma.local @!p0 [hbm:s0], s1  }
0xa5: {  	s0 =	simm.s32 @!p0 $0x7  }
0xa6: {  	_ =	swait.ge @!p0 [sflag:s0], s1  }
0xa7: {  	s1 =	ssub.s32 @!p0 $0x0, s1;
	[sflag:s0] =	ssyncset.done @!p0 $0x0  }
0xa8: {  	[sflag:s0] =	ssyncadd.s32 @!p0 s1  }
0xa9: {  	[bflag:$0x3] =	sbarrier.arrive $0xFFFF  }
0xaa: {  	_ =	shalt  }

// kernel: kernel.9.cloned.1.call-start
scs
__scs_entry_jumppad:
0x0: {  	(pc) =	sbr.rel $0x88, $3  }
0x1: {  	(tag) =	ssettag $0x0;
	lr =	simm.s32 $0x1  }
0x2: {  	[smem:$0x3F99] =	sst lr;
	_ =	strace $0xD0000000  }
0x3: {  	_ = 	snop  }
0x4: {  	_ = 	snop  }
0x5: {  	_ = 	snop  }
0x6: {  	_ = 	snop  }
0x7: {  	_ = 	snop  }
__scs_overlays_trampoline_lowered:
0x8: {  	[smem:$0x3FA8] =	sst s0  }
0x9: {  	[smem:$0x3FA9] =	sst s1  }
0xa: {  	[smem:$0x3FAA] =	sst s2  }
0xb: {  	[smem:$0x3FAB] =	sst s3  }
0xc: {  	[smem:$0x3FAC] =	sst s4  }
0xd: {  	[smem:$0x3FAD] =	sst s5  }
0xe: {  	[smem:$0x3FAE] =	sst s6  }
0xf: {  	[smem:$0x3FAF] =	sst s7  }
0x10: {  	[smem:$0x3FB0] =	sst s8  }
0x11: {  	[smem:$0x3FB1] =	sst s9;
	s0 =	simm.s32 @!p0 $0x0  }
0x12: {  	s1 =	sld [smem:$0x3F97];
	s0 =	simm.s32 @p0 $0x1  }
0x13: {  	[smem:$0x3FB2] =	sst s0;
	s0 =	simm.s32 @!p1 $0x0  }
0x14: {  	s2 =	sld [smem:$0x3F96];
	s0 =	simm.s32 @p1 $0x1  }
0x15: {  	[smem:$0x3FB3] =	sst s0;
	s0 =	simm.s32 @!p2 $0x0  }
0x16: {  	s3 =	sld [smem:$0x3FDB];
	s0 =	simm.s32 @p2 $0x1  }
0x17: {  	s4 =	simm.s32 $0x1BF5;
	[smem:$0x3FB5] =	sst s0  }
0x18: {  	s0 =	sld [smem:$0x3F98];
	_ =	swait.ge [sflag:s4], $0x0  }
0x19: {  	s7 =	sld [smem:$0x3F99]  }
0x1a: {  	s8 =	sadd.s32 $0xFFFFE003, lr  }
0x1b: {  	s9 =	sadd.s32 $0xFFFFFEF7, lr;
	s5 =	simm.s32 $0xFFFFFFFF;
	p2 =	slt.u32 s8, $0xFFFFF086  }
0x1c: {  	p1 =	slt.u32 s9, $0xF7A;
	s5 =	simm.s32 @!p2 $0x0  }
0x1d: {  	s5 =	simm.s32 @p1 $0x1;
	p0 =	seq.s32 s7, s2  }
0x1e: {  	s7 =	smul.u32 @!p0 $0xF7A, s2;
	p2 =	seq.s32 @!p0 s5, $0x0  }
0x1f: {  	s9 =	smul.u32 $0xF7A, s1;
	s8 =	simm.s32 @!p0 $0x1BF5;
	p2 =	por !p2, p0  }
0x20: {  	[sflag:s8] =	ssyncset.s32 @!p0 $0xFFFFF086;
	s6 =	sadd.s32 @!p0 s3, s7;
	s7 =	simm.s32 @!p0 $0x108  }
0x21: {  	s3 =	sadd.s32 s3, s9;
	s6 =	sadd.s32 @!p0 $0x88, s6;
	s7 =	simm.s32 @p2 $0x1082  }
0x22: {  	[simem:s7], [sflag:s8] =	dma.local @!p0 [hbm:s6], $0xF7A  }
0x23: {  	s9 =	sor.u32 $0xD0000000, s2;
	s6 =	simm.s32 $0x108;
	_ =	swait.ge @!p0 [sflag:s8], $0x0  }
0x24: {  	s3 =	sadd.s32 $0x88, s3;
	s6 =	simm.s32 @!p1 $0x1082;
	[sflag:s4] =	ssyncset.s32 $0xFFFFF086  }
0x25: {  	[simem:s6], [sflag:s4] =	dma.local [hbm:s3], $0xF7A  }
0x26: {  	[smem:$0x3F99] =	sst s1;
	(tag) =	ssettag s2;
	_ =	strace s9  }
0x27: {  	s1 =	sld [smem:$0x3FA9]  }
0x28: {  	s2 =	sld [smem:$0x3FAA]  }
0x29: {  	s4 =	sld [smem:$0x3FAC]  }
0x2a: {  	p0 =	seq.s32 s5, $0x0;
	s5 =	sld [smem:$0x3FAD]  }
0x2b: {  	s6 =	sld [smem:$0x3FAE]  }
0x2c: {  	s7 =	sld [smem:$0x3FAF]  }
0x2d: {  	s3 =	simm.s32 $0x108;
	s8 =	sld [smem:$0x3FB0]  }
0x2e: {  	s3 =	simm.s32 @!p0 $0x1082;
	s9 =	sld [smem:$0x3FB1]  }
0x2f: {  	lr =	sadd.s32 s0, s3;
	s0 =	sld [smem:$0x3FA8]  }
0x30: {  	s3 =	sld [smem:$0x3FAB]  }
0x31: {  	[smem:$0x3FB4] =	sst s10  }
0x32: {  	s10 =	sld [smem:$0x3FB2];
	_ =	sdelay $0x3  }
0x33: {  	p0 =	seq.s32 s10, $0x1;
	s10 =	sld [smem:$0x3FB4];
	_ =	sdelay $0x3  }
0x34: {  	[smem:$0x3FB4] =	sst s10  }
0x35: {  	s10 =	sld [smem:$0x3FB3];
	_ =	sdelay $0x3  }
0x36: {  	p1 =	seq.s32 s10, $0x1;
	s10 =	sld [smem:$0x3FB4];
	_ =	sdelay $0x3  }
0x37: {  	[smem:$0x3FB4] =	sst s10  }
0x38: {  	s10 =	sld [smem:$0x3FB5]  }
0x39: {  	_ = 	snop;
	(pc) =	sbr.ind lr, $3  }
0x3a: {  	_ = 	snop  }
0x3b: {  	_ = 	snop  }
0x3c: {  	p2 =	seq.s32 s10, $0x1;
	s10 =	sld [smem:$0x3FB4]  }
0x3d: {  	_ =	shalt  }
0x3e: {  	_ =	shalt  }
0x3f: {  	_ =	shalt  }
0x40: {  	_ =	shalt  }
0x41: {  	_ =	shalt  }
0x42: {  	_ =	shalt  }
0x43: {  	_ =	shalt  }
0x44: {  	_ =	shalt  }
0x45: {  	_ =	shalt  }
0x46: {  	_ =	shalt  }
0x47: {  	_ =	shalt  }
0x48: {  	_ =	shalt  }
0x49: {  	_ =	shalt  }
0x4a: {  	_ =	shalt  }
0x4b: {  	_ =	shalt  }
0x4c: {  	_ =	shalt  }
0x4d: {  	_ =	shalt  }
0x4e: {  	_ =	shalt  }
0x4f: {  	_ =	shalt  }
0x50: {  	_ =	shalt  }
0x51: {  	_ =	shalt  }
0x52: {  	_ =	shalt  }
0x53: {  	_ =	shalt  }
0x54: {  	_ =	shalt  }
0x55: {  	_ =	shalt  }
0x56: {  	_ =	shalt  }
0x57: {  	_ =	shalt  }
0x58: {  	_ =	shalt  }
0x59: {  	_ =	shalt  }
0x5a: {  	_ =	shalt  }
0x5b: {  	_ =	shalt  }
0x5c: {  	_ =	shalt  }
0x5d: {  	_ =	shalt  }
0x5e: {  	_ =	shalt  }
0x5f: {  	_ =	shalt  }
0x60: {  	_ =	shalt  }
0x61: {  	_ =	shalt  }
0x62: {  	_ =	shalt  }
0x63: {  	_ =	shalt  }
0x64: {  	_ =	shalt  }
0x65: {  	_ =	shalt  }
0x66: {  	_ =	shalt  }
0x67: {  	_ =	shalt  }
0x68: {  	_ =	shalt  }
0x69: {  	_ =	shalt  }
0x6a: {  	_ =	shalt  }
0x6b: {  	_ =	shalt  }
0x6c: {  	_ =	shalt  }
0x6d: {  	_ =	shalt  }
0x6e: {  	_ =	shalt  }
0x6f: {  	_ =	shalt  }
0x70: {  	_ =	shalt  }
0x71: {  	_ =	shalt  }
0x72: {  	_ =	shalt  }
0x73: {  	_ =	shalt  }
0x74: {  	_ =	shalt  }
0x75: {  	_ =	shalt  }
0x76: {  	_ =	shalt  }
0x77: {  	_ =	shalt  }
0x78: {  	_ =	shalt  }
0x79: {  	_ =	shalt  }
0x7a: {  	_ =	shalt  }
0x7b: {  	_ =	shalt  }
0x7c: {  	_ =	shalt  }
0x7d: {  	_ =	shalt  }
0x7e: {  	_ =	shalt  }
0x7f: {  	_ =	shalt  }
0x80: {  	_ =	shalt  }
0x81: {  	_ =	shalt  }
0x82: {  	_ =	shalt  }
0x83: {  	_ =	shalt  }
0x84: {  	_ =	shalt  }
0x85: {  	_ =	shalt  }
0x86: {  	_ =	shalt  }
0x87: {  	_ =	shalt  }
.Lfunc_end0:
.L_simem_size_0:
called_computation_lowered:
.L_overlay_start_0:
0x88: {  	s2 =	sld [smem:$0x3FD9]  }
0x89: {  	s3 =	sld [smem:$0x3FFE];
	_ =	sdelay $0x1  }
0x8a: {  	s1 =	srdreg.scid  }
0x8b: {  	s0 =	sand.u32 $0x1, s1  }
0x8c: {  	s17 =	sshll.u32 s0, $0xA;
	s2 =	sadd.s32 s3, s2  }
0x8d: {  	s2 =	sadd.s32 s2, s17  }
0x8e: {  	[smem:$0x3FC0] =	sst s2  }
0x8f: {  	_ = 	snop  }
0x90: {  	s2 =	sld [smem:$0x3FC9]  }
0x91: {  	s18 =	sld [smem:$0x3FD0];
	(tm) =	ssettm $0x1  }
0x92: {  	s4 =	sld [smem:$0x3FFB];
	_ =	sdelay $0x3  }
0x93: {  	_ =	strace s4  }
0x94: {  	s4 =	sld [smem:$0x3FFC];
	_ =	sdelay $0x3  }
0x95: {  	_ =	strace s4  }
0x96: {  	s4 =	sld [smem:$0x3FFD];
	_ =	sdelay $0x3  }
0x97: {  	_ =	strace s4  }
0x98: {  	_ =	strace $0x8FFFFFFF  }
0x99: {  	s19 =	sld [smem:$0x3FDB];
	_ =	sdelay $0x1  }
0x9a: {  	s5 =	simm.s32 $_scs_section_size  }
0x9b: {  	s6 =	simm.s32 $_size__tile_overlayer_lowered;
	s7 =	simm.s32 $_tile_overlayer_lowered  }
0x9c: {  	s22 =	simm.s32 $0x1BFF;
	s21 =	sshll.u32 s7, $0x1;
	s4 =	sadd.s32 s5, s19  }
0x9d: {  	s8 =	simm.s32 $0x0;
	s20 =	sshll.u32 s6, $0x1;
	s6 =	sadd.s32 s21, s4  }
0x9e: {  	[timem:s8], [sflag:s22] =	dma.local [hbm:s6], s20  }
0x9f: {  	_ =	swait.ge [sflag:s22], s20  }
0xa0: {  	s5 =	ssub.s32 $0x0, s20;
	[sflag:s22] =	ssyncset.done $0x0  }
0xa1: {  	[sflag:s22] =	ssyncadd.s32 s5;
	_ =	sdelay $0x1  }
0xa2: {  	s23 =	simm.s32 $0x1B8B  }
0xa3: {  	_ =	swait.ge [sflag:s23], $0x1  }
0xa4: {  	[sflag:s23] =	ssyncset.done $0x0  }
0xa5: {  	s25 =	simm.s32 $0x1B8E;
	s24 =	sld [smem:$0x3FFE];
	[sflag:s23] =	ssyncadd.s32 $0xFFFFFFFF  }
0xa6: {  	s26 =	simm.s32 $execute0_lowered;
	[smem:$0x3FD2] =	sst s25  }
0xa7: {  	s6 =	sshll.u32 s26, $0x1;
	_ =	strace $0x80000046;
	[dreg:$0x1] =	wrdreg $0xFFFFFFFF  }
0xa8: {  	s28 =	simm.s32 $_size_execute0_lowered;
	s4 =	sadd.s32 s4, s6;
	[dreg:$0x0] =	wrdreg $0x0  }
0xa9: {  	s6 =	sshll.u32 s28, $0x1;
	[dreg:$0x2] =	wrdreg s4  }
0xaa: {  	[dreg:$0x3] =	wrdreg s6  }
0xab: {  	[dreg:$0x4] =	wrdreg $0xC0  }
0xac: {  	_ =	task [dreg:s8], $0x5FFFF  }
0xad: {  	[dreg:$0x1] =	wrdreg $0xFFFFFFFF  }
0xae: {  	[dreg:$0x0] =	wrdreg $0x60  }
0xaf: {  	[dreg:$0x2] =	wrdreg s2  }
0xb0: {  	[dreg:$0x3] =	wrdreg s24  }
0xb1: {  	[dreg:$0x4] =	wrdreg s18  }
0xb2: {  	[dreg:$0x5] =	wrdreg $0x54000  }
0xb3: {  	[dreg:$0x6] =	wrdreg $0x9  }
0xb4: {  	_ =	task.clear_ibuf [dreg:s8], $0x7FFFF;
	_ =	strace $0x90000046  }
0xb5: {  	s29 =	simm.s32 $0x9;
	_ =	strace $0x80000048  }
0xb6: {  	_ =	swait.ge [sflag:s29], $0x1  }
0xb7: {  	[sflag:s29] =	ssyncadd.s32 $0xFFFFFFFF  }
0xb8: {  	_ =	strace $0x90000048  }
0xb9: {  	_ =	sfence  }
0xba: {  	s30 =	sld [smem:$0x0];
	_ =	sdelay $0x2  }
0xbb: {  	s31 =	sshll.u32 s1, $0xD;
	s1 =	sshrl.u32 s1, $0x2  }
0xbc: {  	s3 =	sand.u32 $0x4000, s31;
	s1 =	sadd.s32 s1, s30  }
0xbd: {  	s0 =	sor.u32 s3, s0;
	s1 =	sshll.u32 s1, $0x11  }
0xbe: {  	s0 =	sor.u32 s1, s0  }
0xbf: {  	s0 =	sadd.s32 $0x8F2B, s0  }
0xc0: {  	[sflag:s0] =	ssyncadd.remote.s32 $0x1  }
0xc1: {  	_ =	sfence.sel $0xFFFF  }
0xc2: {  	[dreg:$0x0] =	wrdreg $0xFFFFFFFF;
	(pc) =	sbr.abs _section_cstart, $3  }
0xc3: {  	[dreg:$0x1] =	wrdreg $0xFFFFFFFF  }
0xc4: {  	_ =	task.clear_ibuf [dreg:s8], $0x2FFFF;
	_ =	strace $0x9FFFFFFF  }
0xc5: {  	(tm) =	ssettm $0x7FFFFFFF  }
tec
execute0_lowered:
.L_overlay_start_1:
0x0: {  	(tag) =	ssettag $0x1  }
0x1: {  	s1 =	rddreg [dreg:$0x0]  }
0x2: {  	s0 =	rddreg [dreg:$0x1]  }
0x3: {  	s4 =	rddreg [dreg:$0x3];
	s5 =	simm.s32 $0x0;
	s12 =	stileid.u32  }
0x4: {  	s3 =	srdreg.scid;
	s29 =	simm.s32 $0x300;
	s30 =	simm.s32 $0x50  }
0x5: {  	s31 =	simm.s32 $0x180;
	[smem:$0x7FF] =	sst s5;
	s2 =	smul.u32 $0x2800, s12  }
0x6: {  	s3 =	sand.u32 $0x1, s3;
	s6 =	sadd.s32 $0x2800, s0;
	s28 =	smul.u32 $0x50000, s12  }
0x7: {  	s9 =	sadd.s32 $0x21C00, s0;
	s20 =	sshll.u32 s12, $0x6;
	s22 =	smul.u32 $0x7D00, s12  }
0x8: {  	_ =	strace $0x80000047;
	s8 =	smul.u32 $0x28000, s3;
	[dreg:$0x5] =	wrdreg s9  }
0x9: {  	s10 =	sshll.u32 s3, $0x4;
	s13 =	ssub.s32 $0x2, s3;
	s3 =	smul.u32 $0x7D000, s3  }
0xa: {  	s7 =	sadd.s32 s2, s0;
	s10 =	sor.u32 s12, s10;
	s11 =	sshrl.u32 s13, $0x1  }
0xb: {  	s9 =	sshrl.u32 s28, $0x2;
	s2 =	sadd.s32 s2, s8;
	s10 =	smul.u32 $0x7D00, s10  }
0xc: {  	s14 =	ssub.s32 s13, s11;
	s15 =	sadd.s32 s9, s4;
	s7 =	sadd.s32 $0x22600, s7  }
0xd: {  	s25 =	sadd.s32 s22, s3;
	s0 =	sadd.s32 s2, s0;
	[dreg:$0x6] =	wrdreg s7  }
0xe: {  	s2 =	smax.u32 s14, $0x1;
	s26 =	sadd.s32 $0x700, s25;
	s3 =	sadd.s32 $0x600, s25  }
0xf: {  	s7 =	sadd.s32 $0x500, s25;
	s8 =	sshrl.u32 s15, $0x3;
	s19 =	sshrl.u32 s10, $0x3  }
0x10: {  	s10 =	sor.u32 $0x1C07, s20;
	s0 =	sadd.s32 $0x4A600, s0;
	[dreg:$0xd] =	wrdreg s2  }
0x11: {  	s2 =	sshrl.u32 s26, $0x3;
	s3 =	sshrl.u32 s3, $0x3;
	s28 =	sshrl.u32 s7, $0x3  }
0x12: {  	s26 =	simm.s32 $0x4;
	[dreg:$0xf] =	wrdreg s8;
	s21 =	sadd.s32 s6, s19  }
0x13: {  	[dreg:$0xc] =	wrdreg s0;
	s16 =	sadd.s32 s2, s6;
	s17 =	sadd.s32 s3, s6  }
0x14: {  	s18 =	sadd.s32 s28, s6;
	s0 =	sadd.s32 $0x400, s25;
	[dreg:$0x8] =	wrdreg s10  }
.Ltmp0:
0x15: {  	s3 =	simm.s32 $0x6;
	[dreg:$0x7] =	wrdreg s21;
	(pc) =	sbr.rel .LBB2_1-.Ltmp0, $4  }
0x16: {  	s2 =	simm.s32 $0x380;
	s23 =	sadd.s32 $0x20, s21;
	[dreg:$0xe] =	wrdreg s0  }
0x17: {  	s25 =	simm.s32 $0x0;
	s24 =	sadd.s32 $0x40, s21;
	[dreg:$0x9] =	wrdreg s23  }
0x18: {  	s9 =	sadd.s32 $0x60, s21;
	s21 =	simm.s32 $0x7;
	[dreg:$0xa] =	wrdreg s24  }
0x19: {  	s0 =	simm.s32 $0x2C00;
	[dreg:$0xb] =	wrdreg s9;
	s9 =	simm.s32 $0x400  }
.LBB2_4:
0x1a: {  	_ =	swait.ge @!p0 [sflag:s13], $0x2800  }
0x1b: {  	[sflag:s13] =	ssyncset.done @!p0 $0x0  }
0x1c: {  	s9 =	simm.s32 $0x400;
	s7 =	simm.s32 $0x80;
	[sflag:s13] =	ssyncadd.s32 @!p0 $0xFFFFD800  }
0x1d: {  	[spmem:s4] =	stream.indirect.scatter.add.f32 [tilespmem:s9], [sflag:$0x7], $0x80, s7, s30, $0xb8;
	[tilespmem:$0x19480] =	vst v63  }
0x1e: {  	_ =	swait.ge [sflag:s21], $0x2800  }
0x1f: {  	[sflag:s21] =	ssyncset.done $0x0  }
0x20: {  	[sflag:s21] =	ssyncadd.s32 $0xFFFFD800  }
0x21: {  	[bflag:$0x0] =	sbarrier.arrive $0xFFFF  }
0x22: {  	s10 =	rddreg [dreg:$0x8]  }
0x23: {  	s24 =	rddreg [dreg:$0xc]  }
0x24: {  	s8 =	rddreg [dreg:$0xf]  }
0x25: {  	[hbm:s24], [sflag:s10] =	dma.local [spmem:s8], $0x2800  }
0x26: {  	_ =	swait.ge [sflag:s21], $0x2800  }
0x27: {  	s25 =	sadd.s32 $0x1, s25;
	s28 =	rddreg [dreg:$0xd]  }
0x28: {  	p0 =	sne.s32 s25, s28  }
.Ltmp1:
0x29: {  	_ = 	snop;
	(pc) =	sbr.rel @!p0 .LBB2_5-.Ltmp1, $3  }
0x2a: {  	_ =	sdelay $0x1  }
0x2b: {  	[sflag:s21] =	ssyncset.done $0x0  }
0x2c: {  	[sflag:s21] =	ssyncadd.s32 $0xFFFFD800  }
.LBB2_1:
0x2d: {  	s7 =	rddreg [dreg:$0x6]  }
0x2e: {  	[spmem:s8], [sflag:s10] =	dma.local [hbm:s7], $0x2800  }
0x2f: {  	_ =	swait.ge [sflag:s21], $0x2800  }
0x30: {  	[sflag:s21] =	ssyncset.done $0x0  }
0x31: {  	[sflag:s21] =	ssyncadd.s32 $0xFFFFD800  }
0x32: {  	s10 =	simm.s32 $0x19400;
	s8 =	rddreg [dreg:$0x2]  }
0x33: {  	[tilespmem:s10], [sflag:$0x7] =	stream.linear.gather [hbm4b:s8+s5], $0x80, $0x38;
	[tilespmem:$0x19480] =	vst v63  }
0x34: {  	_ =	swait.ge [sflag:s21], $0x80  }
0x35: {  	[sflag:s21] =	ssyncset.done $0x0  }
0x36: {  	s11 =	rddreg [dreg:$0x5];
	[sflag:s21] =	ssyncadd.s32 $0xFFFFFF80  }
0x37: {  	[tilespmem:s9], [sflag:$0x7] =	stream.linear.gather [hbm4b:s11+s5], $0x5000, $0x38;
	[tilespmem:$0x19480] =	vst v63  }
0x38: {  	_ =	swait.ge [sflag:s21], $0x5000  }
0x39: {  	[sflag:s21] =	ssyncset.done $0x0  }
0x3a: {  	[sflag:s21] =	ssyncadd.s32 $0xFFFFB000  }
0x3b: {  	v0 =	vld [tilespmem:$0x19400];
	_ =	sdelay $0x4  }
0x3c: {  	(v2sf) =	vpush v0, $0x0;
	_ =	sdelay $0xe  }
0x3d: {  	s12 =	spop (v2sf)  }
0x3e: {  	[bflag:$0x0] =	sbarrier.arrive $0xFFFF  }
0x3f: {  	s14 =	simm.s32 $0x3;
	s13 =	rddreg [dreg:$0x7]  }
0x40: {  	[tilespmem:s5], [sflag:$0x3] =	stream.linear.gather [hbm4b:s13+s5], $0x100, $0x38;
	[tilespmem:$0x19480] =	vst v63  }
0x41: {  	_ =	swait.ge [sflag:s14], $0x100  }
0x42: {  	[sflag:s14] =	ssyncset.done $0x0  }
0x43: {  	s19 =	simm.s32 $0x100;
	s15 =	rddreg [dreg:$0x9];
	[sflag:s14] =	ssyncadd.s32 $0xFFFFFF00  }
0x44: {  	[tilespmem:s19], [sflag:$0x4] =	stream.linear.gather [hbm4b:s15+s5], $0x100, $0x38;
	[tilespmem:$0x19480] =	vst v63  }
0x45: {  	p0 =	sne.s32 s12, $0x1;
	_ =	swait.ge [sflag:s26], $0x100  }
0x46: {  	s28 =	simm.s32 @!p0 $0x50;
	[sflag:s26] =	ssyncset.done $0x0  }
0x47: {  	s22 =	simm.s32 @!p0 $0x0;
	s7 =	simm.s32 @!p0 $0x400;
	[sflag:s26] =	ssyncadd.s32 $0xFFFFFF00  }
0x48: {  	[tilespmem:s7], [sflag:$0x1] =	stream.indirect.gather @!p0 [hbm4b:s1+s28], $0x80, s22, s28, $0xb8;
	[tilespmem:$0x19480] =	vst v63  }
0x49: {  	s12 =	simm.s32 @!p0 $0x100;
	s8 =	simm.s32 @!p0 $0x2C00;
	s20 =	rddreg [dreg:$0xa]  }
0x4a: {  	[tilespmem:s8], [sflag:$0x2] =	stream.indirect.gather @!p0 [hbm4b:s1+s28], $0x80, s12, s28, $0xb8;
	[tilespmem:$0x19480] =	vst v63  }
0x4b: {  	s23 =	simm.s32 $0x200;
	s24 =	rddreg [dreg:$0xb]  }
0x4c: {  	[tilespmem:s23], [sflag:$0x5] =	stream.linear.gather [hbm4b:s20+s5], $0x100, $0x38;
	[tilespmem:$0x19480] =	vst v63  }
0x4d: {  	s19 =	rddreg [dreg:$0xe];
	s12 =	simm.s32 $0x0  }
0x4e: {  	[tilespmem:s29], [sflag:$0x6] =	stream.linear.gather [hbm4b:s24+s5], $0x100, $0x38;
	[tilespmem:$0x19480] =	vst v63  }
.LBB2_2:
0x4f: {  	s14 =	simm.s32 @p0 $0x50  }
0x50: {  	s13 =	simm.s32 @p0 $0x80;
	s15 =	simm.s32 @p0 $0x400;
	s9 =	simm.s32 @p0 $0x7  }
0x51: {  	[spmem:s4] =	stream.indirect.scatter.add.f32 @p0 [tilespmem:s15], [sflag:$0x7], $0x80, s13, s14, $0xb8;
	[tilespmem:$0x19480] =	vst v63  }
0x52: {  	_ =	swait.ge @p0 [sflag:s9], $0x2800  }
0x53: {  	[sflag:s9] =	ssyncset.done @p0 $0x0  }
0x54: {  	s13 =	simm.s32 @p0 $0x5;
	[sflag:s9] =	ssyncadd.s32 @p0 $0xFFFFD800  }
0x55: {  	_ =	swait.ge @p0 [sflag:s13], $0x100  }
0x56: {  	s23 =	sshrl.u32 @p0 s19, $0x3;
	[sflag:s13] =	ssyncset.done @p0 $0x0  }
0x57: {  	[sflag:s13] =	ssyncadd.s32 @p0 $0xFFFFFF00;
	s13 =	sadd.s32 @p0 s6, s23;
	s23 =	simm.s32 @p0 $0x0  }
0x58: {  	[tilespmem:s23], [sflag:$0x3] =	stream.linear.gather @p0 [hbm4b:s13+s23], $0x100, $0x38;
	[tilespmem:$0x19480] =	vst v63  }
0x59: {  	s13 =	simm.s32 @!p0 $0x1  }
0x5a: {  	_ =	swait.ge @!p0 [sflag:s13], $0x2800  }
0x5b: {  	[sflag:s13] =	ssyncset.done @!p0 $0x0  }
0x5c: {  	s23 =	simm.s32 @!p0 $0x80;
	[sflag:s13] =	ssyncadd.s32 @!p0 $0xFFFFD800  }
0x5d: {  	[spmem:s4] =	stream.indirect.scatter.add.f32 @!p0 [tilespmem:s7], [sflag:$0x7], $0x80, s23, s28, $0xb8;
	[tilespmem:$0x19480] =	vst v63  }
0x5e: {  	s23 =	simm.s32 @!p0 $0x7  }
0x5f: {  	_ =	swait.ge @!p0 [sflag:s23], $0x2800  }
0x60: {  	[sflag:s23] =	ssyncset.done @!p0 $0x0  }
0x61: {  	s11 =	simm.s32 @!p0 $0x5;
	[sflag:s23] =	ssyncadd.s32 @!p0 $0xFFFFD800  }
0x62: {  	_ =	swait.ge @!p0 [sflag:s11], $0x100  }
0x63: {  	[sflag:s11] =	ssyncset.done @!p0 $0x0  }
0x64: {  	[sflag:s11] =	ssyncadd.s32 @!p0 $0xFFFFFF00;
	s11 =	simm.s32 @!p0 $0x200  }
0x65: {  	[tilespmem:s7], [sflag:$0x1] =	stream.indirect.gather @!p0 [hbm4b:s1+s28], $0x80, s11, s28, $0xb8;
	[tilespmem:$0x19480] =	vst v63  }
0x66: {  	s11 =	sshrl.u32 @!p0 s19, $0x3  }
0x67: {  	s11 =	sadd.s32 @!p0 s6, s11  }
0x68: {  	[tilespmem:s22], [sflag:$0x3] =	stream.linear.gather @!p0 [hbm4b:s11+s22], $0x100, $0x38;
	[tilespmem:$0x19480] =	vst v63  }
0x69: {  	s11 =	simm.s32 @!p0 $0x2  }
0x6a: {  	_ =	swait.ge @!p0 [sflag:s11], $0x2800  }
0x6b: {  	[sflag:s11] =	ssyncset.done @!p0 $0x0  }
0x6c: {  	[sflag:s11] =	ssyncadd.s32 @!p0 $0xFFFFD800  }
0x6d: {  	[spmem:s4] =	stream.indirect.scatter.add.f32 [tilespmem:s0], [sflag:$0x7], $0x80, s31, s30, $0xb8;
	[tilespmem:$0x19480] =	vst v63  }
0x6e: {  	_ =	swait.ge [sflag:s21], $0x2800  }
0x6f: {  	[sflag:s21] =	ssyncset.done $0x0  }
0x70: {  	[sflag:s21] =	ssyncadd.s32 $0xFFFFD800  }
0x71: {  	_ =	swait.ge [sflag:s3], $0x100  }
0x72: {  	[sflag:s3] =	ssyncset.done $0x0  }
0x73: {  	s24 =	simm.s32 @!p0 $0x300;
	p1 =	seq.s32 s12, $0xF00;
	[sflag:s3] =	ssyncadd.s32 $0xFFFFFF00  }
0x74: {  	[tilespmem:s8], [sflag:$0x2] =	stream.indirect.gather @!p0 [hbm4b:s1+s28], $0x80, s24, s28, $0xb8;
	[tilespmem:$0x19480] =	vst v63  }
0x75: {  	s10 =	simm.s32 @!p1 $0x0;
	s20 =	simm.s32 @!p1 $0x100;
	s24 =	sadd.s32 @!p1 s12, s18  }
0x76: {  	[tilespmem:s20], [sflag:$0x4] =	stream.linear.gather @!p1 [hbm4b:s24+s10], $0x100, $0x38;
	[tilespmem:$0x19480] =	vst v63  }
0x77: {  	s20 =	simm.s32 @p0 $0x280  }
0x78: {  	[spmem:s4] =	stream.indirect.scatter.add.f32 @p0 [tilespmem:s15], [sflag:$0x7], $0x80, s20, s14, $0xb8;
	[tilespmem:$0x19480] =	vst v63  }
0x79: {  	_ =	swait.ge @p0 [sflag:s9], $0x2800  }
0x7a: {  	[sflag:s9] =	ssyncset.done @p0 $0x0  }
0x7b: {  	[sflag:s9] =	ssyncadd.s32 @p0 $0xFFFFD800;
	s9 =	simm.s32 @p0 $0x3  }
0x7c: {  	_ =	swait.ge @p0 [sflag:s9], $0x100  }
0x7d: {  	[sflag:s9] =	ssyncset.done @p0 $0x0  }
0x7e: {  	[sflag:s9] =	ssyncadd.s32 @p0 $0xFFFFFF00  }
0x7f: {  	_ =	swait.ge @!p0 [sflag:s13], $0x2800  }
0x80: {  	[sflag:s13] =	ssyncset.done @!p0 $0x0  }
0x81: {  	s9 =	simm.s32 @!p0 $0x280;
	[sflag:s13] =	ssyncadd.s32 @!p0 $0xFFFFD800  }
0x82: {  	[spmem:s4] =	stream.indirect.scatter.add.f32 @!p0 [tilespmem:s7], [sflag:$0x7], $0x80, s9, s28, $0xb8;
	[tilespmem:$0x19480] =	vst v63  }
0x83: {  	_ =	swait.ge @!p0 [sflag:s23], $0x2800  }
0x84: {  	[sflag:s23] =	ssyncset.done @!p0 $0x0  }
0x85: {  	s9 =	simm.s32 @!p0 $0x3;
	[sflag:s23] =	ssyncadd.s32 @!p0 $0xFFFFD800  }
0x86: {  	_ =	swait.ge @!p0 [sflag:s9], $0x100  }
0x87: {  	[sflag:s9] =	ssyncset.done @!p0 $0x0  }
0x88: {  	[sflag:s9] =	ssyncadd.s32 @!p0 $0xFFFFFF00  }
0x89: {  	[tilespmem:s7], [sflag:$0x1] =	stream.indirect.gather @!p0 [hbm4b:s1+s28], $0x80, s22, s28, $0xb8;
	[tilespmem:$0x19480] =	vst v63  }
0x8a: {  	s14 =	simm.s32 @!p1 $0x200;
	s9 =	sadd.s32 @!p1 s12, s17  }
0x8b: {  	[tilespmem:s14], [sflag:$0x5] =	stream.linear.gather @!p1 [hbm4b:s9+s10], $0x100, $0x38;
	[tilespmem:$0x19480] =	vst v63  }
0x8c: {  	_ =	swait.ge @!p0 [sflag:s11], $0x2800  }
0x8d: {  	[sflag:s11] =	ssyncset.done @!p0 $0x0  }
.Ltmp2:
0x8e: {  	[sflag:s11] =	ssyncadd.s32 @!p0 $0xFFFFD800;
	(pc) =	sbr.rel @p1 .LBB2_4-.Ltmp2, $4  }
0x8f: {  	[spmem:s4] =	stream.indirect.scatter.add.f32 [tilespmem:s0], [sflag:$0x7], $0x80, s2, s30, $0xb8;
	[tilespmem:$0x19480] =	vst v63  }
0x90: {  	_ =	swait.ge [sflag:s21], $0x2800  }
0x91: {  	[sflag:s21] =	ssyncset.done $0x0  }
0x92: {  	[sflag:s21] =	ssyncadd.s32 $0xFFFFD800  }
0x93: {  	_ =	swait.ge [sflag:s26], $0x100  }
.Ltmp3:
0x94: {  	s9 =	simm.s32 @!p0 $0x50;
	[sflag:s26] =	ssyncset.done $0x0;
	(pc) =	sbr.rel .LBB2_2-.Ltmp3, $4  }
0x95: {  	s10 =	simm.s32 @!p0 $0x100;
	s11 =	simm.s32 @!p0 $0x2C00;
	[sflag:s26] =	ssyncadd.s32 $0xFFFFFF00  }
0x96: {  	[tilespmem:s11], [sflag:$0x2] =	stream.indirect.gather @!p0 [hbm4b:s1+s9], $0x80, s10, s9, $0xb8;
	[tilespmem:$0x19480] =	vst v63  }
0x97: {  	s24 =	sadd.s32 s12, s16;
	s12 =	sadd.s32 $0x80, s12;
	s19 =	sadd.s32 $0x400, s19  }
0x98: {  	[tilespmem:s29], [sflag:$0x6] =	stream.linear.gather [hbm4b:s24+s5], $0x100, $0x38;
	[tilespmem:$0x19480] =	vst v63  }
.LBB2_5:
0x99: {  	_ =	sfence.sel $0x180000  }
0x9a: {  	[bflag:$0x0] =	sbarrier.arrive $0xFFFF  }
0x9b: {  	_ =	strace $0x90000047  }
0x9c: {  	s0 =	stileid.u32;
	[bflag:$0x2] =	sbarrier.arrive $0xFFFF  }
0x9d: {  	p0 =	sne.s32 s0, $0x0;
	s0 =	rddreg [dreg:$0x4]  }
0x9e: {  	s0 =	sadd.s32 @!p0 $0x100000, s0  }
0x9f: {  	[sflag:s0] =	ssyncadd.tile.s32 @!p0 $0x1;
	_ =	shalt  }
.Lfunc_end2:
_tile_overlayer_lowered:
.L_overlay_start_2:
0xa0: {  	(tag) =	ssettag $0x2  }
0xa1: {  	s0 =	rddreg [dreg:$0x0];
	s2 =	stileid.u32  }
0xa2: {  	s1 =	rddreg [dreg:$0x1];
	p0 =	sne.s32 s2, $0x0  }
0xa3: {  	s3 =	rddreg [dreg:$0x2];
	[bflag:$0x3] =	sbarrier.arrive $0xFFFF;
	s2 =	simm.s32 @!p0 $0x1C07  }
0xa4: {  	[timem:s3], [sflag:s2] =	dma.local @!p0 [hbm:s0], s1  }
0xa5: {  	s0 =	simm.s32 @!p0 $0x7  }
0xa6: {  	_ =	swait.ge @!p0 [sflag:s0], s1  }
0xa7: {  	s1 =	ssub.s32 @!p0 $0x0, s1;
	[sflag:s0] =	ssyncset.done @!p0 $0x0  }
0xa8: {  	[sflag:s0] =	ssyncadd.s32 @!p0 s1  }
0xa9: {  	[bflag:$0x3] =	sbarrier.arrive $0xFFFF  }
0xaa: {  	_ =	shalt  }

</sc_bundles>
